<compile_context>
chip_gen: v7x
topology: tpu7x:2x2x1
jax: 0.10.2.dev20260603
libtpu: 0.0.44.dev20260713+nightly
codegen_flags: <defaults>
</compile_context>

<pallas_src>
import functools

import jax
import jax.numpy as jnp
from jax import lax
from jax.experimental import pallas as pl
from jax.experimental.pallas import tpu as pltpu
from jax.experimental.pallas import tpu_sc as plsc

NX, NY, NZ = 512, 512, 1
F = 64
P = 100000
B = 4
TOTAL = NZ * NY * NX
NCELL = B * TOTAL
NW = 32
PPW = 3136
KP = NW * PPW
CPW = NCELL // NW
KCHUNK = 2048
NKCH = KP // KCHUNK
FP = 128
SEG = NX
NSEG = CPW // SEG
WAVE = 64


@functools.partial(
    pl.kernel,
    mesh=plsc.VectorSubcoreMesh(core_axis_name="c", subcore_axis_name="s"),
    compiler_params=pltpu.CompilerParams(needs_layout_passes=False),
    out_type=jax.ShapeDtypeStruct((KP,), jnp.int32),
    scratch_types=[
        pltpu.VMEM((PPW,), jnp.int32),
        pltpu.VMEM((PPW,), jnp.int32),
        pltpu.VMEM((PPW,), jnp.int32),
        pltpu.VMEM((PPW,), jnp.int32),
    ],
)
def _keys_kernel(bc_hbm, yc_hbm, xc_hbm, keys_hbm, bbuf, ybuf, xbuf, kbuf):
    w = lax.axis_index("s") * 2 + lax.axis_index("c")
    base = w * PPW
    pltpu.sync_copy(bc_hbm.at[pl.ds(base, PPW)], bbuf)
    pltpu.sync_copy(yc_hbm.at[pl.ds(base, PPW)], ybuf)
    pltpu.sync_copy(xc_hbm.at[pl.ds(base, PPW)], xbuf)
    iota16 = lax.iota(jnp.int32, 16)

    def body(i, carry):
        bv = bbuf[pl.ds(i * 16, 16)]
        yv = ybuf[pl.ds(i * 16, 16)]
        xv = xbuf[pl.ds(i * 16, 16)]
        key = bv * TOTAL + (yv * NX + xv)
        key = jnp.where(base + i * 16 + iota16 < P, key, -1)
        kbuf[pl.ds(i * 16, 16)] = key
        return carry

    lax.fori_loop(0, PPW // 16, body, 0)
    pltpu.sync_copy(kbuf, keys_hbm.at[pl.ds(base, PPW)])


@functools.partial(
    pl.kernel,
    mesh=plsc.VectorSubcoreMesh(core_axis_name="c", subcore_axis_name="s"),
    compiler_params=pltpu.CompilerParams(needs_layout_passes=False),
    out_type=jax.ShapeDtypeStruct((B, F, NY, NX), jnp.float32),
    scratch_types=[
        pltpu.VMEM((CPW,), jnp.int32),
        pltpu.VMEM((2, KCHUNK), jnp.int32),
        pltpu.VMEM((2 * (SEG + 64),), jnp.int32),
        pltpu.VMEM((3 * SEG,), jnp.int32),
        pltpu.VMEM((2, WAVE, FP), jnp.float32),
        pltpu.VMEM((2, F, SEG), jnp.float32),
        pltpu.SemaphoreType.DMA,
        pltpu.SemaphoreType.DMA,
        pltpu.SemaphoreType.DMA,
    ],
)
def _scatter_kernel(keys_hbm, pf_hbm, out_hbm,
                    wid_l, keybuf, gidx, cpos, rows, stage,
                    sem_k, sem_g, sem_o):
    w = lax.axis_index("s") * 2 + lax.axis_index("c")
    iota16 = lax.iota(jnp.int32, 16)
    neg116 = jnp.full((16,), -1, jnp.int32)
    zero16f = jnp.zeros((16,), jnp.float32)

    def init_body(i, c):
        wid_l[pl.ds(i * 16, 16)] = neg116
        return c

    lax.fori_loop(0, CPW // 16, init_body, 0)

    for zpar in range(2):
        def zinit_body(i, c, zpar=zpar):
            stage[zpar, i // (SEG // 16), pl.ds((i % (SEG // 16)) * 16, 16)] = zero16f
            return c

        lax.fori_loop(0, (F * SEG) // 16, zinit_body, 0)

    lo = w * CPW
    pltpu.async_copy(keys_hbm.at[pl.ds(0, KCHUNK)], keybuf.at[0], sem_k)

    def chunk_body(c, carry):
        par = c % 2
        pltpu.make_async_copy(keys_hbm.at[pl.ds(c * KCHUNK, KCHUNK)],
                              keybuf.at[par], sem_k).wait()

        @pl.when(c + 1 < NKCH)
        def _():
            pltpu.async_copy(keys_hbm.at[pl.ds((c + 1) * KCHUNK, KCHUNK)],
                             keybuf.at[(c + 1) % 2], sem_k)

        def vec_body(i4, acc):
            for u in range(4):
                i = i4 * 4 + u
                k16 = keybuf[par, pl.ds(i * 16, 16)]
                off = k16 - lo
                m = off.astype(jnp.uint32) < jnp.uint32(CPW)
                offs = jnp.where(m, off, 0)
                pvec = c * KCHUNK + i * 16 + iota16
                plsc.store_scatter(wid_l, [offs], pvec, mask=m)
                cur = plsc.load_gather(wid_l, [offs], mask=m)
                acc = acc | (m & (pvec > cur))
            return acc

        acc = lax.fori_loop(0, KCHUNK // 64, vec_body,
                            jnp.zeros((16,), jnp.bool_))

        @pl.when(jnp.any(acc))
        def _():
            def fix_vec(i, cc):
                k16 = keybuf[par, pl.ds(i * 16, 16)]
                off = k16 - lo
                m = off.astype(jnp.uint32) < jnp.uint32(CPW)
                offs = jnp.where(m, off, 0)
                pvec = c * KCHUNK + i * 16 + iota16
                cur = plsc.load_gather(wid_l, [offs], mask=m)
                need = m & (pvec > cur)

                def w_cond(st):
                    return st[0]

                def w_body(st):
                    nd = st[1]
                    plsc.store_scatter(wid_l, [offs], pvec, mask=nd)
                    cur2 = plsc.load_gather(wid_l, [offs], mask=m)
                    nd2 = m & (pvec > cur2)
                    return jnp.any(nd2), nd2

                lax.while_loop(w_cond, w_body, (jnp.any(need), need))
                return cc

            lax.fori_loop(0, KCHUNK // 16, fix_vec, 0)

        return carry

    lax.fori_loop(0, NKCH, chunk_body, 0)

    b_w = w // 8
    y0 = (w % 8) * NSEG

    GW = SEG + 64

    def compress(sp, g2o, c3o):
        def comp_body(i, cnt):
            w16 = wid_l[pl.ds(sp * SEG + i * 16, 16)]
            m = w16 >= 0
            plsc.store_compressed(gidx.at[pl.ds(g2o + cnt, 16)], w16, mask=m)
            plsc.store_compressed(cpos.at[pl.ds(c3o + cnt, 16)],
                                  i * 16 + iota16, mask=m)
            return cnt + plsc.all_reduce_population_count(m)[0]

        cnt = lax.fori_loop(0, SEG // 16, comp_body, jnp.int32(0))
        for t in range(WAVE // 16):
            plsc.store_scatter(gidx, [g2o + cnt + t * 16 + iota16],
                               t * 16 + iota16)
        return cnt

    def fire_wave(g2o, t, rp):
        pltpu.async_copy(pf_hbm.at[gidx.at[pl.ds(g2o + t * WAVE, WAVE)]],
                         rows.at[rp], sem_g)

    zeros16 = jnp.zeros((16,), jnp.int32)
    cnt0 = compress(jnp.int32(0), jnp.int32(0), jnp.int32(0))

    @pl.when(cnt0 > 0)
    def _():
        fire_wave(0, 0, 0)

    def piece_body(s, st):
        cnt_m2, cnt_m1, cnt, wp0 = st
        sp2 = s % 2
        sp3 = s % 3
        parv = zeros16 + sp2

        @pl.when(s >= 2)
        def _():
            pltpu.make_async_copy(stage.at[sp2],
                                  out_hbm.at[b_w, :, y0 + s, :],
                                  sem_o).wait()

            def rz_body(j, c):
                valid = (j * 16 + iota16) < cnt_m2
                cp16 = jnp.where(
                    valid, cpos[pl.ds(((s + 1) % 3) * SEG + j * 16, 16)], 0)
                for f in range(F):
                    fv = jnp.full((16,), f, jnp.int32)
                    plsc.store_scatter(stage, [parv, fv, cp16],
                                       zero16f, mask=valid)
                return c

            lax.fori_loop(0, (cnt_m2 + 15) // 16, rz_body, 0)

        spn = jnp.minimum(s + 1, NSEG - 1)
        cnt_nx = compress(spn, ((s + 1) % 2) * GW, ((s + 1) % 3) * SEG)

        ntr = (cnt + WAVE - 1) // WAVE

        def wave_body(t, c):
            wp = (wp0 + t) % 2
            pltpu.make_async_copy(
                pf_hbm.at[gidx.at[pl.ds(sp2 * GW + t * WAVE, WAVE)]],
                rows.at[wp], sem_g).wait()

            @pl.when(t + 1 < ntr)
            def _():
                fire_wave(sp2 * GW, t + 1, (wp0 + t + 1) % 2)

            wpv = zeros16 + wp
            lc = cnt - t * WAVE
            jq = (jnp.minimum(lc, WAVE) + 15) // 16

            def q_body(q, cc):
                valid = (q * 16 + iota16) < lc
                cp16 = jnp.where(
                    valid, cpos[pl.ds(sp3 * SEG + t * WAVE + q * 16, 16)], 0)
                r16 = q * 16 + iota16
                for f in range(F):
                    fv = jnp.full((16,), f, jnp.int32)
                    vals = plsc.load_gather(rows, [wpv, r16, fv])
                    plsc.store_scatter(stage, [parv, fv, cp16], vals,
                                       mask=valid)
                return cc

            lax.fori_loop(0, jq, q_body, 0)
            return c

        lax.fori_loop(0, ntr, wave_body, 0)

        @pl.when((s + 1 < NSEG) & (cnt_nx > 0))
        def _():
            fire_wave(((s + 1) % 2) * GW, 0, (wp0 + ntr) % 2)

        pltpu.async_copy(stage.at[sp2], out_hbm.at[b_w, :, y0 + s, :], sem_o)
        return (cnt_m1, cnt, cnt_nx, (wp0 + ntr) % 2)

    lax.fori_loop(0, NSEG, piece_body,
                  (jnp.int32(0), jnp.int32(0), cnt0, jnp.int32(0)))

    def drain_body(i, c):
        pltpu.make_async_copy(stage.at[0], out_hbm.at[0, :, 0, :],
                              sem_o).wait()
        return c

    lax.fori_loop(0, 2, drain_body, 0)


def kernel(pillar_features, voxel_coords, voxel_features):
    del voxel_features
    vc = voxel_coords.astype(jnp.int32)
    bcol = jnp.zeros((KP,), jnp.int32).at[:P].set(vc[:, 0])
    ycol = jnp.zeros((KP,), jnp.int32).at[:P].set(vc[:, 2])
    xcol = jnp.zeros((KP,), jnp.int32).at[:P].set(vc[:, 3])
    pf_pad = jnp.zeros((P + 16, FP), jnp.float32).at[:P, :F].set(pillar_features)
    keys = _keys_kernel(bcol, ycol, xcol)
    out = _scatter_kernel(keys, pf_pad)
    return out.reshape(B, F * NZ, NY, NX)

# --- scband reference (transcript-rebuilt; emitter-appended) ---
"""Pipeline reference for scband-point-pillar-scatter-79173427134756 (READ-ONLY COPY).

The authoritative reference and input builder live on the scoring server;
editing this copy changes nothing except your own understanding.
"""

import jax, jax.numpy as jnp
import numpy as np

NX, NY, NZ = 512, 512, 1
NUM_BEV_FEATURES = 64
P = 100000
B = 4
MAX_PTS = 32


def setup_inputs(seed: int = 0) -> dict:
    key = jax.random.key(seed)
    k1, k2, k3, k4, k5 = jax.random.split(key, 5)
    pillar_features = jax.random.normal(k1, (P, NUM_BEV_FEATURES), dtype=jnp.float32)
    b = jax.random.randint(k2, (P,), 0, B, dtype=jnp.int32)
    y = jax.random.randint(k3, (P,), 0, NY, dtype=jnp.int32)
    x = jax.random.randint(k4, (P,), 0, NX, dtype=jnp.int32)
    z = jnp.zeros((P,), dtype=jnp.int32)
    voxel_coords = jnp.stack([b, z, y, x], axis=1)
    voxel_features = jax.random.normal(k5, (P, MAX_PTS, 4), dtype=jnp.float32)
    return {"pillar_features": pillar_features, "voxel_coords": voxel_coords, "voxel_features": voxel_features}


def reference(pillar_features, voxel_coords, voxel_features):
    # raw_points mapping (stored in batch_dict in the original module)
    raw_points = voxel_features[:, :, :4]
    batch_size = B
    total = NZ * NX * NY
    indices = (voxel_coords[:, 1] + voxel_coords[:, 2] * NX + voxel_coords[:, 3]).astype(jnp.int32)
    pillars = pillar_features.T
    batch_spatial_features = []
    for batch_idx in range(batch_size):
        in_batch = voxel_coords[:, 0] == batch_idx
        masked_indices = jnp.where(in_batch, indices, total)
        spatial_feature = jnp.zeros((NUM_BEV_FEATURES, total), dtype=pillar_features.dtype)
        spatial_feature = spatial_feature.at[:, masked_indices].set(pillars, mode="drop")
        batch_spatial_features.append(spatial_feature)
    out = jnp.stack(batch_spatial_features, 0)
    out = out.reshape(batch_size, NUM_BEV_FEATURES * NZ, NY, NX)
    return out

if __name__ == "__main__":
    import jax
    _d = setup_inputs()
    print(jax.jit(kernel)(*tuple(_d.values())))

</pallas_src>

<mosaic_0001>
#map = affine_map<(d0, d1) -> (0)>
module attributes {stable_mosaic.version = 14 : i64} {
  func.func @_keys_kernel(%arg0: i32, %arg1: i32, %arg2: memref<100352xi32, #tpu.memory_space<hbm>>, %arg3: memref<100352xi32, #tpu.memory_space<hbm>>, %arg4: memref<100352xi32, #tpu.memory_space<hbm>>, %arg5: memref<100352xi32, #tpu.memory_space<hbm>>, %arg6: memref<3136xi32, #tpu.memory_space<vmem>>, %arg7: memref<3136xi32, #tpu.memory_space<vmem>>, %arg8: memref<3136xi32, #tpu.memory_space<vmem>>, %arg9: memref<3136xi32, #tpu.memory_space<vmem>>) attributes {dimension_semantics = [#tpu.dimension_semantics<core_parallel>, #tpu.dimension_semantics<subcore_parallel>], iteration_bounds = array<i64: 2, 16>, scalar_prefetch = 0 : i64, scratch_operands = 4 : i64, tpu.core_type = #tpu.core_type<sc_vector_subcore>, window_params = [{transform_indices = #map}, {transform_indices = #map}, {transform_indices = #map}, {transform_indices = #map}]} {
    %mul3A = arith.constant 2 : i32
    %mul3A_0 = arith.muli %arg1, %mul3A : i32
    %add3A = arith.addi %mul3A_0, %arg0 : i32
    %mul3A_1 = arith.constant 3136 : i32
    %mul3A_2 = arith.muli %add3A, %mul3A_1 : i32
    "tpu.region"() ({
      %run_scoped3A = tpu.sem_alloc : memref<!tpu.dma_semaphore, #tpu.memory_space<semaphore_mem>>
      %dma_start3A = tpu.memref_slice %arg2[%mul3A_2] : memref<100352xi32, #tpu.memory_space<hbm>> -> memref<3136xi32, #tpu.memory_space<hbm>>
      %dma_start3A_8 = tpu.memref_slice %arg2[%mul3A_2] : memref<100352xi32, #tpu.memory_space<hbm>> -> memref<3136xi32, #tpu.memory_space<hbm>>
      tpu.enqueue_dma source(%dma_start3A_8 : memref<3136xi32, #tpu.memory_space<hbm>>) target(%arg6 : memref<3136xi32, #tpu.memory_space<vmem>>) target_semaphore(%run_scoped3A : memref<!tpu.dma_semaphore, #tpu.memory_space<semaphore_mem>>)
      %dma_wait3A = tpu.memref_slice %arg2[%mul3A_2] : memref<100352xi32, #tpu.memory_space<hbm>> -> memref<3136xi32, #tpu.memory_space<hbm>>
      %dma_wait3A_9 = tpu.memref_slice %arg2[%mul3A_2] : memref<100352xi32, #tpu.memory_space<hbm>> -> memref<3136xi32, #tpu.memory_space<hbm>>
      tpu.wait_dma2 semaphore(%run_scoped3A : memref<!tpu.dma_semaphore, #tpu.memory_space<semaphore_mem>>) src(%dma_wait3A_9 : memref<3136xi32, #tpu.memory_space<hbm>>) dst(%arg6 : memref<3136xi32, #tpu.memory_space<vmem>>)
      tpu.yield
    }) : () -> ()
    "tpu.region"() ({
      %run_scoped3A = tpu.sem_alloc : memref<!tpu.dma_semaphore, #tpu.memory_space<semaphore_mem>>
      %dma_start3A = tpu.memref_slice %arg3[%mul3A_2] : memref<100352xi32, #tpu.memory_space<hbm>> -> memref<3136xi32, #tpu.memory_space<hbm>>
      %dma_start3A_8 = tpu.memref_slice %arg3[%mul3A_2] : memref<100352xi32, #tpu.memory_space<hbm>> -> memref<3136xi32, #tpu.memory_space<hbm>>
      tpu.enqueue_dma source(%dma_start3A_8 : memref<3136xi32, #tpu.memory_space<hbm>>) target(%arg7 : memref<3136xi32, #tpu.memory_space<vmem>>) target_semaphore(%run_scoped3A : memref<!tpu.dma_semaphore, #tpu.memory_space<semaphore_mem>>)
      %dma_wait3A = tpu.memref_slice %arg3[%mul3A_2] : memref<100352xi32, #tpu.memory_space<hbm>> -> memref<3136xi32, #tpu.memory_space<hbm>>
      %dma_wait3A_9 = tpu.memref_slice %arg3[%mul3A_2] : memref<100352xi32, #tpu.memory_space<hbm>> -> memref<3136xi32, #tpu.memory_space<hbm>>
      tpu.wait_dma2 semaphore(%run_scoped3A : memref<!tpu.dma_semaphore, #tpu.memory_space<semaphore_mem>>) src(%dma_wait3A_9 : memref<3136xi32, #tpu.memory_space<hbm>>) dst(%arg7 : memref<3136xi32, #tpu.memory_space<vmem>>)
      tpu.yield
    }) : () -> ()
    "tpu.region"() ({
      %run_scoped3A = tpu.sem_alloc : memref<!tpu.dma_semaphore, #tpu.memory_space<semaphore_mem>>
      %dma_start3A = tpu.memref_slice %arg4[%mul3A_2] : memref<100352xi32, #tpu.memory_space<hbm>> -> memref<3136xi32, #tpu.memory_space<hbm>>
      %dma_start3A_8 = tpu.memref_slice %arg4[%mul3A_2] : memref<100352xi32, #tpu.memory_space<hbm>> -> memref<3136xi32, #tpu.memory_space<hbm>>
      tpu.enqueue_dma source(%dma_start3A_8 : memref<3136xi32, #tpu.memory_space<hbm>>) target(%arg8 : memref<3136xi32, #tpu.memory_space<vmem>>) target_semaphore(%run_scoped3A : memref<!tpu.dma_semaphore, #tpu.memory_space<semaphore_mem>>)
      %dma_wait3A = tpu.memref_slice %arg4[%mul3A_2] : memref<100352xi32, #tpu.memory_space<hbm>> -> memref<3136xi32, #tpu.memory_space<hbm>>
      %dma_wait3A_9 = tpu.memref_slice %arg4[%mul3A_2] : memref<100352xi32, #tpu.memory_space<hbm>> -> memref<3136xi32, #tpu.memory_space<hbm>>
      tpu.wait_dma2 semaphore(%run_scoped3A : memref<!tpu.dma_semaphore, #tpu.memory_space<semaphore_mem>>) src(%dma_wait3A_9 : memref<3136xi32, #tpu.memory_space<hbm>>) dst(%arg8 : memref<3136xi32, #tpu.memory_space<vmem>>)
      tpu.yield
    }) : () -> ()
    %iota3A = tpu.iota {dimensions = array<i32: 0>} : vector<16xi32>
    %scan3A = arith.constant 0 : i32
    %scan3A_3 = arith.constant 0 : i32
    %scan3A_4 = arith.constant 196 : i32
    %scan3A_5 = arith.addi %scan3A_3, %scan3A_4 : i32
    %scan3A_6 = arith.constant 1 : i32
    scf.for %scan3A_8 = %scan3A_3 to %scan3A_5 step %scan3A_6  : i32 {
      %mul3A_9 = arith.constant 16 : i32
      %mul3A_10 = arith.muli %scan3A_8, %mul3A_9 : i32
      %get3A = arith.index_cast %mul3A_10 : i32 to index
      %get3A_11 = tpu.vector_load %arg6[%get3A] {strides = array<i32>} : memref<3136xi32, #tpu.memory_space<vmem>>, vector<16xi32>,
      %mul3A_12 = arith.constant 16 : i32
      %mul3A_13 = arith.muli %scan3A_8, %mul3A_12 : i32
      %get3A_14 = arith.index_cast %mul3A_13 : i32 to index
      %get3A_15 = tpu.vector_load %arg7[%get3A_14] {strides = array<i32>} : memref<3136xi32, #tpu.memory_space<vmem>>, vector<16xi32>,
      %mul3A_16 = arith.constant 16 : i32
      %mul3A_17 = arith.muli %scan3A_8, %mul3A_16 : i32
      %get3A_18 = arith.index_cast %mul3A_17 : i32 to index
      %get3A_19 = tpu.vector_load %arg8[%get3A_18] {strides = array<i32>} : memref<3136xi32, #tpu.memory_space<vmem>>, vector<16xi32>,
      %mul3A_20 = arith.constant 262144 : i32
      %mul3A_21 = vector.broadcast %mul3A_20 : i32 to vector<16xi32>
      %mul3A_22 = arith.muli %get3A_11, %mul3A_21 : vector<16xi32>
      %mul3A_23 = arith.constant 512 : i32
      %mul3A_24 = vector.broadcast %mul3A_23 : i32 to vector<16xi32>
      %mul3A_25 = arith.muli %get3A_15, %mul3A_24 : vector<16xi32>
      %add3A_26 = arith.addi %mul3A_25, %get3A_19 : vector<16xi32>
      %add3A_27 = arith.addi %mul3A_22, %add3A_26 : vector<16xi32>
      %mul3A_28 = arith.constant 16 : i32
      %mul3A_29 = arith.muli %scan3A_8, %mul3A_28 : i32
      %add3A_30 = arith.addi %mul3A_2, %mul3A_29 : i32
      %add3A_31 = vector.broadcast %add3A_30 : i32 to vector<16xi32>
      %add3A_32 = arith.addi %add3A_31, %iota3A : vector<16xi32>
      %lt3A = arith.constant 100000 : i32
      %lt3A_33 = vector.broadcast %lt3A : i32 to vector<16xi32>
      %lt3A_34 = arith.cmpi slt, %add3A_32, %lt3A_33 : vector<16xi32>
      %jit3A = arith.constant -1 : i32
      %broadcast_in_dim3A = vector.broadcast %jit3A : i32 to vector<16xi32>
      %select_n3A = arith.select %lt3A_34, %add3A_27, %broadcast_in_dim3A : vector<16xi1>, vector<16xi32>
      %mul3A_35 = arith.constant 16 : i32
      %mul3A_36 = arith.muli %scan3A_8, %mul3A_35 : i32
      %swap3A = arith.index_cast %mul3A_36 : i32 to index
      %swap3A_37 = tpu.vector_load %arg9[%swap3A] {strides = array<i32>} : memref<3136xi32, #tpu.memory_space<vmem>>, vector<16xi32>,
      tpu.vector_store %arg9[%swap3A], %select_n3A {strides = array<i32>} : memref<3136xi32, #tpu.memory_space<vmem>>, vector<16xi32>,
    }
    %scan3A_7 = arith.constant 196 : i32
    "tpu.region"() ({
      %run_scoped3A = tpu.sem_alloc : memref<!tpu.dma_semaphore, #tpu.memory_space<semaphore_mem>>
      %dma_start3A = tpu.memref_slice %arg5[%mul3A_2] : memref<100352xi32, #tpu.memory_space<hbm>> -> memref<3136xi32, #tpu.memory_space<hbm>>
      %dma_start3A_8 = tpu.memref_slice %arg5[%mul3A_2] : memref<100352xi32, #tpu.memory_space<hbm>> -> memref<3136xi32, #tpu.memory_space<hbm>>
      tpu.enqueue_dma source(%arg9 : memref<3136xi32, #tpu.memory_space<vmem>>) target(%dma_start3A_8 : memref<3136xi32, #tpu.memory_space<hbm>>) target_semaphore(%run_scoped3A : memref<!tpu.dma_semaphore, #tpu.memory_space<semaphore_mem>>)
      %dma_wait3A = tpu.memref_slice %arg5[%mul3A_2] : memref<100352xi32, #tpu.memory_space<hbm>> -> memref<3136xi32, #tpu.memory_space<hbm>>
      %dma_wait3A_9 = tpu.memref_slice %arg5[%mul3A_2] : memref<100352xi32, #tpu.memory_space<hbm>> -> memref<3136xi32, #tpu.memory_space<hbm>>
      tpu.wait_dma2 semaphore(%run_scoped3A : memref<!tpu.dma_semaphore, #tpu.memory_space<semaphore_mem>>) src(%arg9 : memref<3136xi32, #tpu.memory_space<vmem>>) dst(%dma_wait3A_9 : memref<3136xi32, #tpu.memory_space<hbm>>)
      tpu.yield
    }) : () -> ()
    return
  }
}

#map = affine_map<(d0, d1) -> (0)>
#map1 = affine_map<(d0, d1) -> (0, 0)>
#map2 = affine_map<(d0, d1) -> (0, 0, 0, 0)>
module attributes {stable_mosaic.version = 14 : i64} {
  func.func @_scatter_kernel(%arg0: i32, %arg1: i32, %arg2: memref<100352xi32, #tpu.memory_space<hbm>>, %arg3: memref<100016x128xf32, #tpu.memory_space<hbm>>, %arg4: memref<4x64x512x512xf32, #tpu.memory_space<hbm>>, %arg5: memref<32768xi32, #tpu.memory_space<vmem>>, %arg6: memref<2x2048xi32, #tpu.memory_space<vmem>>, %arg7: memref<1152xi32, #tpu.memory_space<vmem>>, %arg8: memref<1536xi32, #tpu.memory_space<vmem>>, %arg9: memref<2x64x128xf32, #tpu.memory_space<vmem>>, %arg10: memref<2x64x512xf32, #tpu.memory_space<vmem>>, %arg11: memref<!tpu.dma_semaphore, #tpu.memory_space<semaphore_mem>>, %arg12: memref<!tpu.dma_semaphore, #tpu.memory_space<semaphore_mem>>, %arg13: memref<!tpu.dma_semaphore, #tpu.memory_space<semaphore_mem>>) attributes {dimension_semantics = [#tpu.dimension_semantics<core_parallel>, #tpu.dimension_semantics<subcore_parallel>], iteration_bounds = array<i64: 2, 16>, scalar_prefetch = 0 : i64, scratch_operands = 9 : i64, tpu.core_type = #tpu.core_type<sc_vector_subcore>, window_params = [{transform_indices = #map}, {transform_indices = #map1}, {transform_indices = #map2}]} {
    %mul3A = arith.constant 2 : i32
    %mul3A_0 = arith.muli %arg1, %mul3A : i32
    %add3A = arith.addi %mul3A_0, %arg0 : i32
    %iota3A = tpu.iota {dimensions = array<i32: 0>} : vector<16xi32>
    %broadcast_in_dim3A = arith.constant -1 : i32
    %broadcast_in_dim3A_1 = vector.broadcast %broadcast_in_dim3A : i32 to vector<16xi32>
    %broadcast_in_dim3A_2 = arith.constant 0.000000e+00 : f32
    %broadcast_in_dim3A_3 = vector.broadcast %broadcast_in_dim3A_2 : f32 to vector<16xf32>
    %scan3A = arith.constant 0 : i32
    %scan3A_4 = arith.constant 0 : i32
    %scan3A_5 = arith.constant 2048 : i32
    %scan3A_6 = arith.addi %scan3A_4, %scan3A_5 : i32
    %scan3A_7 = arith.constant 1 : i32
    scf.for %scan3A_136 = %scan3A_4 to %scan3A_6 step %scan3A_7  : i32 {
      %mul3A_137 = arith.constant 16 : i32
      %mul3A_138 = arith.muli %scan3A_136, %mul3A_137 : i32
      %swap3A = arith.index_cast %mul3A_138 : i32 to index
      %swap3A_139 = tpu.vector_load %arg5[%swap3A] {strides = array<i32>} : memref<32768xi32, #tpu.memory_space<vmem>>, vector<16xi32>,
      tpu.vector_store %arg5[%swap3A], %broadcast_in_dim3A_1 {strides = array<i32>} : memref<32768xi32, #tpu.memory_space<vmem>>, vector<16xi32>,
    }
    %scan3A_8 = arith.constant 2048 : i32
    %scan3A_9 = arith.constant 0 : i32
    %scan3A_10 = arith.constant 0 : i32
    %scan3A_11 = arith.constant 2048 : i32
    %scan3A_12 = arith.addi %scan3A_10, %scan3A_11 : i32
    %scan3A_13 = arith.constant 1 : i32
    scf.for %scan3A_136 = %scan3A_10 to %scan3A_12 step %scan3A_13  : i32 {
      %jit3A_137 = arith.constant 32 : i32
      %div3A_138 = arith.divsi %scan3A_136, %jit3A_137 : i32
      %sign3A_139 = arith.constant 0 : i32
      %sign3A_140 = arith.cmpi sgt, %scan3A_136, %sign3A_139 : i32
      %sign3A_141 = arith.extui %sign3A_140 : i1 to i32
      %sign3A_142 = arith.constant 0 : i32
      %sign3A_143 = arith.cmpi slt, %scan3A_136, %sign3A_142 : i32
      %sign3A_144 = arith.extui %sign3A_143 : i1 to i32
      %sign3A_145 = arith.subi %sign3A_141, %sign3A_144 : i32
      %sign3A_146 = arith.constant 0 : i32
      %sign3A_147 = arith.cmpi sgt, %jit3A_137, %sign3A_146 : i32
      %sign3A_148 = arith.extui %sign3A_147 : i1 to i32
      %sign3A_149 = arith.constant 0 : i32
      %sign3A_150 = arith.cmpi slt, %jit3A_137, %sign3A_149 : i32
      %sign3A_151 = arith.extui %sign3A_150 : i1 to i32
      %sign3A_152 = arith.subi %sign3A_148, %sign3A_151 : i32
      %ne3A_153 = arith.cmpi ne, %sign3A_145, %sign3A_152 : i32
      %rem3A_154 = arith.remsi %scan3A_136, %jit3A_137 : i32
      %ne3A_155 = arith.constant 0 : i32
      %ne3A_156 = arith.cmpi ne, %rem3A_154, %ne3A_155 : i32
      %and3A_157 = arith.andi %ne3A_153, %ne3A_156 : i1
      %sub3A_158 = arith.constant 1 : i32
      %sub3A_159 = arith.subi %div3A_138, %sub3A_158 : i32
      %select_n3A_160 = arith.select %and3A_157, %sub3A_159, %div3A_138 : i32
      %jit3A_161 = arith.constant 32 : i32
      %eq3A_162 = arith.constant 0 : i32
      %eq3A_163 = arith.cmpi eq, %jit3A_161, %eq3A_162 : i32
      %jit3A_164 = arith.constant 1 : i32
      %select_n3A_165 = arith.select %eq3A_163, %jit3A_164, %jit3A_161 : i32
      %rem3A_166 = arith.remsi %scan3A_136, %select_n3A_165 : i32
      %ne3A_167 = arith.constant 0 : i32
      %ne3A_168 = arith.cmpi ne, %rem3A_166, %ne3A_167 : i32
      %lt3A_169 = arith.constant 0 : i32
      %lt3A_170 = arith.cmpi slt, %rem3A_166, %lt3A_169 : i32
      %lt3A_171 = arith.constant 0 : i32
      %lt3A_172 = arith.cmpi slt, %select_n3A_165, %lt3A_171 : i32
      %ne3A_173 = arith.xori %lt3A_170, %lt3A_172 : i1
      %and3A_174 = arith.andi %ne3A_173, %ne3A_168 : i1
      %add3A_175 = arith.addi %rem3A_166, %select_n3A_165 : i32
      %select_n3A_176 = arith.select %and3A_174, %add3A_175, %rem3A_166 : i32
      %mul3A_177 = arith.constant 16 : i32
      %mul3A_178 = arith.muli %select_n3A_176, %mul3A_177 : i32
      %swap3A = arith.constant 0 : i32
      %swap3A_179 = arith.index_cast %swap3A : i32 to index
      %swap3A_180 = arith.index_cast %select_n3A_160 : i32 to index
      %swap3A_181 = arith.index_cast %mul3A_178 : i32 to index
      %swap3A_182 = tpu.vector_load %arg10[%swap3A_179, %swap3A_180, %swap3A_181] {strides = array<i32>} : memref<2x64x512xf32, #tpu.memory_space<vmem>>, vector<16xf32>,
      tpu.vector_store %arg10[%swap3A_179, %swap3A_180, %swap3A_181], %broadcast_in_dim3A_3 {strides = array<i32>} : memref<2x64x512xf32, #tpu.memory_space<vmem>>, vector<16xf32>,
    }
    %scan3A_14 = arith.constant 2048 : i32
    %scan3A_15 = arith.constant 0 : i32
    %scan3A_16 = arith.constant 0 : i32
    %scan3A_17 = arith.constant 2048 : i32
    %scan3A_18 = arith.addi %scan3A_16, %scan3A_17 : i32
    %scan3A_19 = arith.constant 1 : i32
    scf.for %scan3A_136 = %scan3A_16 to %scan3A_18 step %scan3A_19  : i32 {
      %jit3A_137 = arith.constant 32 : i32
      %div3A_138 = arith.divsi %scan3A_136, %jit3A_137 : i32
      %sign3A_139 = arith.constant 0 : i32
      %sign3A_140 = arith.cmpi sgt, %scan3A_136, %sign3A_139 : i32
      %sign3A_141 = arith.extui %sign3A_140 : i1 to i32
      %sign3A_142 = arith.constant 0 : i32
      %sign3A_143 = arith.cmpi slt, %scan3A_136, %sign3A_142 : i32
      %sign3A_144 = arith.extui %sign3A_143 : i1 to i32
      %sign3A_145 = arith.subi %sign3A_141, %sign3A_144 : i32
      %sign3A_146 = arith.constant 0 : i32
      %sign3A_147 = arith.cmpi sgt, %jit3A_137, %sign3A_146 : i32
      %sign3A_148 = arith.extui %sign3A_147 : i1 to i32
      %sign3A_149 = arith.constant 0 : i32
      %sign3A_150 = arith.cmpi slt, %jit3A_137, %sign3A_149 : i32
      %sign3A_151 = arith.extui %sign3A_150 : i1 to i32
      %sign3A_152 = arith.subi %sign3A_148, %sign3A_151 : i32
      %ne3A_153 = arith.cmpi ne, %sign3A_145, %sign3A_152 : i32
      %rem3A_154 = arith.remsi %scan3A_136, %jit3A_137 : i32
      %ne3A_155 = arith.constant 0 : i32
      %ne3A_156 = arith.cmpi ne, %rem3A_154, %ne3A_155 : i32
      %and3A_157 = arith.andi %ne3A_153, %ne3A_156 : i1
      %sub3A_158 = arith.constant 1 : i32
      %sub3A_159 = arith.subi %div3A_138, %sub3A_158 : i32
      %select_n3A_160 = arith.select %and3A_157, %sub3A_159, %div3A_138 : i32
      %jit3A_161 = arith.constant 32 : i32
      %eq3A_162 = arith.constant 0 : i32
      %eq3A_163 = arith.cmpi eq, %jit3A_161, %eq3A_162 : i32
      %jit3A_164 = arith.constant 1 : i32
      %select_n3A_165 = arith.select %eq3A_163, %jit3A_164, %jit3A_161 : i32
      %rem3A_166 = arith.remsi %scan3A_136, %select_n3A_165 : i32
      %ne3A_167 = arith.constant 0 : i32
      %ne3A_168 = arith.cmpi ne, %rem3A_166, %ne3A_167 : i32
      %lt3A_169 = arith.constant 0 : i32
      %lt3A_170 = arith.cmpi slt, %rem3A_166, %lt3A_169 : i32
      %lt3A_171 = arith.constant 0 : i32
      %lt3A_172 = arith.cmpi slt, %select_n3A_165, %lt3A_171 : i32
      %ne3A_173 = arith.xori %lt3A_170, %lt3A_172 : i1
      %and3A_174 = arith.andi %ne3A_173, %ne3A_168 : i1
      %add3A_175 = arith.addi %rem3A_166, %select_n3A_165 : i32
      %select_n3A_176 = arith.select %and3A_174, %add3A_175, %rem3A_166 : i32
      %mul3A_177 = arith.constant 16 : i32
      %mul3A_178 = arith.muli %select_n3A_176, %mul3A_177 : i32
      %swap3A = arith.constant 1 : i32
      %swap3A_179 = arith.index_cast %swap3A : i32 to index
      %swap3A_180 = arith.index_cast %select_n3A_160 : i32 to index
      %swap3A_181 = arith.index_cast %mul3A_178 : i32 to index
      %swap3A_182 = tpu.vector_load %arg10[%swap3A_179, %swap3A_180, %swap3A_181] {strides = array<i32>} : memref<2x64x512xf32, #tpu.memory_space<vmem>>, vector<16xf32>,
      tpu.vector_store %arg10[%swap3A_179, %swap3A_180, %swap3A_181], %broadcast_in_dim3A_3 {strides = array<i32>} : memref<2x64x512xf32, #tpu.memory_space<vmem>>, vector<16xf32>,
    }
    %scan3A_20 = arith.constant 2048 : i32
    %mul3A_21 = arith.constant 32768 : i32
    %mul3A_22 = arith.muli %add3A, %mul3A_21 : i32
    %dma_start3A = arith.constant 0 : i32
    %dma_start3A_23 = arith.constant 0 : i32
    %dma_start3A_24 = tpu.memref_slice %arg6[%dma_start3A, %dma_start3A_23] : memref<2x2048xi32, #tpu.memory_space<vmem>> -> memref<1x2048xi32, #tpu.memory_space<vmem>>
    %dma_start3A_25 = tpu.memref_squeeze %dma_start3A_24 : memref<1x2048xi32, #tpu.memory_space<vmem>> -> memref<2048xi32, #tpu.memory_space<vmem>>
    %dma_start3A_26 = arith.constant 0 : i32
    %dma_start3A_27 = tpu.memref_slice %arg2[%dma_start3A_26] : memref<100352xi32, #tpu.memory_space<hbm>> -> memref<2048xi32, #tpu.memory_space<hbm>>
    %dma_start3A_28 = arith.constant 0 : i32
    %dma_start3A_29 = tpu.memref_slice %arg6[%dma_start3A, %dma_start3A_28] : memref<2x2048xi32, #tpu.memory_space<vmem>> -> memref<1x2048xi32, #tpu.memory_space<vmem>>
    %dma_start3A_30 = tpu.memref_squeeze %dma_start3A_29 : memref<1x2048xi32, #tpu.memory_space<vmem>> -> memref<2048xi32, #tpu.memory_space<vmem>>
    %dma_start3A_31 = arith.constant 0 : i32
    %dma_start3A_32 = tpu.memref_slice %arg2[%dma_start3A_31] : memref<100352xi32, #tpu.memory_space<hbm>> -> memref<2048xi32, #tpu.memory_space<hbm>>
    tpu.enqueue_dma source(%dma_start3A_32 : memref<2048xi32, #tpu.memory_space<hbm>>) target(%dma_start3A_30 : memref<2048xi32, #tpu.memory_space<vmem>>) target_semaphore(%arg11 : memref<!tpu.dma_semaphore, #tpu.memory_space<semaphore_mem>>)
    %scan3A_33 = arith.constant 0 : i32
    %scan3A_34 = arith.constant 0 : i32
    %scan3A_35 = arith.constant 49 : i32
    %scan3A_36 = arith.addi %scan3A_34, %scan3A_35 : i32
    %scan3A_37 = arith.constant 1 : i32
    scf.for %scan3A_136 = %scan3A_34 to %scan3A_36 step %scan3A_37  : i32 {
      %jit3A_137 = arith.constant 2 : i32
      %eq3A_138 = arith.constant 0 : i32
      %eq3A_139 = arith.cmpi eq, %jit3A_137, %eq3A_138 : i32
      %jit3A_140 = arith.constant 1 : i32
      %select_n3A_141 = arith.select %eq3A_139, %jit3A_140, %jit3A_137 : i32
      %rem3A_142 = arith.remsi %scan3A_136, %select_n3A_141 : i32
      %ne3A_143 = arith.constant 0 : i32
      %ne3A_144 = arith.cmpi ne, %rem3A_142, %ne3A_143 : i32
      %lt3A_145 = arith.constant 0 : i32
      %lt3A_146 = arith.cmpi slt, %rem3A_142, %lt3A_145 : i32
      %lt3A_147 = arith.constant 0 : i32
      %lt3A_148 = arith.cmpi slt, %select_n3A_141, %lt3A_147 : i32
      %ne3A_149 = arith.xori %lt3A_146, %lt3A_148 : i1
      %and3A_150 = arith.andi %ne3A_149, %ne3A_144 : i1
      %add3A_151 = arith.addi %rem3A_142, %select_n3A_141 : i32
      %select_n3A_152 = arith.select %and3A_150, %add3A_151, %rem3A_142 : i32
      %mul3A_153 = arith.constant 2048 : i32
      %mul3A_154 = arith.muli %scan3A_136, %mul3A_153 : i32
      %dma_wait3A = arith.constant 0 : i32
      %dma_wait3A_155 = tpu.memref_slice %arg6[%select_n3A_152, %dma_wait3A] : memref<2x2048xi32, #tpu.memory_space<vmem>> -> memref<1x2048xi32, #tpu.memory_space<vmem>>
      %dma_wait3A_156 = tpu.memref_squeeze %dma_wait3A_155 : memref<1x2048xi32, #tpu.memory_space<vmem>> -> memref<2048xi32, #tpu.memory_space<vmem>>
      %dma_wait3A_157 = tpu.memref_slice %arg2[%mul3A_154] : memref<100352xi32, #tpu.memory_space<hbm>> -> memref<2048xi32, #tpu.memory_space<hbm>>
      %dma_wait3A_158 = arith.constant 0 : i32
      %dma_wait3A_159 = tpu.memref_slice %arg6[%select_n3A_152, %dma_wait3A_158] : memref<2x2048xi32, #tpu.memory_space<vmem>> -> memref<1x2048xi32, #tpu.memory_space<vmem>>
      %dma_wait3A_160 = tpu.memref_squeeze %dma_wait3A_159 : memref<1x2048xi32, #tpu.memory_space<vmem>> -> memref<2048xi32, #tpu.memory_space<vmem>>
      %dma_wait3A_161 = tpu.memref_slice %arg2[%mul3A_154] : memref<100352xi32, #tpu.memory_space<hbm>> -> memref<2048xi32, #tpu.memory_space<hbm>>
      tpu.wait_dma2 semaphore(%arg11 : memref<!tpu.dma_semaphore, #tpu.memory_space<semaphore_mem>>) src(%dma_wait3A_161 : memref<2048xi32, #tpu.memory_space<hbm>>) dst(%dma_wait3A_160 : memref<2048xi32, #tpu.memory_space<vmem>>)
      %add3A_162 = arith.constant 1 : i32
      %add3A_163 = arith.addi %scan3A_136, %add3A_162 : i32
      %lt3A_164 = arith.constant 49 : i32
      %lt3A_165 = arith.cmpi slt, %add3A_163, %lt3A_164 : i32
      %convert_element_type3A_166 = arith.extui %lt3A_165 : i1 to i32
      %cond3A_167 = arith.constant 0 : i32
      %cond3A_168 = arith.cmpi ne, %convert_element_type3A_166, %cond3A_167 : i32
      scf.if %cond3A_168 {
        %add3A_190 = arith.constant 1 : i32
        %add3A_191 = arith.addi %scan3A_136, %add3A_190 : i32
        %mul3A_192 = arith.constant 2048 : i32
        %mul3A_193 = arith.muli %add3A_191, %mul3A_192 : i32
        %add3A_194 = arith.constant 1 : i32
        %add3A_195 = arith.addi %scan3A_136, %add3A_194 : i32
        %jit3A_196 = arith.constant 2 : i32
        %eq3A_197 = arith.constant 0 : i32
        %eq3A_198 = arith.cmpi eq, %jit3A_196, %eq3A_197 : i32
        %jit3A_199 = arith.constant 1 : i32
        %select_n3A_200 = arith.select %eq3A_198, %jit3A_199, %jit3A_196 : i32
        %rem3A_201 = arith.remsi %add3A_195, %select_n3A_200 : i32
        %ne3A_202 = arith.constant 0 : i32
        %ne3A_203 = arith.cmpi ne, %rem3A_201, %ne3A_202 : i32
        %lt3A_204 = arith.constant 0 : i32
        %lt3A_205 = arith.cmpi slt, %rem3A_201, %lt3A_204 : i32
        %lt3A_206 = arith.constant 0 : i32
        %lt3A_207 = arith.cmpi slt, %select_n3A_200, %lt3A_206 : i32
        %ne3A_208 = arith.xori %lt3A_205, %lt3A_207 : i1
        %and3A_209 = arith.andi %ne3A_208, %ne3A_203 : i1
        %add3A_210 = arith.addi %rem3A_201, %select_n3A_200 : i32
        %select_n3A_211 = arith.select %and3A_209, %add3A_210, %rem3A_201 : i32
        %dma_start3A_212 = arith.constant 0 : i32
        %dma_start3A_213 = tpu.memref_slice %arg6[%select_n3A_211, %dma_start3A_212] : memref<2x2048xi32, #tpu.memory_space<vmem>> -> memref<1x2048xi32, #tpu.memory_space<vmem>>
        %dma_start3A_214 = tpu.memref_squeeze %dma_start3A_213 : memref<1x2048xi32, #tpu.memory_space<vmem>> -> memref<2048xi32, #tpu.memory_space<vmem>>
        %dma_start3A_215 = tpu.memref_slice %arg2[%mul3A_193] : memref<100352xi32, #tpu.memory_space<hbm>> -> memref<2048xi32, #tpu.memory_space<hbm>>
        %dma_start3A_216 = arith.constant 0 : i32
        %dma_start3A_217 = tpu.memref_slice %arg6[%select_n3A_211, %dma_start3A_216] : memref<2x2048xi32, #tpu.memory_space<vmem>> -> memref<1x2048xi32, #tpu.memory_space<vmem>>
        %dma_start3A_218 = tpu.memref_squeeze %dma_start3A_217 : memref<1x2048xi32, #tpu.memory_space<vmem>> -> memref<2048xi32, #tpu.memory_space<vmem>>
        %dma_start3A_219 = tpu.memref_slice %arg2[%mul3A_193] : memref<100352xi32, #tpu.memory_space<hbm>> -> memref<2048xi32, #tpu.memory_space<hbm>>
        tpu.enqueue_dma source(%dma_start3A_219 : memref<2048xi32, #tpu.memory_space<hbm>>) target(%dma_start3A_218 : memref<2048xi32, #tpu.memory_space<vmem>>) target_semaphore(%arg11 : memref<!tpu.dma_semaphore, #tpu.memory_space<semaphore_mem>>)
      } else {
      }
      %broadcast_in_dim3A_169 = arith.constant false
      %broadcast_in_dim3A_170 = vector.broadcast %broadcast_in_dim3A_169 : i1 to vector<16xi1>
      %scan3A_171 = arith.constant 0 : i32
      %scan3A_172 = arith.constant 32 : i32
      %scan3A_173 = arith.addi %scan3A_171, %scan3A_172 : i32
      %scan3A_174 = arith.constant 1 : i32
      %scan3A_175 = scf.for %scan3A_190 = %scan3A_171 to %scan3A_173 step %scan3A_174 iter_args(%scan3A_191 = %broadcast_in_dim3A_170) -> (vector<16xi1>)  : i32 {
        %mul3A_192 = arith.constant 4 : i32
        %mul3A_193 = arith.muli %scan3A_190, %mul3A_192 : i32
        %add3A_194 = arith.constant 0 : i32
        %add3A_195 = arith.addi %mul3A_193, %add3A_194 : i32
        %mul3A_196 = arith.constant 16 : i32
        %mul3A_197 = arith.muli %add3A_195, %mul3A_196 : i32
        %get3A = arith.index_cast %select_n3A_152 : i32 to index
        %get3A_198 = arith.index_cast %mul3A_197 : i32 to index
        %get3A_199 = tpu.vector_load %arg6[%get3A, %get3A_198] {strides = array<i32>} : memref<2x2048xi32, #tpu.memory_space<vmem>>, vector<16xi32>,
        %sub3A_200 = vector.broadcast %mul3A_22 : i32 to vector<16xi32>
        %sub3A_201 = arith.subi %get3A_199, %sub3A_200 : vector<16xi32>
        %lt3A_202 = arith.constant 32768 : i32
        %lt3A_203 = vector.broadcast %lt3A_202 : i32 to vector<16xi32>
        %lt3A_204 = arith.cmpi ult, %sub3A_201, %lt3A_203 : vector<16xi32>
        %jit3A_205 = arith.constant 0 : i32
        %broadcast_in_dim3A_206 = vector.broadcast %jit3A_205 : i32 to vector<16xi32>
        %select_n3A_207 = arith.select %lt3A_204, %sub3A_201, %broadcast_in_dim3A_206 : vector<16xi1>, vector<16xi32>
        %mul3A_208 = arith.constant 2048 : i32
        %mul3A_209 = arith.muli %scan3A_136, %mul3A_208 : i32
        %mul3A_210 = arith.constant 16 : i32
        %mul3A_211 = arith.muli %add3A_195, %mul3A_210 : i32
        %add3A_212 = arith.addi %mul3A_209, %mul3A_211 : i32
        %add3A_213 = vector.broadcast %add3A_212 : i32 to vector<16xi32>
        %add3A_214 = arith.addi %add3A_213, %iota3A : vector<16xi32>
        tpu.vector_store_idx %arg5[%select_n3A_207], %add3A_214 masked %lt3A_204 : memref<32768xi32, #tpu.memory_space<vmem>>[vector<16xi32>], vector<16xi32>, vector<16xi1>
        %gather3A = tpu.vector_load_idx %arg5[%select_n3A_207] masked %lt3A_204 : memref<32768xi32, #tpu.memory_space<vmem>>[vector<16xi32>], vector<16xi32>, vector<16xi1>
        %gt3A_215 = arith.cmpi sgt, %add3A_214, %gather3A : vector<16xi32>
        %and3A_216 = arith.andi %lt3A_204, %gt3A_215 : vector<16xi1>
        %or3A = arith.ori %scan3A_191, %and3A_216 : vector<16xi1>
        %mul3A_217 = arith.constant 4 : i32
        %mul3A_218 = arith.muli %scan3A_190, %mul3A_217 : i32
        %add3A_219 = arith.constant 1 : i32
        %add3A_220 = arith.addi %mul3A_218, %add3A_219 : i32
        %mul3A_221 = arith.constant 16 : i32
        %mul3A_222 = arith.muli %add3A_220, %mul3A_221 : i32
        %get3A_223 = arith.index_cast %select_n3A_152 : i32 to index
        %get3A_224 = arith.index_cast %mul3A_222 : i32 to index
        %get3A_225 = tpu.vector_load %arg6[%get3A_223, %get3A_224] {strides = array<i32>} : memref<2x2048xi32, #tpu.memory_space<vmem>>, vector<16xi32>,
        %sub3A_226 = vector.broadcast %mul3A_22 : i32 to vector<16xi32>
        %sub3A_227 = arith.subi %get3A_225, %sub3A_226 : vector<16xi32>
        %lt3A_228 = arith.constant 32768 : i32
        %lt3A_229 = vector.broadcast %lt3A_228 : i32 to vector<16xi32>
        %lt3A_230 = arith.cmpi ult, %sub3A_227, %lt3A_229 : vector<16xi32>
        %jit3A_231 = arith.constant 0 : i32
        %broadcast_in_dim3A_232 = vector.broadcast %jit3A_231 : i32 to vector<16xi32>
        %select_n3A_233 = arith.select %lt3A_230, %sub3A_227, %broadcast_in_dim3A_232 : vector<16xi1>, vector<16xi32>
        %mul3A_234 = arith.constant 2048 : i32
        %mul3A_235 = arith.muli %scan3A_136, %mul3A_234 : i32
        %mul3A_236 = arith.constant 16 : i32
        %mul3A_237 = arith.muli %add3A_220, %mul3A_236 : i32
        %add3A_238 = arith.addi %mul3A_235, %mul3A_237 : i32
        %add3A_239 = vector.broadcast %add3A_238 : i32 to vector<16xi32>
        %add3A_240 = arith.addi %add3A_239, %iota3A : vector<16xi32>
        tpu.vector_store_idx %arg5[%select_n3A_233], %add3A_240 masked %lt3A_230 : memref<32768xi32, #tpu.memory_space<vmem>>[vector<16xi32>], vector<16xi32>, vector<16xi1>
        %gather3A_241 = tpu.vector_load_idx %arg5[%select_n3A_233] masked %lt3A_230 : memref<32768xi32, #tpu.memory_space<vmem>>[vector<16xi32>], vector<16xi32>, vector<16xi1>
        %gt3A_242 = arith.cmpi sgt, %add3A_240, %gather3A_241 : vector<16xi32>
        %and3A_243 = arith.andi %lt3A_230, %gt3A_242 : vector<16xi1>
        %or3A_244 = arith.ori %or3A, %and3A_243 : vector<16xi1>
        %mul3A_245 = arith.constant 4 : i32
        %mul3A_246 = arith.muli %scan3A_190, %mul3A_245 : i32
        %add3A_247 = arith.constant 2 : i32
        %add3A_248 = arith.addi %mul3A_246, %add3A_247 : i32
        %mul3A_249 = arith.constant 16 : i32
        %mul3A_250 = arith.muli %add3A_248, %mul3A_249 : i32
        %get3A_251 = arith.index_cast %select_n3A_152 : i32 to index
        %get3A_252 = arith.index_cast %mul3A_250 : i32 to index
        %get3A_253 = tpu.vector_load %arg6[%get3A_251, %get3A_252] {strides = array<i32>} : memref<2x2048xi32, #tpu.memory_space<vmem>>, vector<16xi32>,
        %sub3A_254 = vector.broadcast %mul3A_22 : i32 to vector<16xi32>
        %sub3A_255 = arith.subi %get3A_253, %sub3A_254 : vector<16xi32>
        %lt3A_256 = arith.constant 32768 : i32
        %lt3A_257 = vector.broadcast %lt3A_256 : i32 to vector<16xi32>
        %lt3A_258 = arith.cmpi ult, %sub3A_255, %lt3A_257 : vector<16xi32>
        %jit3A_259 = arith.constant 0 : i32
        %broadcast_in_dim3A_260 = vector.broadcast %jit3A_259 : i32 to vector<16xi32>
        %select_n3A_261 = arith.select %lt3A_258, %sub3A_255, %broadcast_in_dim3A_260 : vector<16xi1>, vector<16xi32>
        %mul3A_262 = arith.constant 2048 : i32
        %mul3A_263 = arith.muli %scan3A_136, %mul3A_262 : i32
        %mul3A_264 = arith.constant 16 : i32
        %mul3A_265 = arith.muli %add3A_248, %mul3A_264 : i32
        %add3A_266 = arith.addi %mul3A_263, %mul3A_265 : i32
        %add3A_267 = vector.broadcast %add3A_266 : i32 to vector<16xi32>
        %add3A_268 = arith.addi %add3A_267, %iota3A : vector<16xi32>
        tpu.vector_store_idx %arg5[%select_n3A_261], %add3A_268 masked %lt3A_258 : memref<32768xi32, #tpu.memory_space<vmem>>[vector<16xi32>], vector<16xi32>, vector<16xi1>
        %gather3A_269 = tpu.vector_load_idx %arg5[%select_n3A_261] masked %lt3A_258 : memref<32768xi32, #tpu.memory_space<vmem>>[vector<16xi32>], vector<16xi32>, vector<16xi1>
        %gt3A_270 = arith.cmpi sgt, %add3A_268, %gather3A_269 : vector<16xi32>
        %and3A_271 = arith.andi %lt3A_258, %gt3A_270 : vector<16xi1>
        %or3A_272 = arith.ori %or3A_244, %and3A_271 : vector<16xi1>
        %mul3A_273 = arith.constant 4 : i32
        %mul3A_274 = arith.muli %scan3A_190, %mul3A_273 : i32
        %add3A_275 = arith.constant 3 : i32
        %add3A_276 = arith.addi %mul3A_274, %add3A_275 : i32
        %mul3A_277 = arith.constant 16 : i32
        %mul3A_278 = arith.muli %add3A_276, %mul3A_277 : i32
        %get3A_279 = arith.index_cast %select_n3A_152 : i32 to index
        %get3A_280 = arith.index_cast %mul3A_278 : i32 to index
        %get3A_281 = tpu.vector_load %arg6[%get3A_279, %get3A_280] {strides = array<i32>} : memref<2x2048xi32, #tpu.memory_space<vmem>>, vector<16xi32>,
        %sub3A_282 = vector.broadcast %mul3A_22 : i32 to vector<16xi32>
        %sub3A_283 = arith.subi %get3A_281, %sub3A_282 : vector<16xi32>
        %lt3A_284 = arith.constant 32768 : i32
        %lt3A_285 = vector.broadcast %lt3A_284 : i32 to vector<16xi32>
        %lt3A_286 = arith.cmpi ult, %sub3A_283, %lt3A_285 : vector<16xi32>
        %jit3A_287 = arith.constant 0 : i32
        %broadcast_in_dim3A_288 = vector.broadcast %jit3A_287 : i32 to vector<16xi32>
        %select_n3A_289 = arith.select %lt3A_286, %sub3A_283, %broadcast_in_dim3A_288 : vector<16xi1>, vector<16xi32>
        %mul3A_290 = arith.constant 2048 : i32
        %mul3A_291 = arith.muli %scan3A_136, %mul3A_290 : i32
        %mul3A_292 = arith.constant 16 : i32
        %mul3A_293 = arith.muli %add3A_276, %mul3A_292 : i32
        %add3A_294 = arith.addi %mul3A_291, %mul3A_293 : i32
        %add3A_295 = vector.broadcast %add3A_294 : i32 to vector<16xi32>
        %add3A_296 = arith.addi %add3A_295, %iota3A : vector<16xi32>
        tpu.vector_store_idx %arg5[%select_n3A_289], %add3A_296 masked %lt3A_286 : memref<32768xi32, #tpu.memory_space<vmem>>[vector<16xi32>], vector<16xi32>, vector<16xi1>
        %gather3A_297 = tpu.vector_load_idx %arg5[%select_n3A_289] masked %lt3A_286 : memref<32768xi32, #tpu.memory_space<vmem>>[vector<16xi32>], vector<16xi32>, vector<16xi1>
        %gt3A_298 = arith.cmpi sgt, %add3A_296, %gather3A_297 : vector<16xi32>
        %and3A_299 = arith.andi %lt3A_286, %gt3A_298 : vector<16xi1>
        %or3A_300 = arith.ori %or3A_272, %and3A_299 : vector<16xi1>
        scf.yield %or3A_300 : vector<16xi1>
      }
      %scan3A_176 = arith.constant 32 : i32
      %reduce_or3A = arith.constant 1.000000e+00 : f32
      %reduce_or3A_177 = arith.constant 0.000000e+00 : f32
      %reduce_or3A_178 = vector.broadcast %reduce_or3A : f32 to vector<16xf32>
      %reduce_or3A_179 = vector.broadcast %reduce_or3A_177 : f32 to vector<16xf32>
      %reduce_or3A_180 = arith.select %scan3A_175, %reduce_or3A_178, %reduce_or3A_179 : vector<16xi1>, vector<16xf32>
      %reduce_or3A_181 = arith.constant true
      %reduce_or3A_182 = vector.broadcast %reduce_or3A_181 : i1 to vector<16xi1>
      %reduce_or3A_183 = tpu.scan <max>, %reduce_or3A_180 masked %reduce_or3A_182 : vector<16xf32>, vector<16xi1> -> vector<16xf32>
      %reduce_or3A_184 = vector.extract %reduce_or3A_183[15] : f32 from vector<16xf32>
      %reduce_or3A_185 = arith.constant 0.000000e+00 : f32
      %reduce_or3A_186 = arith.cmpf ogt, %reduce_or3A_184, %reduce_or3A_185 : f32
      %convert_element_type3A_187 = arith.extui %reduce_or3A_186 : i1 to i32
      %cond3A_188 = arith.constant 0 : i32
      %cond3A_189 = arith.cmpi ne, %convert_element_type3A_187, %cond3A_188 : i32
      scf.if %cond3A_189 {
        %scan3A_190 = arith.constant 0 : i32
        %scan3A_191 = arith.constant 0 : i32
        %scan3A_192 = arith.constant 128 : i32
        %scan3A_193 = arith.addi %scan3A_191, %scan3A_192 : i32
        %scan3A_194 = arith.constant 1 : i32
        scf.for %scan3A_196 = %scan3A_191 to %scan3A_193 step %scan3A_194  : i32 {
          %mul3A_197 = arith.constant 16 : i32
          %mul3A_198 = arith.muli %scan3A_196, %mul3A_197 : i32
          %get3A = arith.index_cast %select_n3A_152 : i32 to index
          %get3A_199 = arith.index_cast %mul3A_198 : i32 to index
          %get3A_200 = tpu.vector_load %arg6[%get3A, %get3A_199] {strides = array<i32>} : memref<2x2048xi32, #tpu.memory_space<vmem>>, vector<16xi32>,
          %sub3A_201 = vector.broadcast %mul3A_22 : i32 to vector<16xi32>
          %sub3A_202 = arith.subi %get3A_200, %sub3A_201 : vector<16xi32>
          %lt3A_203 = arith.constant 32768 : i32
          %lt3A_204 = vector.broadcast %lt3A_203 : i32 to vector<16xi32>
          %lt3A_205 = arith.cmpi ult, %sub3A_202, %lt3A_204 : vector<16xi32>
          %jit3A_206 = arith.constant 0 : i32
          %broadcast_in_dim3A_207 = vector.broadcast %jit3A_206 : i32 to vector<16xi32>
          %select_n3A_208 = arith.select %lt3A_205, %sub3A_202, %broadcast_in_dim3A_207 : vector<16xi1>, vector<16xi32>
          %mul3A_209 = arith.constant 2048 : i32
          %mul3A_210 = arith.muli %scan3A_136, %mul3A_209 : i32
          %mul3A_211 = arith.constant 16 : i32
          %mul3A_212 = arith.muli %scan3A_196, %mul3A_211 : i32
          %add3A_213 = arith.addi %mul3A_210, %mul3A_212 : i32
          %add3A_214 = vector.broadcast %add3A_213 : i32 to vector<16xi32>
          %add3A_215 = arith.addi %add3A_214, %iota3A : vector<16xi32>
          %gather3A = tpu.vector_load_idx %arg5[%select_n3A_208] masked %lt3A_205 : memref<32768xi32, #tpu.memory_space<vmem>>[vector<16xi32>], vector<16xi32>, vector<16xi1>
          %gt3A_216 = arith.cmpi sgt, %add3A_215, %gather3A : vector<16xi32>
          %and3A_217 = arith.andi %lt3A_205, %gt3A_216 : vector<16xi1>
          %reduce_or3A_218 = arith.constant 1.000000e+00 : f32
          %reduce_or3A_219 = arith.constant 0.000000e+00 : f32
          %reduce_or3A_220 = vector.broadcast %reduce_or3A_218 : f32 to vector<16xf32>
          %reduce_or3A_221 = vector.broadcast %reduce_or3A_219 : f32 to vector<16xf32>
          %reduce_or3A_222 = arith.select %and3A_217, %reduce_or3A_220, %reduce_or3A_221 : vector<16xi1>, vector<16xf32>
          %reduce_or3A_223 = arith.constant true
          %reduce_or3A_224 = vector.broadcast %reduce_or3A_223 : i1 to vector<16xi1>
          %reduce_or3A_225 = tpu.scan <max>, %reduce_or3A_222 masked %reduce_or3A_224 : vector<16xf32>, vector<16xi1> -> vector<16xf32>
          %reduce_or3A_226 = vector.extract %reduce_or3A_225[15] : f32 from vector<16xf32>
          %reduce_or3A_227 = arith.constant 0.000000e+00 : f32
          %reduce_or3A_228 = arith.cmpf ogt, %reduce_or3A_226, %reduce_or3A_227 : f32
          %while3A:2 = scf.while (%while3A_229 = %reduce_or3A_228, %while3A_230 = %and3A_217) : (i1, vector<16xi1>) -> (i1, vector<16xi1>) {
            scf.condition(%while3A_229) %while3A_229, %while3A_230 : i1, vector<16xi1>
          } do {
          ^bb0(%while3A_229: i1, %while3A_230: vector<16xi1>):
            tpu.vector_store_idx %arg5[%select_n3A_208], %add3A_215 masked %while3A_230 : memref<32768xi32, #tpu.memory_space<vmem>>[vector<16xi32>], vector<16xi32>, vector<16xi1>
            %gather3A_231 = tpu.vector_load_idx %arg5[%select_n3A_208] masked %lt3A_205 : memref<32768xi32, #tpu.memory_space<vmem>>[vector<16xi32>], vector<16xi32>, vector<16xi1>
            %gt3A_232 = arith.cmpi sgt, %add3A_215, %gather3A_231 : vector<16xi32>
            %and3A_233 = arith.andi %lt3A_205, %gt3A_232 : vector<16xi1>
            %reduce_or3A_234 = arith.constant 1.000000e+00 : f32
            %reduce_or3A_235 = arith.constant 0.000000e+00 : f32
            %reduce_or3A_236 = vector.broadcast %reduce_or3A_234 : f32 to vector<16xf32>
            %reduce_or3A_237 = vector.broadcast %reduce_or3A_235 : f32 to vector<16xf32>
            %reduce_or3A_238 = arith.select %and3A_233, %reduce_or3A_236, %reduce_or3A_237 : vector<16xi1>, vector<16xf32>
            %reduce_or3A_239 = arith.constant true
            %reduce_or3A_240 = vector.broadcast %reduce_or3A_239 : i1 to vector<16xi1>
            %reduce_or3A_241 = tpu.scan <max>, %reduce_or3A_238 masked %reduce_or3A_240 : vector<16xf32>, vector<16xi1> -> vector<16xf32>
            %reduce_or3A_242 = vector.extract %reduce_or3A_241[15] : f32 from vector<16xf32>
            %reduce_or3A_243 = arith.constant 0.000000e+00 : f32
            %reduce_or3A_244 = arith.cmpf ogt, %reduce_or3A_242, %reduce_or3A_243 : f32
            scf.yield %reduce_or3A_244, %and3A_233 : i1, vector<16xi1>
          }
        }
        %scan3A_195 = arith.constant 128 : i32
      } else {
      }
    }
    %scan3A_38 = arith.constant 49 : i32
    %jit3A = arith.constant 8 : i32
    %div3A = arith.divsi %add3A, %jit3A : i32
    %sign3A = arith.constant 0 : i32
    %sign3A_39 = arith.cmpi sgt, %add3A, %sign3A : i32
    %sign3A_40 = arith.extui %sign3A_39 : i1 to i32
    %sign3A_41 = arith.constant 0 : i32
    %sign3A_42 = arith.cmpi slt, %add3A, %sign3A_41 : i32
    %sign3A_43 = arith.extui %sign3A_42 : i1 to i32
    %sign3A_44 = arith.subi %sign3A_40, %sign3A_43 : i32
    %sign3A_45 = arith.constant 0 : i32
    %sign3A_46 = arith.cmpi sgt, %jit3A, %sign3A_45 : i32
    %sign3A_47 = arith.extui %sign3A_46 : i1 to i32
    %sign3A_48 = arith.constant 0 : i32
    %sign3A_49 = arith.cmpi slt, %jit3A, %sign3A_48 : i32
    %sign3A_50 = arith.extui %sign3A_49 : i1 to i32
    %sign3A_51 = arith.subi %sign3A_47, %sign3A_50 : i32
    %ne3A = arith.cmpi ne, %sign3A_44, %sign3A_51 : i32
    %rem3A = arith.remsi %add3A, %jit3A : i32
    %ne3A_52 = arith.constant 0 : i32
    %ne3A_53 = arith.cmpi ne, %rem3A, %ne3A_52 : i32
    %and3A = arith.andi %ne3A, %ne3A_53 : i1
    %sub3A = arith.constant 1 : i32
    %sub3A_54 = arith.subi %div3A, %sub3A : i32
    %select_n3A = arith.select %and3A, %sub3A_54, %div3A : i32
    %jit3A_55 = arith.constant 8 : i32
    %eq3A = arith.constant 0 : i32
    %eq3A_56 = arith.cmpi eq, %jit3A_55, %eq3A : i32
    %jit3A_57 = arith.constant 1 : i32
    %select_n3A_58 = arith.select %eq3A_56, %jit3A_57, %jit3A_55 : i32
    %rem3A_59 = arith.remsi %add3A, %select_n3A_58 : i32
    %ne3A_60 = arith.constant 0 : i32
    %ne3A_61 = arith.cmpi ne, %rem3A_59, %ne3A_60 : i32
    %lt3A = arith.constant 0 : i32
    %lt3A_62 = arith.cmpi slt, %rem3A_59, %lt3A : i32
    %lt3A_63 = arith.constant 0 : i32
    %lt3A_64 = arith.cmpi slt, %select_n3A_58, %lt3A_63 : i32
    %ne3A_65 = arith.xori %lt3A_62, %lt3A_64 : i1
    %and3A_66 = arith.andi %ne3A_65, %ne3A_61 : i1
    %add3A_67 = arith.addi %rem3A_59, %select_n3A_58 : i32
    %select_n3A_68 = arith.select %and3A_66, %add3A_67, %rem3A_59 : i32
    %mul3A_69 = arith.constant 64 : i32
    %mul3A_70 = arith.muli %select_n3A_68, %mul3A_69 : i32
    %broadcast_in_dim3A_71 = arith.constant 0 : i32
    %broadcast_in_dim3A_72 = vector.broadcast %broadcast_in_dim3A_71 : i32 to vector<16xi32>
    %scan3A_73 = arith.constant 0 : i32
    %scan3A_74 = arith.constant 0 : i32
    %scan3A_75 = arith.constant 0 : i32
    %scan3A_76 = arith.constant 0 : i32
    %scan3A_77 = arith.constant 0 : i32
    %scan3A_78 = arith.constant 32 : i32
    %scan3A_79 = arith.addi %scan3A_77, %scan3A_78 : i32
    %scan3A_80 = arith.constant 1 : i32
    %scan3A_81 = scf.for %scan3A_136 = %scan3A_77 to %scan3A_79 step %scan3A_80 iter_args(%scan3A_137 = %scan3A_76) -> (i32)  : i32 {
      %mul3A_138 = arith.constant 512 : i32
      %mul3A_139 = arith.muli %scan3A_73, %mul3A_138 : i32
      %mul3A_140 = arith.constant 16 : i32
      %mul3A_141 = arith.muli %scan3A_136, %mul3A_140 : i32
      %add3A_142 = arith.addi %mul3A_139, %mul3A_141 : i32
      %get3A = arith.index_cast %add3A_142 : i32 to index
      %get3A_143 = tpu.vector_load %arg5[%get3A] {strides = array<i32>} : memref<32768xi32, #tpu.memory_space<vmem>>, vector<16xi32>,
      %ge3A = arith.constant 0 : i32
      %ge3A_144 = vector.broadcast %ge3A : i32 to vector<16xi32>
      %ge3A_145 = arith.cmpi sge, %get3A_143, %ge3A_144 : vector<16xi32>
      %add3A_146 = arith.addi %scan3A_74, %scan3A_137 : i32
      %swap3A = arith.index_cast %add3A_146 : i32 to index
      %swap3A_147 = tpu.vector_load %arg7[%swap3A] masked %ge3A_145 {strides = array<i32>} : memref<1152xi32, #tpu.memory_space<vmem>>, vector<16xi32>, vector<16xi1>
      tpu.vector_store %arg7[%swap3A], %get3A_143 masked %ge3A_145 {strides = array<i32>} : memref<1152xi32, #tpu.memory_space<vmem>>, vector<16xi32>, vector<16xi1>
      %add3A_148 = arith.addi %scan3A_75, %scan3A_137 : i32
      %mul3A_149 = arith.constant 16 : i32
      %mul3A_150 = arith.muli %scan3A_136, %mul3A_149 : i32
      %add3A_151 = vector.broadcast %mul3A_150 : i32 to vector<16xi32>
      %add3A_152 = arith.addi %add3A_151, %iota3A : vector<16xi32>
      %swap3A_153 = arith.index_cast %add3A_148 : i32 to index
      %swap3A_154 = tpu.vector_load %arg8[%swap3A_153] masked %ge3A_145 {strides = array<i32>} : memref<1536xi32, #tpu.memory_space<vmem>>, vector<16xi32>, vector<16xi1>
      tpu.vector_store %arg8[%swap3A_153], %add3A_152 masked %ge3A_145 {strides = array<i32>} : memref<1536xi32, #tpu.memory_space<vmem>>, vector<16xi32>, vector<16xi1>
      %all_reduce_population_count3A = tpu.all_reduce %ge3A_145 {dim = 0 : i64, kind = #tpu.reduction_kind<sum>} : vector<16xi1> -> vector<16xi32>
      %slice3A = vector.extract_strided_slice %all_reduce_population_count3A {offsets = [0], sizes = [1], strides = [1]} : vector<16xi32> to vector<1xi32>
      %squeeze3A = vector.extract %slice3A[0] : i32 from vector<1xi32>
      %add3A_155 = arith.addi %scan3A_137, %squeeze3A : i32
      scf.yield %add3A_155 : i32
    }
    %scan3A_82 = arith.constant 32 : i32
    %add3A_83 = arith.constant 0 : i32
    %add3A_84 = arith.addi %add3A_83, %scan3A_81 : i32
    %add3A_85 = arith.constant 0 : i32
    %add3A_86 = arith.addi %add3A_84, %add3A_85 : i32
    %add3A_87 = vector.broadcast %add3A_86 : i32 to vector<16xi32>
    %add3A_88 = arith.addi %add3A_87, %iota3A : vector<16xi32>
    %add3A_89 = arith.constant 0 : i32
    %add3A_90 = vector.broadcast %add3A_89 : i32 to vector<16xi32>
    %add3A_91 = arith.addi %add3A_90, %iota3A : vector<16xi32>
    tpu.vector_store_idx %arg7[%add3A_88], %add3A_91 : memref<1152xi32, #tpu.memory_space<vmem>>[vector<16xi32>], vector<16xi32>,
    %add3A_92 = arith.constant 0 : i32
    %add3A_93 = arith.addi %add3A_92, %scan3A_81 : i32
    %add3A_94 = arith.constant 16 : i32
    %add3A_95 = arith.addi %add3A_93, %add3A_94 : i32
    %add3A_96 = vector.broadcast %add3A_95 : i32 to vector<16xi32>
    %add3A_97 = arith.addi %add3A_96, %iota3A : vector<16xi32>
    %add3A_98 = arith.constant 16 : i32
    %add3A_99 = vector.broadcast %add3A_98 : i32 to vector<16xi32>
    %add3A_100 = arith.addi %add3A_99, %iota3A : vector<16xi32>
    tpu.vector_store_idx %arg7[%add3A_97], %add3A_100 : memref<1152xi32, #tpu.memory_space<vmem>>[vector<16xi32>], vector<16xi32>,
    %add3A_101 = arith.constant 0 : i32
    %add3A_102 = arith.addi %add3A_101, %scan3A_81 : i32
    %add3A_103 = arith.constant 32 : i32
    %add3A_104 = arith.addi %add3A_102, %add3A_103 : i32
    %add3A_105 = vector.broadcast %add3A_104 : i32 to vector<16xi32>
    %add3A_106 = arith.addi %add3A_105, %iota3A : vector<16xi32>
    %add3A_107 = arith.constant 32 : i32
    %add3A_108 = vector.broadcast %add3A_107 : i32 to vector<16xi32>
    %add3A_109 = arith.addi %add3A_108, %iota3A : vector<16xi32>
    tpu.vector_store_idx %arg7[%add3A_106], %add3A_109 : memref<1152xi32, #tpu.memory_space<vmem>>[vector<16xi32>], vector<16xi32>,
    %add3A_110 = arith.constant 0 : i32
    %add3A_111 = arith.addi %add3A_110, %scan3A_81 : i32
    %add3A_112 = arith.constant 48 : i32
    %add3A_113 = arith.addi %add3A_111, %add3A_112 : i32
    %add3A_114 = vector.broadcast %add3A_113 : i32 to vector<16xi32>
    %add3A_115 = arith.addi %add3A_114, %iota3A : vector<16xi32>
    %add3A_116 = arith.constant 48 : i32
    %add3A_117 = vector.broadcast %add3A_116 : i32 to vector<16xi32>
    %add3A_118 = arith.addi %add3A_117, %iota3A : vector<16xi32>
    tpu.vector_store_idx %arg7[%add3A_115], %add3A_118 : memref<1152xi32, #tpu.memory_space<vmem>>[vector<16xi32>], vector<16xi32>,
    %gt3A = arith.constant 0 : i32
    %gt3A_119 = arith.cmpi sgt, %scan3A_81, %gt3A : i32
    %convert_element_type3A = arith.extui %gt3A_119 : i1 to i32
    %cond3A = arith.constant 0 : i32
    %cond3A_120 = arith.cmpi ne, %convert_element_type3A, %cond3A : i32
    scf.if %cond3A_120 {
      %dma_start3A_136 = arith.constant 0 : i32
      %dma_start3A_137 = arith.constant 0 : i32
      %dma_start3A_138 = arith.constant 0 : i32
      %dma_start3A_139 = tpu.memref_slice %arg9[%dma_start3A_136, %dma_start3A_137, %dma_start3A_138] : memref<2x64x128xf32, #tpu.memory_space<vmem>> -> memref<1x64x128xf32, #tpu.memory_space<vmem>>
      %dma_start3A_140 = tpu.memref_squeeze %dma_start3A_139 : memref<1x64x128xf32, #tpu.memory_space<vmem>> -> memref<64x128xf32, #tpu.memory_space<vmem>>
      %dma_start3A_141 = arith.constant 0 : i32
      %dma_start3A_142 = tpu.memref_slice %arg7[%dma_start3A_141] : memref<1152xi32, #tpu.memory_space<vmem>> -> memref<64xi32, #tpu.memory_space<vmem>>
      %dma_start3A_143 = arith.constant 0 : i32
      %dma_start3A_144 = arith.constant 0 : i32
      %dma_start3A_145 = tpu.memref_slice %arg3[%dma_start3A_143, %dma_start3A_144] : memref<100016x128xf32, #tpu.memory_space<hbm>> -> memref<100016x128xf32, #tpu.memory_space<hbm>>
      tpu.enqueue_indirect_dma source(%dma_start3A_145 : memref<100016x128xf32, #tpu.memory_space<hbm>>) target(%dma_start3A_140 : memref<64x128xf32, #tpu.memory_space<vmem>>) offsets(%dma_start3A_142 : memref<64xi32, #tpu.memory_space<vmem>>) semaphore(%arg12 : memref<!tpu.dma_semaphore, #tpu.memory_space<semaphore_mem>>)
    } else {
    }
    %scan3A_121 = arith.constant 0 : i32
    %scan3A_122 = arith.constant 0 : i32
    %scan3A_123 = arith.constant 0 : i32
    %scan3A_124 = arith.constant 0 : i32
    %scan3A_125 = arith.constant 64 : i32
    %scan3A_126 = arith.addi %scan3A_124, %scan3A_125 : i32
    %scan3A_127 = arith.constant 1 : i32
    %scan3A_128:4 = scf.for %scan3A_136 = %scan3A_124 to %scan3A_126 step %scan3A_127 iter_args(%scan3A_137 = %scan3A_121, %scan3A_138 = %scan3A_122, %scan3A_139 = %scan3A_81, %scan3A_140 = %scan3A_123) -> (i32, i32, i32, i32)  : i32 {
      %jit3A_141 = arith.constant 2 : i32
      %eq3A_142 = arith.constant 0 : i32
      %eq3A_143 = arith.cmpi eq, %jit3A_141, %eq3A_142 : i32
      %jit3A_144 = arith.constant 1 : i32
      %select_n3A_145 = arith.select %eq3A_143, %jit3A_144, %jit3A_141 : i32
      %rem3A_146 = arith.remsi %scan3A_136, %select_n3A_145 : i32
      %ne3A_147 = arith.constant 0 : i32
      %ne3A_148 = arith.cmpi ne, %rem3A_146, %ne3A_147 : i32
      %lt3A_149 = arith.constant 0 : i32
      %lt3A_150 = arith.cmpi slt, %rem3A_146, %lt3A_149 : i32
      %lt3A_151 = arith.constant 0 : i32
      %lt3A_152 = arith.cmpi slt, %select_n3A_145, %lt3A_151 : i32
      %ne3A_153 = arith.xori %lt3A_150, %lt3A_152 : i1
      %and3A_154 = arith.andi %ne3A_153, %ne3A_148 : i1
      %add3A_155 = arith.addi %rem3A_146, %select_n3A_145 : i32
      %select_n3A_156 = arith.select %and3A_154, %add3A_155, %rem3A_146 : i32
      %jit3A_157 = arith.constant 3 : i32
      %eq3A_158 = arith.constant 0 : i32
      %eq3A_159 = arith.cmpi eq, %jit3A_157, %eq3A_158 : i32
      %jit3A_160 = arith.constant 1 : i32
      %select_n3A_161 = arith.select %eq3A_159, %jit3A_160, %jit3A_157 : i32
      %rem3A_162 = arith.remsi %scan3A_136, %select_n3A_161 : i32
      %ne3A_163 = arith.constant 0 : i32
      %ne3A_164 = arith.cmpi ne, %rem3A_162, %ne3A_163 : i32
      %lt3A_165 = arith.constant 0 : i32
      %lt3A_166 = arith.cmpi slt, %rem3A_162, %lt3A_165 : i32
      %lt3A_167 = arith.constant 0 : i32
      %lt3A_168 = arith.cmpi slt, %select_n3A_161, %lt3A_167 : i32
      %ne3A_169 = arith.xori %lt3A_166, %lt3A_168 : i1
      %and3A_170 = arith.andi %ne3A_169, %ne3A_164 : i1
      %add3A_171 = arith.addi %rem3A_162, %select_n3A_161 : i32
      %select_n3A_172 = arith.select %and3A_170, %add3A_171, %rem3A_162 : i32
      %add3A_173 = vector.broadcast %select_n3A_156 : i32 to vector<16xi32>
      %add3A_174 = arith.addi %broadcast_in_dim3A_72, %add3A_173 : vector<16xi32>
      %ge3A = arith.constant 2 : i32
      %ge3A_175 = arith.cmpi sge, %scan3A_136, %ge3A : i32
      %convert_element_type3A_176 = arith.extui %ge3A_175 : i1 to i32
      %cond3A_177 = arith.constant 0 : i32
      %cond3A_178 = arith.cmpi ne, %convert_element_type3A_176, %cond3A_177 : i32
      scf.if %cond3A_178 {
        %add3A_342 = arith.addi %mul3A_70, %scan3A_136 : i32
        %dma_wait3A = arith.constant 0 : i32
        %dma_wait3A_343 = arith.constant 0 : i32
        %dma_wait3A_344 = tpu.memref_slice %arg10[%select_n3A_156, %dma_wait3A, %dma_wait3A_343] : memref<2x64x512xf32, #tpu.memory_space<vmem>> -> memref<1x64x512xf32, #tpu.memory_space<vmem>>
        %dma_wait3A_345 = tpu.memref_squeeze %dma_wait3A_344 : memref<1x64x512xf32, #tpu.memory_space<vmem>> -> memref<64x512xf32, #tpu.memory_space<vmem>>
        %dma_wait3A_346 = arith.constant 0 : i32
        %dma_wait3A_347 = arith.constant 0 : i32
        %dma_wait3A_348 = tpu.memref_slice %arg4[%select_n3A, %dma_wait3A_346, %add3A_342, %dma_wait3A_347] : memref<4x64x512x512xf32, #tpu.memory_space<hbm>> -> memref<1x64x1x512xf32, #tpu.memory_space<hbm>>
        %dma_wait3A_349 = tpu.memref_squeeze %dma_wait3A_348 : memref<1x64x1x512xf32, #tpu.memory_space<hbm>> -> memref<64x512xf32, #tpu.memory_space<hbm>>
        %dma_wait3A_350 = arith.constant 0 : i32
        %dma_wait3A_351 = arith.constant 0 : i32
        %dma_wait3A_352 = tpu.memref_slice %arg4[%select_n3A, %dma_wait3A_350, %add3A_342, %dma_wait3A_351] : memref<4x64x512x512xf32, #tpu.memory_space<hbm>> -> memref<1x64x1x512xf32, #tpu.memory_space<hbm>>
        %dma_wait3A_353 = tpu.memref_squeeze %dma_wait3A_352 : memref<1x64x1x512xf32, #tpu.memory_space<hbm>> -> memref<64x512xf32, #tpu.memory_space<hbm>>
        %dma_wait3A_354 = arith.constant 0 : i32
        %dma_wait3A_355 = arith.constant 0 : i32
        %dma_wait3A_356 = tpu.memref_slice %arg10[%select_n3A_156, %dma_wait3A_354, %dma_wait3A_355] : memref<2x64x512xf32, #tpu.memory_space<vmem>> -> memref<1x64x512xf32, #tpu.memory_space<vmem>>
        %dma_wait3A_357 = tpu.memref_squeeze %dma_wait3A_356 : memref<1x64x512xf32, #tpu.memory_space<vmem>> -> memref<64x512xf32, #tpu.memory_space<vmem>>
        tpu.wait_dma2 semaphore(%arg13 : memref<!tpu.dma_semaphore, #tpu.memory_space<semaphore_mem>>) src(%dma_wait3A_357 : memref<64x512xf32, #tpu.memory_space<vmem>>) dst(%dma_wait3A_353 : memref<64x512xf32, #tpu.memory_space<hbm>>)
        %add3A_358 = arith.constant 15 : i32
        %add3A_359 = arith.addi %scan3A_137, %add3A_358 : i32
        %jit3A_360 = arith.constant 16 : i32
        %div3A_361 = arith.divsi %add3A_359, %jit3A_360 : i32
        %sign3A_362 = arith.constant 0 : i32
        %sign3A_363 = arith.cmpi sgt, %add3A_359, %sign3A_362 : i32
        %sign3A_364 = arith.extui %sign3A_363 : i1 to i32
        %sign3A_365 = arith.constant 0 : i32
        %sign3A_366 = arith.cmpi slt, %add3A_359, %sign3A_365 : i32
        %sign3A_367 = arith.extui %sign3A_366 : i1 to i32
        %sign3A_368 = arith.subi %sign3A_364, %sign3A_367 : i32
        %sign3A_369 = arith.constant 0 : i32
        %sign3A_370 = arith.cmpi sgt, %jit3A_360, %sign3A_369 : i32
        %sign3A_371 = arith.extui %sign3A_370 : i1 to i32
        %sign3A_372 = arith.constant 0 : i32
        %sign3A_373 = arith.cmpi slt, %jit3A_360, %sign3A_372 : i32
        %sign3A_374 = arith.extui %sign3A_373 : i1 to i32
        %sign3A_375 = arith.subi %sign3A_371, %sign3A_374 : i32
        %ne3A_376 = arith.cmpi ne, %sign3A_368, %sign3A_375 : i32
        %rem3A_377 = arith.remsi %add3A_359, %jit3A_360 : i32
        %ne3A_378 = arith.constant 0 : i32
        %ne3A_379 = arith.cmpi ne, %rem3A_377, %ne3A_378 : i32
        %and3A_380 = arith.andi %ne3A_376, %ne3A_379 : i1
        %sub3A_381 = arith.constant 1 : i32
        %sub3A_382 = arith.subi %div3A_361, %sub3A_381 : i32
        %select_n3A_383 = arith.select %and3A_380, %sub3A_382, %div3A_361 : i32
        %while3A_384 = arith.constant 0 : i32
        %while3A_385 = arith.constant 0 : i32
        %while3A_386 = arith.subi %select_n3A_383, %while3A_385 : i32
        %while3A_387 = arith.addi %while3A_385, %while3A_386 : i32
        %while3A_388 = arith.constant 1 : i32
        %while3A_389 = arith.divsi %while3A_386, %while3A_388 : i32
        %while3A_390 = arith.muli %while3A_389, %while3A_388 : i32
        %while3A_391 = arith.addi %while3A_385, %while3A_390 : i32
        %while3A_392 = arith.constant 1 : i32
        scf.for %while3A_394 = %while3A_385 to %while3A_391 step %while3A_392  : i32 {
          %mul3A_395 = arith.constant 16 : i32
          %mul3A_396 = arith.muli %while3A_394, %mul3A_395 : i32
          %add3A_397 = vector.broadcast %mul3A_396 : i32 to vector<16xi32>
          %add3A_398 = arith.addi %add3A_397, %iota3A : vector<16xi32>
          %lt3A_399 = vector.broadcast %scan3A_137 : i32 to vector<16xi32>
          %lt3A_400 = arith.cmpi slt, %add3A_398, %lt3A_399 : vector<16xi32>
          %add3A_401 = arith.constant 1 : i32
          %add3A_402 = arith.addi %scan3A_136, %add3A_401 : i32
          %jit3A_403 = arith.constant 3 : i32
          %eq3A_404 = arith.constant 0 : i32
          %eq3A_405 = arith.cmpi eq, %jit3A_403, %eq3A_404 : i32
          %jit3A_406 = arith.constant 1 : i32
          %select_n3A_407 = arith.select %eq3A_405, %jit3A_406, %jit3A_403 : i32
          %rem3A_408 = arith.remsi %add3A_402, %select_n3A_407 : i32
          %ne3A_409 = arith.constant 0 : i32
          %ne3A_410 = arith.cmpi ne, %rem3A_408, %ne3A_409 : i32
          %lt3A_411 = arith.constant 0 : i32
          %lt3A_412 = arith.cmpi slt, %rem3A_408, %lt3A_411 : i32
          %lt3A_413 = arith.constant 0 : i32
          %lt3A_414 = arith.cmpi slt, %select_n3A_407, %lt3A_413 : i32
          %ne3A_415 = arith.xori %lt3A_412, %lt3A_414 : i1
          %and3A_416 = arith.andi %ne3A_415, %ne3A_410 : i1
          %add3A_417 = arith.addi %rem3A_408, %select_n3A_407 : i32
          %select_n3A_418 = arith.select %and3A_416, %add3A_417, %rem3A_408 : i32
          %mul3A_419 = arith.constant 512 : i32
          %mul3A_420 = arith.muli %select_n3A_418, %mul3A_419 : i32
          %mul3A_421 = arith.constant 16 : i32
          %mul3A_422 = arith.muli %while3A_394, %mul3A_421 : i32
          %add3A_423 = arith.addi %mul3A_420, %mul3A_422 : i32
          %get3A = arith.index_cast %add3A_423 : i32 to index
          %get3A_424 = tpu.vector_load %arg8[%get3A] {strides = array<i32>} : memref<1536xi32, #tpu.memory_space<vmem>>, vector<16xi32>,
          %jit3A_425 = arith.constant 0 : i32
          %broadcast_in_dim3A_426 = vector.broadcast %jit3A_425 : i32 to vector<16xi32>
          %select_n3A_427 = arith.select %lt3A_400, %get3A_424, %broadcast_in_dim3A_426 : vector<16xi1>, vector<16xi32>
          %broadcast_in_dim3A_428 = arith.constant 0 : i32
          %broadcast_in_dim3A_429 = vector.broadcast %broadcast_in_dim3A_428 : i32 to vector<16xi32>
          tpu.vector_store_idx %arg10[%add3A_174, %broadcast_in_dim3A_429, %select_n3A_427], %broadcast_in_dim3A_3 masked %lt3A_400 : memref<2x64x512xf32, #tpu.memory_space<vmem>>[vector<16xi32>, vector<16xi32>, vector<16xi32>], vector<16xf32>, vector<16xi1>
          %broadcast_in_dim3A_430 = arith.constant 1 : i32
          %broadcast_in_dim3A_431 = vector.broadcast %broadcast_in_dim3A_430 : i32 to vector<16xi32>
          tpu.vector_store_idx %arg10[%add3A_174, %broadcast_in_dim3A_431, %select_n3A_427], %broadcast_in_dim3A_3 masked %lt3A_400 : memref<2x64x512xf32, #tpu.memory_space<vmem>>[vector<16xi32>, vector<16xi32>, vector<16xi32>], vector<16xf32>, vector<16xi1>
          %broadcast_in_dim3A_432 = arith.constant 2 : i32
          %broadcast_in_dim3A_433 = vector.broadcast %broadcast_in_dim3A_432 : i32 to vector<16xi32>
          tpu.vector_store_idx %arg10[%add3A_174, %broadcast_in_dim3A_433, %select_n3A_427], %broadcast_in_dim3A_3 masked %lt3A_400 : memref<2x64x512xf32, #tpu.memory_space<vmem>>[vector<16xi32>, vector<16xi32>, vector<16xi32>], vector<16xf32>, vector<16xi1>
          %broadcast_in_dim3A_434 = arith.constant 3 : i32
          %broadcast_in_dim3A_435 = vector.broadcast %broadcast_in_dim3A_434 : i32 to vector<16xi32>
          tpu.vector_store_idx %arg10[%add3A_174, %broadcast_in_dim3A_435, %select_n3A_427], %broadcast_in_dim3A_3 masked %lt3A_400 : memref<2x64x512xf32, #tpu.memory_space<vmem>>[vector<16xi32>, vector<16xi32>, vector<16xi32>], vector<16xf32>, vector<16xi1>
          %broadcast_in_dim3A_436 = arith.constant 4 : i32
          %broadcast_in_dim3A_437 = vector.broadcast %broadcast_in_dim3A_436 : i32 to vector<16xi32>
          tpu.vector_store_idx %arg10[%add3A_174, %broadcast_in_dim3A_437, %select_n3A_427], %broadcast_in_dim3A_3 masked %lt3A_400 : memref<2x64x512xf32, #tpu.memory_space<vmem>>[vector<16xi32>, vector<16xi32>, vector<16xi32>], vector<16xf32>, vector<16xi1>
          %broadcast_in_dim3A_438 = arith.constant 5 : i32
          %broadcast_in_dim3A_439 = vector.broadcast %broadcast_in_dim3A_438 : i32 to vector<16xi32>
          tpu.vector_store_idx %arg10[%add3A_174, %broadcast_in_dim3A_439, %select_n3A_427], %broadcast_in_dim3A_3 masked %lt3A_400 : memref<2x64x512xf32, #tpu.memory_space<vmem>>[vector<16xi32>, vector<16xi32>, vector<16xi32>], vector<16xf32>, vector<16xi1>
          %broadcast_in_dim3A_440 = arith.constant 6 : i32
          %broadcast_in_dim3A_441 = vector.broadcast %broadcast_in_dim3A_440 : i32 to vector<16xi32>
          tpu.vector_store_idx %arg10[%add3A_174, %broadcast_in_dim3A_441, %select_n3A_427], %broadcast_in_dim3A_3 masked %lt3A_400 : memref<2x64x512xf32, #tpu.memory_space<vmem>>[vector<16xi32>, vector<16xi32>, vector<16xi32>], vector<16xf32>, vector<16xi1>
          %broadcast_in_dim3A_442 = arith.constant 7 : i32
          %broadcast_in_dim3A_443 = vector.broadcast %broadcast_in_dim3A_442 : i32 to vector<16xi32>
          tpu.vector_store_idx %arg10[%add3A_174, %broadcast_in_dim3A_443, %select_n3A_427], %broadcast_in_dim3A_3 masked %lt3A_400 : memref<2x64x512xf32, #tpu.memory_space<vmem>>[vector<16xi32>, vector<16xi32>, vector<16xi32>], vector<16xf32>, vector<16xi1>
          %broadcast_in_dim3A_444 = arith.constant 8 : i32
          %broadcast_in_dim3A_445 = vector.broadcast %broadcast_in_dim3A_444 : i32 to vector<16xi32>
          tpu.vector_store_idx %arg10[%add3A_174, %broadcast_in_dim3A_445, %select_n3A_427], %broadcast_in_dim3A_3 masked %lt3A_400 : memref<2x64x512xf32, #tpu.memory_space<vmem>>[vector<16xi32>, vector<16xi32>, vector<16xi32>], vector<16xf32>, vector<16xi1>
          %broadcast_in_dim3A_446 = arith.constant 9 : i32
          %broadcast_in_dim3A_447 = vector.broadcast %broadcast_in_dim3A_446 : i32 to vector<16xi32>
          tpu.vector_store_idx %arg10[%add3A_174, %broadcast_in_dim3A_447, %select_n3A_427], %broadcast_in_dim3A_3 masked %lt3A_400 : memref<2x64x512xf32, #tpu.memory_space<vmem>>[vector<16xi32>, vector<16xi32>, vector<16xi32>], vector<16xf32>, vector<16xi1>
          %broadcast_in_dim3A_448 = arith.constant 10 : i32
          %broadcast_in_dim3A_449 = vector.broadcast %broadcast_in_dim3A_448 : i32 to vector<16xi32>
          tpu.vector_store_idx %arg10[%add3A_174, %broadcast_in_dim3A_449, %select_n3A_427], %broadcast_in_dim3A_3 masked %lt3A_400 : memref<2x64x512xf32, #tpu.memory_space<vmem>>[vector<16xi32>, vector<16xi32>, vector<16xi32>], vector<16xf32>, vector<16xi1>
          %broadcast_in_dim3A_450 = arith.constant 11 : i32
          %broadcast_in_dim3A_451 = vector.broadcast %broadcast_in_dim3A_450 : i32 to vector<16xi32>
          tpu.vector_store_idx %arg10[%add3A_174, %broadcast_in_dim3A_451, %select_n3A_427], %broadcast_in_dim3A_3 masked %lt3A_400 : memref<2x64x512xf32, #tpu.memory_space<vmem>>[vector<16xi32>, vector<16xi32>, vector<16xi32>], vector<16xf32>, vector<16xi1>
          %broadcast_in_dim3A_452 = arith.constant 12 : i32
          %broadcast_in_dim3A_453 = vector.broadcast %broadcast_in_dim3A_452 : i32 to vector<16xi32>
          tpu.vector_store_idx %arg10[%add3A_174, %broadcast_in_dim3A_453, %select_n3A_427], %broadcast_in_dim3A_3 masked %lt3A_400 : memref<2x64x512xf32, #tpu.memory_space<vmem>>[vector<16xi32>, vector<16xi32>, vector<16xi32>], vector<16xf32>, vector<16xi1>
          %broadcast_in_dim3A_454 = arith.constant 13 : i32
          %broadcast_in_dim3A_455 = vector.broadcast %broadcast_in_dim3A_454 : i32 to vector<16xi32>
          tpu.vector_store_idx %arg10[%add3A_174, %broadcast_in_dim3A_455, %select_n3A_427], %broadcast_in_dim3A_3 masked %lt3A_400 : memref<2x64x512xf32, #tpu.memory_space<vmem>>[vector<16xi32>, vector<16xi32>, vector<16xi32>], vector<16xf32>, vector<16xi1>
          %broadcast_in_dim3A_456 = arith.constant 14 : i32
          %broadcast_in_dim3A_457 = vector.broadcast %broadcast_in_dim3A_456 : i32 to vector<16xi32>
          tpu.vector_store_idx %arg10[%add3A_174, %broadcast_in_dim3A_457, %select_n3A_427], %broadcast_in_dim3A_3 masked %lt3A_400 : memref<2x64x512xf32, #tpu.memory_space<vmem>>[vector<16xi32>, vector<16xi32>, vector<16xi32>], vector<16xf32>, vector<16xi1>
          %broadcast_in_dim3A_458 = arith.constant 15 : i32
          %broadcast_in_dim3A_459 = vector.broadcast %broadcast_in_dim3A_458 : i32 to vector<16xi32>
          tpu.vector_store_idx %arg10[%add3A_174, %broadcast_in_dim3A_459, %select_n3A_427], %broadcast_in_dim3A_3 masked %lt3A_400 : memref<2x64x512xf32, #tpu.memory_space<vmem>>[vector<16xi32>, vector<16xi32>, vector<16xi32>], vector<16xf32>, vector<16xi1>
          %broadcast_in_dim3A_460 = arith.constant 16 : i32
          %broadcast_in_dim3A_461 = vector.broadcast %broadcast_in_dim3A_460 : i32 to vector<16xi32>
          tpu.vector_store_idx %arg10[%add3A_174, %broadcast_in_dim3A_461, %select_n3A_427], %broadcast_in_dim3A_3 masked %lt3A_400 : memref<2x64x512xf32, #tpu.memory_space<vmem>>[vector<16xi32>, vector<16xi32>, vector<16xi32>], vector<16xf32>, vector<16xi1>
          %broadcast_in_dim3A_462 = arith.constant 17 : i32
          %broadcast_in_dim3A_463 = vector.broadcast %broadcast_in_dim3A_462 : i32 to vector<16xi32>
          tpu.vector_store_idx %arg10[%add3A_174, %broadcast_in_dim3A_463, %select_n3A_427], %broadcast_in_dim3A_3 masked %lt3A_400 : memref<2x64x512xf32, #tpu.memory_space<vmem>>[vector<16xi32>, vector<16xi32>, vector<16xi32>], vector<16xf32>, vector<16xi1>
          %broadcast_in_dim3A_464 = arith.constant 18 : i32
          %broadcast_in_dim3A_465 = vector.broadcast %broadcast_in_dim3A_464 : i32 to vector<16xi32>
          tpu.vector_store_idx %arg10[%add3A_174, %broadcast_in_dim3A_465, %select_n3A_427], %broadcast_in_dim3A_3 masked %lt3A_400 : memref<2x64x512xf32, #tpu.memory_space<vmem>>[vector<16xi32>, vector<16xi32>, vector<16xi32>], vector<16xf32>, vector<16xi1>
          %broadcast_in_dim3A_466 = arith.constant 19 : i32
          %broadcast_in_dim3A_467 = vector.broadcast %broadcast_in_dim3A_466 : i32 to vector<16xi32>
          tpu.vector_store_idx %arg10[%add3A_174, %broadcast_in_dim3A_467, %select_n3A_427], %broadcast_in_dim3A_3 masked %lt3A_400 : memref<2x64x512xf32, #tpu.memory_space<vmem>>[vector<16xi32>, vector<16xi32>, vector<16xi32>], vector<16xf32>, vector<16xi1>
          %broadcast_in_dim3A_468 = arith.constant 20 : i32
          %broadcast_in_dim3A_469 = vector.broadcast %broadcast_in_dim3A_468 : i32 to vector<16xi32>
          tpu.vector_store_idx %arg10[%add3A_174, %broadcast_in_dim3A_469, %select_n3A_427], %broadcast_in_dim3A_3 masked %lt3A_400 : memref<2x64x512xf32, #tpu.memory_space<vmem>>[vector<16xi32>, vector<16xi32>, vector<16xi32>], vector<16xf32>, vector<16xi1>
          %broadcast_in_dim3A_470 = arith.constant 21 : i32
          %broadcast_in_dim3A_471 = vector.broadcast %broadcast_in_dim3A_470 : i32 to vector<16xi32>
          tpu.vector_store_idx %arg10[%add3A_174, %broadcast_in_dim3A_471, %select_n3A_427], %broadcast_in_dim3A_3 masked %lt3A_400 : memref<2x64x512xf32, #tpu.memory_space<vmem>>[vector<16xi32>, vector<16xi32>, vector<16xi32>], vector<16xf32>, vector<16xi1>
          %broadcast_in_dim3A_472 = arith.constant 22 : i32
          %broadcast_in_dim3A_473 = vector.broadcast %broadcast_in_dim3A_472 : i32 to vector<16xi32>
          tpu.vector_store_idx %arg10[%add3A_174, %broadcast_in_dim3A_473, %select_n3A_427], %broadcast_in_dim3A_3 masked %lt3A_400 : memref<2x64x512xf32, #tpu.memory_space<vmem>>[vector<16xi32>, vector<16xi32>, vector<16xi32>], vector<16xf32>, vector<16xi1>
          %broadcast_in_dim3A_474 = arith.constant 23 : i32
          %broadcast_in_dim3A_475 = vector.broadcast %broadcast_in_dim3A_474 : i32 to vector<16xi32>
          tpu.vector_store_idx %arg10[%add3A_174, %broadcast_in_dim3A_475, %select_n3A_427], %broadcast_in_dim3A_3 masked %lt3A_400 : memref<2x64x512xf32, #tpu.memory_space<vmem>>[vector<16xi32>, vector<16xi32>, vector<16xi32>], vector<16xf32>, vector<16xi1>
          %broadcast_in_dim3A_476 = arith.constant 24 : i32
          %broadcast_in_dim3A_477 = vector.broadcast %broadcast_in_dim3A_476 : i32 to vector<16xi32>
          tpu.vector_store_idx %arg10[%add3A_174, %broadcast_in_dim3A_477, %select_n3A_427], %broadcast_in_dim3A_3 masked %lt3A_400 : memref<2x64x512xf32, #tpu.memory_space<vmem>>[vector<16xi32>, vector<16xi32>, vector<16xi32>], vector<16xf32>, vector<16xi1>
          %broadcast_in_dim3A_478 = arith.constant 25 : i32
          %broadcast_in_dim3A_479 = vector.broadcast %broadcast_in_dim3A_478 : i32 to vector<16xi32>
          tpu.vector_store_idx %arg10[%add3A_174, %broadcast_in_dim3A_479, %select_n3A_427], %broadcast_in_dim3A_3 masked %lt3A_400 : memref<2x64x512xf32, #tpu.memory_space<vmem>>[vector<16xi32>, vector<16xi32>, vector<16xi32>], vector<16xf32>, vector<16xi1>
          %broadcast_in_dim3A_480 = arith.constant 26 : i32
          %broadcast_in_dim3A_481 = vector.broadcast %broadcast_in_dim3A_480 : i32 to vector<16xi32>
          tpu.vector_store_idx %arg10[%add3A_174, %broadcast_in_dim3A_481, %select_n3A_427], %broadcast_in_dim3A_3 masked %lt3A_400 : memref<2x64x512xf32, #tpu.memory_space<vmem>>[vector<16xi32>, vector<16xi32>, vector<16xi32>], vector<16xf32>, vector<16xi1>
          %broadcast_in_dim3A_482 = arith.constant 27 : i32
          %broadcast_in_dim3A_483 = vector.broadcast %broadcast_in_dim3A_482 : i32 to vector<16xi32>
          tpu.vector_store_idx %arg10[%add3A_174, %broadcast_in_dim3A_483, %select_n3A_427], %broadcast_in_dim3A_3 masked %lt3A_400 : memref<2x64x512xf32, #tpu.memory_space<vmem>>[vector<16xi32>, vector<16xi32>, vector<16xi32>], vector<16xf32>, vector<16xi1>
          %broadcast_in_dim3A_484 = arith.constant 28 : i32
          %broadcast_in_dim3A_485 = vector.broadcast %broadcast_in_dim3A_484 : i32 to vector<16xi32>
          tpu.vector_store_idx %arg10[%add3A_174, %broadcast_in_dim3A_485, %select_n3A_427], %broadcast_in_dim3A_3 masked %lt3A_400 : memref<2x64x512xf32, #tpu.memory_space<vmem>>[vector<16xi32>, vector<16xi32>, vector<16xi32>], vector<16xf32>, vector<16xi1>
          %broadcast_in_dim3A_486 = arith.constant 29 : i32
          %broadcast_in_dim3A_487 = vector.broadcast %broadcast_in_dim3A_486 : i32 to vector<16xi32>
          tpu.vector_store_idx %arg10[%add3A_174, %broadcast_in_dim3A_487, %select_n3A_427], %broadcast_in_dim3A_3 masked %lt3A_400 : memref<2x64x512xf32, #tpu.memory_space<vmem>>[vector<16xi32>, vector<16xi32>, vector<16xi32>], vector<16xf32>, vector<16xi1>
          %broadcast_in_dim3A_488 = arith.constant 30 : i32
          %broadcast_in_dim3A_489 = vector.broadcast %broadcast_in_dim3A_488 : i32 to vector<16xi32>
          tpu.vector_store_idx %arg10[%add3A_174, %broadcast_in_dim3A_489, %select_n3A_427], %broadcast_in_dim3A_3 masked %lt3A_400 : memref<2x64x512xf32, #tpu.memory_space<vmem>>[vector<16xi32>, vector<16xi32>, vector<16xi32>], vector<16xf32>, vector<16xi1>
          %broadcast_in_dim3A_490 = arith.constant 31 : i32
          %broadcast_in_dim3A_491 = vector.broadcast %broadcast_in_dim3A_490 : i32 to vector<16xi32>
          tpu.vector_store_idx %arg10[%add3A_174, %broadcast_in_dim3A_491, %select_n3A_427], %broadcast_in_dim3A_3 masked %lt3A_400 : memref<2x64x512xf32, #tpu.memory_space<vmem>>[vector<16xi32>, vector<16xi32>, vector<16xi32>], vector<16xf32>, vector<16xi1>
          %broadcast_in_dim3A_492 = arith.constant 32 : i32
          %broadcast_in_dim3A_493 = vector.broadcast %broadcast_in_dim3A_492 : i32 to vector<16xi32>
          tpu.vector_store_idx %arg10[%add3A_174, %broadcast_in_dim3A_493, %select_n3A_427], %broadcast_in_dim3A_3 masked %lt3A_400 : memref<2x64x512xf32, #tpu.memory_space<vmem>>[vector<16xi32>, vector<16xi32>, vector<16xi32>], vector<16xf32>, vector<16xi1>
          %broadcast_in_dim3A_494 = arith.constant 33 : i32
          %broadcast_in_dim3A_495 = vector.broadcast %broadcast_in_dim3A_494 : i32 to vector<16xi32>
          tpu.vector_store_idx %arg10[%add3A_174, %broadcast_in_dim3A_495, %select_n3A_427], %broadcast_in_dim3A_3 masked %lt3A_400 : memref<2x64x512xf32, #tpu.memory_space<vmem>>[vector<16xi32>, vector<16xi32>, vector<16xi32>], vector<16xf32>, vector<16xi1>
          %broadcast_in_dim3A_496 = arith.constant 34 : i32
          %broadcast_in_dim3A_497 = vector.broadcast %broadcast_in_dim3A_496 : i32 to vector<16xi32>
          tpu.vector_store_idx %arg10[%add3A_174, %broadcast_in_dim3A_497, %select_n3A_427], %broadcast_in_dim3A_3 masked %lt3A_400 : memref<2x64x512xf32, #tpu.memory_space<vmem>>[vector<16xi32>, vector<16xi32>, vector<16xi32>], vector<16xf32>, vector<16xi1>
          %broadcast_in_dim3A_498 = arith.constant 35 : i32
          %broadcast_in_dim3A_499 = vector.broadcast %broadcast_in_dim3A_498 : i32 to vector<16xi32>
          tpu.vector_store_idx %arg10[%add3A_174, %broadcast_in_dim3A_499, %select_n3A_427], %broadcast_in_dim3A_3 masked %lt3A_400 : memref<2x64x512xf32, #tpu.memory_space<vmem>>[vector<16xi32>, vector<16xi32>, vector<16xi32>], vector<16xf32>, vector<16xi1>
          %broadcast_in_dim3A_500 = arith.constant 36 : i32
          %broadcast_in_dim3A_501 = vector.broadcast %broadcast_in_dim3A_500 : i32 to vector<16xi32>
          tpu.vector_store_idx %arg10[%add3A_174, %broadcast_in_dim3A_501, %select_n3A_427], %broadcast_in_dim3A_3 masked %lt3A_400 : memref<2x64x512xf32, #tpu.memory_space<vmem>>[vector<16xi32>, vector<16xi32>, vector<16xi32>], vector<16xf32>, vector<16xi1>
          %broadcast_in_dim3A_502 = arith.constant 37 : i32
          %broadcast_in_dim3A_503 = vector.broadcast %broadcast_in_dim3A_502 : i32 to vector<16xi32>
          tpu.vector_store_idx %arg10[%add3A_174, %broadcast_in_dim3A_503, %select_n3A_427], %broadcast_in_dim3A_3 masked %lt3A_400 : memref<2x64x512xf32, #tpu.memory_space<vmem>>[vector<16xi32>, vector<16xi32>, vector<16xi32>], vector<16xf32>, vector<16xi1>
          %broadcast_in_dim3A_504 = arith.constant 38 : i32
          %broadcast_in_dim3A_505 = vector.broadcast %broadcast_in_dim3A_504 : i32 to vector<16xi32>
          tpu.vector_store_idx %arg10[%add3A_174, %broadcast_in_dim3A_505, %select_n3A_427], %broadcast_in_dim3A_3 masked %lt3A_400 : memref<2x64x512xf32, #tpu.memory_space<vmem>>[vector<16xi32>, vector<16xi32>, vector<16xi32>], vector<16xf32>, vector<16xi1>
          %broadcast_in_dim3A_506 = arith.constant 39 : i32
          %broadcast_in_dim3A_507 = vector.broadcast %broadcast_in_dim3A_506 : i32 to vector<16xi32>
          tpu.vector_store_idx %arg10[%add3A_174, %broadcast_in_dim3A_507, %select_n3A_427], %broadcast_in_dim3A_3 masked %lt3A_400 : memref<2x64x512xf32, #tpu.memory_space<vmem>>[vector<16xi32>, vector<16xi32>, vector<16xi32>], vector<16xf32>, vector<16xi1>
          %broadcast_in_dim3A_508 = arith.constant 40 : i32
          %broadcast_in_dim3A_509 = vector.broadcast %broadcast_in_dim3A_508 : i32 to vector<16xi32>
          tpu.vector_store_idx %arg10[%add3A_174, %broadcast_in_dim3A_509, %select_n3A_427], %broadcast_in_dim3A_3 masked %lt3A_400 : memref<2x64x512xf32, #tpu.memory_space<vmem>>[vector<16xi32>, vector<16xi32>, vector<16xi32>], vector<16xf32>, vector<16xi1>
          %broadcast_in_dim3A_510 = arith.constant 41 : i32
          %broadcast_in_dim3A_511 = vector.broadcast %broadcast_in_dim3A_510 : i32 to vector<16xi32>
          tpu.vector_store_idx %arg10[%add3A_174, %broadcast_in_dim3A_511, %select_n3A_427], %broadcast_in_dim3A_3 masked %lt3A_400 : memref<2x64x512xf32, #tpu.memory_space<vmem>>[vector<16xi32>, vector<16xi32>, vector<16xi32>], vector<16xf32>, vector<16xi1>
          %broadcast_in_dim3A_512 = arith.constant 42 : i32
          %broadcast_in_dim3A_513 = vector.broadcast %broadcast_in_dim3A_512 : i32 to vector<16xi32>
          tpu.vector_store_idx %arg10[%add3A_174, %broadcast_in_dim3A_513, %select_n3A_427], %broadcast_in_dim3A_3 masked %lt3A_400 : memref<2x64x512xf32, #tpu.memory_space<vmem>>[vector<16xi32>, vector<16xi32>, vector<16xi32>], vector<16xf32>, vector<16xi1>
          %broadcast_in_dim3A_514 = arith.constant 43 : i32
          %broadcast_in_dim3A_515 = vector.broadcast %broadcast_in_dim3A_514 : i32 to vector<16xi32>
          tpu.vector_store_idx %arg10[%add3A_174, %broadcast_in_dim3A_515, %select_n3A_427], %broadcast_in_dim3A_3 masked %lt3A_400 : memref<2x64x512xf32, #tpu.memory_space<vmem>>[vector<16xi32>, vector<16xi32>, vector<16xi32>], vector<16xf32>, vector<16xi1>
          %broadcast_in_dim3A_516 = arith.constant 44 : i32
          %broadcast_in_dim3A_517 = vector.broadcast %broadcast_in_dim3A_516 : i32 to vector<16xi32>
          tpu.vector_store_idx %arg10[%add3A_174, %broadcast_in_dim3A_517, %select_n3A_427], %broadcast_in_dim3A_3 masked %lt3A_400 : memref<2x64x512xf32, #tpu.memory_space<vmem>>[vector<16xi32>, vector<16xi32>, vector<16xi32>], vector<16xf32>, vector<16xi1>
          %broadcast_in_dim3A_518 = arith.constant 45 : i32
          %broadcast_in_dim3A_519 = vector.broadcast %broadcast_in_dim3A_518 : i32 to vector<16xi32>
          tpu.vector_store_idx %arg10[%add3A_174, %broadcast_in_dim3A_519, %select_n3A_427], %broadcast_in_dim3A_3 masked %lt3A_400 : memref<2x64x512xf32, #tpu.memory_space<vmem>>[vector<16xi32>, vector<16xi32>, vector<16xi32>], vector<16xf32>, vector<16xi1>
          %broadcast_in_dim3A_520 = arith.constant 46 : i32
          %broadcast_in_dim3A_521 = vector.broadcast %broadcast_in_dim3A_520 : i32 to vector<16xi32>
          tpu.vector_store_idx %arg10[%add3A_174, %broadcast_in_dim3A_521, %select_n3A_427], %broadcast_in_dim3A_3 masked %lt3A_400 : memref<2x64x512xf32, #tpu.memory_space<vmem>>[vector<16xi32>, vector<16xi32>, vector<16xi32>], vector<16xf32>, vector<16xi1>
          %broadcast_in_dim3A_522 = arith.constant 47 : i32
          %broadcast_in_dim3A_523 = vector.broadcast %broadcast_in_dim3A_522 : i32 to vector<16xi32>
          tpu.vector_store_idx %arg10[%add3A_174, %broadcast_in_dim3A_523, %select_n3A_427], %broadcast_in_dim3A_3 masked %lt3A_400 : memref<2x64x512xf32, #tpu.memory_space<vmem>>[vector<16xi32>, vector<16xi32>, vector<16xi32>], vector<16xf32>, vector<16xi1>
          %broadcast_in_dim3A_524 = arith.constant 48 : i32
          %broadcast_in_dim3A_525 = vector.broadcast %broadcast_in_dim3A_524 : i32 to vector<16xi32>
          tpu.vector_store_idx %arg10[%add3A_174, %broadcast_in_dim3A_525, %select_n3A_427], %broadcast_in_dim3A_3 masked %lt3A_400 : memref<2x64x512xf32, #tpu.memory_space<vmem>>[vector<16xi32>, vector<16xi32>, vector<16xi32>], vector<16xf32>, vector<16xi1>
          %broadcast_in_dim3A_526 = arith.constant 49 : i32
          %broadcast_in_dim3A_527 = vector.broadcast %broadcast_in_dim3A_526 : i32 to vector<16xi32>
          tpu.vector_store_idx %arg10[%add3A_174, %broadcast_in_dim3A_527, %select_n3A_427], %broadcast_in_dim3A_3 masked %lt3A_400 : memref<2x64x512xf32, #tpu.memory_space<vmem>>[vector<16xi32>, vector<16xi32>, vector<16xi32>], vector<16xf32>, vector<16xi1>
          %broadcast_in_dim3A_528 = arith.constant 50 : i32
          %broadcast_in_dim3A_529 = vector.broadcast %broadcast_in_dim3A_528 : i32 to vector<16xi32>
          tpu.vector_store_idx %arg10[%add3A_174, %broadcast_in_dim3A_529, %select_n3A_427], %broadcast_in_dim3A_3 masked %lt3A_400 : memref<2x64x512xf32, #tpu.memory_space<vmem>>[vector<16xi32>, vector<16xi32>, vector<16xi32>], vector<16xf32>, vector<16xi1>
          %broadcast_in_dim3A_530 = arith.constant 51 : i32
          %broadcast_in_dim3A_531 = vector.broadcast %broadcast_in_dim3A_530 : i32 to vector<16xi32>
          tpu.vector_store_idx %arg10[%add3A_174, %broadcast_in_dim3A_531, %select_n3A_427], %broadcast_in_dim3A_3 masked %lt3A_400 : memref<2x64x512xf32, #tpu.memory_space<vmem>>[vector<16xi32>, vector<16xi32>, vector<16xi32>], vector<16xf32>, vector<16xi1>
          %broadcast_in_dim3A_532 = arith.constant 52 : i32
          %broadcast_in_dim3A_533 = vector.broadcast %broadcast_in_dim3A_532 : i32 to vector<16xi32>
          tpu.vector_store_idx %arg10[%add3A_174, %broadcast_in_dim3A_533, %select_n3A_427], %broadcast_in_dim3A_3 masked %lt3A_400 : memref<2x64x512xf32, #tpu.memory_space<vmem>>[vector<16xi32>, vector<16xi32>, vector<16xi32>], vector<16xf32>, vector<16xi1>
          %broadcast_in_dim3A_534 = arith.constant 53 : i32
          %broadcast_in_dim3A_535 = vector.broadcast %broadcast_in_dim3A_534 : i32 to vector<16xi32>
          tpu.vector_store_idx %arg10[%add3A_174, %broadcast_in_dim3A_535, %select_n3A_427], %broadcast_in_dim3A_3 masked %lt3A_400 : memref<2x64x512xf32, #tpu.memory_space<vmem>>[vector<16xi32>, vector<16xi32>, vector<16xi32>], vector<16xf32>, vector<16xi1>
          %broadcast_in_dim3A_536 = arith.constant 54 : i32
          %broadcast_in_dim3A_537 = vector.broadcast %broadcast_in_dim3A_536 : i32 to vector<16xi32>
          tpu.vector_store_idx %arg10[%add3A_174, %broadcast_in_dim3A_537, %select_n3A_427], %broadcast_in_dim3A_3 masked %lt3A_400 : memref<2x64x512xf32, #tpu.memory_space<vmem>>[vector<16xi32>, vector<16xi32>, vector<16xi32>], vector<16xf32>, vector<16xi1>
          %broadcast_in_dim3A_538 = arith.constant 55 : i32
          %broadcast_in_dim3A_539 = vector.broadcast %broadcast_in_dim3A_538 : i32 to vector<16xi32>
          tpu.vector_store_idx %arg10[%add3A_174, %broadcast_in_dim3A_539, %select_n3A_427], %broadcast_in_dim3A_3 masked %lt3A_400 : memref<2x64x512xf32, #tpu.memory_space<vmem>>[vector<16xi32>, vector<16xi32>, vector<16xi32>], vector<16xf32>, vector<16xi1>
          %broadcast_in_dim3A_540 = arith.constant 56 : i32
          %broadcast_in_dim3A_541 = vector.broadcast %broadcast_in_dim3A_540 : i32 to vector<16xi32>
          tpu.vector_store_idx %arg10[%add3A_174, %broadcast_in_dim3A_541, %select_n3A_427], %broadcast_in_dim3A_3 masked %lt3A_400 : memref<2x64x512xf32, #tpu.memory_space<vmem>>[vector<16xi32>, vector<16xi32>, vector<16xi32>], vector<16xf32>, vector<16xi1>
          %broadcast_in_dim3A_542 = arith.constant 57 : i32
          %broadcast_in_dim3A_543 = vector.broadcast %broadcast_in_dim3A_542 : i32 to vector<16xi32>
          tpu.vector_store_idx %arg10[%add3A_174, %broadcast_in_dim3A_543, %select_n3A_427], %broadcast_in_dim3A_3 masked %lt3A_400 : memref<2x64x512xf32, #tpu.memory_space<vmem>>[vector<16xi32>, vector<16xi32>, vector<16xi32>], vector<16xf32>, vector<16xi1>
          %broadcast_in_dim3A_544 = arith.constant 58 : i32
          %broadcast_in_dim3A_545 = vector.broadcast %broadcast_in_dim3A_544 : i32 to vector<16xi32>
          tpu.vector_store_idx %arg10[%add3A_174, %broadcast_in_dim3A_545, %select_n3A_427], %broadcast_in_dim3A_3 masked %lt3A_400 : memref<2x64x512xf32, #tpu.memory_space<vmem>>[vector<16xi32>, vector<16xi32>, vector<16xi32>], vector<16xf32>, vector<16xi1>
          %broadcast_in_dim3A_546 = arith.constant 59 : i32
          %broadcast_in_dim3A_547 = vector.broadcast %broadcast_in_dim3A_546 : i32 to vector<16xi32>
          tpu.vector_store_idx %arg10[%add3A_174, %broadcast_in_dim3A_547, %select_n3A_427], %broadcast_in_dim3A_3 masked %lt3A_400 : memref<2x64x512xf32, #tpu.memory_space<vmem>>[vector<16xi32>, vector<16xi32>, vector<16xi32>], vector<16xf32>, vector<16xi1>
          %broadcast_in_dim3A_548 = arith.constant 60 : i32
          %broadcast_in_dim3A_549 = vector.broadcast %broadcast_in_dim3A_548 : i32 to vector<16xi32>
          tpu.vector_store_idx %arg10[%add3A_174, %broadcast_in_dim3A_549, %select_n3A_427], %broadcast_in_dim3A_3 masked %lt3A_400 : memref<2x64x512xf32, #tpu.memory_space<vmem>>[vector<16xi32>, vector<16xi32>, vector<16xi32>], vector<16xf32>, vector<16xi1>
          %broadcast_in_dim3A_550 = arith.constant 61 : i32
          %broadcast_in_dim3A_551 = vector.broadcast %broadcast_in_dim3A_550 : i32 to vector<16xi32>
          tpu.vector_store_idx %arg10[%add3A_174, %broadcast_in_dim3A_551, %select_n3A_427], %broadcast_in_dim3A_3 masked %lt3A_400 : memref<2x64x512xf32, #tpu.memory_space<vmem>>[vector<16xi32>, vector<16xi32>, vector<16xi32>], vector<16xf32>, vector<16xi1>
          %broadcast_in_dim3A_552 = arith.constant 62 : i32
          %broadcast_in_dim3A_553 = vector.broadcast %broadcast_in_dim3A_552 : i32 to vector<16xi32>
          tpu.vector_store_idx %arg10[%add3A_174, %broadcast_in_dim3A_553, %select_n3A_427], %broadcast_in_dim3A_3 masked %lt3A_400 : memref<2x64x512xf32, #tpu.memory_space<vmem>>[vector<16xi32>, vector<16xi32>, vector<16xi32>], vector<16xf32>, vector<16xi1>
          %broadcast_in_dim3A_554 = arith.constant 63 : i32
          %broadcast_in_dim3A_555 = vector.broadcast %broadcast_in_dim3A_554 : i32 to vector<16xi32>
          tpu.vector_store_idx %arg10[%add3A_174, %broadcast_in_dim3A_555, %select_n3A_427], %broadcast_in_dim3A_3 masked %lt3A_400 : memref<2x64x512xf32, #tpu.memory_space<vmem>>[vector<16xi32>, vector<16xi32>, vector<16xi32>], vector<16xf32>, vector<16xi1>
        }
        %while3A_393 = arith.constant 1 : i32
        scf.for %while3A_394 = %while3A_391 to %while3A_387 step %while3A_393  : i32 {
          %mul3A_395 = arith.constant 16 : i32
          %mul3A_396 = arith.muli %while3A_394, %mul3A_395 : i32
          %add3A_397 = vector.broadcast %mul3A_396 : i32 to vector<16xi32>
          %add3A_398 = arith.addi %add3A_397, %iota3A : vector<16xi32>
          %lt3A_399 = vector.broadcast %scan3A_137 : i32 to vector<16xi32>
          %lt3A_400 = arith.cmpi slt, %add3A_398, %lt3A_399 : vector<16xi32>
          %add3A_401 = arith.constant 1 : i32
          %add3A_402 = arith.addi %scan3A_136, %add3A_401 : i32
          %jit3A_403 = arith.constant 3 : i32
          %eq3A_404 = arith.constant 0 : i32
          %eq3A_405 = arith.cmpi eq, %jit3A_403, %eq3A_404 : i32
          %jit3A_406 = arith.constant 1 : i32
          %select_n3A_407 = arith.select %eq3A_405, %jit3A_406, %jit3A_403 : i32
          %rem3A_408 = arith.remsi %add3A_402, %select_n3A_407 : i32
          %ne3A_409 = arith.constant 0 : i32
          %ne3A_410 = arith.cmpi ne, %rem3A_408, %ne3A_409 : i32
          %lt3A_411 = arith.constant 0 : i32
          %lt3A_412 = arith.cmpi slt, %rem3A_408, %lt3A_411 : i32
          %lt3A_413 = arith.constant 0 : i32
          %lt3A_414 = arith.cmpi slt, %select_n3A_407, %lt3A_413 : i32
          %ne3A_415 = arith.xori %lt3A_412, %lt3A_414 : i1
          %and3A_416 = arith.andi %ne3A_415, %ne3A_410 : i1
          %add3A_417 = arith.addi %rem3A_408, %select_n3A_407 : i32
          %select_n3A_418 = arith.select %and3A_416, %add3A_417, %rem3A_408 : i32
          %mul3A_419 = arith.constant 512 : i32
          %mul3A_420 = arith.muli %select_n3A_418, %mul3A_419 : i32
          %mul3A_421 = arith.constant 16 : i32
          %mul3A_422 = arith.muli %while3A_394, %mul3A_421 : i32
          %add3A_423 = arith.addi %mul3A_420, %mul3A_422 : i32
          %get3A = arith.index_cast %add3A_423 : i32 to index
          %get3A_424 = tpu.vector_load %arg8[%get3A] {strides = array<i32>} : memref<1536xi32, #tpu.memory_space<vmem>>, vector<16xi32>,
          %jit3A_425 = arith.constant 0 : i32
          %broadcast_in_dim3A_426 = vector.broadcast %jit3A_425 : i32 to vector<16xi32>
          %select_n3A_427 = arith.select %lt3A_400, %get3A_424, %broadcast_in_dim3A_426 : vector<16xi1>, vector<16xi32>
          %broadcast_in_dim3A_428 = arith.constant 0 : i32
          %broadcast_in_dim3A_429 = vector.broadcast %broadcast_in_dim3A_428 : i32 to vector<16xi32>
          tpu.vector_store_idx %arg10[%add3A_174, %broadcast_in_dim3A_429, %select_n3A_427], %broadcast_in_dim3A_3 masked %lt3A_400 : memref<2x64x512xf32, #tpu.memory_space<vmem>>[vector<16xi32>, vector<16xi32>, vector<16xi32>], vector<16xf32>, vector<16xi1>
          %broadcast_in_dim3A_430 = arith.constant 1 : i32
          %broadcast_in_dim3A_431 = vector.broadcast %broadcast_in_dim3A_430 : i32 to vector<16xi32>
          tpu.vector_store_idx %arg10[%add3A_174, %broadcast_in_dim3A_431, %select_n3A_427], %broadcast_in_dim3A_3 masked %lt3A_400 : memref<2x64x512xf32, #tpu.memory_space<vmem>>[vector<16xi32>, vector<16xi32>, vector<16xi32>], vector<16xf32>, vector<16xi1>
          %broadcast_in_dim3A_432 = arith.constant 2 : i32
          %broadcast_in_dim3A_433 = vector.broadcast %broadcast_in_dim3A_432 : i32 to vector<16xi32>
          tpu.vector_store_idx %arg10[%add3A_174, %broadcast_in_dim3A_433, %select_n3A_427], %broadcast_in_dim3A_3 masked %lt3A_400 : memref<2x64x512xf32, #tpu.memory_space<vmem>>[vector<16xi32>, vector<16xi32>, vector<16xi32>], vector<16xf32>, vector<16xi1>
          %broadcast_in_dim3A_434 = arith.constant 3 : i32
          %broadcast_in_dim3A_435 = vector.broadcast %broadcast_in_dim3A_434 : i32 to vector<16xi32>
          tpu.vector_store_idx %arg10[%add3A_174, %broadcast_in_dim3A_435, %select_n3A_427], %broadcast_in_dim3A_3 masked %lt3A_400 : memref<2x64x512xf32, #tpu.memory_space<vmem>>[vector<16xi32>, vector<16xi32>, vector<16xi32>], vector<16xf32>, vector<16xi1>
          %broadcast_in_dim3A_436 = arith.constant 4 : i32
          %broadcast_in_dim3A_437 = vector.broadcast %broadcast_in_dim3A_436 : i32 to vector<16xi32>
          tpu.vector_store_idx %arg10[%add3A_174, %broadcast_in_dim3A_437, %select_n3A_427], %broadcast_in_dim3A_3 masked %lt3A_400 : memref<2x64x512xf32, #tpu.memory_space<vmem>>[vector<16xi32>, vector<16xi32>, vector<16xi32>], vector<16xf32>, vector<16xi1>
          %broadcast_in_dim3A_438 = arith.constant 5 : i32
          %broadcast_in_dim3A_439 = vector.broadcast %broadcast_in_dim3A_438 : i32 to vector<16xi32>
          tpu.vector_store_idx %arg10[%add3A_174, %broadcast_in_dim3A_439, %select_n3A_427], %broadcast_in_dim3A_3 masked %lt3A_400 : memref<2x64x512xf32, #tpu.memory_space<vmem>>[vector<16xi32>, vector<16xi32>, vector<16xi32>], vector<16xf32>, vector<16xi1>
          %broadcast_in_dim3A_440 = arith.constant 6 : i32
          %broadcast_in_dim3A_441 = vector.broadcast %broadcast_in_dim3A_440 : i32 to vector<16xi32>
          tpu.vector_store_idx %arg10[%add3A_174, %broadcast_in_dim3A_441, %select_n3A_427], %broadcast_in_dim3A_3 masked %lt3A_400 : memref<2x64x512xf32, #tpu.memory_space<vmem>>[vector<16xi32>, vector<16xi32>, vector<16xi32>], vector<16xf32>, vector<16xi1>
          %broadcast_in_dim3A_442 = arith.constant 7 : i32
          %broadcast_in_dim3A_443 = vector.broadcast %broadcast_in_dim3A_442 : i32 to vector<16xi32>
          tpu.vector_store_idx %arg10[%add3A_174, %broadcast_in_dim3A_443, %select_n3A_427], %broadcast_in_dim3A_3 masked %lt3A_400 : memref<2x64x512xf32, #tpu.memory_space<vmem>>[vector<16xi32>, vector<16xi32>, vector<16xi32>], vector<16xf32>, vector<16xi1>
          %broadcast_in_dim3A_444 = arith.constant 8 : i32
          %broadcast_in_dim3A_445 = vector.broadcast %broadcast_in_dim3A_444 : i32 to vector<16xi32>
          tpu.vector_store_idx %arg10[%add3A_174, %broadcast_in_dim3A_445, %select_n3A_427], %broadcast_in_dim3A_3 masked %lt3A_400 : memref<2x64x512xf32, #tpu.memory_space<vmem>>[vector<16xi32>, vector<16xi32>, vector<16xi32>], vector<16xf32>, vector<16xi1>
          %broadcast_in_dim3A_446 = arith.constant 9 : i32
          %broadcast_in_dim3A_447 = vector.broadcast %broadcast_in_dim3A_446 : i32 to vector<16xi32>
          tpu.vector_store_idx %arg10[%add3A_174, %broadcast_in_dim3A_447, %select_n3A_427], %broadcast_in_dim3A_3 masked %lt3A_400 : memref<2x64x512xf32, #tpu.memory_space<vmem>>[vector<16xi32>, vector<16xi32>, vector<16xi32>], vector<16xf32>, vector<16xi1>
          %broadcast_in_dim3A_448 = arith.constant 10 : i32
          %broadcast_in_dim3A_449 = vector.broadcast %broadcast_in_dim3A_448 : i32 to vector<16xi32>
          tpu.vector_store_idx %arg10[%add3A_174, %broadcast_in_dim3A_449, %select_n3A_427], %broadcast_in_dim3A_3 masked %lt3A_400 : memref<2x64x512xf32, #tpu.memory_space<vmem>>[vector<16xi32>, vector<16xi32>, vector<16xi32>], vector<16xf32>, vector<16xi1>
          %broadcast_in_dim3A_450 = arith.constant 11 : i32
          %broadcast_in_dim3A_451 = vector.broadcast %broadcast_in_dim3A_450 : i32 to vector<16xi32>
          tpu.vector_store_idx %arg10[%add3A_174, %broadcast_in_dim3A_451, %select_n3A_427], %broadcast_in_dim3A_3 masked %lt3A_400 : memref<2x64x512xf32, #tpu.memory_space<vmem>>[vector<16xi32>, vector<16xi32>, vector<16xi32>], vector<16xf32>, vector<16xi1>
          %broadcast_in_dim3A_452 = arith.constant 12 : i32
          %broadcast_in_dim3A_453 = vector.broadcast %broadcast_in_dim3A_452 : i32 to vector<16xi32>
          tpu.vector_store_idx %arg10[%add3A_174, %broadcast_in_dim3A_453, %select_n3A_427], %broadcast_in_dim3A_3 masked %lt3A_400 : memref<2x64x512xf32, #tpu.memory_space<vmem>>[vector<16xi32>, vector<16xi32>, vector<16xi32>], vector<16xf32>, vector<16xi1>
          %broadcast_in_dim3A_454 = arith.constant 13 : i32
          %broadcast_in_dim3A_455 = vector.broadcast %broadcast_in_dim3A_454 : i32 to vector<16xi32>
          tpu.vector_store_idx %arg10[%add3A_174, %broadcast_in_dim3A_455, %select_n3A_427], %broadcast_in_dim3A_3 masked %lt3A_400 : memref<2x64x512xf32, #tpu.memory_space<vmem>>[vector<16xi32>, vector<16xi32>, vector<16xi32>], vector<16xf32>, vector<16xi1>
          %broadcast_in_dim3A_456 = arith.constant 14 : i32
          %broadcast_in_dim3A_457 = vector.broadcast %broadcast_in_dim3A_456 : i32 to vector<16xi32>
          tpu.vector_store_idx %arg10[%add3A_174, %broadcast_in_dim3A_457, %select_n3A_427], %broadcast_in_dim3A_3 masked %lt3A_400 : memref<2x64x512xf32, #tpu.memory_space<vmem>>[vector<16xi32>, vector<16xi32>, vector<16xi32>], vector<16xf32>, vector<16xi1>
          %broadcast_in_dim3A_458 = arith.constant 15 : i32
          %broadcast_in_dim3A_459 = vector.broadcast %broadcast_in_dim3A_458 : i32 to vector<16xi32>
          tpu.vector_store_idx %arg10[%add3A_174, %broadcast_in_dim3A_459, %select_n3A_427], %broadcast_in_dim3A_3 masked %lt3A_400 : memref<2x64x512xf32, #tpu.memory_space<vmem>>[vector<16xi32>, vector<16xi32>, vector<16xi32>], vector<16xf32>, vector<16xi1>
          %broadcast_in_dim3A_460 = arith.constant 16 : i32
          %broadcast_in_dim3A_461 = vector.broadcast %broadcast_in_dim3A_460 : i32 to vector<16xi32>
          tpu.vector_store_idx %arg10[%add3A_174, %broadcast_in_dim3A_461, %select_n3A_427], %broadcast_in_dim3A_3 masked %lt3A_400 : memref<2x64x512xf32, #tpu.memory_space<vmem>>[vector<16xi32>, vector<16xi32>, vector<16xi32>], vector<16xf32>, vector<16xi1>
          %broadcast_in_dim3A_462 = arith.constant 17 : i32
          %broadcast_in_dim3A_463 = vector.broadcast %broadcast_in_dim3A_462 : i32 to vector<16xi32>
          tpu.vector_store_idx %arg10[%add3A_174, %broadcast_in_dim3A_463, %select_n3A_427], %broadcast_in_dim3A_3 masked %lt3A_400 : memref<2x64x512xf32, #tpu.memory_space<vmem>>[vector<16xi32>, vector<16xi32>, vector<16xi32>], vector<16xf32>, vector<16xi1>
          %broadcast_in_dim3A_464 = arith.constant 18 : i32
          %broadcast_in_dim3A_465 = vector.broadcast %broadcast_in_dim3A_464 : i32 to vector<16xi32>
          tpu.vector_store_idx %arg10[%add3A_174, %broadcast_in_dim3A_465, %select_n3A_427], %broadcast_in_dim3A_3 masked %lt3A_400 : memref<2x64x512xf32, #tpu.memory_space<vmem>>[vector<16xi32>, vector<16xi32>, vector<16xi32>], vector<16xf32>, vector<16xi1>
          %broadcast_in_dim3A_466 = arith.constant 19 : i32
          %broadcast_in_dim3A_467 = vector.broadcast %broadcast_in_dim3A_466 : i32 to vector<16xi32>
          tpu.vector_store_idx %arg10[%add3A_174, %broadcast_in_dim3A_467, %select_n3A_427], %broadcast_in_dim3A_3 masked %lt3A_400 : memref<2x64x512xf32, #tpu.memory_space<vmem>>[vector<16xi32>, vector<16xi32>, vector<16xi32>], vector<16xf32>, vector<16xi1>
          %broadcast_in_dim3A_468 = arith.constant 20 : i32
          %broadcast_in_dim3A_469 = vector.broadcast %broadcast_in_dim3A_468 : i32 to vector<16xi32>
          tpu.vector_store_idx %arg10[%add3A_174, %broadcast_in_dim3A_469, %select_n3A_427], %broadcast_in_dim3A_3 masked %lt3A_400 : memref<2x64x512xf32, #tpu.memory_space<vmem>>[vector<16xi32>, vector<16xi32>, vector<16xi32>], vector<16xf32>, vector<16xi1>
          %broadcast_in_dim3A_470 = arith.constant 21 : i32
          %broadcast_in_dim3A_471 = vector.broadcast %broadcast_in_dim3A_470 : i32 to vector<16xi32>
          tpu.vector_store_idx %arg10[%add3A_174, %broadcast_in_dim3A_471, %select_n3A_427], %broadcast_in_dim3A_3 masked %lt3A_400 : memref<2x64x512xf32, #tpu.memory_space<vmem>>[vector<16xi32>, vector<16xi32>, vector<16xi32>], vector<16xf32>, vector<16xi1>
          %broadcast_in_dim3A_472 = arith.constant 22 : i32
          %broadcast_in_dim3A_473 = vector.broadcast %broadcast_in_dim3A_472 : i32 to vector<16xi32>
          tpu.vector_store_idx %arg10[%add3A_174, %broadcast_in_dim3A_473, %select_n3A_427], %broadcast_in_dim3A_3 masked %lt3A_400 : memref<2x64x512xf32, #tpu.memory_space<vmem>>[vector<16xi32>, vector<16xi32>, vector<16xi32>], vector<16xf32>, vector<16xi1>
          %broadcast_in_dim3A_474 = arith.constant 23 : i32
          %broadcast_in_dim3A_475 = vector.broadcast %broadcast_in_dim3A_474 : i32 to vector<16xi32>
          tpu.vector_store_idx %arg10[%add3A_174, %broadcast_in_dim3A_475, %select_n3A_427], %broadcast_in_dim3A_3 masked %lt3A_400 : memref<2x64x512xf32, #tpu.memory_space<vmem>>[vector<16xi32>, vector<16xi32>, vector<16xi32>], vector<16xf32>, vector<16xi1>
          %broadcast_in_dim3A_476 = arith.constant 24 : i32
          %broadcast_in_dim3A_477 = vector.broadcast %broadcast_in_dim3A_476 : i32 to vector<16xi32>
          tpu.vector_store_idx %arg10[%add3A_174, %broadcast_in_dim3A_477, %select_n3A_427], %broadcast_in_dim3A_3 masked %lt3A_400 : memref<2x64x512xf32, #tpu.memory_space<vmem>>[vector<16xi32>, vector<16xi32>, vector<16xi32>], vector<16xf32>, vector<16xi1>
          %broadcast_in_dim3A_478 = arith.constant 25 : i32
          %broadcast_in_dim3A_479 = vector.broadcast %broadcast_in_dim3A_478 : i32 to vector<16xi32>
          tpu.vector_store_idx %arg10[%add3A_174, %broadcast_in_dim3A_479, %select_n3A_427], %broadcast_in_dim3A_3 masked %lt3A_400 : memref<2x64x512xf32, #tpu.memory_space<vmem>>[vector<16xi32>, vector<16xi32>, vector<16xi32>], vector<16xf32>, vector<16xi1>
          %broadcast_in_dim3A_480 = arith.constant 26 : i32
          %broadcast_in_dim3A_481 = vector.broadcast %broadcast_in_dim3A_480 : i32 to vector<16xi32>
          tpu.vector_store_idx %arg10[%add3A_174, %broadcast_in_dim3A_481, %select_n3A_427], %broadcast_in_dim3A_3 masked %lt3A_400 : memref<2x64x512xf32, #tpu.memory_space<vmem>>[vector<16xi32>, vector<16xi32>, vector<16xi32>], vector<16xf32>, vector<16xi1>
          %broadcast_in_dim3A_482 = arith.constant 27 : i32
          %broadcast_in_dim3A_483 = vector.broadcast %broadcast_in_dim3A_482 : i32 to vector<16xi32>
          tpu.vector_store_idx %arg10[%add3A_174, %broadcast_in_dim3A_483, %select_n3A_427], %broadcast_in_dim3A_3 masked %lt3A_400 : memref<2x64x512xf32, #tpu.memory_space<vmem>>[vector<16xi32>, vector<16xi32>, vector<16xi32>], vector<16xf32>, vector<16xi1>
          %broadcast_in_dim3A_484 = arith.constant 28 : i32
          %broadcast_in_dim3A_485 = vector.broadcast %broadcast_in_dim3A_484 : i32 to vector<16xi32>
          tpu.vector_store_idx %arg10[%add3A_174, %broadcast_in_dim3A_485, %select_n3A_427], %broadcast_in_dim3A_3 masked %lt3A_400 : memref<2x64x512xf32, #tpu.memory_space<vmem>>[vector<16xi32>, vector<16xi32>, vector<16xi32>], vector<16xf32>, vector<16xi1>
          %broadcast_in_dim3A_486 = arith.constant 29 : i32
          %broadcast_in_dim3A_487 = vector.broadcast %broadcast_in_dim3A_486 : i32 to vector<16xi32>
          tpu.vector_store_idx %arg10[%add3A_174, %broadcast_in_dim3A_487, %select_n3A_427], %broadcast_in_dim3A_3 masked %lt3A_400 : memref<2x64x512xf32, #tpu.memory_space<vmem>>[vector<16xi32>, vector<16xi32>, vector<16xi32>], vector<16xf32>, vector<16xi1>
          %broadcast_in_dim3A_488 = arith.constant 30 : i32
          %broadcast_in_dim3A_489 = vector.broadcast %broadcast_in_dim3A_488 : i32 to vector<16xi32>
          tpu.vector_store_idx %arg10[%add3A_174, %broadcast_in_dim3A_489, %select_n3A_427], %broadcast_in_dim3A_3 masked %lt3A_400 : memref<2x64x512xf32, #tpu.memory_space<vmem>>[vector<16xi32>, vector<16xi32>, vector<16xi32>], vector<16xf32>, vector<16xi1>
          %broadcast_in_dim3A_490 = arith.constant 31 : i32
          %broadcast_in_dim3A_491 = vector.broadcast %broadcast_in_dim3A_490 : i32 to vector<16xi32>
          tpu.vector_store_idx %arg10[%add3A_174, %broadcast_in_dim3A_491, %select_n3A_427], %broadcast_in_dim3A_3 masked %lt3A_400 : memref<2x64x512xf32, #tpu.memory_space<vmem>>[vector<16xi32>, vector<16xi32>, vector<16xi32>], vector<16xf32>, vector<16xi1>
          %broadcast_in_dim3A_492 = arith.constant 32 : i32
          %broadcast_in_dim3A_493 = vector.broadcast %broadcast_in_dim3A_492 : i32 to vector<16xi32>
          tpu.vector_store_idx %arg10[%add3A_174, %broadcast_in_dim3A_493, %select_n3A_427], %broadcast_in_dim3A_3 masked %lt3A_400 : memref<2x64x512xf32, #tpu.memory_space<vmem>>[vector<16xi32>, vector<16xi32>, vector<16xi32>], vector<16xf32>, vector<16xi1>
          %broadcast_in_dim3A_494 = arith.constant 33 : i32
          %broadcast_in_dim3A_495 = vector.broadcast %broadcast_in_dim3A_494 : i32 to vector<16xi32>
          tpu.vector_store_idx %arg10[%add3A_174, %broadcast_in_dim3A_495, %select_n3A_427], %broadcast_in_dim3A_3 masked %lt3A_400 : memref<2x64x512xf32, #tpu.memory_space<vmem>>[vector<16xi32>, vector<16xi32>, vector<16xi32>], vector<16xf32>, vector<16xi1>
          %broadcast_in_dim3A_496 = arith.constant 34 : i32
          %broadcast_in_dim3A_497 = vector.broadcast %broadcast_in_dim3A_496 : i32 to vector<16xi32>
          tpu.vector_store_idx %arg10[%add3A_174, %broadcast_in_dim3A_497, %select_n3A_427], %broadcast_in_dim3A_3 masked %lt3A_400 : memref<2x64x512xf32, #tpu.memory_space<vmem>>[vector<16xi32>, vector<16xi32>, vector<16xi32>], vector<16xf32>, vector<16xi1>
          %broadcast_in_dim3A_498 = arith.constant 35 : i32
          %broadcast_in_dim3A_499 = vector.broadcast %broadcast_in_dim3A_498 : i32 to vector<16xi32>
          tpu.vector_store_idx %arg10[%add3A_174, %broadcast_in_dim3A_499, %select_n3A_427], %broadcast_in_dim3A_3 masked %lt3A_400 : memref<2x64x512xf32, #tpu.memory_space<vmem>>[vector<16xi32>, vector<16xi32>, vector<16xi32>], vector<16xf32>, vector<16xi1>
          %broadcast_in_dim3A_500 = arith.constant 36 : i32
          %broadcast_in_dim3A_501 = vector.broadcast %broadcast_in_dim3A_500 : i32 to vector<16xi32>
          tpu.vector_store_idx %arg10[%add3A_174, %broadcast_in_dim3A_501, %select_n3A_427], %broadcast_in_dim3A_3 masked %lt3A_400 : memref<2x64x512xf32, #tpu.memory_space<vmem>>[vector<16xi32>, vector<16xi32>, vector<16xi32>], vector<16xf32>, vector<16xi1>
          %broadcast_in_dim3A_502 = arith.constant 37 : i32
          %broadcast_in_dim3A_503 = vector.broadcast %broadcast_in_dim3A_502 : i32 to vector<16xi32>
          tpu.vector_store_idx %arg10[%add3A_174, %broadcast_in_dim3A_503, %select_n3A_427], %broadcast_in_dim3A_3 masked %lt3A_400 : memref<2x64x512xf32, #tpu.memory_space<vmem>>[vector<16xi32>, vector<16xi32>, vector<16xi32>], vector<16xf32>, vector<16xi1>
          %broadcast_in_dim3A_504 = arith.constant 38 : i32
          %broadcast_in_dim3A_505 = vector.broadcast %broadcast_in_dim3A_504 : i32 to vector<16xi32>
          tpu.vector_store_idx %arg10[%add3A_174, %broadcast_in_dim3A_505, %select_n3A_427], %broadcast_in_dim3A_3 masked %lt3A_400 : memref<2x64x512xf32, #tpu.memory_space<vmem>>[vector<16xi32>, vector<16xi32>, vector<16xi32>], vector<16xf32>, vector<16xi1>
          %broadcast_in_dim3A_506 = arith.constant 39 : i32
          %broadcast_in_dim3A_507 = vector.broadcast %broadcast_in_dim3A_506 : i32 to vector<16xi32>
          tpu.vector_store_idx %arg10[%add3A_174, %broadcast_in_dim3A_507, %select_n3A_427], %broadcast_in_dim3A_3 masked %lt3A_400 : memref<2x64x512xf32, #tpu.memory_space<vmem>>[vector<16xi32>, vector<16xi32>, vector<16xi32>], vector<16xf32>, vector<16xi1>
          %broadcast_in_dim3A_508 = arith.constant 40 : i32
          %broadcast_in_dim3A_509 = vector.broadcast %broadcast_in_dim3A_508 : i32 to vector<16xi32>
          tpu.vector_store_idx %arg10[%add3A_174, %broadcast_in_dim3A_509, %select_n3A_427], %broadcast_in_dim3A_3 masked %lt3A_400 : memref<2x64x512xf32, #tpu.memory_space<vmem>>[vector<16xi32>, vector<16xi32>, vector<16xi32>], vector<16xf32>, vector<16xi1>
          %broadcast_in_dim3A_510 = arith.constant 41 : i32
          %broadcast_in_dim3A_511 = vector.broadcast %broadcast_in_dim3A_510 : i32 to vector<16xi32>
          tpu.vector_store_idx %arg10[%add3A_174, %broadcast_in_dim3A_511, %select_n3A_427], %broadcast_in_dim3A_3 masked %lt3A_400 : memref<2x64x512xf32, #tpu.memory_space<vmem>>[vector<16xi32>, vector<16xi32>, vector<16xi32>], vector<16xf32>, vector<16xi1>
          %broadcast_in_dim3A_512 = arith.constant 42 : i32
          %broadcast_in_dim3A_513 = vector.broadcast %broadcast_in_dim3A_512 : i32 to vector<16xi32>
          tpu.vector_store_idx %arg10[%add3A_174, %broadcast_in_dim3A_513, %select_n3A_427], %broadcast_in_dim3A_3 masked %lt3A_400 : memref<2x64x512xf32, #tpu.memory_space<vmem>>[vector<16xi32>, vector<16xi32>, vector<16xi32>], vector<16xf32>, vector<16xi1>
          %broadcast_in_dim3A_514 = arith.constant 43 : i32
          %broadcast_in_dim3A_515 = vector.broadcast %broadcast_in_dim3A_514 : i32 to vector<16xi32>
          tpu.vector_store_idx %arg10[%add3A_174, %broadcast_in_dim3A_515, %select_n3A_427], %broadcast_in_dim3A_3 masked %lt3A_400 : memref<2x64x512xf32, #tpu.memory_space<vmem>>[vector<16xi32>, vector<16xi32>, vector<16xi32>], vector<16xf32>, vector<16xi1>
          %broadcast_in_dim3A_516 = arith.constant 44 : i32
          %broadcast_in_dim3A_517 = vector.broadcast %broadcast_in_dim3A_516 : i32 to vector<16xi32>
          tpu.vector_store_idx %arg10[%add3A_174, %broadcast_in_dim3A_517, %select_n3A_427], %broadcast_in_dim3A_3 masked %lt3A_400 : memref<2x64x512xf32, #tpu.memory_space<vmem>>[vector<16xi32>, vector<16xi32>, vector<16xi32>], vector<16xf32>, vector<16xi1>
          %broadcast_in_dim3A_518 = arith.constant 45 : i32
          %broadcast_in_dim3A_519 = vector.broadcast %broadcast_in_dim3A_518 : i32 to vector<16xi32>
          tpu.vector_store_idx %arg10[%add3A_174, %broadcast_in_dim3A_519, %select_n3A_427], %broadcast_in_dim3A_3 masked %lt3A_400 : memref<2x64x512xf32, #tpu.memory_space<vmem>>[vector<16xi32>, vector<16xi32>, vector<16xi32>], vector<16xf32>, vector<16xi1>
          %broadcast_in_dim3A_520 = arith.constant 46 : i32
          %broadcast_in_dim3A_521 = vector.broadcast %broadcast_in_dim3A_520 : i32 to vector<16xi32>
          tpu.vector_store_idx %arg10[%add3A_174, %broadcast_in_dim3A_521, %select_n3A_427], %broadcast_in_dim3A_3 masked %lt3A_400 : memref<2x64x512xf32, #tpu.memory_space<vmem>>[vector<16xi32>, vector<16xi32>, vector<16xi32>], vector<16xf32>, vector<16xi1>
          %broadcast_in_dim3A_522 = arith.constant 47 : i32
          %broadcast_in_dim3A_523 = vector.broadcast %broadcast_in_dim3A_522 : i32 to vector<16xi32>
          tpu.vector_store_idx %arg10[%add3A_174, %broadcast_in_dim3A_523, %select_n3A_427], %broadcast_in_dim3A_3 masked %lt3A_400 : memref<2x64x512xf32, #tpu.memory_space<vmem>>[vector<16xi32>, vector<16xi32>, vector<16xi32>], vector<16xf32>, vector<16xi1>
          %broadcast_in_dim3A_524 = arith.constant 48 : i32
          %broadcast_in_dim3A_525 = vector.broadcast %broadcast_in_dim3A_524 : i32 to vector<16xi32>
          tpu.vector_store_idx %arg10[%add3A_174, %broadcast_in_dim3A_525, %select_n3A_427], %broadcast_in_dim3A_3 masked %lt3A_400 : memref<2x64x512xf32, #tpu.memory_space<vmem>>[vector<16xi32>, vector<16xi32>, vector<16xi32>], vector<16xf32>, vector<16xi1>
          %broadcast_in_dim3A_526 = arith.constant 49 : i32
          %broadcast_in_dim3A_527 = vector.broadcast %broadcast_in_dim3A_526 : i32 to vector<16xi32>
          tpu.vector_store_idx %arg10[%add3A_174, %broadcast_in_dim3A_527, %select_n3A_427], %broadcast_in_dim3A_3 masked %lt3A_400 : memref<2x64x512xf32, #tpu.memory_space<vmem>>[vector<16xi32>, vector<16xi32>, vector<16xi32>], vector<16xf32>, vector<16xi1>
          %broadcast_in_dim3A_528 = arith.constant 50 : i32
          %broadcast_in_dim3A_529 = vector.broadcast %broadcast_in_dim3A_528 : i32 to vector<16xi32>
          tpu.vector_store_idx %arg10[%add3A_174, %broadcast_in_dim3A_529, %select_n3A_427], %broadcast_in_dim3A_3 masked %lt3A_400 : memref<2x64x512xf32, #tpu.memory_space<vmem>>[vector<16xi32>, vector<16xi32>, vector<16xi32>], vector<16xf32>, vector<16xi1>
          %broadcast_in_dim3A_530 = arith.constant 51 : i32
          %broadcast_in_dim3A_531 = vector.broadcast %broadcast_in_dim3A_530 : i32 to vector<16xi32>
          tpu.vector_store_idx %arg10[%add3A_174, %broadcast_in_dim3A_531, %select_n3A_427], %broadcast_in_dim3A_3 masked %lt3A_400 : memref<2x64x512xf32, #tpu.memory_space<vmem>>[vector<16xi32>, vector<16xi32>, vector<16xi32>], vector<16xf32>, vector<16xi1>
          %broadcast_in_dim3A_532 = arith.constant 52 : i32
          %broadcast_in_dim3A_533 = vector.broadcast %broadcast_in_dim3A_532 : i32 to vector<16xi32>
          tpu.vector_store_idx %arg10[%add3A_174, %broadcast_in_dim3A_533, %select_n3A_427], %broadcast_in_dim3A_3 masked %lt3A_400 : memref<2x64x512xf32, #tpu.memory_space<vmem>>[vector<16xi32>, vector<16xi32>, vector<16xi32>], vector<16xf32>, vector<16xi1>
          %broadcast_in_dim3A_534 = arith.constant 53 : i32
          %broadcast_in_dim3A_535 = vector.broadcast %broadcast_in_dim3A_534 : i32 to vector<16xi32>
          tpu.vector_store_idx %arg10[%add3A_174, %broadcast_in_dim3A_535, %select_n3A_427], %broadcast_in_dim3A_3 masked %lt3A_400 : memref<2x64x512xf32, #tpu.memory_space<vmem>>[vector<16xi32>, vector<16xi32>, vector<16xi32>], vector<16xf32>, vector<16xi1>
          %broadcast_in_dim3A_536 = arith.constant 54 : i32
          %broadcast_in_dim3A_537 = vector.broadcast %broadcast_in_dim3A_536 : i32 to vector<16xi32>
          tpu.vector_store_idx %arg10[%add3A_174, %broadcast_in_dim3A_537, %select_n3A_427], %broadcast_in_dim3A_3 masked %lt3A_400 : memref<2x64x512xf32, #tpu.memory_space<vmem>>[vector<16xi32>, vector<16xi32>, vector<16xi32>], vector<16xf32>, vector<16xi1>
          %broadcast_in_dim3A_538 = arith.constant 55 : i32
          %broadcast_in_dim3A_539 = vector.broadcast %broadcast_in_dim3A_538 : i32 to vector<16xi32>
          tpu.vector_store_idx %arg10[%add3A_174, %broadcast_in_dim3A_539, %select_n3A_427], %broadcast_in_dim3A_3 masked %lt3A_400 : memref<2x64x512xf32, #tpu.memory_space<vmem>>[vector<16xi32>, vector<16xi32>, vector<16xi32>], vector<16xf32>, vector<16xi1>
          %broadcast_in_dim3A_540 = arith.constant 56 : i32
          %broadcast_in_dim3A_541 = vector.broadcast %broadcast_in_dim3A_540 : i32 to vector<16xi32>
          tpu.vector_store_idx %arg10[%add3A_174, %broadcast_in_dim3A_541, %select_n3A_427], %broadcast_in_dim3A_3 masked %lt3A_400 : memref<2x64x512xf32, #tpu.memory_space<vmem>>[vector<16xi32>, vector<16xi32>, vector<16xi32>], vector<16xf32>, vector<16xi1>
          %broadcast_in_dim3A_542 = arith.constant 57 : i32
          %broadcast_in_dim3A_543 = vector.broadcast %broadcast_in_dim3A_542 : i32 to vector<16xi32>
          tpu.vector_store_idx %arg10[%add3A_174, %broadcast_in_dim3A_543, %select_n3A_427], %broadcast_in_dim3A_3 masked %lt3A_400 : memref<2x64x512xf32, #tpu.memory_space<vmem>>[vector<16xi32>, vector<16xi32>, vector<16xi32>], vector<16xf32>, vector<16xi1>
          %broadcast_in_dim3A_544 = arith.constant 58 : i32
          %broadcast_in_dim3A_545 = vector.broadcast %broadcast_in_dim3A_544 : i32 to vector<16xi32>
          tpu.vector_store_idx %arg10[%add3A_174, %broadcast_in_dim3A_545, %select_n3A_427], %broadcast_in_dim3A_3 masked %lt3A_400 : memref<2x64x512xf32, #tpu.memory_space<vmem>>[vector<16xi32>, vector<16xi32>, vector<16xi32>], vector<16xf32>, vector<16xi1>
          %broadcast_in_dim3A_546 = arith.constant 59 : i32
          %broadcast_in_dim3A_547 = vector.broadcast %broadcast_in_dim3A_546 : i32 to vector<16xi32>
          tpu.vector_store_idx %arg10[%add3A_174, %broadcast_in_dim3A_547, %select_n3A_427], %broadcast_in_dim3A_3 masked %lt3A_400 : memref<2x64x512xf32, #tpu.memory_space<vmem>>[vector<16xi32>, vector<16xi32>, vector<16xi32>], vector<16xf32>, vector<16xi1>
          %broadcast_in_dim3A_548 = arith.constant 60 : i32
          %broadcast_in_dim3A_549 = vector.broadcast %broadcast_in_dim3A_548 : i32 to vector<16xi32>
          tpu.vector_store_idx %arg10[%add3A_174, %broadcast_in_dim3A_549, %select_n3A_427], %broadcast_in_dim3A_3 masked %lt3A_400 : memref<2x64x512xf32, #tpu.memory_space<vmem>>[vector<16xi32>, vector<16xi32>, vector<16xi32>], vector<16xf32>, vector<16xi1>
          %broadcast_in_dim3A_550 = arith.constant 61 : i32
          %broadcast_in_dim3A_551 = vector.broadcast %broadcast_in_dim3A_550 : i32 to vector<16xi32>
          tpu.vector_store_idx %arg10[%add3A_174, %broadcast_in_dim3A_551, %select_n3A_427], %broadcast_in_dim3A_3 masked %lt3A_400 : memref<2x64x512xf32, #tpu.memory_space<vmem>>[vector<16xi32>, vector<16xi32>, vector<16xi32>], vector<16xf32>, vector<16xi1>
          %broadcast_in_dim3A_552 = arith.constant 62 : i32
          %broadcast_in_dim3A_553 = vector.broadcast %broadcast_in_dim3A_552 : i32 to vector<16xi32>
          tpu.vector_store_idx %arg10[%add3A_174, %broadcast_in_dim3A_553, %select_n3A_427], %broadcast_in_dim3A_3 masked %lt3A_400 : memref<2x64x512xf32, #tpu.memory_space<vmem>>[vector<16xi32>, vector<16xi32>, vector<16xi32>], vector<16xf32>, vector<16xi1>
          %broadcast_in_dim3A_554 = arith.constant 63 : i32
          %broadcast_in_dim3A_555 = vector.broadcast %broadcast_in_dim3A_554 : i32 to vector<16xi32>
          tpu.vector_store_idx %arg10[%add3A_174, %broadcast_in_dim3A_555, %select_n3A_427], %broadcast_in_dim3A_3 masked %lt3A_400 : memref<2x64x512xf32, #tpu.memory_space<vmem>>[vector<16xi32>, vector<16xi32>, vector<16xi32>], vector<16xf32>, vector<16xi1>
        }
      } else {
      }
      %add3A_179 = arith.constant 1 : i32
      %add3A_180 = arith.addi %scan3A_136, %add3A_179 : i32
      %min3A = arith.constant 63 : i32
      %min3A_181 = arith.minsi %add3A_180, %min3A : i32
      %add3A_182 = arith.constant 1 : i32
      %add3A_183 = arith.addi %scan3A_136, %add3A_182 : i32
      %jit3A_184 = arith.constant 2 : i32
      %eq3A_185 = arith.constant 0 : i32
      %eq3A_186 = arith.cmpi eq, %jit3A_184, %eq3A_185 : i32
      %jit3A_187 = arith.constant 1 : i32
      %select_n3A_188 = arith.select %eq3A_186, %jit3A_187, %jit3A_184 : i32
      %rem3A_189 = arith.remsi %add3A_183, %select_n3A_188 : i32
      %ne3A_190 = arith.constant 0 : i32
      %ne3A_191 = arith.cmpi ne, %rem3A_189, %ne3A_190 : i32
      %lt3A_192 = arith.constant 0 : i32
      %lt3A_193 = arith.cmpi slt, %rem3A_189, %lt3A_192 : i32
      %lt3A_194 = arith.constant 0 : i32
      %lt3A_195 = arith.cmpi slt, %select_n3A_188, %lt3A_194 : i32
      %ne3A_196 = arith.xori %lt3A_193, %lt3A_195 : i1
      %and3A_197 = arith.andi %ne3A_196, %ne3A_191 : i1
      %add3A_198 = arith.addi %rem3A_189, %select_n3A_188 : i32
      %select_n3A_199 = arith.select %and3A_197, %add3A_198, %rem3A_189 : i32
      %mul3A_200 = arith.constant 576 : i32
      %mul3A_201 = arith.muli %select_n3A_199, %mul3A_200 : i32
      %add3A_202 = arith.constant 1 : i32
      %add3A_203 = arith.addi %scan3A_136, %add3A_202 : i32
      %jit3A_204 = arith.constant 3 : i32
      %eq3A_205 = arith.constant 0 : i32
      %eq3A_206 = arith.cmpi eq, %jit3A_204, %eq3A_205 : i32
      %jit3A_207 = arith.constant 1 : i32
      %select_n3A_208 = arith.select %eq3A_206, %jit3A_207, %jit3A_204 : i32
      %rem3A_209 = arith.remsi %add3A_203, %select_n3A_208 : i32
      %ne3A_210 = arith.constant 0 : i32
      %ne3A_211 = arith.cmpi ne, %rem3A_209, %ne3A_210 : i32
      %lt3A_212 = arith.constant 0 : i32
      %lt3A_213 = arith.cmpi slt, %rem3A_209, %lt3A_212 : i32
      %lt3A_214 = arith.constant 0 : i32
      %lt3A_215 = arith.cmpi slt, %select_n3A_208, %lt3A_214 : i32
      %ne3A_216 = arith.xori %lt3A_213, %lt3A_215 : i1
      %and3A_217 = arith.andi %ne3A_216, %ne3A_211 : i1
      %add3A_218 = arith.addi %rem3A_209, %select_n3A_208 : i32
      %select_n3A_219 = arith.select %and3A_217, %add3A_218, %rem3A_209 : i32
      %mul3A_220 = arith.constant 512 : i32
      %mul3A_221 = arith.muli %select_n3A_219, %mul3A_220 : i32
      %scan3A_222 = arith.constant 0 : i32
      %scan3A_223 = arith.constant 0 : i32
      %scan3A_224 = arith.constant 32 : i32
      %scan3A_225 = arith.addi %scan3A_223, %scan3A_224 : i32
      %scan3A_226 = arith.constant 1 : i32
      %scan3A_227 = scf.for %scan3A_342 = %scan3A_223 to %scan3A_225 step %scan3A_226 iter_args(%scan3A_343 = %scan3A_222) -> (i32)  : i32 {
        %mul3A_344 = arith.constant 512 : i32
        %mul3A_345 = arith.muli %min3A_181, %mul3A_344 : i32
        %mul3A_346 = arith.constant 16 : i32
        %mul3A_347 = arith.muli %scan3A_342, %mul3A_346 : i32
        %add3A_348 = arith.addi %mul3A_345, %mul3A_347 : i32
        %get3A = arith.index_cast %add3A_348 : i32 to index
        %get3A_349 = tpu.vector_load %arg5[%get3A] {strides = array<i32>} : memref<32768xi32, #tpu.memory_space<vmem>>, vector<16xi32>,
        %ge3A_350 = arith.constant 0 : i32
        %ge3A_351 = vector.broadcast %ge3A_350 : i32 to vector<16xi32>
        %ge3A_352 = arith.cmpi sge, %get3A_349, %ge3A_351 : vector<16xi32>
        %add3A_353 = arith.addi %mul3A_201, %scan3A_343 : i32
        %swap3A = arith.index_cast %add3A_353 : i32 to index
        %swap3A_354 = tpu.vector_load %arg7[%swap3A] masked %ge3A_352 {strides = array<i32>} : memref<1152xi32, #tpu.memory_space<vmem>>, vector<16xi32>, vector<16xi1>
        tpu.vector_store %arg7[%swap3A], %get3A_349 masked %ge3A_352 {strides = array<i32>} : memref<1152xi32, #tpu.memory_space<vmem>>, vector<16xi32>, vector<16xi1>
        %add3A_355 = arith.addi %mul3A_221, %scan3A_343 : i32
        %mul3A_356 = arith.constant 16 : i32
        %mul3A_357 = arith.muli %scan3A_342, %mul3A_356 : i32
        %add3A_358 = vector.broadcast %mul3A_357 : i32 to vector<16xi32>
        %add3A_359 = arith.addi %add3A_358, %iota3A : vector<16xi32>
        %swap3A_360 = arith.index_cast %add3A_355 : i32 to index
        %swap3A_361 = tpu.vector_load %arg8[%swap3A_360] masked %ge3A_352 {strides = array<i32>} : memref<1536xi32, #tpu.memory_space<vmem>>, vector<16xi32>, vector<16xi1>
        tpu.vector_store %arg8[%swap3A_360], %add3A_359 masked %ge3A_352 {strides = array<i32>} : memref<1536xi32, #tpu.memory_space<vmem>>, vector<16xi32>, vector<16xi1>
        %all_reduce_population_count3A = tpu.all_reduce %ge3A_352 {dim = 0 : i64, kind = #tpu.reduction_kind<sum>} : vector<16xi1> -> vector<16xi32>
        %slice3A = vector.extract_strided_slice %all_reduce_population_count3A {offsets = [0], sizes = [1], strides = [1]} : vector<16xi32> to vector<1xi32>
        %squeeze3A = vector.extract %slice3A[0] : i32 from vector<1xi32>
        %add3A_362 = arith.addi %scan3A_343, %squeeze3A : i32
        scf.yield %add3A_362 : i32
      }
      %scan3A_228 = arith.constant 32 : i32
      %add3A_229 = arith.addi %mul3A_201, %scan3A_227 : i32
      %add3A_230 = arith.constant 0 : i32
      %add3A_231 = arith.addi %add3A_229, %add3A_230 : i32
      %add3A_232 = vector.broadcast %add3A_231 : i32 to vector<16xi32>
      %add3A_233 = arith.addi %add3A_232, %iota3A : vector<16xi32>
      %add3A_234 = arith.constant 0 : i32
      %add3A_235 = vector.broadcast %add3A_234 : i32 to vector<16xi32>
      %add3A_236 = arith.addi %add3A_235, %iota3A : vector<16xi32>
      tpu.vector_store_idx %arg7[%add3A_233], %add3A_236 : memref<1152xi32, #tpu.memory_space<vmem>>[vector<16xi32>], vector<16xi32>,
      %add3A_237 = arith.addi %mul3A_201, %scan3A_227 : i32
      %add3A_238 = arith.constant 16 : i32
      %add3A_239 = arith.addi %add3A_237, %add3A_238 : i32
      %add3A_240 = vector.broadcast %add3A_239 : i32 to vector<16xi32>
      %add3A_241 = arith.addi %add3A_240, %iota3A : vector<16xi32>
      %add3A_242 = arith.constant 16 : i32
      %add3A_243 = vector.broadcast %add3A_242 : i32 to vector<16xi32>
      %add3A_244 = arith.addi %add3A_243, %iota3A : vector<16xi32>
      tpu.vector_store_idx %arg7[%add3A_241], %add3A_244 : memref<1152xi32, #tpu.memory_space<vmem>>[vector<16xi32>], vector<16xi32>,
      %add3A_245 = arith.addi %mul3A_201, %scan3A_227 : i32
      %add3A_246 = arith.constant 32 : i32
      %add3A_247 = arith.addi %add3A_245, %add3A_246 : i32
      %add3A_248 = vector.broadcast %add3A_247 : i32 to vector<16xi32>
      %add3A_249 = arith.addi %add3A_248, %iota3A : vector<16xi32>
      %add3A_250 = arith.constant 32 : i32
      %add3A_251 = vector.broadcast %add3A_250 : i32 to vector<16xi32>
      %add3A_252 = arith.addi %add3A_251, %iota3A : vector<16xi32>
      tpu.vector_store_idx %arg7[%add3A_249], %add3A_252 : memref<1152xi32, #tpu.memory_space<vmem>>[vector<16xi32>], vector<16xi32>,
      %add3A_253 = arith.addi %mul3A_201, %scan3A_227 : i32
      %add3A_254 = arith.constant 48 : i32
      %add3A_255 = arith.addi %add3A_253, %add3A_254 : i32
      %add3A_256 = vector.broadcast %add3A_255 : i32 to vector<16xi32>
      %add3A_257 = arith.addi %add3A_256, %iota3A : vector<16xi32>
      %add3A_258 = arith.constant 48 : i32
      %add3A_259 = vector.broadcast %add3A_258 : i32 to vector<16xi32>
      %add3A_260 = arith.addi %add3A_259, %iota3A : vector<16xi32>
      tpu.vector_store_idx %arg7[%add3A_257], %add3A_260 : memref<1152xi32, #tpu.memory_space<vmem>>[vector<16xi32>], vector<16xi32>,
      %add3A_261 = arith.constant 64 : i32
      %add3A_262 = arith.addi %scan3A_139, %add3A_261 : i32
      %sub3A_263 = arith.constant 1 : i32
      %sub3A_264 = arith.subi %add3A_262, %sub3A_263 : i32
      %jit3A_265 = arith.constant 64 : i32
      %div3A_266 = arith.divsi %sub3A_264, %jit3A_265 : i32
      %sign3A_267 = arith.constant 0 : i32
      %sign3A_268 = arith.cmpi sgt, %sub3A_264, %sign3A_267 : i32
      %sign3A_269 = arith.extui %sign3A_268 : i1 to i32
      %sign3A_270 = arith.constant 0 : i32
      %sign3A_271 = arith.cmpi slt, %sub3A_264, %sign3A_270 : i32
      %sign3A_272 = arith.extui %sign3A_271 : i1 to i32
      %sign3A_273 = arith.subi %sign3A_269, %sign3A_272 : i32
      %sign3A_274 = arith.constant 0 : i32
      %sign3A_275 = arith.cmpi sgt, %jit3A_265, %sign3A_274 : i32
      %sign3A_276 = arith.extui %sign3A_275 : i1 to i32
      %sign3A_277 = arith.constant 0 : i32
      %sign3A_278 = arith.cmpi slt, %jit3A_265, %sign3A_277 : i32
      %sign3A_279 = arith.extui %sign3A_278 : i1 to i32
      %sign3A_280 = arith.subi %sign3A_276, %sign3A_279 : i32
      %ne3A_281 = arith.cmpi ne, %sign3A_273, %sign3A_280 : i32
      %rem3A_282 = arith.remsi %sub3A_264, %jit3A_265 : i32
      %ne3A_283 = arith.constant 0 : i32
      %ne3A_284 = arith.cmpi ne, %rem3A_282, %ne3A_283 : i32
      %and3A_285 = arith.andi %ne3A_281, %ne3A_284 : i1
      %sub3A_286 = arith.constant 1 : i32
      %sub3A_287 = arith.subi %div3A_266, %sub3A_286 : i32
      %select_n3A_288 = arith.select %and3A_285, %sub3A_287, %div3A_266 : i32
      %while3A = arith.constant 0 : i32
      %while3A_289 = arith.constant 0 : i32
      %while3A_290 = arith.subi %select_n3A_288, %while3A_289 : i32
      %while3A_291 = arith.addi %while3A_289, %while3A_290 : i32
      %while3A_292 = arith.constant 1 : i32
      %while3A_293 = arith.divsi %while3A_290, %while3A_292 : i32
      %while3A_294 = arith.muli %while3A_293, %while3A_292 : i32
      %while3A_295 = arith.addi %while3A_289, %while3A_294 : i32
      %while3A_296 = arith.constant 1 : i32
      scf.for %while3A_342 = %while3A_289 to %while3A_295 step %while3A_296  : i32 {
        %add3A_343 = arith.addi %scan3A_140, %while3A_342 : i32
        %jit3A_344 = arith.constant 2 : i32
        %eq3A_345 = arith.constant 0 : i32
        %eq3A_346 = arith.cmpi eq, %jit3A_344, %eq3A_345 : i32
        %jit3A_347 = arith.constant 1 : i32
        %select_n3A_348 = arith.select %eq3A_346, %jit3A_347, %jit3A_344 : i32
        %rem3A_349 = arith.remsi %add3A_343, %select_n3A_348 : i32
        %ne3A_350 = arith.constant 0 : i32
        %ne3A_351 = arith.cmpi ne, %rem3A_349, %ne3A_350 : i32
        %lt3A_352 = arith.constant 0 : i32
        %lt3A_353 = arith.cmpi slt, %rem3A_349, %lt3A_352 : i32
        %lt3A_354 = arith.constant 0 : i32
        %lt3A_355 = arith.cmpi slt, %select_n3A_348, %lt3A_354 : i32
        %ne3A_356 = arith.xori %lt3A_353, %lt3A_355 : i1
        %and3A_357 = arith.andi %ne3A_356, %ne3A_351 : i1
        %add3A_358 = arith.addi %rem3A_349, %select_n3A_348 : i32
        %select_n3A_359 = arith.select %and3A_357, %add3A_358, %rem3A_349 : i32
        %mul3A_360 = arith.constant 576 : i32
        %mul3A_361 = arith.muli %select_n3A_156, %mul3A_360 : i32
        %mul3A_362 = arith.constant 64 : i32
        %mul3A_363 = arith.muli %while3A_342, %mul3A_362 : i32
        %add3A_364 = arith.addi %mul3A_361, %mul3A_363 : i32
        %dma_wait3A = arith.constant 0 : i32
        %dma_wait3A_365 = arith.constant 0 : i32
        %dma_wait3A_366 = tpu.memref_slice %arg9[%select_n3A_359, %dma_wait3A, %dma_wait3A_365] : memref<2x64x128xf32, #tpu.memory_space<vmem>> -> memref<1x64x128xf32, #tpu.memory_space<vmem>>
        %dma_wait3A_367 = tpu.memref_squeeze %dma_wait3A_366 : memref<1x64x128xf32, #tpu.memory_space<vmem>> -> memref<64x128xf32, #tpu.memory_space<vmem>>
        %dma_wait3A_368 = tpu.memref_slice %arg7[%add3A_364] : memref<1152xi32, #tpu.memory_space<vmem>> -> memref<64xi32, #tpu.memory_space<vmem>>
        %dma_wait3A_369 = arith.constant 0 : i32
        %dma_wait3A_370 = arith.constant 0 : i32
        %dma_wait3A_371 = tpu.memref_slice %arg3[%dma_wait3A_369, %dma_wait3A_370] : memref<100016x128xf32, #tpu.memory_space<hbm>> -> memref<100016x128xf32, #tpu.memory_space<hbm>>
        tpu.wait_indirect_dma semaphore(%arg12 : memref<!tpu.dma_semaphore, #tpu.memory_space<semaphore_mem>>) src(%dma_wait3A_371 : memref<100016x128xf32, #tpu.memory_space<hbm>>) dst(%dma_wait3A_367 : memref<64x128xf32, #tpu.memory_space<vmem>>)
        %add3A_372 = arith.constant 1 : i32
        %add3A_373 = arith.addi %while3A_342, %add3A_372 : i32
        %lt3A_374 = arith.cmpi slt, %add3A_373, %select_n3A_288 : i32
        %convert_element_type3A_375 = arith.extui %lt3A_374 : i1 to i32
        %cond3A_376 = arith.constant 0 : i32
        %cond3A_377 = arith.cmpi ne, %convert_element_type3A_375, %cond3A_376 : i32
        scf.if %cond3A_377 {
          %mul3A_421 = arith.constant 576 : i32
          %mul3A_422 = arith.muli %select_n3A_156, %mul3A_421 : i32
          %add3A_423 = arith.constant 1 : i32
          %add3A_424 = arith.addi %while3A_342, %add3A_423 : i32
          %add3A_425 = arith.addi %scan3A_140, %while3A_342 : i32
          %add3A_426 = arith.constant 1 : i32
          %add3A_427 = arith.addi %add3A_425, %add3A_426 : i32
          %jit3A_428 = arith.constant 2 : i32
          %eq3A_429 = arith.constant 0 : i32
          %eq3A_430 = arith.cmpi eq, %jit3A_428, %eq3A_429 : i32
          %jit3A_431 = arith.constant 1 : i32
          %select_n3A_432 = arith.select %eq3A_430, %jit3A_431, %jit3A_428 : i32
          %rem3A_433 = arith.remsi %add3A_427, %select_n3A_432 : i32
          %ne3A_434 = arith.constant 0 : i32
          %ne3A_435 = arith.cmpi ne, %rem3A_433, %ne3A_434 : i32
          %lt3A_436 = arith.constant 0 : i32
          %lt3A_437 = arith.cmpi slt, %rem3A_433, %lt3A_436 : i32
          %lt3A_438 = arith.constant 0 : i32
          %lt3A_439 = arith.cmpi slt, %select_n3A_432, %lt3A_438 : i32
          %ne3A_440 = arith.xori %lt3A_437, %lt3A_439 : i1
          %and3A_441 = arith.andi %ne3A_440, %ne3A_435 : i1
          %add3A_442 = arith.addi %rem3A_433, %select_n3A_432 : i32
          %select_n3A_443 = arith.select %and3A_441, %add3A_442, %rem3A_433 : i32
          %mul3A_444 = arith.constant 64 : i32
          %mul3A_445 = arith.muli %add3A_424, %mul3A_444 : i32
          %add3A_446 = arith.addi %mul3A_422, %mul3A_445 : i32
          %dma_start3A_447 = arith.constant 0 : i32
          %dma_start3A_448 = arith.constant 0 : i32
          %dma_start3A_449 = tpu.memref_slice %arg9[%select_n3A_443, %dma_start3A_447, %dma_start3A_448] : memref<2x64x128xf32, #tpu.memory_space<vmem>> -> memref<1x64x128xf32, #tpu.memory_space<vmem>>
          %dma_start3A_450 = tpu.memref_squeeze %dma_start3A_449 : memref<1x64x128xf32, #tpu.memory_space<vmem>> -> memref<64x128xf32, #tpu.memory_space<vmem>>
          %dma_start3A_451 = tpu.memref_slice %arg7[%add3A_446] : memref<1152xi32, #tpu.memory_space<vmem>> -> memref<64xi32, #tpu.memory_space<vmem>>
          %dma_start3A_452 = arith.constant 0 : i32
          %dma_start3A_453 = arith.constant 0 : i32
          %dma_start3A_454 = tpu.memref_slice %arg3[%dma_start3A_452, %dma_start3A_453] : memref<100016x128xf32, #tpu.memory_space<hbm>> -> memref<100016x128xf32, #tpu.memory_space<hbm>>
          tpu.enqueue_indirect_dma source(%dma_start3A_454 : memref<100016x128xf32, #tpu.memory_space<hbm>>) target(%dma_start3A_450 : memref<64x128xf32, #tpu.memory_space<vmem>>) offsets(%dma_start3A_451 : memref<64xi32, #tpu.memory_space<vmem>>) semaphore(%arg12 : memref<!tpu.dma_semaphore, #tpu.memory_space<semaphore_mem>>)
        } else {
        }
        %add3A_378 = vector.broadcast %select_n3A_359 : i32 to vector<16xi32>
        %add3A_379 = arith.addi %broadcast_in_dim3A_72, %add3A_378 : vector<16xi32>
        %mul3A_380 = arith.constant 64 : i32
        %mul3A_381 = arith.muli %while3A_342, %mul3A_380 : i32
        %sub3A_382 = arith.subi %scan3A_139, %mul3A_381 : i32
        %min3A_383 = arith.constant 64 : i32
        %min3A_384 = arith.minsi %sub3A_382, %min3A_383 : i32
        %add3A_385 = arith.constant 15 : i32
        %add3A_386 = arith.addi %min3A_384, %add3A_385 : i32
        %jit3A_387 = arith.constant 16 : i32
        %div3A_388 = arith.divsi %add3A_386, %jit3A_387 : i32
        %sign3A_389 = arith.constant 0 : i32
        %sign3A_390 = arith.cmpi sgt, %add3A_386, %sign3A_389 : i32
        %sign3A_391 = arith.extui %sign3A_390 : i1 to i32
        %sign3A_392 = arith.constant 0 : i32
        %sign3A_393 = arith.cmpi slt, %add3A_386, %sign3A_392 : i32
        %sign3A_394 = arith.extui %sign3A_393 : i1 to i32
        %sign3A_395 = arith.subi %sign3A_391, %sign3A_394 : i32
        %sign3A_396 = arith.constant 0 : i32
        %sign3A_397 = arith.cmpi sgt, %jit3A_387, %sign3A_396 : i32
        %sign3A_398 = arith.extui %sign3A_397 : i1 to i32
        %sign3A_399 = arith.constant 0 : i32
        %sign3A_400 = arith.cmpi slt, %jit3A_387, %sign3A_399 : i32
        %sign3A_401 = arith.extui %sign3A_400 : i1 to i32
        %sign3A_402 = arith.subi %sign3A_398, %sign3A_401 : i32
        %ne3A_403 = arith.cmpi ne, %sign3A_395, %sign3A_402 : i32
        %rem3A_404 = arith.remsi %add3A_386, %jit3A_387 : i32
        %ne3A_405 = arith.constant 0 : i32
        %ne3A_406 = arith.cmpi ne, %rem3A_404, %ne3A_405 : i32
        %and3A_407 = arith.andi %ne3A_403, %ne3A_406 : i1
        %sub3A_408 = arith.constant 1 : i32
        %sub3A_409 = arith.subi %div3A_388, %sub3A_408 : i32
        %select_n3A_410 = arith.select %and3A_407, %sub3A_409, %div3A_388 : i32
        %while3A_411 = arith.constant 0 : i32
        %while3A_412 = arith.constant 0 : i32
        %while3A_413 = arith.subi %select_n3A_410, %while3A_412 : i32
        %while3A_414 = arith.addi %while3A_412, %while3A_413 : i32
        %while3A_415 = arith.constant 1 : i32
        %while3A_416 = arith.divsi %while3A_413, %while3A_415 : i32
        %while3A_417 = arith.muli %while3A_416, %while3A_415 : i32
        %while3A_418 = arith.addi %while3A_412, %while3A_417 : i32
        %while3A_419 = arith.constant 1 : i32
        scf.for %while3A_421 = %while3A_412 to %while3A_418 step %while3A_419  : i32 {
          %mul3A_422 = arith.constant 16 : i32
          %mul3A_423 = arith.muli %while3A_421, %mul3A_422 : i32
          %add3A_424 = vector.broadcast %mul3A_423 : i32 to vector<16xi32>
          %add3A_425 = arith.addi %add3A_424, %iota3A : vector<16xi32>
          %lt3A_426 = vector.broadcast %sub3A_382 : i32 to vector<16xi32>
          %lt3A_427 = arith.cmpi slt, %add3A_425, %lt3A_426 : vector<16xi32>
          %mul3A_428 = arith.constant 512 : i32
          %mul3A_429 = arith.muli %select_n3A_172, %mul3A_428 : i32
          %mul3A_430 = arith.constant 64 : i32
          %mul3A_431 = arith.muli %while3A_342, %mul3A_430 : i32
          %add3A_432 = arith.addi %mul3A_429, %mul3A_431 : i32
          %mul3A_433 = arith.constant 16 : i32
          %mul3A_434 = arith.muli %while3A_421, %mul3A_433 : i32
          %add3A_435 = arith.addi %add3A_432, %mul3A_434 : i32
          %get3A = arith.index_cast %add3A_435 : i32 to index
          %get3A_436 = tpu.vector_load %arg8[%get3A] {strides = array<i32>} : memref<1536xi32, #tpu.memory_space<vmem>>, vector<16xi32>,
          %jit3A_437 = arith.constant 0 : i32
          %broadcast_in_dim3A_438 = vector.broadcast %jit3A_437 : i32 to vector<16xi32>
          %select_n3A_439 = arith.select %lt3A_427, %get3A_436, %broadcast_in_dim3A_438 : vector<16xi1>, vector<16xi32>
          %mul3A_440 = arith.constant 16 : i32
          %mul3A_441 = arith.muli %while3A_421, %mul3A_440 : i32
          %add3A_442 = vector.broadcast %mul3A_441 : i32 to vector<16xi32>
          %add3A_443 = arith.addi %add3A_442, %iota3A : vector<16xi32>
          %broadcast_in_dim3A_444 = arith.constant 0 : i32
          %broadcast_in_dim3A_445 = vector.broadcast %broadcast_in_dim3A_444 : i32 to vector<16xi32>
          %gather3A = tpu.vector_load_idx %arg9[%add3A_379, %add3A_443, %broadcast_in_dim3A_445] : memref<2x64x128xf32, #tpu.memory_space<vmem>>[vector<16xi32>, vector<16xi32>, vector<16xi32>], vector<16xf32>,
          tpu.vector_store_idx %arg10[%add3A_174, %broadcast_in_dim3A_445, %select_n3A_439], %gather3A masked %lt3A_427 : memref<2x64x512xf32, #tpu.memory_space<vmem>>[vector<16xi32>, vector<16xi32>, vector<16xi32>], vector<16xf32>, vector<16xi1>
          %broadcast_in_dim3A_446 = arith.constant 1 : i32
          %broadcast_in_dim3A_447 = vector.broadcast %broadcast_in_dim3A_446 : i32 to vector<16xi32>
          %gather3A_448 = tpu.vector_load_idx %arg9[%add3A_379, %add3A_443, %broadcast_in_dim3A_447] : memref<2x64x128xf32, #tpu.memory_space<vmem>>[vector<16xi32>, vector<16xi32>, vector<16xi32>], vector<16xf32>,
          tpu.vector_store_idx %arg10[%add3A_174, %broadcast_in_dim3A_447, %select_n3A_439], %gather3A_448 masked %lt3A_427 : memref<2x64x512xf32, #tpu.memory_space<vmem>>[vector<16xi32>, vector<16xi32>, vector<16xi32>], vector<16xf32>, vector<16xi1>
          %broadcast_in_dim3A_449 = arith.constant 2 : i32
          %broadcast_in_dim3A_450 = vector.broadcast %broadcast_in_dim3A_449 : i32 to vector<16xi32>
          %gather3A_451 = tpu.vector_load_idx %arg9[%add3A_379, %add3A_443, %broadcast_in_dim3A_450] : memref<2x64x128xf32, #tpu.memory_space<vmem>>[vector<16xi32>, vector<16xi32>, vector<16xi32>], vector<16xf32>,
          tpu.vector_store_idx %arg10[%add3A_174, %broadcast_in_dim3A_450, %select_n3A_439], %gather3A_451 masked %lt3A_427 : memref<2x64x512xf32, #tpu.memory_space<vmem>>[vector<16xi32>, vector<16xi32>, vector<16xi32>], vector<16xf32>, vector<16xi1>
          %broadcast_in_dim3A_452 = arith.constant 3 : i32
          %broadcast_in_dim3A_453 = vector.broadcast %broadcast_in_dim3A_452 : i32 to vector<16xi32>
          %gather3A_454 = tpu.vector_load_idx %arg9[%add3A_379, %add3A_443, %broadcast_in_dim3A_453] : memref<2x64x128xf32, #tpu.memory_space<vmem>>[vector<16xi32>, vector<16xi32>, vector<16xi32>], vector<16xf32>,
          tpu.vector_store_idx %arg10[%add3A_174, %broadcast_in_dim3A_453, %select_n3A_439], %gather3A_454 masked %lt3A_427 : memref<2x64x512xf32, #tpu.memory_space<vmem>>[vector<16xi32>, vector<16xi32>, vector<16xi32>], vector<16xf32>, vector<16xi1>
          %broadcast_in_dim3A_455 = arith.constant 4 : i32
          %broadcast_in_dim3A_456 = vector.broadcast %broadcast_in_dim3A_455 : i32 to vector<16xi32>
          %gather3A_457 = tpu.vector_load_idx %arg9[%add3A_379, %add3A_443, %broadcast_in_dim3A_456] : memref<2x64x128xf32, #tpu.memory_space<vmem>>[vector<16xi32>, vector<16xi32>, vector<16xi32>], vector<16xf32>,
          tpu.vector_store_idx %arg10[%add3A_174, %broadcast_in_dim3A_456, %select_n3A_439], %gather3A_457 masked %lt3A_427 : memref<2x64x512xf32, #tpu.memory_space<vmem>>[vector<16xi32>, vector<16xi32>, vector<16xi32>], vector<16xf32>, vector<16xi1>
          %broadcast_in_dim3A_458 = arith.constant 5 : i32
          %broadcast_in_dim3A_459 = vector.broadcast %broadcast_in_dim3A_458 : i32 to vector<16xi32>
          %gather3A_460 = tpu.vector_load_idx %arg9[%add3A_379, %add3A_443, %broadcast_in_dim3A_459] : memref<2x64x128xf32, #tpu.memory_space<vmem>>[vector<16xi32>, vector<16xi32>, vector<16xi32>], vector<16xf32>,
          tpu.vector_store_idx %arg10[%add3A_174, %broadcast_in_dim3A_459, %select_n3A_439], %gather3A_460 masked %lt3A_427 : memref<2x64x512xf32, #tpu.memory_space<vmem>>[vector<16xi32>, vector<16xi32>, vector<16xi32>], vector<16xf32>, vector<16xi1>
          %broadcast_in_dim3A_461 = arith.constant 6 : i32
          %broadcast_in_dim3A_462 = vector.broadcast %broadcast_in_dim3A_461 : i32 to vector<16xi32>
          %gather3A_463 = tpu.vector_load_idx %arg9[%add3A_379, %add3A_443, %broadcast_in_dim3A_462] : memref<2x64x128xf32, #tpu.memory_space<vmem>>[vector<16xi32>, vector<16xi32>, vector<16xi32>], vector<16xf32>,
          tpu.vector_store_idx %arg10[%add3A_174, %broadcast_in_dim3A_462, %select_n3A_439], %gather3A_463 masked %lt3A_427 : memref<2x64x512xf32, #tpu.memory_space<vmem>>[vector<16xi32>, vector<16xi32>, vector<16xi32>], vector<16xf32>, vector<16xi1>
          %broadcast_in_dim3A_464 = arith.constant 7 : i32
          %broadcast_in_dim3A_465 = vector.broadcast %broadcast_in_dim3A_464 : i32 to vector<16xi32>
          %gather3A_466 = tpu.vector_load_idx %arg9[%add3A_379, %add3A_443, %broadcast_in_dim3A_465] : memref<2x64x128xf32, #tpu.memory_space<vmem>>[vector<16xi32>, vector<16xi32>, vector<16xi32>], vector<16xf32>,
          tpu.vector_store_idx %arg10[%add3A_174, %broadcast_in_dim3A_465, %select_n3A_439], %gather3A_466 masked %lt3A_427 : memref<2x64x512xf32, #tpu.memory_space<vmem>>[vector<16xi32>, vector<16xi32>, vector<16xi32>], vector<16xf32>, vector<16xi1>
          %broadcast_in_dim3A_467 = arith.constant 8 : i32
          %broadcast_in_dim3A_468 = vector.broadcast %broadcast_in_dim3A_467 : i32 to vector<16xi32>
          %gather3A_469 = tpu.vector_load_idx %arg9[%add3A_379, %add3A_443, %broadcast_in_dim3A_468] : memref<2x64x128xf32, #tpu.memory_space<vmem>>[vector<16xi32>, vector<16xi32>, vector<16xi32>], vector<16xf32>,
          tpu.vector_store_idx %arg10[%add3A_174, %broadcast_in_dim3A_468, %select_n3A_439], %gather3A_469 masked %lt3A_427 : memref<2x64x512xf32, #tpu.memory_space<vmem>>[vector<16xi32>, vector<16xi32>, vector<16xi32>], vector<16xf32>, vector<16xi1>
          %broadcast_in_dim3A_470 = arith.constant 9 : i32
          %broadcast_in_dim3A_471 = vector.broadcast %broadcast_in_dim3A_470 : i32 to vector<16xi32>
          %gather3A_472 = tpu.vector_load_idx %arg9[%add3A_379, %add3A_443, %broadcast_in_dim3A_471] : memref<2x64x128xf32, #tpu.memory_space<vmem>>[vector<16xi32>, vector<16xi32>, vector<16xi32>], vector<16xf32>,
          tpu.vector_store_idx %arg10[%add3A_174, %broadcast_in_dim3A_471, %select_n3A_439], %gather3A_472 masked %lt3A_427 : memref<2x64x512xf32, #tpu.memory_space<vmem>>[vector<16xi32>, vector<16xi32>, vector<16xi32>], vector<16xf32>, vector<16xi1>
          %broadcast_in_dim3A_473 = arith.constant 10 : i32
          %broadcast_in_dim3A_474 = vector.broadcast %broadcast_in_dim3A_473 : i32 to vector<16xi32>
          %gather3A_475 = tpu.vector_load_idx %arg9[%add3A_379, %add3A_443, %broadcast_in_dim3A_474] : memref<2x64x128xf32, #tpu.memory_space<vmem>>[vector<16xi32>, vector<16xi32>, vector<16xi32>], vector<16xf32>,
          tpu.vector_store_idx %arg10[%add3A_174, %broadcast_in_dim3A_474, %select_n3A_439], %gather3A_475 masked %lt3A_427 : memref<2x64x512xf32, #tpu.memory_space<vmem>>[vector<16xi32>, vector<16xi32>, vector<16xi32>], vector<16xf32>, vector<16xi1>
          %broadcast_in_dim3A_476 = arith.constant 11 : i32
          %broadcast_in_dim3A_477 = vector.broadcast %broadcast_in_dim3A_476 : i32 to vector<16xi32>
          %gather3A_478 = tpu.vector_load_idx %arg9[%add3A_379, %add3A_443, %broadcast_in_dim3A_477] : memref<2x64x128xf32, #tpu.memory_space<vmem>>[vector<16xi32>, vector<16xi32>, vector<16xi32>], vector<16xf32>,
          tpu.vector_store_idx %arg10[%add3A_174, %broadcast_in_dim3A_477, %select_n3A_439], %gather3A_478 masked %lt3A_427 : memref<2x64x512xf32, #tpu.memory_space<vmem>>[vector<16xi32>, vector<16xi32>, vector<16xi32>], vector<16xf32>, vector<16xi1>
          %broadcast_in_dim3A_479 = arith.constant 12 : i32
          %broadcast_in_dim3A_480 = vector.broadcast %broadcast_in_dim3A_479 : i32 to vector<16xi32>
          %gather3A_481 = tpu.vector_load_idx %arg9[%add3A_379, %add3A_443, %broadcast_in_dim3A_480] : memref<2x64x128xf32, #tpu.memory_space<vmem>>[vector<16xi32>, vector<16xi32>, vector<16xi32>], vector<16xf32>,
          tpu.vector_store_idx %arg10[%add3A_174, %broadcast_in_dim3A_480, %select_n3A_439], %gather3A_481 masked %lt3A_427 : memref<2x64x512xf32, #tpu.memory_space<vmem>>[vector<16xi32>, vector<16xi32>, vector<16xi32>], vector<16xf32>, vector<16xi1>
          %broadcast_in_dim3A_482 = arith.constant 13 : i32
          %broadcast_in_dim3A_483 = vector.broadcast %broadcast_in_dim3A_482 : i32 to vector<16xi32>
          %gather3A_484 = tpu.vector_load_idx %arg9[%add3A_379, %add3A_443, %broadcast_in_dim3A_483] : memref<2x64x128xf32, #tpu.memory_space<vmem>>[vector<16xi32>, vector<16xi32>, vector<16xi32>], vector<16xf32>,
          tpu.vector_store_idx %arg10[%add3A_174, %broadcast_in_dim3A_483, %select_n3A_439], %gather3A_484 masked %lt3A_427 : memref<2x64x512xf32, #tpu.memory_space<vmem>>[vector<16xi32>, vector<16xi32>, vector<16xi32>], vector<16xf32>, vector<16xi1>
          %broadcast_in_dim3A_485 = arith.constant 14 : i32
          %broadcast_in_dim3A_486 = vector.broadcast %broadcast_in_dim3A_485 : i32 to vector<16xi32>
          %gather3A_487 = tpu.vector_load_idx %arg9[%add3A_379, %add3A_443, %broadcast_in_dim3A_486] : memref<2x64x128xf32, #tpu.memory_space<vmem>>[vector<16xi32>, vector<16xi32>, vector<16xi32>], vector<16xf32>,
          tpu.vector_store_idx %arg10[%add3A_174, %broadcast_in_dim3A_486, %select_n3A_439], %gather3A_487 masked %lt3A_427 : memref<2x64x512xf32, #tpu.memory_space<vmem>>[vector<16xi32>, vector<16xi32>, vector<16xi32>], vector<16xf32>, vector<16xi1>
          %broadcast_in_dim3A_488 = arith.constant 15 : i32
          %broadcast_in_dim3A_489 = vector.broadcast %broadcast_in_dim3A_488 : i32 to vector<16xi32>
          %gather3A_490 = tpu.vector_load_idx %arg9[%add3A_379, %add3A_443, %broadcast_in_dim3A_489] : memref<2x64x128xf32, #tpu.memory_space<vmem>>[vector<16xi32>, vector<16xi32>, vector<16xi32>], vector<16xf32>,
          tpu.vector_store_idx %arg10[%add3A_174, %broadcast_in_dim3A_489, %select_n3A_439], %gather3A_490 masked %lt3A_427 : memref<2x64x512xf32, #tpu.memory_space<vmem>>[vector<16xi32>, vector<16xi32>, vector<16xi32>], vector<16xf32>, vector<16xi1>
          %broadcast_in_dim3A_491 = arith.constant 16 : i32
          %broadcast_in_dim3A_492 = vector.broadcast %broadcast_in_dim3A_491 : i32 to vector<16xi32>
          %gather3A_493 = tpu.vector_load_idx %arg9[%add3A_379, %add3A_443, %broadcast_in_dim3A_492] : memref<2x64x128xf32, #tpu.memory_space<vmem>>[vector<16xi32>, vector<16xi32>, vector<16xi32>], vector<16xf32>,
          tpu.vector_store_idx %arg10[%add3A_174, %broadcast_in_dim3A_492, %select_n3A_439], %gather3A_493 masked %lt3A_427 : memref<2x64x512xf32, #tpu.memory_space<vmem>>[vector<16xi32>, vector<16xi32>, vector<16xi32>], vector<16xf32>, vector<16xi1>
          %broadcast_in_dim3A_494 = arith.constant 17 : i32
          %broadcast_in_dim3A_495 = vector.broadcast %broadcast_in_dim3A_494 : i32 to vector<16xi32>
          %gather3A_496 = tpu.vector_load_idx %arg9[%add3A_379, %add3A_443, %broadcast_in_dim3A_495] : memref<2x64x128xf32, #tpu.memory_space<vmem>>[vector<16xi32>, vector<16xi32>, vector<16xi32>], vector<16xf32>,
          tpu.vector_store_idx %arg10[%add3A_174, %broadcast_in_dim3A_495, %select_n3A_439], %gather3A_496 masked %lt3A_427 : memref<2x64x512xf32, #tpu.memory_space<vmem>>[vector<16xi32>, vector<16xi32>, vector<16xi32>], vector<16xf32>, vector<16xi1>
          %broadcast_in_dim3A_497 = arith.constant 18 : i32
          %broadcast_in_dim3A_498 = vector.broadcast %broadcast_in_dim3A_497 : i32 to vector<16xi32>
          %gather3A_499 = tpu.vector_load_idx %arg9[%add3A_379, %add3A_443, %broadcast_in_dim3A_498] : memref<2x64x128xf32, #tpu.memory_space<vmem>>[vector<16xi32>, vector<16xi32>, vector<16xi32>], vector<16xf32>,
          tpu.vector_store_idx %arg10[%add3A_174, %broadcast_in_dim3A_498, %select_n3A_439], %gather3A_499 masked %lt3A_427 : memref<2x64x512xf32, #tpu.memory_space<vmem>>[vector<16xi32>, vector<16xi32>, vector<16xi32>], vector<16xf32>, vector<16xi1>
          %broadcast_in_dim3A_500 = arith.constant 19 : i32
          %broadcast_in_dim3A_501 = vector.broadcast %broadcast_in_dim3A_500 : i32 to vector<16xi32>
          %gather3A_502 = tpu.vector_load_idx %arg9[%add3A_379, %add3A_443, %broadcast_in_dim3A_501] : memref<2x64x128xf32, #tpu.memory_space<vmem>>[vector<16xi32>, vector<16xi32>, vector<16xi32>], vector<16xf32>,
          tpu.vector_store_idx %arg10[%add3A_174, %broadcast_in_dim3A_501, %select_n3A_439], %gather3A_502 masked %lt3A_427 : memref<2x64x512xf32, #tpu.memory_space<vmem>>[vector<16xi32>, vector<16xi32>, vector<16xi32>], vector<16xf32>, vector<16xi1>
          %broadcast_in_dim3A_503 = arith.constant 20 : i32
          %broadcast_in_dim3A_504 = vector.broadcast %broadcast_in_dim3A_503 : i32 to vector<16xi32>
          %gather3A_505 = tpu.vector_load_idx %arg9[%add3A_379, %add3A_443, %broadcast_in_dim3A_504] : memref<2x64x128xf32, #tpu.memory_space<vmem>>[vector<16xi32>, vector<16xi32>, vector<16xi32>], vector<16xf32>,
          tpu.vector_store_idx %arg10[%add3A_174, %broadcast_in_dim3A_504, %select_n3A_439], %gather3A_505 masked %lt3A_427 : memref<2x64x512xf32, #tpu.memory_space<vmem>>[vector<16xi32>, vector<16xi32>, vector<16xi32>], vector<16xf32>, vector<16xi1>
          %broadcast_in_dim3A_506 = arith.constant 21 : i32
          %broadcast_in_dim3A_507 = vector.broadcast %broadcast_in_dim3A_506 : i32 to vector<16xi32>
          %gather3A_508 = tpu.vector_load_idx %arg9[%add3A_379, %add3A_443, %broadcast_in_dim3A_507] : memref<2x64x128xf32, #tpu.memory_space<vmem>>[vector<16xi32>, vector<16xi32>, vector<16xi32>], vector<16xf32>,
          tpu.vector_store_idx %arg10[%add3A_174, %broadcast_in_dim3A_507, %select_n3A_439], %gather3A_508 masked %lt3A_427 : memref<2x64x512xf32, #tpu.memory_space<vmem>>[vector<16xi32>, vector<16xi32>, vector<16xi32>], vector<16xf32>, vector<16xi1>
          %broadcast_in_dim3A_509 = arith.constant 22 : i32
          %broadcast_in_dim3A_510 = vector.broadcast %broadcast_in_dim3A_509 : i32 to vector<16xi32>
          %gather3A_511 = tpu.vector_load_idx %arg9[%add3A_379, %add3A_443, %broadcast_in_dim3A_510] : memref<2x64x128xf32, #tpu.memory_space<vmem>>[vector<16xi32>, vector<16xi32>, vector<16xi32>], vector<16xf32>,
          tpu.vector_store_idx %arg10[%add3A_174, %broadcast_in_dim3A_510, %select_n3A_439], %gather3A_511 masked %lt3A_427 : memref<2x64x512xf32, #tpu.memory_space<vmem>>[vector<16xi32>, vector<16xi32>, vector<16xi32>], vector<16xf32>, vector<16xi1>
          %broadcast_in_dim3A_512 = arith.constant 23 : i32
          %broadcast_in_dim3A_513 = vector.broadcast %broadcast_in_dim3A_512 : i32 to vector<16xi32>
          %gather3A_514 = tpu.vector_load_idx %arg9[%add3A_379, %add3A_443, %broadcast_in_dim3A_513] : memref<2x64x128xf32, #tpu.memory_space<vmem>>[vector<16xi32>, vector<16xi32>, vector<16xi32>], vector<16xf32>,
          tpu.vector_store_idx %arg10[%add3A_174, %broadcast_in_dim3A_513, %select_n3A_439], %gather3A_514 masked %lt3A_427 : memref<2x64x512xf32, #tpu.memory_space<vmem>>[vector<16xi32>, vector<16xi32>, vector<16xi32>], vector<16xf32>, vector<16xi1>
          %broadcast_in_dim3A_515 = arith.constant 24 : i32
          %broadcast_in_dim3A_516 = vector.broadcast %broadcast_in_dim3A_515 : i32 to vector<16xi32>
          %gather3A_517 = tpu.vector_load_idx %arg9[%add3A_379, %add3A_443, %broadcast_in_dim3A_516] : memref<2x64x128xf32, #tpu.memory_space<vmem>>[vector<16xi32>, vector<16xi32>, vector<16xi32>], vector<16xf32>,
          tpu.vector_store_idx %arg10[%add3A_174, %broadcast_in_dim3A_516, %select_n3A_439], %gather3A_517 masked %lt3A_427 : memref<2x64x512xf32, #tpu.memory_space<vmem>>[vector<16xi32>, vector<16xi32>, vector<16xi32>], vector<16xf32>, vector<16xi1>
          %broadcast_in_dim3A_518 = arith.constant 25 : i32
          %broadcast_in_dim3A_519 = vector.broadcast %broadcast_in_dim3A_518 : i32 to vector<16xi32>
          %gather3A_520 = tpu.vector_load_idx %arg9[%add3A_379, %add3A_443, %broadcast_in_dim3A_519] : memref<2x64x128xf32, #tpu.memory_space<vmem>>[vector<16xi32>, vector<16xi32>, vector<16xi32>], vector<16xf32>,
          tpu.vector_store_idx %arg10[%add3A_174, %broadcast_in_dim3A_519, %select_n3A_439], %gather3A_520 masked %lt3A_427 : memref<2x64x512xf32, #tpu.memory_space<vmem>>[vector<16xi32>, vector<16xi32>, vector<16xi32>], vector<16xf32>, vector<16xi1>
          %broadcast_in_dim3A_521 = arith.constant 26 : i32
          %broadcast_in_dim3A_522 = vector.broadcast %broadcast_in_dim3A_521 : i32 to vector<16xi32>
          %gather3A_523 = tpu.vector_load_idx %arg9[%add3A_379, %add3A_443, %broadcast_in_dim3A_522] : memref<2x64x128xf32, #tpu.memory_space<vmem>>[vector<16xi32>, vector<16xi32>, vector<16xi32>], vector<16xf32>,
          tpu.vector_store_idx %arg10[%add3A_174, %broadcast_in_dim3A_522, %select_n3A_439], %gather3A_523 masked %lt3A_427 : memref<2x64x512xf32, #tpu.memory_space<vmem>>[vector<16xi32>, vector<16xi32>, vector<16xi32>], vector<16xf32>, vector<16xi1>
          %broadcast_in_dim3A_524 = arith.constant 27 : i32
          %broadcast_in_dim3A_525 = vector.broadcast %broadcast_in_dim3A_524 : i32 to vector<16xi32>
          %gather3A_526 = tpu.vector_load_idx %arg9[%add3A_379, %add3A_443, %broadcast_in_dim3A_525] : memref<2x64x128xf32, #tpu.memory_space<vmem>>[vector<16xi32>, vector<16xi32>, vector<16xi32>], vector<16xf32>,
          tpu.vector_store_idx %arg10[%add3A_174, %broadcast_in_dim3A_525, %select_n3A_439], %gather3A_526 masked %lt3A_427 : memref<2x64x512xf32, #tpu.memory_space<vmem>>[vector<16xi32>, vector<16xi32>, vector<16xi32>], vector<16xf32>, vector<16xi1>
          %broadcast_in_dim3A_527 = arith.constant 28 : i32
          %broadcast_in_dim3A_528 = vector.broadcast %broadcast_in_dim3A_527 : i32 to vector<16xi32>
          %gather3A_529 = tpu.vector_load_idx %arg9[%add3A_379, %add3A_443, %broadcast_in_dim3A_528] : memref<2x64x128xf32, #tpu.memory_space<vmem>>[vector<16xi32>, vector<16xi32>, vector<16xi32>], vector<16xf32>,
          tpu.vector_store_idx %arg10[%add3A_174, %broadcast_in_dim3A_528, %select_n3A_439], %gather3A_529 masked %lt3A_427 : memref<2x64x512xf32, #tpu.memory_space<vmem>>[vector<16xi32>, vector<16xi32>, vector<16xi32>], vector<16xf32>, vector<16xi1>
          %broadcast_in_dim3A_530 = arith.constant 29 : i32
          %broadcast_in_dim3A_531 = vector.broadcast %broadcast_in_dim3A_530 : i32 to vector<16xi32>
          %gather3A_532 = tpu.vector_load_idx %arg9[%add3A_379, %add3A_443, %broadcast_in_dim3A_531] : memref<2x64x128xf32, #tpu.memory_space<vmem>>[vector<16xi32>, vector<16xi32>, vector<16xi32>], vector<16xf32>,
          tpu.vector_store_idx %arg10[%add3A_174, %broadcast_in_dim3A_531, %select_n3A_439], %gather3A_532 masked %lt3A_427 : memref<2x64x512xf32, #tpu.memory_space<vmem>>[vector<16xi32>, vector<16xi32>, vector<16xi32>], vector<16xf32>, vector<16xi1>
          %broadcast_in_dim3A_533 = arith.constant 30 : i32
          %broadcast_in_dim3A_534 = vector.broadcast %broadcast_in_dim3A_533 : i32 to vector<16xi32>
          %gather3A_535 = tpu.vector_load_idx %arg9[%add3A_379, %add3A_443, %broadcast_in_dim3A_534] : memref<2x64x128xf32, #tpu.memory_space<vmem>>[vector<16xi32>, vector<16xi32>, vector<16xi32>], vector<16xf32>,
          tpu.vector_store_idx %arg10[%add3A_174, %broadcast_in_dim3A_534, %select_n3A_439], %gather3A_535 masked %lt3A_427 : memref<2x64x512xf32, #tpu.memory_space<vmem>>[vector<16xi32>, vector<16xi32>, vector<16xi32>], vector<16xf32>, vector<16xi1>
          %broadcast_in_dim3A_536 = arith.constant 31 : i32
          %broadcast_in_dim3A_537 = vector.broadcast %broadcast_in_dim3A_536 : i32 to vector<16xi32>
          %gather3A_538 = tpu.vector_load_idx %arg9[%add3A_379, %add3A_443, %broadcast_in_dim3A_537] : memref<2x64x128xf32, #tpu.memory_space<vmem>>[vector<16xi32>, vector<16xi32>, vector<16xi32>], vector<16xf32>,
          tpu.vector_store_idx %arg10[%add3A_174, %broadcast_in_dim3A_537, %select_n3A_439], %gather3A_538 masked %lt3A_427 : memref<2x64x512xf32, #tpu.memory_space<vmem>>[vector<16xi32>, vector<16xi32>, vector<16xi32>], vector<16xf32>, vector<16xi1>
          %broadcast_in_dim3A_539 = arith.constant 32 : i32
          %broadcast_in_dim3A_540 = vector.broadcast %broadcast_in_dim3A_539 : i32 to vector<16xi32>
          %gather3A_541 = tpu.vector_load_idx %arg9[%add3A_379, %add3A_443, %broadcast_in_dim3A_540] : memref<2x64x128xf32, #tpu.memory_space<vmem>>[vector<16xi32>, vector<16xi32>, vector<16xi32>], vector<16xf32>,
          tpu.vector_store_idx %arg10[%add3A_174, %broadcast_in_dim3A_540, %select_n3A_439], %gather3A_541 masked %lt3A_427 : memref<2x64x512xf32, #tpu.memory_space<vmem>>[vector<16xi32>, vector<16xi32>, vector<16xi32>], vector<16xf32>, vector<16xi1>
          %broadcast_in_dim3A_542 = arith.constant 33 : i32
          %broadcast_in_dim3A_543 = vector.broadcast %broadcast_in_dim3A_542 : i32 to vector<16xi32>
          %gather3A_544 = tpu.vector_load_idx %arg9[%add3A_379, %add3A_443, %broadcast_in_dim3A_543] : memref<2x64x128xf32, #tpu.memory_space<vmem>>[vector<16xi32>, vector<16xi32>, vector<16xi32>], vector<16xf32>,
          tpu.vector_store_idx %arg10[%add3A_174, %broadcast_in_dim3A_543, %select_n3A_439], %gather3A_544 masked %lt3A_427 : memref<2x64x512xf32, #tpu.memory_space<vmem>>[vector<16xi32>, vector<16xi32>, vector<16xi32>], vector<16xf32>, vector<16xi1>
          %broadcast_in_dim3A_545 = arith.constant 34 : i32
          %broadcast_in_dim3A_546 = vector.broadcast %broadcast_in_dim3A_545 : i32 to vector<16xi32>
          %gather3A_547 = tpu.vector_load_idx %arg9[%add3A_379, %add3A_443, %broadcast_in_dim3A_546] : memref<2x64x128xf32, #tpu.memory_space<vmem>>[vector<16xi32>, vector<16xi32>, vector<16xi32>], vector<16xf32>,
          tpu.vector_store_idx %arg10[%add3A_174, %broadcast_in_dim3A_546, %select_n3A_439], %gather3A_547 masked %lt3A_427 : memref<2x64x512xf32, #tpu.memory_space<vmem>>[vector<16xi32>, vector<16xi32>, vector<16xi32>], vector<16xf32>, vector<16xi1>
          %broadcast_in_dim3A_548 = arith.constant 35 : i32
          %broadcast_in_dim3A_549 = vector.broadcast %broadcast_in_dim3A_548 : i32 to vector<16xi32>
          %gather3A_550 = tpu.vector_load_idx %arg9[%add3A_379, %add3A_443, %broadcast_in_dim3A_549] : memref<2x64x128xf32, #tpu.memory_space<vmem>>[vector<16xi32>, vector<16xi32>, vector<16xi32>], vector<16xf32>,
          tpu.vector_store_idx %arg10[%add3A_174, %broadcast_in_dim3A_549, %select_n3A_439], %gather3A_550 masked %lt3A_427 : memref<2x64x512xf32, #tpu.memory_space<vmem>>[vector<16xi32>, vector<16xi32>, vector<16xi32>], vector<16xf32>, vector<16xi1>
          %broadcast_in_dim3A_551 = arith.constant 36 : i32
          %broadcast_in_dim3A_552 = vector.broadcast %broadcast_in_dim3A_551 : i32 to vector<16xi32>
          %gather3A_553 = tpu.vector_load_idx %arg9[%add3A_379, %add3A_443, %broadcast_in_dim3A_552] : memref<2x64x128xf32, #tpu.memory_space<vmem>>[vector<16xi32>, vector<16xi32>, vector<16xi32>], vector<16xf32>,
          tpu.vector_store_idx %arg10[%add3A_174, %broadcast_in_dim3A_552, %select_n3A_439], %gather3A_553 masked %lt3A_427 : memref<2x64x512xf32, #tpu.memory_space<vmem>>[vector<16xi32>, vector<16xi32>, vector<16xi32>], vector<16xf32>, vector<16xi1>
          %broadcast_in_dim3A_554 = arith.constant 37 : i32
          %broadcast_in_dim3A_555 = vector.broadcast %broadcast_in_dim3A_554 : i32 to vector<16xi32>
          %gather3A_556 = tpu.vector_load_idx %arg9[%add3A_379, %add3A_443, %broadcast_in_dim3A_555] : memref<2x64x128xf32, #tpu.memory_space<vmem>>[vector<16xi32>, vector<16xi32>, vector<16xi32>], vector<16xf32>,
          tpu.vector_store_idx %arg10[%add3A_174, %broadcast_in_dim3A_555, %select_n3A_439], %gather3A_556 masked %lt3A_427 : memref<2x64x512xf32, #tpu.memory_space<vmem>>[vector<16xi32>, vector<16xi32>, vector<16xi32>], vector<16xf32>, vector<16xi1>
          %broadcast_in_dim3A_557 = arith.constant 38 : i32
          %broadcast_in_dim3A_558 = vector.broadcast %broadcast_in_dim3A_557 : i32 to vector<16xi32>
          %gather3A_559 = tpu.vector_load_idx %arg9[%add3A_379, %add3A_443, %broadcast_in_dim3A_558] : memref<2x64x128xf32, #tpu.memory_space<vmem>>[vector<16xi32>, vector<16xi32>, vector<16xi32>], vector<16xf32>,
          tpu.vector_store_idx %arg10[%add3A_174, %broadcast_in_dim3A_558, %select_n3A_439], %gather3A_559 masked %lt3A_427 : memref<2x64x512xf32, #tpu.memory_space<vmem>>[vector<16xi32>, vector<16xi32>, vector<16xi32>], vector<16xf32>, vector<16xi1>
          %broadcast_in_dim3A_560 = arith.constant 39 : i32
          %broadcast_in_dim3A_561 = vector.broadcast %broadcast_in_dim3A_560 : i32 to vector<16xi32>
          %gather3A_562 = tpu.vector_load_idx %arg9[%add3A_379, %add3A_443, %broadcast_in_dim3A_561] : memref<2x64x128xf32, #tpu.memory_space<vmem>>[vector<16xi32>, vector<16xi32>, vector<16xi32>], vector<16xf32>,
          tpu.vector_store_idx %arg10[%add3A_174, %broadcast_in_dim3A_561, %select_n3A_439], %gather3A_562 masked %lt3A_427 : memref<2x64x512xf32, #tpu.memory_space<vmem>>[vector<16xi32>, vector<16xi32>, vector<16xi32>], vector<16xf32>, vector<16xi1>
          %broadcast_in_dim3A_563 = arith.constant 40 : i32
          %broadcast_in_dim3A_564 = vector.broadcast %broadcast_in_dim3A_563 : i32 to vector<16xi32>
          %gather3A_565 = tpu.vector_load_idx %arg9[%add3A_379, %add3A_443, %broadcast_in_dim3A_564] : memref<2x64x128xf32, #tpu.memory_space<vmem>>[vector<16xi32>, vector<16xi32>, vector<16xi32>], vector<16xf32>,
          tpu.vector_store_idx %arg10[%add3A_174, %broadcast_in_dim3A_564, %select_n3A_439], %gather3A_565 masked %lt3A_427 : memref<2x64x512xf32, #tpu.memory_space<vmem>>[vector<16xi32>, vector<16xi32>, vector<16xi32>], vector<16xf32>, vector<16xi1>
          %broadcast_in_dim3A_566 = arith.constant 41 : i32
          %broadcast_in_dim3A_567 = vector.broadcast %broadcast_in_dim3A_566 : i32 to vector<16xi32>
          %gather3A_568 = tpu.vector_load_idx %arg9[%add3A_379, %add3A_443, %broadcast_in_dim3A_567] : memref<2x64x128xf32, #tpu.memory_space<vmem>>[vector<16xi32>, vector<16xi32>, vector<16xi32>], vector<16xf32>,
          tpu.vector_store_idx %arg10[%add3A_174, %broadcast_in_dim3A_567, %select_n3A_439], %gather3A_568 masked %lt3A_427 : memref<2x64x512xf32, #tpu.memory_space<vmem>>[vector<16xi32>, vector<16xi32>, vector<16xi32>], vector<16xf32>, vector<16xi1>
          %broadcast_in_dim3A_569 = arith.constant 42 : i32
          %broadcast_in_dim3A_570 = vector.broadcast %broadcast_in_dim3A_569 : i32 to vector<16xi32>
          %gather3A_571 = tpu.vector_load_idx %arg9[%add3A_379, %add3A_443, %broadcast_in_dim3A_570] : memref<2x64x128xf32, #tpu.memory_space<vmem>>[vector<16xi32>, vector<16xi32>, vector<16xi32>], vector<16xf32>,
          tpu.vector_store_idx %arg10[%add3A_174, %broadcast_in_dim3A_570, %select_n3A_439], %gather3A_571 masked %lt3A_427 : memref<2x64x512xf32, #tpu.memory_space<vmem>>[vector<16xi32>, vector<16xi32>, vector<16xi32>], vector<16xf32>, vector<16xi1>
          %broadcast_in_dim3A_572 = arith.constant 43 : i32
          %broadcast_in_dim3A_573 = vector.broadcast %broadcast_in_dim3A_572 : i32 to vector<16xi32>
          %gather3A_574 = tpu.vector_load_idx %arg9[%add3A_379, %add3A_443, %broadcast_in_dim3A_573] : memref<2x64x128xf32, #tpu.memory_space<vmem>>[vector<16xi32>, vector<16xi32>, vector<16xi32>], vector<16xf32>,
          tpu.vector_store_idx %arg10[%add3A_174, %broadcast_in_dim3A_573, %select_n3A_439], %gather3A_574 masked %lt3A_427 : memref<2x64x512xf32, #tpu.memory_space<vmem>>[vector<16xi32>, vector<16xi32>, vector<16xi32>], vector<16xf32>, vector<16xi1>
          %broadcast_in_dim3A_575 = arith.constant 44 : i32
          %broadcast_in_dim3A_576 = vector.broadcast %broadcast_in_dim3A_575 : i32 to vector<16xi32>
          %gather3A_577 = tpu.vector_load_idx %arg9[%add3A_379, %add3A_443, %broadcast_in_dim3A_576] : memref<2x64x128xf32, #tpu.memory_space<vmem>>[vector<16xi32>, vector<16xi32>, vector<16xi32>], vector<16xf32>,
          tpu.vector_store_idx %arg10[%add3A_174, %broadcast_in_dim3A_576, %select_n3A_439], %gather3A_577 masked %lt3A_427 : memref<2x64x512xf32, #tpu.memory_space<vmem>>[vector<16xi32>, vector<16xi32>, vector<16xi32>], vector<16xf32>, vector<16xi1>
          %broadcast_in_dim3A_578 = arith.constant 45 : i32
          %broadcast_in_dim3A_579 = vector.broadcast %broadcast_in_dim3A_578 : i32 to vector<16xi32>
          %gather3A_580 = tpu.vector_load_idx %arg9[%add3A_379, %add3A_443, %broadcast_in_dim3A_579] : memref<2x64x128xf32, #tpu.memory_space<vmem>>[vector<16xi32>, vector<16xi32>, vector<16xi32>], vector<16xf32>,
          tpu.vector_store_idx %arg10[%add3A_174, %broadcast_in_dim3A_579, %select_n3A_439], %gather3A_580 masked %lt3A_427 : memref<2x64x512xf32, #tpu.memory_space<vmem>>[vector<16xi32>, vector<16xi32>, vector<16xi32>], vector<16xf32>, vector<16xi1>
          %broadcast_in_dim3A_581 = arith.constant 46 : i32
          %broadcast_in_dim3A_582 = vector.broadcast %broadcast_in_dim3A_581 : i32 to vector<16xi32>
          %gather3A_583 = tpu.vector_load_idx %arg9[%add3A_379, %add3A_443, %broadcast_in_dim3A_582] : memref<2x64x128xf32, #tpu.memory_space<vmem>>[vector<16xi32>, vector<16xi32>, vector<16xi32>], vector<16xf32>,
          tpu.vector_store_idx %arg10[%add3A_174, %broadcast_in_dim3A_582, %select_n3A_439], %gather3A_583 masked %lt3A_427 : memref<2x64x512xf32, #tpu.memory_space<vmem>>[vector<16xi32>, vector<16xi32>, vector<16xi32>], vector<16xf32>, vector<16xi1>
          %broadcast_in_dim3A_584 = arith.constant 47 : i32
          %broadcast_in_dim3A_585 = vector.broadcast %broadcast_in_dim3A_584 : i32 to vector<16xi32>
          %gather3A_586 = tpu.vector_load_idx %arg9[%add3A_379, %add3A_443, %broadcast_in_dim3A_585] : memref<2x64x128xf32, #tpu.memory_space<vmem>>[vector<16xi32>, vector<16xi32>, vector<16xi32>], vector<16xf32>,
          tpu.vector_store_idx %arg10[%add3A_174, %broadcast_in_dim3A_585, %select_n3A_439], %gather3A_586 masked %lt3A_427 : memref<2x64x512xf32, #tpu.memory_space<vmem>>[vector<16xi32>, vector<16xi32>, vector<16xi32>], vector<16xf32>, vector<16xi1>
          %broadcast_in_dim3A_587 = arith.constant 48 : i32
          %broadcast_in_dim3A_588 = vector.broadcast %broadcast_in_dim3A_587 : i32 to vector<16xi32>
          %gather3A_589 = tpu.vector_load_idx %arg9[%add3A_379, %add3A_443, %broadcast_in_dim3A_588] : memref<2x64x128xf32, #tpu.memory_space<vmem>>[vector<16xi32>, vector<16xi32>, vector<16xi32>], vector<16xf32>,
          tpu.vector_store_idx %arg10[%add3A_174, %broadcast_in_dim3A_588, %select_n3A_439], %gather3A_589 masked %lt3A_427 : memref<2x64x512xf32, #tpu.memory_space<vmem>>[vector<16xi32>, vector<16xi32>, vector<16xi32>], vector<16xf32>, vector<16xi1>
          %broadcast_in_dim3A_590 = arith.constant 49 : i32
          %broadcast_in_dim3A_591 = vector.broadcast %broadcast_in_dim3A_590 : i32 to vector<16xi32>
          %gather3A_592 = tpu.vector_load_idx %arg9[%add3A_379, %add3A_443, %broadcast_in_dim3A_591] : memref<2x64x128xf32, #tpu.memory_space<vmem>>[vector<16xi32>, vector<16xi32>, vector<16xi32>], vector<16xf32>,
          tpu.vector_store_idx %arg10[%add3A_174, %broadcast_in_dim3A_591, %select_n3A_439], %gather3A_592 masked %lt3A_427 : memref<2x64x512xf32, #tpu.memory_space<vmem>>[vector<16xi32>, vector<16xi32>, vector<16xi32>], vector<16xf32>, vector<16xi1>
          %broadcast_in_dim3A_593 = arith.constant 50 : i32
          %broadcast_in_dim3A_594 = vector.broadcast %broadcast_in_dim3A_593 : i32 to vector<16xi32>
          %gather3A_595 = tpu.vector_load_idx %arg9[%add3A_379, %add3A_443, %broadcast_in_dim3A_594] : memref<2x64x128xf32, #tpu.memory_space<vmem>>[vector<16xi32>, vector<16xi32>, vector<16xi32>], vector<16xf32>,
          tpu.vector_store_idx %arg10[%add3A_174, %broadcast_in_dim3A_594, %select_n3A_439], %gather3A_595 masked %lt3A_427 : memref<2x64x512xf32, #tpu.memory_space<vmem>>[vector<16xi32>, vector<16xi32>, vector<16xi32>], vector<16xf32>, vector<16xi1>
          %broadcast_in_dim3A_596 = arith.constant 51 : i32
          %broadcast_in_dim3A_597 = vector.broadcast %broadcast_in_dim3A_596 : i32 to vector<16xi32>
          %gather3A_598 = tpu.vector_load_idx %arg9[%add3A_379, %add3A_443, %broadcast_in_dim3A_597] : memref<2x64x128xf32, #tpu.memory_space<vmem>>[vector<16xi32>, vector<16xi32>, vector<16xi32>], vector<16xf32>,
          tpu.vector_store_idx %arg10[%add3A_174, %broadcast_in_dim3A_597, %select_n3A_439], %gather3A_598 masked %lt3A_427 : memref<2x64x512xf32, #tpu.memory_space<vmem>>[vector<16xi32>, vector<16xi32>, vector<16xi32>], vector<16xf32>, vector<16xi1>
          %broadcast_in_dim3A_599 = arith.constant 52 : i32
          %broadcast_in_dim3A_600 = vector.broadcast %broadcast_in_dim3A_599 : i32 to vector<16xi32>
          %gather3A_601 = tpu.vector_load_idx %arg9[%add3A_379, %add3A_443, %broadcast_in_dim3A_600] : memref<2x64x128xf32, #tpu.memory_space<vmem>>[vector<16xi32>, vector<16xi32>, vector<16xi32>], vector<16xf32>,
          tpu.vector_store_idx %arg10[%add3A_174, %broadcast_in_dim3A_600, %select_n3A_439], %gather3A_601 masked %lt3A_427 : memref<2x64x512xf32, #tpu.memory_space<vmem>>[vector<16xi32>, vector<16xi32>, vector<16xi32>], vector<16xf32>, vector<16xi1>
          %broadcast_in_dim3A_602 = arith.constant 53 : i32
          %broadcast_in_dim3A_603 = vector.broadcast %broadcast_in_dim3A_602 : i32 to vector<16xi32>
          %gather3A_604 = tpu.vector_load_idx %arg9[%add3A_379, %add3A_443, %broadcast_in_dim3A_603] : memref<2x64x128xf32, #tpu.memory_space<vmem>>[vector<16xi32>, vector<16xi32>, vector<16xi32>], vector<16xf32>,
          tpu.vector_store_idx %arg10[%add3A_174, %broadcast_in_dim3A_603, %select_n3A_439], %gather3A_604 masked %lt3A_427 : memref<2x64x512xf32, #tpu.memory_space<vmem>>[vector<16xi32>, vector<16xi32>, vector<16xi32>], vector<16xf32>, vector<16xi1>
          %broadcast_in_dim3A_605 = arith.constant 54 : i32
          %broadcast_in_dim3A_606 = vector.broadcast %broadcast_in_dim3A_605 : i32 to vector<16xi32>
          %gather3A_607 = tpu.vector_load_idx %arg9[%add3A_379, %add3A_443, %broadcast_in_dim3A_606] : memref<2x64x128xf32, #tpu.memory_space<vmem>>[vector<16xi32>, vector<16xi32>, vector<16xi32>], vector<16xf32>,
          tpu.vector_store_idx %arg10[%add3A_174, %broadcast_in_dim3A_606, %select_n3A_439], %gather3A_607 masked %lt3A_427 : memref<2x64x512xf32, #tpu.memory_space<vmem>>[vector<16xi32>, vector<16xi32>, vector<16xi32>], vector<16xf32>, vector<16xi1>
          %broadcast_in_dim3A_608 = arith.constant 55 : i32
          %broadcast_in_dim3A_609 = vector.broadcast %broadcast_in_dim3A_608 : i32 to vector<16xi32>
          %gather3A_610 = tpu.vector_load_idx %arg9[%add3A_379, %add3A_443, %broadcast_in_dim3A_609] : memref<2x64x128xf32, #tpu.memory_space<vmem>>[vector<16xi32>, vector<16xi32>, vector<16xi32>], vector<16xf32>,
          tpu.vector_store_idx %arg10[%add3A_174, %broadcast_in_dim3A_609, %select_n3A_439], %gather3A_610 masked %lt3A_427 : memref<2x64x512xf32, #tpu.memory_space<vmem>>[vector<16xi32>, vector<16xi32>, vector<16xi32>], vector<16xf32>, vector<16xi1>
          %broadcast_in_dim3A_611 = arith.constant 56 : i32
          %broadcast_in_dim3A_612 = vector.broadcast %broadcast_in_dim3A_611 : i32 to vector<16xi32>
          %gather3A_613 = tpu.vector_load_idx %arg9[%add3A_379, %add3A_443, %broadcast_in_dim3A_612] : memref<2x64x128xf32, #tpu.memory_space<vmem>>[vector<16xi32>, vector<16xi32>, vector<16xi32>], vector<16xf32>,
          tpu.vector_store_idx %arg10[%add3A_174, %broadcast_in_dim3A_612, %select_n3A_439], %gather3A_613 masked %lt3A_427 : memref<2x64x512xf32, #tpu.memory_space<vmem>>[vector<16xi32>, vector<16xi32>, vector<16xi32>], vector<16xf32>, vector<16xi1>
          %broadcast_in_dim3A_614 = arith.constant 57 : i32
          %broadcast_in_dim3A_615 = vector.broadcast %broadcast_in_dim3A_614 : i32 to vector<16xi32>
          %gather3A_616 = tpu.vector_load_idx %arg9[%add3A_379, %add3A_443, %broadcast_in_dim3A_615] : memref<2x64x128xf32, #tpu.memory_space<vmem>>[vector<16xi32>, vector<16xi32>, vector<16xi32>], vector<16xf32>,
          tpu.vector_store_idx %arg10[%add3A_174, %broadcast_in_dim3A_615, %select_n3A_439], %gather3A_616 masked %lt3A_427 : memref<2x64x512xf32, #tpu.memory_space<vmem>>[vector<16xi32>, vector<16xi32>, vector<16xi32>], vector<16xf32>, vector<16xi1>
          %broadcast_in_dim3A_617 = arith.constant 58 : i32
          %broadcast_in_dim3A_618 = vector.broadcast %broadcast_in_dim3A_617 : i32 to vector<16xi32>
          %gather3A_619 = tpu.vector_load_idx %arg9[%add3A_379, %add3A_443, %broadcast_in_dim3A_618] : memref<2x64x128xf32, #tpu.memory_space<vmem>>[vector<16xi32>, vector<16xi32>, vector<16xi32>], vector<16xf32>,
          tpu.vector_store_idx %arg10[%add3A_174, %broadcast_in_dim3A_618, %select_n3A_439], %gather3A_619 masked %lt3A_427 : memref<2x64x512xf32, #tpu.memory_space<vmem>>[vector<16xi32>, vector<16xi32>, vector<16xi32>], vector<16xf32>, vector<16xi1>
          %broadcast_in_dim3A_620 = arith.constant 59 : i32
          %broadcast_in_dim3A_621 = vector.broadcast %broadcast_in_dim3A_620 : i32 to vector<16xi32>
          %gather3A_622 = tpu.vector_load_idx %arg9[%add3A_379, %add3A_443, %broadcast_in_dim3A_621] : memref<2x64x128xf32, #tpu.memory_space<vmem>>[vector<16xi32>, vector<16xi32>, vector<16xi32>], vector<16xf32>,
          tpu.vector_store_idx %arg10[%add3A_174, %broadcast_in_dim3A_621, %select_n3A_439], %gather3A_622 masked %lt3A_427 : memref<2x64x512xf32, #tpu.memory_space<vmem>>[vector<16xi32>, vector<16xi32>, vector<16xi32>], vector<16xf32>, vector<16xi1>
          %broadcast_in_dim3A_623 = arith.constant 60 : i32
          %broadcast_in_dim3A_624 = vector.broadcast %broadcast_in_dim3A_623 : i32 to vector<16xi32>
          %gather3A_625 = tpu.vector_load_idx %arg9[%add3A_379, %add3A_443, %broadcast_in_dim3A_624] : memref<2x64x128xf32, #tpu.memory_space<vmem>>[vector<16xi32>, vector<16xi32>, vector<16xi32>], vector<16xf32>,
          tpu.vector_store_idx %arg10[%add3A_174, %broadcast_in_dim3A_624, %select_n3A_439], %gather3A_625 masked %lt3A_427 : memref<2x64x512xf32, #tpu.memory_space<vmem>>[vector<16xi32>, vector<16xi32>, vector<16xi32>], vector<16xf32>, vector<16xi1>
          %broadcast_in_dim3A_626 = arith.constant 61 : i32
          %broadcast_in_dim3A_627 = vector.broadcast %broadcast_in_dim3A_626 : i32 to vector<16xi32>
          %gather3A_628 = tpu.vector_load_idx %arg9[%add3A_379, %add3A_443, %broadcast_in_dim3A_627] : memref<2x64x128xf32, #tpu.memory_space<vmem>>[vector<16xi32>, vector<16xi32>, vector<16xi32>], vector<16xf32>,
          tpu.vector_store_idx %arg10[%add3A_174, %broadcast_in_dim3A_627, %select_n3A_439], %gather3A_628 masked %lt3A_427 : memref<2x64x512xf32, #tpu.memory_space<vmem>>[vector<16xi32>, vector<16xi32>, vector<16xi32>], vector<16xf32>, vector<16xi1>
          %broadcast_in_dim3A_629 = arith.constant 62 : i32
          %broadcast_in_dim3A_630 = vector.broadcast %broadcast_in_dim3A_629 : i32 to vector<16xi32>
          %gather3A_631 = tpu.vector_load_idx %arg9[%add3A_379, %add3A_443, %broadcast_in_dim3A_630] : memref<2x64x128xf32, #tpu.memory_space<vmem>>[vector<16xi32>, vector<16xi32>, vector<16xi32>], vector<16xf32>,
          tpu.vector_store_idx %arg10[%add3A_174, %broadcast_in_dim3A_630, %select_n3A_439], %gather3A_631 masked %lt3A_427 : memref<2x64x512xf32, #tpu.memory_space<vmem>>[vector<16xi32>, vector<16xi32>, vector<16xi32>], vector<16xf32>, vector<16xi1>
          %broadcast_in_dim3A_632 = arith.constant 63 : i32
          %broadcast_in_dim3A_633 = vector.broadcast %broadcast_in_dim3A_632 : i32 to vector<16xi32>
          %gather3A_634 = tpu.vector_load_idx %arg9[%add3A_379, %add3A_443, %broadcast_in_dim3A_633] : memref<2x64x128xf32, #tpu.memory_space<vmem>>[vector<16xi32>, vector<16xi32>, vector<16xi32>], vector<16xf32>,
          tpu.vector_store_idx %arg10[%add3A_174, %broadcast_in_dim3A_633, %select_n3A_439], %gather3A_634 masked %lt3A_427 : memref<2x64x512xf32, #tpu.memory_space<vmem>>[vector<16xi32>, vector<16xi32>, vector<16xi32>], vector<16xf32>, vector<16xi1>
        }
        %while3A_420 = arith.constant 1 : i32
        scf.for %while3A_421 = %while3A_418 to %while3A_414 step %while3A_420  : i32 {
          %mul3A_422 = arith.constant 16 : i32
          %mul3A_423 = arith.muli %while3A_421, %mul3A_422 : i32
          %add3A_424 = vector.broadcast %mul3A_423 : i32 to vector<16xi32>
          %add3A_425 = arith.addi %add3A_424, %iota3A : vector<16xi32>
          %lt3A_426 = vector.broadcast %sub3A_382 : i32 to vector<16xi32>
          %lt3A_427 = arith.cmpi slt, %add3A_425, %lt3A_426 : vector<16xi32>
          %mul3A_428 = arith.constant 512 : i32
          %mul3A_429 = arith.muli %select_n3A_172, %mul3A_428 : i32
          %mul3A_430 = arith.constant 64 : i32
          %mul3A_431 = arith.muli %while3A_342, %mul3A_430 : i32
          %add3A_432 = arith.addi %mul3A_429, %mul3A_431 : i32
          %mul3A_433 = arith.constant 16 : i32
          %mul3A_434 = arith.muli %while3A_421, %mul3A_433 : i32
          %add3A_435 = arith.addi %add3A_432, %mul3A_434 : i32
          %get3A = arith.index_cast %add3A_435 : i32 to index
          %get3A_436 = tpu.vector_load %arg8[%get3A] {strides = array<i32>} : memref<1536xi32, #tpu.memory_space<vmem>>, vector<16xi32>,
          %jit3A_437 = arith.constant 0 : i32
          %broadcast_in_dim3A_438 = vector.broadcast %jit3A_437 : i32 to vector<16xi32>
          %select_n3A_439 = arith.select %lt3A_427, %get3A_436, %broadcast_in_dim3A_438 : vector<16xi1>, vector<16xi32>
          %mul3A_440 = arith.constant 16 : i32
          %mul3A_441 = arith.muli %while3A_421, %mul3A_440 : i32
          %add3A_442 = vector.broadcast %mul3A_441 : i32 to vector<16xi32>
          %add3A_443 = arith.addi %add3A_442, %iota3A : vector<16xi32>
          %broadcast_in_dim3A_444 = arith.constant 0 : i32
          %broadcast_in_dim3A_445 = vector.broadcast %broadcast_in_dim3A_444 : i32 to vector<16xi32>
          %gather3A = tpu.vector_load_idx %arg9[%add3A_379, %add3A_443, %broadcast_in_dim3A_445] : memref<2x64x128xf32, #tpu.memory_space<vmem>>[vector<16xi32>, vector<16xi32>, vector<16xi32>], vector<16xf32>,
          tpu.vector_store_idx %arg10[%add3A_174, %broadcast_in_dim3A_445, %select_n3A_439], %gather3A masked %lt3A_427 : memref<2x64x512xf32, #tpu.memory_space<vmem>>[vector<16xi32>, vector<16xi32>, vector<16xi32>], vector<16xf32>, vector<16xi1>
          %broadcast_in_dim3A_446 = arith.constant 1 : i32
          %broadcast_in_dim3A_447 = vector.broadcast %broadcast_in_dim3A_446 : i32 to vector<16xi32>
          %gather3A_448 = tpu.vector_load_idx %arg9[%add3A_379, %add3A_443, %broadcast_in_dim3A_447] : memref<2x64x128xf32, #tpu.memory_space<vmem>>[vector<16xi32>, vector<16xi32>, vector<16xi32>], vector<16xf32>,
          tpu.vector_store_idx %arg10[%add3A_174, %broadcast_in_dim3A_447, %select_n3A_439], %gather3A_448 masked %lt3A_427 : memref<2x64x512xf32, #tpu.memory_space<vmem>>[vector<16xi32>, vector<16xi32>, vector<16xi32>], vector<16xf32>, vector<16xi1>
          %broadcast_in_dim3A_449 = arith.constant 2 : i32
          %broadcast_in_dim3A_450 = vector.broadcast %broadcast_in_dim3A_449 : i32 to vector<16xi32>
          %gather3A_451 = tpu.vector_load_idx %arg9[%add3A_379, %add3A_443, %broadcast_in_dim3A_450] : memref<2x64x128xf32, #tpu.memory_space<vmem>>[vector<16xi32>, vector<16xi32>, vector<16xi32>], vector<16xf32>,
          tpu.vector_store_idx %arg10[%add3A_174, %broadcast_in_dim3A_450, %select_n3A_439], %gather3A_451 masked %lt3A_427 : memref<2x64x512xf32, #tpu.memory_space<vmem>>[vector<16xi32>, vector<16xi32>, vector<16xi32>], vector<16xf32>, vector<16xi1>
          %broadcast_in_dim3A_452 = arith.constant 3 : i32
          %broadcast_in_dim3A_453 = vector.broadcast %broadcast_in_dim3A_452 : i32 to vector<16xi32>
          %gather3A_454 = tpu.vector_load_idx %arg9[%add3A_379, %add3A_443, %broadcast_in_dim3A_453] : memref<2x64x128xf32, #tpu.memory_space<vmem>>[vector<16xi32>, vector<16xi32>, vector<16xi32>], vector<16xf32>,
          tpu.vector_store_idx %arg10[%add3A_174, %broadcast_in_dim3A_453, %select_n3A_439], %gather3A_454 masked %lt3A_427 : memref<2x64x512xf32, #tpu.memory_space<vmem>>[vector<16xi32>, vector<16xi32>, vector<16xi32>], vector<16xf32>, vector<16xi1>
          %broadcast_in_dim3A_455 = arith.constant 4 : i32
          %broadcast_in_dim3A_456 = vector.broadcast %broadcast_in_dim3A_455 : i32 to vector<16xi32>
          %gather3A_457 = tpu.vector_load_idx %arg9[%add3A_379, %add3A_443, %broadcast_in_dim3A_456] : memref<2x64x128xf32, #tpu.memory_space<vmem>>[vector<16xi32>, vector<16xi32>, vector<16xi32>], vector<16xf32>,
          tpu.vector_store_idx %arg10[%add3A_174, %broadcast_in_dim3A_456, %select_n3A_439], %gather3A_457 masked %lt3A_427 : memref<2x64x512xf32, #tpu.memory_space<vmem>>[vector<16xi32>, vector<16xi32>, vector<16xi32>], vector<16xf32>, vector<16xi1>
          %broadcast_in_dim3A_458 = arith.constant 5 : i32
          %broadcast_in_dim3A_459 = vector.broadcast %broadcast_in_dim3A_458 : i32 to vector<16xi32>
          %gather3A_460 = tpu.vector_load_idx %arg9[%add3A_379, %add3A_443, %broadcast_in_dim3A_459] : memref<2x64x128xf32, #tpu.memory_space<vmem>>[vector<16xi32>, vector<16xi32>, vector<16xi32>], vector<16xf32>,
          tpu.vector_store_idx %arg10[%add3A_174, %broadcast_in_dim3A_459, %select_n3A_439], %gather3A_460 masked %lt3A_427 : memref<2x64x512xf32, #tpu.memory_space<vmem>>[vector<16xi32>, vector<16xi32>, vector<16xi32>], vector<16xf32>, vector<16xi1>
          %broadcast_in_dim3A_461 = arith.constant 6 : i32
          %broadcast_in_dim3A_462 = vector.broadcast %broadcast_in_dim3A_461 : i32 to vector<16xi32>
          %gather3A_463 = tpu.vector_load_idx %arg9[%add3A_379, %add3A_443, %broadcast_in_dim3A_462] : memref<2x64x128xf32, #tpu.memory_space<vmem>>[vector<16xi32>, vector<16xi32>, vector<16xi32>], vector<16xf32>,
          tpu.vector_store_idx %arg10[%add3A_174, %broadcast_in_dim3A_462, %select_n3A_439], %gather3A_463 masked %lt3A_427 : memref<2x64x512xf32, #tpu.memory_space<vmem>>[vector<16xi32>, vector<16xi32>, vector<16xi32>], vector<16xf32>, vector<16xi1>
          %broadcast_in_dim3A_464 = arith.constant 7 : i32
          %broadcast_in_dim3A_465 = vector.broadcast %broadcast_in_dim3A_464 : i32 to vector<16xi32>
          %gather3A_466 = tpu.vector_load_idx %arg9[%add3A_379, %add3A_443, %broadcast_in_dim3A_465] : memref<2x64x128xf32, #tpu.memory_space<vmem>>[vector<16xi32>, vector<16xi32>, vector<16xi32>], vector<16xf32>,
          tpu.vector_store_idx %arg10[%add3A_174, %broadcast_in_dim3A_465, %select_n3A_439], %gather3A_466 masked %lt3A_427 : memref<2x64x512xf32, #tpu.memory_space<vmem>>[vector<16xi32>, vector<16xi32>, vector<16xi32>], vector<16xf32>, vector<16xi1>
          %broadcast_in_dim3A_467 = arith.constant 8 : i32
          %broadcast_in_dim3A_468 = vector.broadcast %broadcast_in_dim3A_467 : i32 to vector<16xi32>
          %gather3A_469 = tpu.vector_load_idx %arg9[%add3A_379, %add3A_443, %broadcast_in_dim3A_468] : memref<2x64x128xf32, #tpu.memory_space<vmem>>[vector<16xi32>, vector<16xi32>, vector<16xi32>], vector<16xf32>,
          tpu.vector_store_idx %arg10[%add3A_174, %broadcast_in_dim3A_468, %select_n3A_439], %gather3A_469 masked %lt3A_427 : memref<2x64x512xf32, #tpu.memory_space<vmem>>[vector<16xi32>, vector<16xi32>, vector<16xi32>], vector<16xf32>, vector<16xi1>
          %broadcast_in_dim3A_470 = arith.constant 9 : i32
          %broadcast_in_dim3A_471 = vector.broadcast %broadcast_in_dim3A_470 : i32 to vector<16xi32>
          %gather3A_472 = tpu.vector_load_idx %arg9[%add3A_379, %add3A_443, %broadcast_in_dim3A_471] : memref<2x64x128xf32, #tpu.memory_space<vmem>>[vector<16xi32>, vector<16xi32>, vector<16xi32>], vector<16xf32>,
          tpu.vector_store_idx %arg10[%add3A_174, %broadcast_in_dim3A_471, %select_n3A_439], %gather3A_472 masked %lt3A_427 : memref<2x64x512xf32, #tpu.memory_space<vmem>>[vector<16xi32>, vector<16xi32>, vector<16xi32>], vector<16xf32>, vector<16xi1>
          %broadcast_in_dim3A_473 = arith.constant 10 : i32
          %broadcast_in_dim3A_474 = vector.broadcast %broadcast_in_dim3A_473 : i32 to vector<16xi32>
          %gather3A_475 = tpu.vector_load_idx %arg9[%add3A_379, %add3A_443, %broadcast_in_dim3A_474] : memref<2x64x128xf32, #tpu.memory_space<vmem>>[vector<16xi32>, vector<16xi32>, vector<16xi32>], vector<16xf32>,
          tpu.vector_store_idx %arg10[%add3A_174, %broadcast_in_dim3A_474, %select_n3A_439], %gather3A_475 masked %lt3A_427 : memref<2x64x512xf32, #tpu.memory_space<vmem>>[vector<16xi32>, vector<16xi32>, vector<16xi32>], vector<16xf32>, vector<16xi1>
          %broadcast_in_dim3A_476 = arith.constant 11 : i32
          %broadcast_in_dim3A_477 = vector.broadcast %broadcast_in_dim3A_476 : i32 to vector<16xi32>
          %gather3A_478 = tpu.vector_load_idx %arg9[%add3A_379, %add3A_443, %broadcast_in_dim3A_477] : memref<2x64x128xf32, #tpu.memory_space<vmem>>[vector<16xi32>, vector<16xi32>, vector<16xi32>], vector<16xf32>,
          tpu.vector_store_idx %arg10[%add3A_174, %broadcast_in_dim3A_477, %select_n3A_439], %gather3A_478 masked %lt3A_427 : memref<2x64x512xf32, #tpu.memory_space<vmem>>[vector<16xi32>, vector<16xi32>, vector<16xi32>], vector<16xf32>, vector<16xi1>
          %broadcast_in_dim3A_479 = arith.constant 12 : i32
          %broadcast_in_dim3A_480 = vector.broadcast %broadcast_in_dim3A_479 : i32 to vector<16xi32>
          %gather3A_481 = tpu.vector_load_idx %arg9[%add3A_379, %add3A_443, %broadcast_in_dim3A_480] : memref<2x64x128xf32, #tpu.memory_space<vmem>>[vector<16xi32>, vector<16xi32>, vector<16xi32>], vector<16xf32>,
          tpu.vector_store_idx %arg10[%add3A_174, %broadcast_in_dim3A_480, %select_n3A_439], %gather3A_481 masked %lt3A_427 : memref<2x64x512xf32, #tpu.memory_space<vmem>>[vector<16xi32>, vector<16xi32>, vector<16xi32>], vector<16xf32>, vector<16xi1>
          %broadcast_in_dim3A_482 = arith.constant 13 : i32
          %broadcast_in_dim3A_483 = vector.broadcast %broadcast_in_dim3A_482 : i32 to vector<16xi32>
          %gather3A_484 = tpu.vector_load_idx %arg9[%add3A_379, %add3A_443, %broadcast_in_dim3A_483] : memref<2x64x128xf32, #tpu.memory_space<vmem>>[vector<16xi32>, vector<16xi32>, vector<16xi32>], vector<16xf32>,
          tpu.vector_store_idx %arg10[%add3A_174, %broadcast_in_dim3A_483, %select_n3A_439], %gather3A_484 masked %lt3A_427 : memref<2x64x512xf32, #tpu.memory_space<vmem>>[vector<16xi32>, vector<16xi32>, vector<16xi32>], vector<16xf32>, vector<16xi1>
          %broadcast_in_dim3A_485 = arith.constant 14 : i32
          %broadcast_in_dim3A_486 = vector.broadcast %broadcast_in_dim3A_485 : i32 to vector<16xi32>
          %gather3A_487 = tpu.vector_load_idx %arg9[%add3A_379, %add3A_443, %broadcast_in_dim3A_486] : memref<2x64x128xf32, #tpu.memory_space<vmem>>[vector<16xi32>, vector<16xi32>, vector<16xi32>], vector<16xf32>,
          tpu.vector_store_idx %arg10[%add3A_174, %broadcast_in_dim3A_486, %select_n3A_439], %gather3A_487 masked %lt3A_427 : memref<2x64x512xf32, #tpu.memory_space<vmem>>[vector<16xi32>, vector<16xi32>, vector<16xi32>], vector<16xf32>, vector<16xi1>
          %broadcast_in_dim3A_488 = arith.constant 15 : i32
          %broadcast_in_dim3A_489 = vector.broadcast %broadcast_in_dim3A_488 : i32 to vector<16xi32>
          %gather3A_490 = tpu.vector_load_idx %arg9[%add3A_379, %add3A_443, %broadcast_in_dim3A_489] : memref<2x64x128xf32, #tpu.memory_space<vmem>>[vector<16xi32>, vector<16xi32>, vector<16xi32>], vector<16xf32>,
          tpu.vector_store_idx %arg10[%add3A_174, %broadcast_in_dim3A_489, %select_n3A_439], %gather3A_490 masked %lt3A_427 : memref<2x64x512xf32, #tpu.memory_space<vmem>>[vector<16xi32>, vector<16xi32>, vector<16xi32>], vector<16xf32>, vector<16xi1>
          %broadcast_in_dim3A_491 = arith.constant 16 : i32
          %broadcast_in_dim3A_492 = vector.broadcast %broadcast_in_dim3A_491 : i32 to vector<16xi32>
          %gather3A_493 = tpu.vector_load_idx %arg9[%add3A_379, %add3A_443, %broadcast_in_dim3A_492] : memref<2x64x128xf32, #tpu.memory_space<vmem>>[vector<16xi32>, vector<16xi32>, vector<16xi32>], vector<16xf32>,
          tpu.vector_store_idx %arg10[%add3A_174, %broadcast_in_dim3A_492, %select_n3A_439], %gather3A_493 masked %lt3A_427 : memref<2x64x512xf32, #tpu.memory_space<vmem>>[vector<16xi32>, vector<16xi32>, vector<16xi32>], vector<16xf32>, vector<16xi1>
          %broadcast_in_dim3A_494 = arith.constant 17 : i32
          %broadcast_in_dim3A_495 = vector.broadcast %broadcast_in_dim3A_494 : i32 to vector<16xi32>
          %gather3A_496 = tpu.vector_load_idx %arg9[%add3A_379, %add3A_443, %broadcast_in_dim3A_495] : memref<2x64x128xf32, #tpu.memory_space<vmem>>[vector<16xi32>, vector<16xi32>, vector<16xi32>], vector<16xf32>,
          tpu.vector_store_idx %arg10[%add3A_174, %broadcast_in_dim3A_495, %select_n3A_439], %gather3A_496 masked %lt3A_427 : memref<2x64x512xf32, #tpu.memory_space<vmem>>[vector<16xi32>, vector<16xi32>, vector<16xi32>], vector<16xf32>, vector<16xi1>
          %broadcast_in_dim3A_497 = arith.constant 18 : i32
          %broadcast_in_dim3A_498 = vector.broadcast %broadcast_in_dim3A_497 : i32 to vector<16xi32>
          %gather3A_499 = tpu.vector_load_idx %arg9[%add3A_379, %add3A_443, %broadcast_in_dim3A_498] : memref<2x64x128xf32, #tpu.memory_space<vmem>>[vector<16xi32>, vector<16xi32>, vector<16xi32>], vector<16xf32>,
          tpu.vector_store_idx %arg10[%add3A_174, %broadcast_in_dim3A_498, %select_n3A_439], %gather3A_499 masked %lt3A_427 : memref<2x64x512xf32, #tpu.memory_space<vmem>>[vector<16xi32>, vector<16xi32>, vector<16xi32>], vector<16xf32>, vector<16xi1>
          %broadcast_in_dim3A_500 = arith.constant 19 : i32
          %broadcast_in_dim3A_501 = vector.broadcast %broadcast_in_dim3A_500 : i32 to vector<16xi32>
          %gather3A_502 = tpu.vector_load_idx %arg9[%add3A_379, %add3A_443, %broadcast_in_dim3A_501] : memref<2x64x128xf32, #tpu.memory_space<vmem>>[vector<16xi32>, vector<16xi32>, vector<16xi32>], vector<16xf32>,
          tpu.vector_store_idx %arg10[%add3A_174, %broadcast_in_dim3A_501, %select_n3A_439], %gather3A_502 masked %lt3A_427 : memref<2x64x512xf32, #tpu.memory_space<vmem>>[vector<16xi32>, vector<16xi32>, vector<16xi32>], vector<16xf32>, vector<16xi1>
          %broadcast_in_dim3A_503 = arith.constant 20 : i32
          %broadcast_in_dim3A_504 = vector.broadcast %broadcast_in_dim3A_503 : i32 to vector<16xi32>
          %gather3A_505 = tpu.vector_load_idx %arg9[%add3A_379, %add3A_443, %broadcast_in_dim3A_504] : memref<2x64x128xf32, #tpu.memory_space<vmem>>[vector<16xi32>, vector<16xi32>, vector<16xi32>], vector<16xf32>,
          tpu.vector_store_idx %arg10[%add3A_174, %broadcast_in_dim3A_504, %select_n3A_439], %gather3A_505 masked %lt3A_427 : memref<2x64x512xf32, #tpu.memory_space<vmem>>[vector<16xi32>, vector<16xi32>, vector<16xi32>], vector<16xf32>, vector<16xi1>
          %broadcast_in_dim3A_506 = arith.constant 21 : i32
          %broadcast_in_dim3A_507 = vector.broadcast %broadcast_in_dim3A_506 : i32 to vector<16xi32>
          %gather3A_508 = tpu.vector_load_idx %arg9[%add3A_379, %add3A_443, %broadcast_in_dim3A_507] : memref<2x64x128xf32, #tpu.memory_space<vmem>>[vector<16xi32>, vector<16xi32>, vector<16xi32>], vector<16xf32>,
          tpu.vector_store_idx %arg10[%add3A_174, %broadcast_in_dim3A_507, %select_n3A_439], %gather3A_508 masked %lt3A_427 : memref<2x64x512xf32, #tpu.memory_space<vmem>>[vector<16xi32>, vector<16xi32>, vector<16xi32>], vector<16xf32>, vector<16xi1>
          %broadcast_in_dim3A_509 = arith.constant 22 : i32
          %broadcast_in_dim3A_510 = vector.broadcast %broadcast_in_dim3A_509 : i32 to vector<16xi32>
          %gather3A_511 = tpu.vector_load_idx %arg9[%add3A_379, %add3A_443, %broadcast_in_dim3A_510] : memref<2x64x128xf32, #tpu.memory_space<vmem>>[vector<16xi32>, vector<16xi32>, vector<16xi32>], vector<16xf32>,
          tpu.vector_store_idx %arg10[%add3A_174, %broadcast_in_dim3A_510, %select_n3A_439], %gather3A_511 masked %lt3A_427 : memref<2x64x512xf32, #tpu.memory_space<vmem>>[vector<16xi32>, vector<16xi32>, vector<16xi32>], vector<16xf32>, vector<16xi1>
          %broadcast_in_dim3A_512 = arith.constant 23 : i32
          %broadcast_in_dim3A_513 = vector.broadcast %broadcast_in_dim3A_512 : i32 to vector<16xi32>
          %gather3A_514 = tpu.vector_load_idx %arg9[%add3A_379, %add3A_443, %broadcast_in_dim3A_513] : memref<2x64x128xf32, #tpu.memory_space<vmem>>[vector<16xi32>, vector<16xi32>, vector<16xi32>], vector<16xf32>,
          tpu.vector_store_idx %arg10[%add3A_174, %broadcast_in_dim3A_513, %select_n3A_439], %gather3A_514 masked %lt3A_427 : memref<2x64x512xf32, #tpu.memory_space<vmem>>[vector<16xi32>, vector<16xi32>, vector<16xi32>], vector<16xf32>, vector<16xi1>
          %broadcast_in_dim3A_515 = arith.constant 24 : i32
          %broadcast_in_dim3A_516 = vector.broadcast %broadcast_in_dim3A_515 : i32 to vector<16xi32>
          %gather3A_517 = tpu.vector_load_idx %arg9[%add3A_379, %add3A_443, %broadcast_in_dim3A_516] : memref<2x64x128xf32, #tpu.memory_space<vmem>>[vector<16xi32>, vector<16xi32>, vector<16xi32>], vector<16xf32>,
          tpu.vector_store_idx %arg10[%add3A_174, %broadcast_in_dim3A_516, %select_n3A_439], %gather3A_517 masked %lt3A_427 : memref<2x64x512xf32, #tpu.memory_space<vmem>>[vector<16xi32>, vector<16xi32>, vector<16xi32>], vector<16xf32>, vector<16xi1>
          %broadcast_in_dim3A_518 = arith.constant 25 : i32
          %broadcast_in_dim3A_519 = vector.broadcast %broadcast_in_dim3A_518 : i32 to vector<16xi32>
          %gather3A_520 = tpu.vector_load_idx %arg9[%add3A_379, %add3A_443, %broadcast_in_dim3A_519] : memref<2x64x128xf32, #tpu.memory_space<vmem>>[vector<16xi32>, vector<16xi32>, vector<16xi32>], vector<16xf32>,
          tpu.vector_store_idx %arg10[%add3A_174, %broadcast_in_dim3A_519, %select_n3A_439], %gather3A_520 masked %lt3A_427 : memref<2x64x512xf32, #tpu.memory_space<vmem>>[vector<16xi32>, vector<16xi32>, vector<16xi32>], vector<16xf32>, vector<16xi1>
          %broadcast_in_dim3A_521 = arith.constant 26 : i32
          %broadcast_in_dim3A_522 = vector.broadcast %broadcast_in_dim3A_521 : i32 to vector<16xi32>
          %gather3A_523 = tpu.vector_load_idx %arg9[%add3A_379, %add3A_443, %broadcast_in_dim3A_522] : memref<2x64x128xf32, #tpu.memory_space<vmem>>[vector<16xi32>, vector<16xi32>, vector<16xi32>], vector<16xf32>,
          tpu.vector_store_idx %arg10[%add3A_174, %broadcast_in_dim3A_522, %select_n3A_439], %gather3A_523 masked %lt3A_427 : memref<2x64x512xf32, #tpu.memory_space<vmem>>[vector<16xi32>, vector<16xi32>, vector<16xi32>], vector<16xf32>, vector<16xi1>
          %broadcast_in_dim3A_524 = arith.constant 27 : i32
          %broadcast_in_dim3A_525 = vector.broadcast %broadcast_in_dim3A_524 : i32 to vector<16xi32>
          %gather3A_526 = tpu.vector_load_idx %arg9[%add3A_379, %add3A_443, %broadcast_in_dim3A_525] : memref<2x64x128xf32, #tpu.memory_space<vmem>>[vector<16xi32>, vector<16xi32>, vector<16xi32>], vector<16xf32>,
          tpu.vector_store_idx %arg10[%add3A_174, %broadcast_in_dim3A_525, %select_n3A_439], %gather3A_526 masked %lt3A_427 : memref<2x64x512xf32, #tpu.memory_space<vmem>>[vector<16xi32>, vector<16xi32>, vector<16xi32>], vector<16xf32>, vector<16xi1>
          %broadcast_in_dim3A_527 = arith.constant 28 : i32
          %broadcast_in_dim3A_528 = vector.broadcast %broadcast_in_dim3A_527 : i32 to vector<16xi32>
          %gather3A_529 = tpu.vector_load_idx %arg9[%add3A_379, %add3A_443, %broadcast_in_dim3A_528] : memref<2x64x128xf32, #tpu.memory_space<vmem>>[vector<16xi32>, vector<16xi32>, vector<16xi32>], vector<16xf32>,
          tpu.vector_store_idx %arg10[%add3A_174, %broadcast_in_dim3A_528, %select_n3A_439], %gather3A_529 masked %lt3A_427 : memref<2x64x512xf32, #tpu.memory_space<vmem>>[vector<16xi32>, vector<16xi32>, vector<16xi32>], vector<16xf32>, vector<16xi1>
          %broadcast_in_dim3A_530 = arith.constant 29 : i32
          %broadcast_in_dim3A_531 = vector.broadcast %broadcast_in_dim3A_530 : i32 to vector<16xi32>
          %gather3A_532 = tpu.vector_load_idx %arg9[%add3A_379, %add3A_443, %broadcast_in_dim3A_531] : memref<2x64x128xf32, #tpu.memory_space<vmem>>[vector<16xi32>, vector<16xi32>, vector<16xi32>], vector<16xf32>,
          tpu.vector_store_idx %arg10[%add3A_174, %broadcast_in_dim3A_531, %select_n3A_439], %gather3A_532 masked %lt3A_427 : memref<2x64x512xf32, #tpu.memory_space<vmem>>[vector<16xi32>, vector<16xi32>, vector<16xi32>], vector<16xf32>, vector<16xi1>
          %broadcast_in_dim3A_533 = arith.constant 30 : i32
          %broadcast_in_dim3A_534 = vector.broadcast %broadcast_in_dim3A_533 : i32 to vector<16xi32>
          %gather3A_535 = tpu.vector_load_idx %arg9[%add3A_379, %add3A_443, %broadcast_in_dim3A_534] : memref<2x64x128xf32, #tpu.memory_space<vmem>>[vector<16xi32>, vector<16xi32>, vector<16xi32>], vector<16xf32>,
          tpu.vector_store_idx %arg10[%add3A_174, %broadcast_in_dim3A_534, %select_n3A_439], %gather3A_535 masked %lt3A_427 : memref<2x64x512xf32, #tpu.memory_space<vmem>>[vector<16xi32>, vector<16xi32>, vector<16xi32>], vector<16xf32>, vector<16xi1>
          %broadcast_in_dim3A_536 = arith.constant 31 : i32
          %broadcast_in_dim3A_537 = vector.broadcast %broadcast_in_dim3A_536 : i32 to vector<16xi32>
          %gather3A_538 = tpu.vector_load_idx %arg9[%add3A_379, %add3A_443, %broadcast_in_dim3A_537] : memref<2x64x128xf32, #tpu.memory_space<vmem>>[vector<16xi32>, vector<16xi32>, vector<16xi32>], vector<16xf32>,
          tpu.vector_store_idx %arg10[%add3A_174, %broadcast_in_dim3A_537, %select_n3A_439], %gather3A_538 masked %lt3A_427 : memref<2x64x512xf32, #tpu.memory_space<vmem>>[vector<16xi32>, vector<16xi32>, vector<16xi32>], vector<16xf32>, vector<16xi1>
          %broadcast_in_dim3A_539 = arith.constant 32 : i32
          %broadcast_in_dim3A_540 = vector.broadcast %broadcast_in_dim3A_539 : i32 to vector<16xi32>
          %gather3A_541 = tpu.vector_load_idx %arg9[%add3A_379, %add3A_443, %broadcast_in_dim3A_540] : memref<2x64x128xf32, #tpu.memory_space<vmem>>[vector<16xi32>, vector<16xi32>, vector<16xi32>], vector<16xf32>,
          tpu.vector_store_idx %arg10[%add3A_174, %broadcast_in_dim3A_540, %select_n3A_439], %gather3A_541 masked %lt3A_427 : memref<2x64x512xf32, #tpu.memory_space<vmem>>[vector<16xi32>, vector<16xi32>, vector<16xi32>], vector<16xf32>, vector<16xi1>
          %broadcast_in_dim3A_542 = arith.constant 33 : i32
          %broadcast_in_dim3A_543 = vector.broadcast %broadcast_in_dim3A_542 : i32 to vector<16xi32>
          %gather3A_544 = tpu.vector_load_idx %arg9[%add3A_379, %add3A_443, %broadcast_in_dim3A_543] : memref<2x64x128xf32, #tpu.memory_space<vmem>>[vector<16xi32>, vector<16xi32>, vector<16xi32>], vector<16xf32>,
          tpu.vector_store_idx %arg10[%add3A_174, %broadcast_in_dim3A_543, %select_n3A_439], %gather3A_544 masked %lt3A_427 : memref<2x64x512xf32, #tpu.memory_space<vmem>>[vector<16xi32>, vector<16xi32>, vector<16xi32>], vector<16xf32>, vector<16xi1>
          %broadcast_in_dim3A_545 = arith.constant 34 : i32
          %broadcast_in_dim3A_546 = vector.broadcast %broadcast_in_dim3A_545 : i32 to vector<16xi32>
          %gather3A_547 = tpu.vector_load_idx %arg9[%add3A_379, %add3A_443, %broadcast_in_dim3A_546] : memref<2x64x128xf32, #tpu.memory_space<vmem>>[vector<16xi32>, vector<16xi32>, vector<16xi32>], vector<16xf32>,
          tpu.vector_store_idx %arg10[%add3A_174, %broadcast_in_dim3A_546, %select_n3A_439], %gather3A_547 masked %lt3A_427 : memref<2x64x512xf32, #tpu.memory_space<vmem>>[vector<16xi32>, vector<16xi32>, vector<16xi32>], vector<16xf32>, vector<16xi1>
          %broadcast_in_dim3A_548 = arith.constant 35 : i32
          %broadcast_in_dim3A_549 = vector.broadcast %broadcast_in_dim3A_548 : i32 to vector<16xi32>
          %gather3A_550 = tpu.vector_load_idx %arg9[%add3A_379, %add3A_443, %broadcast_in_dim3A_549] : memref<2x64x128xf32, #tpu.memory_space<vmem>>[vector<16xi32>, vector<16xi32>, vector<16xi32>], vector<16xf32>,
          tpu.vector_store_idx %arg10[%add3A_174, %broadcast_in_dim3A_549, %select_n3A_439], %gather3A_550 masked %lt3A_427 : memref<2x64x512xf32, #tpu.memory_space<vmem>>[vector<16xi32>, vector<16xi32>, vector<16xi32>], vector<16xf32>, vector<16xi1>
          %broadcast_in_dim3A_551 = arith.constant 36 : i32
          %broadcast_in_dim3A_552 = vector.broadcast %broadcast_in_dim3A_551 : i32 to vector<16xi32>
          %gather3A_553 = tpu.vector_load_idx %arg9[%add3A_379, %add3A_443, %broadcast_in_dim3A_552] : memref<2x64x128xf32, #tpu.memory_space<vmem>>[vector<16xi32>, vector<16xi32>, vector<16xi32>], vector<16xf32>,
          tpu.vector_store_idx %arg10[%add3A_174, %broadcast_in_dim3A_552, %select_n3A_439], %gather3A_553 masked %lt3A_427 : memref<2x64x512xf32, #tpu.memory_space<vmem>>[vector<16xi32>, vector<16xi32>, vector<16xi32>], vector<16xf32>, vector<16xi1>
          %broadcast_in_dim3A_554 = arith.constant 37 : i32
          %broadcast_in_dim3A_555 = vector.broadcast %broadcast_in_dim3A_554 : i32 to vector<16xi32>
          %gather3A_556 = tpu.vector_load_idx %arg9[%add3A_379, %add3A_443, %broadcast_in_dim3A_555] : memref<2x64x128xf32, #tpu.memory_space<vmem>>[vector<16xi32>, vector<16xi32>, vector<16xi32>], vector<16xf32>,
          tpu.vector_store_idx %arg10[%add3A_174, %broadcast_in_dim3A_555, %select_n3A_439], %gather3A_556 masked %lt3A_427 : memref<2x64x512xf32, #tpu.memory_space<vmem>>[vector<16xi32>, vector<16xi32>, vector<16xi32>], vector<16xf32>, vector<16xi1>
          %broadcast_in_dim3A_557 = arith.constant 38 : i32
          %broadcast_in_dim3A_558 = vector.broadcast %broadcast_in_dim3A_557 : i32 to vector<16xi32>
          %gather3A_559 = tpu.vector_load_idx %arg9[%add3A_379, %add3A_443, %broadcast_in_dim3A_558] : memref<2x64x128xf32, #tpu.memory_space<vmem>>[vector<16xi32>, vector<16xi32>, vector<16xi32>], vector<16xf32>,
          tpu.vector_store_idx %arg10[%add3A_174, %broadcast_in_dim3A_558, %select_n3A_439], %gather3A_559 masked %lt3A_427 : memref<2x64x512xf32, #tpu.memory_space<vmem>>[vector<16xi32>, vector<16xi32>, vector<16xi32>], vector<16xf32>, vector<16xi1>
          %broadcast_in_dim3A_560 = arith.constant 39 : i32
          %broadcast_in_dim3A_561 = vector.broadcast %broadcast_in_dim3A_560 : i32 to vector<16xi32>
          %gather3A_562 = tpu.vector_load_idx %arg9[%add3A_379, %add3A_443, %broadcast_in_dim3A_561] : memref<2x64x128xf32, #tpu.memory_space<vmem>>[vector<16xi32>, vector<16xi32>, vector<16xi32>], vector<16xf32>,
          tpu.vector_store_idx %arg10[%add3A_174, %broadcast_in_dim3A_561, %select_n3A_439], %gather3A_562 masked %lt3A_427 : memref<2x64x512xf32, #tpu.memory_space<vmem>>[vector<16xi32>, vector<16xi32>, vector<16xi32>], vector<16xf32>, vector<16xi1>
          %broadcast_in_dim3A_563 = arith.constant 40 : i32
          %broadcast_in_dim3A_564 = vector.broadcast %broadcast_in_dim3A_563 : i32 to vector<16xi32>
          %gather3A_565 = tpu.vector_load_idx %arg9[%add3A_379, %add3A_443, %broadcast_in_dim3A_564] : memref<2x64x128xf32, #tpu.memory_space<vmem>>[vector<16xi32>, vector<16xi32>, vector<16xi32>], vector<16xf32>,
          tpu.vector_store_idx %arg10[%add3A_174, %broadcast_in_dim3A_564, %select_n3A_439], %gather3A_565 masked %lt3A_427 : memref<2x64x512xf32, #tpu.memory_space<vmem>>[vector<16xi32>, vector<16xi32>, vector<16xi32>], vector<16xf32>, vector<16xi1>
          %broadcast_in_dim3A_566 = arith.constant 41 : i32
          %broadcast_in_dim3A_567 = vector.broadcast %broadcast_in_dim3A_566 : i32 to vector<16xi32>
          %gather3A_568 = tpu.vector_load_idx %arg9[%add3A_379, %add3A_443, %broadcast_in_dim3A_567] : memref<2x64x128xf32, #tpu.memory_space<vmem>>[vector<16xi32>, vector<16xi32>, vector<16xi32>], vector<16xf32>,
          tpu.vector_store_idx %arg10[%add3A_174, %broadcast_in_dim3A_567, %select_n3A_439], %gather3A_568 masked %lt3A_427 : memref<2x64x512xf32, #tpu.memory_space<vmem>>[vector<16xi32>, vector<16xi32>, vector<16xi32>], vector<16xf32>, vector<16xi1>
          %broadcast_in_dim3A_569 = arith.constant 42 : i32
          %broadcast_in_dim3A_570 = vector.broadcast %broadcast_in_dim3A_569 : i32 to vector<16xi32>
          %gather3A_571 = tpu.vector_load_idx %arg9[%add3A_379, %add3A_443, %broadcast_in_dim3A_570] : memref<2x64x128xf32, #tpu.memory_space<vmem>>[vector<16xi32>, vector<16xi32>, vector<16xi32>], vector<16xf32>,
          tpu.vector_store_idx %arg10[%add3A_174, %broadcast_in_dim3A_570, %select_n3A_439], %gather3A_571 masked %lt3A_427 : memref<2x64x512xf32, #tpu.memory_space<vmem>>[vector<16xi32>, vector<16xi32>, vector<16xi32>], vector<16xf32>, vector<16xi1>
          %broadcast_in_dim3A_572 = arith.constant 43 : i32
          %broadcast_in_dim3A_573 = vector.broadcast %broadcast_in_dim3A_572 : i32 to vector<16xi32>
          %gather3A_574 = tpu.vector_load_idx %arg9[%add3A_379, %add3A_443, %broadcast_in_dim3A_573] : memref<2x64x128xf32, #tpu.memory_space<vmem>>[vector<16xi32>, vector<16xi32>, vector<16xi32>], vector<16xf32>,
          tpu.vector_store_idx %arg10[%add3A_174, %broadcast_in_dim3A_573, %select_n3A_439], %gather3A_574 masked %lt3A_427 : memref<2x64x512xf32, #tpu.memory_space<vmem>>[vector<16xi32>, vector<16xi32>, vector<16xi32>], vector<16xf32>, vector<16xi1>
          %broadcast_in_dim3A_575 = arith.constant 44 : i32
          %broadcast_in_dim3A_576 = vector.broadcast %broadcast_in_dim3A_575 : i32 to vector<16xi32>
          %gather3A_577 = tpu.vector_load_idx %arg9[%add3A_379, %add3A_443, %broadcast_in_dim3A_576] : memref<2x64x128xf32, #tpu.memory_space<vmem>>[vector<16xi32>, vector<16xi32>, vector<16xi32>], vector<16xf32>,
          tpu.vector_store_idx %arg10[%add3A_174, %broadcast_in_dim3A_576, %select_n3A_439], %gather3A_577 masked %lt3A_427 : memref<2x64x512xf32, #tpu.memory_space<vmem>>[vector<16xi32>, vector<16xi32>, vector<16xi32>], vector<16xf32>, vector<16xi1>
          %broadcast_in_dim3A_578 = arith.constant 45 : i32
          %broadcast_in_dim3A_579 = vector.broadcast %broadcast_in_dim3A_578 : i32 to vector<16xi32>
          %gather3A_580 = tpu.vector_load_idx %arg9[%add3A_379, %add3A_443, %broadcast_in_dim3A_579] : memref<2x64x128xf32, #tpu.memory_space<vmem>>[vector<16xi32>, vector<16xi32>, vector<16xi32>], vector<16xf32>,
          tpu.vector_store_idx %arg10[%add3A_174, %broadcast_in_dim3A_579, %select_n3A_439], %gather3A_580 masked %lt3A_427 : memref<2x64x512xf32, #tpu.memory_space<vmem>>[vector<16xi32>, vector<16xi32>, vector<16xi32>], vector<16xf32>, vector<16xi1>
          %broadcast_in_dim3A_581 = arith.constant 46 : i32
          %broadcast_in_dim3A_582 = vector.broadcast %broadcast_in_dim3A_581 : i32 to vector<16xi32>
          %gather3A_583 = tpu.vector_load_idx %arg9[%add3A_379, %add3A_443, %broadcast_in_dim3A_582] : memref<2x64x128xf32, #tpu.memory_space<vmem>>[vector<16xi32>, vector<16xi32>, vector<16xi32>], vector<16xf32>,
          tpu.vector_store_idx %arg10[%add3A_174, %broadcast_in_dim3A_582, %select_n3A_439], %gather3A_583 masked %lt3A_427 : memref<2x64x512xf32, #tpu.memory_space<vmem>>[vector<16xi32>, vector<16xi32>, vector<16xi32>], vector<16xf32>, vector<16xi1>
          %broadcast_in_dim3A_584 = arith.constant 47 : i32
          %broadcast_in_dim3A_585 = vector.broadcast %broadcast_in_dim3A_584 : i32 to vector<16xi32>
          %gather3A_586 = tpu.vector_load_idx %arg9[%add3A_379, %add3A_443, %broadcast_in_dim3A_585] : memref<2x64x128xf32, #tpu.memory_space<vmem>>[vector<16xi32>, vector<16xi32>, vector<16xi32>], vector<16xf32>,
          tpu.vector_store_idx %arg10[%add3A_174, %broadcast_in_dim3A_585, %select_n3A_439], %gather3A_586 masked %lt3A_427 : memref<2x64x512xf32, #tpu.memory_space<vmem>>[vector<16xi32>, vector<16xi32>, vector<16xi32>], vector<16xf32>, vector<16xi1>
          %broadcast_in_dim3A_587 = arith.constant 48 : i32
          %broadcast_in_dim3A_588 = vector.broadcast %broadcast_in_dim3A_587 : i32 to vector<16xi32>
          %gather3A_589 = tpu.vector_load_idx %arg9[%add3A_379, %add3A_443, %broadcast_in_dim3A_588] : memref<2x64x128xf32, #tpu.memory_space<vmem>>[vector<16xi32>, vector<16xi32>, vector<16xi32>], vector<16xf32>,
          tpu.vector_store_idx %arg10[%add3A_174, %broadcast_in_dim3A_588, %select_n3A_439], %gather3A_589 masked %lt3A_427 : memref<2x64x512xf32, #tpu.memory_space<vmem>>[vector<16xi32>, vector<16xi32>, vector<16xi32>], vector<16xf32>, vector<16xi1>
          %broadcast_in_dim3A_590 = arith.constant 49 : i32
          %broadcast_in_dim3A_591 = vector.broadcast %broadcast_in_dim3A_590 : i32 to vector<16xi32>
          %gather3A_592 = tpu.vector_load_idx %arg9[%add3A_379, %add3A_443, %broadcast_in_dim3A_591] : memref<2x64x128xf32, #tpu.memory_space<vmem>>[vector<16xi32>, vector<16xi32>, vector<16xi32>], vector<16xf32>,
          tpu.vector_store_idx %arg10[%add3A_174, %broadcast_in_dim3A_591, %select_n3A_439], %gather3A_592 masked %lt3A_427 : memref<2x64x512xf32, #tpu.memory_space<vmem>>[vector<16xi32>, vector<16xi32>, vector<16xi32>], vector<16xf32>, vector<16xi1>
          %broadcast_in_dim3A_593 = arith.constant 50 : i32
          %broadcast_in_dim3A_594 = vector.broadcast %broadcast_in_dim3A_593 : i32 to vector<16xi32>
          %gather3A_595 = tpu.vector_load_idx %arg9[%add3A_379, %add3A_443, %broadcast_in_dim3A_594] : memref<2x64x128xf32, #tpu.memory_space<vmem>>[vector<16xi32>, vector<16xi32>, vector<16xi32>], vector<16xf32>,
          tpu.vector_store_idx %arg10[%add3A_174, %broadcast_in_dim3A_594, %select_n3A_439], %gather3A_595 masked %lt3A_427 : memref<2x64x512xf32, #tpu.memory_space<vmem>>[vector<16xi32>, vector<16xi32>, vector<16xi32>], vector<16xf32>, vector<16xi1>
          %broadcast_in_dim3A_596 = arith.constant 51 : i32
          %broadcast_in_dim3A_597 = vector.broadcast %broadcast_in_dim3A_596 : i32 to vector<16xi32>
          %gather3A_598 = tpu.vector_load_idx %arg9[%add3A_379, %add3A_443, %broadcast_in_dim3A_597] : memref<2x64x128xf32, #tpu.memory_space<vmem>>[vector<16xi32>, vector<16xi32>, vector<16xi32>], vector<16xf32>,
          tpu.vector_store_idx %arg10[%add3A_174, %broadcast_in_dim3A_597, %select_n3A_439], %gather3A_598 masked %lt3A_427 : memref<2x64x512xf32, #tpu.memory_space<vmem>>[vector<16xi32>, vector<16xi32>, vector<16xi32>], vector<16xf32>, vector<16xi1>
          %broadcast_in_dim3A_599 = arith.constant 52 : i32
          %broadcast_in_dim3A_600 = vector.broadcast %broadcast_in_dim3A_599 : i32 to vector<16xi32>
          %gather3A_601 = tpu.vector_load_idx %arg9[%add3A_379, %add3A_443, %broadcast_in_dim3A_600] : memref<2x64x128xf32, #tpu.memory_space<vmem>>[vector<16xi32>, vector<16xi32>, vector<16xi32>], vector<16xf32>,
          tpu.vector_store_idx %arg10[%add3A_174, %broadcast_in_dim3A_600, %select_n3A_439], %gather3A_601 masked %lt3A_427 : memref<2x64x512xf32, #tpu.memory_space<vmem>>[vector<16xi32>, vector<16xi32>, vector<16xi32>], vector<16xf32>, vector<16xi1>
          %broadcast_in_dim3A_602 = arith.constant 53 : i32
          %broadcast_in_dim3A_603 = vector.broadcast %broadcast_in_dim3A_602 : i32 to vector<16xi32>
          %gather3A_604 = tpu.vector_load_idx %arg9[%add3A_379, %add3A_443, %broadcast_in_dim3A_603] : memref<2x64x128xf32, #tpu.memory_space<vmem>>[vector<16xi32>, vector<16xi32>, vector<16xi32>], vector<16xf32>,
          tpu.vector_store_idx %arg10[%add3A_174, %broadcast_in_dim3A_603, %select_n3A_439], %gather3A_604 masked %lt3A_427 : memref<2x64x512xf32, #tpu.memory_space<vmem>>[vector<16xi32>, vector<16xi32>, vector<16xi32>], vector<16xf32>, vector<16xi1>
          %broadcast_in_dim3A_605 = arith.constant 54 : i32
          %broadcast_in_dim3A_606 = vector.broadcast %broadcast_in_dim3A_605 : i32 to vector<16xi32>
          %gather3A_607 = tpu.vector_load_idx %arg9[%add3A_379, %add3A_443, %broadcast_in_dim3A_606] : memref<2x64x128xf32, #tpu.memory_space<vmem>>[vector<16xi32>, vector<16xi32>, vector<16xi32>], vector<16xf32>,
          tpu.vector_store_idx %arg10[%add3A_174, %broadcast_in_dim3A_606, %select_n3A_439], %gather3A_607 masked %lt3A_427 : memref<2x64x512xf32, #tpu.memory_space<vmem>>[vector<16xi32>, vector<16xi32>, vector<16xi32>], vector<16xf32>, vector<16xi1>
          %broadcast_in_dim3A_608 = arith.constant 55 : i32
          %broadcast_in_dim3A_609 = vector.broadcast %broadcast_in_dim3A_608 : i32 to vector<16xi32>
          %gather3A_610 = tpu.vector_load_idx %arg9[%add3A_379, %add3A_443, %broadcast_in_dim3A_609] : memref<2x64x128xf32, #tpu.memory_space<vmem>>[vector<16xi32>, vector<16xi32>, vector<16xi32>], vector<16xf32>,
          tpu.vector_store_idx %arg10[%add3A_174, %broadcast_in_dim3A_609, %select_n3A_439], %gather3A_610 masked %lt3A_427 : memref<2x64x512xf32, #tpu.memory_space<vmem>>[vector<16xi32>, vector<16xi32>, vector<16xi32>], vector<16xf32>, vector<16xi1>
          %broadcast_in_dim3A_611 = arith.constant 56 : i32
          %broadcast_in_dim3A_612 = vector.broadcast %broadcast_in_dim3A_611 : i32 to vector<16xi32>
          %gather3A_613 = tpu.vector_load_idx %arg9[%add3A_379, %add3A_443, %broadcast_in_dim3A_612] : memref<2x64x128xf32, #tpu.memory_space<vmem>>[vector<16xi32>, vector<16xi32>, vector<16xi32>], vector<16xf32>,
          tpu.vector_store_idx %arg10[%add3A_174, %broadcast_in_dim3A_612, %select_n3A_439], %gather3A_613 masked %lt3A_427 : memref<2x64x512xf32, #tpu.memory_space<vmem>>[vector<16xi32>, vector<16xi32>, vector<16xi32>], vector<16xf32>, vector<16xi1>
          %broadcast_in_dim3A_614 = arith.constant 57 : i32
          %broadcast_in_dim3A_615 = vector.broadcast %broadcast_in_dim3A_614 : i32 to vector<16xi32>
          %gather3A_616 = tpu.vector_load_idx %arg9[%add3A_379, %add3A_443, %broadcast_in_dim3A_615] : memref<2x64x128xf32, #tpu.memory_space<vmem>>[vector<16xi32>, vector<16xi32>, vector<16xi32>], vector<16xf32>,
          tpu.vector_store_idx %arg10[%add3A_174, %broadcast_in_dim3A_615, %select_n3A_439], %gather3A_616 masked %lt3A_427 : memref<2x64x512xf32, #tpu.memory_space<vmem>>[vector<16xi32>, vector<16xi32>, vector<16xi32>], vector<16xf32>, vector<16xi1>
          %broadcast_in_dim3A_617 = arith.constant 58 : i32
          %broadcast_in_dim3A_618 = vector.broadcast %broadcast_in_dim3A_617 : i32 to vector<16xi32>
          %gather3A_619 = tpu.vector_load_idx %arg9[%add3A_379, %add3A_443, %broadcast_in_dim3A_618] : memref<2x64x128xf32, #tpu.memory_space<vmem>>[vector<16xi32>, vector<16xi32>, vector<16xi32>], vector<16xf32>,
          tpu.vector_store_idx %arg10[%add3A_174, %broadcast_in_dim3A_618, %select_n3A_439], %gather3A_619 masked %lt3A_427 : memref<2x64x512xf32, #tpu.memory_space<vmem>>[vector<16xi32>, vector<16xi32>, vector<16xi32>], vector<16xf32>, vector<16xi1>
          %broadcast_in_dim3A_620 = arith.constant 59 : i32
          %broadcast_in_dim3A_621 = vector.broadcast %broadcast_in_dim3A_620 : i32 to vector<16xi32>
          %gather3A_622 = tpu.vector_load_idx %arg9[%add3A_379, %add3A_443, %broadcast_in_dim3A_621] : memref<2x64x128xf32, #tpu.memory_space<vmem>>[vector<16xi32>, vector<16xi32>, vector<16xi32>], vector<16xf32>,
          tpu.vector_store_idx %arg10[%add3A_174, %broadcast_in_dim3A_621, %select_n3A_439], %gather3A_622 masked %lt3A_427 : memref<2x64x512xf32, #tpu.memory_space<vmem>>[vector<16xi32>, vector<16xi32>, vector<16xi32>], vector<16xf32>, vector<16xi1>
          %broadcast_in_dim3A_623 = arith.constant 60 : i32
          %broadcast_in_dim3A_624 = vector.broadcast %broadcast_in_dim3A_623 : i32 to vector<16xi32>
          %gather3A_625 = tpu.vector_load_idx %arg9[%add3A_379, %add3A_443, %broadcast_in_dim3A_624] : memref<2x64x128xf32, #tpu.memory_space<vmem>>[vector<16xi32>, vector<16xi32>, vector<16xi32>], vector<16xf32>,
          tpu.vector_store_idx %arg10[%add3A_174, %broadcast_in_dim3A_624, %select_n3A_439], %gather3A_625 masked %lt3A_427 : memref<2x64x512xf32, #tpu.memory_space<vmem>>[vector<16xi32>, vector<16xi32>, vector<16xi32>], vector<16xf32>, vector<16xi1>
          %broadcast_in_dim3A_626 = arith.constant 61 : i32
          %broadcast_in_dim3A_627 = vector.broadcast %broadcast_in_dim3A_626 : i32 to vector<16xi32>
          %gather3A_628 = tpu.vector_load_idx %arg9[%add3A_379, %add3A_443, %broadcast_in_dim3A_627] : memref<2x64x128xf32, #tpu.memory_space<vmem>>[vector<16xi32>, vector<16xi32>, vector<16xi32>], vector<16xf32>,
          tpu.vector_store_idx %arg10[%add3A_174, %broadcast_in_dim3A_627, %select_n3A_439], %gather3A_628 masked %lt3A_427 : memref<2x64x512xf32, #tpu.memory_space<vmem>>[vector<16xi32>, vector<16xi32>, vector<16xi32>], vector<16xf32>, vector<16xi1>
          %broadcast_in_dim3A_629 = arith.constant 62 : i32
          %broadcast_in_dim3A_630 = vector.broadcast %broadcast_in_dim3A_629 : i32 to vector<16xi32>
          %gather3A_631 = tpu.vector_load_idx %arg9[%add3A_379, %add3A_443, %broadcast_in_dim3A_630] : memref<2x64x128xf32, #tpu.memory_space<vmem>>[vector<16xi32>, vector<16xi32>, vector<16xi32>], vector<16xf32>,
          tpu.vector_store_idx %arg10[%add3A_174, %broadcast_in_dim3A_630, %select_n3A_439], %gather3A_631 masked %lt3A_427 : memref<2x64x512xf32, #tpu.memory_space<vmem>>[vector<16xi32>, vector<16xi32>, vector<16xi32>], vector<16xf32>, vector<16xi1>
          %broadcast_in_dim3A_632 = arith.constant 63 : i32
          %broadcast_in_dim3A_633 = vector.broadcast %broadcast_in_dim3A_632 : i32 to vector<16xi32>
          %gather3A_634 = tpu.vector_load_idx %arg9[%add3A_379, %add3A_443, %broadcast_in_dim3A_633] : memref<2x64x128xf32, #tpu.memory_space<vmem>>[vector<16xi32>, vector<16xi32>, vector<16xi32>], vector<16xf32>,
          tpu.vector_store_idx %arg10[%add3A_174, %broadcast_in_dim3A_633, %select_n3A_439], %gather3A_634 masked %lt3A_427 : memref<2x64x512xf32, #tpu.memory_space<vmem>>[vector<16xi32>, vector<16xi32>, vector<16xi32>], vector<16xf32>, vector<16xi1>
        }
      }
      %while3A_297 = arith.constant 1 : i32
      scf.for %while3A_342 = %while3A_295 to %while3A_291 step %while3A_297  : i32 {
        %add3A_343 = arith.addi %scan3A_140, %while3A_342 : i32
        %jit3A_344 = arith.constant 2 : i32
        %eq3A_345 = arith.constant 0 : i32
        %eq3A_346 = arith.cmpi eq, %jit3A_344, %eq3A_345 : i32
        %jit3A_347 = arith.constant 1 : i32
        %select_n3A_348 = arith.select %eq3A_346, %jit3A_347, %jit3A_344 : i32
        %rem3A_349 = arith.remsi %add3A_343, %select_n3A_348 : i32
        %ne3A_350 = arith.constant 0 : i32
        %ne3A_351 = arith.cmpi ne, %rem3A_349, %ne3A_350 : i32
        %lt3A_352 = arith.constant 0 : i32
        %lt3A_353 = arith.cmpi slt, %rem3A_349, %lt3A_352 : i32
        %lt3A_354 = arith.constant 0 : i32
        %lt3A_355 = arith.cmpi slt, %select_n3A_348, %lt3A_354 : i32
        %ne3A_356 = arith.xori %lt3A_353, %lt3A_355 : i1
        %and3A_357 = arith.andi %ne3A_356, %ne3A_351 : i1
        %add3A_358 = arith.addi %rem3A_349, %select_n3A_348 : i32
        %select_n3A_359 = arith.select %and3A_357, %add3A_358, %rem3A_349 : i32
        %mul3A_360 = arith.constant 576 : i32
        %mul3A_361 = arith.muli %select_n3A_156, %mul3A_360 : i32
        %mul3A_362 = arith.constant 64 : i32
        %mul3A_363 = arith.muli %while3A_342, %mul3A_362 : i32
        %add3A_364 = arith.addi %mul3A_361, %mul3A_363 : i32
        %dma_wait3A = arith.constant 0 : i32
        %dma_wait3A_365 = arith.constant 0 : i32
        %dma_wait3A_366 = tpu.memref_slice %arg9[%select_n3A_359, %dma_wait3A, %dma_wait3A_365] : memref<2x64x128xf32, #tpu.memory_space<vmem>> -> memref<1x64x128xf32, #tpu.memory_space<vmem>>
        %dma_wait3A_367 = tpu.memref_squeeze %dma_wait3A_366 : memref<1x64x128xf32, #tpu.memory_space<vmem>> -> memref<64x128xf32, #tpu.memory_space<vmem>>
        %dma_wait3A_368 = tpu.memref_slice %arg7[%add3A_364] : memref<1152xi32, #tpu.memory_space<vmem>> -> memref<64xi32, #tpu.memory_space<vmem>>
        %dma_wait3A_369 = arith.constant 0 : i32
        %dma_wait3A_370 = arith.constant 0 : i32
        %dma_wait3A_371 = tpu.memref_slice %arg3[%dma_wait3A_369, %dma_wait3A_370] : memref<100016x128xf32, #tpu.memory_space<hbm>> -> memref<100016x128xf32, #tpu.memory_space<hbm>>
        tpu.wait_indirect_dma semaphore(%arg12 : memref<!tpu.dma_semaphore, #tpu.memory_space<semaphore_mem>>) src(%dma_wait3A_371 : memref<100016x128xf32, #tpu.memory_space<hbm>>) dst(%dma_wait3A_367 : memref<64x128xf32, #tpu.memory_space<vmem>>)
        %add3A_372 = arith.constant 1 : i32
        %add3A_373 = arith.addi %while3A_342, %add3A_372 : i32
        %lt3A_374 = arith.cmpi slt, %add3A_373, %select_n3A_288 : i32
        %convert_element_type3A_375 = arith.extui %lt3A_374 : i1 to i32
        %cond3A_376 = arith.constant 0 : i32
        %cond3A_377 = arith.cmpi ne, %convert_element_type3A_375, %cond3A_376 : i32
        scf.if %cond3A_377 {
          %mul3A_421 = arith.constant 576 : i32
          %mul3A_422 = arith.muli %select_n3A_156, %mul3A_421 : i32
          %add3A_423 = arith.constant 1 : i32
          %add3A_424 = arith.addi %while3A_342, %add3A_423 : i32
          %add3A_425 = arith.addi %scan3A_140, %while3A_342 : i32
          %add3A_426 = arith.constant 1 : i32
          %add3A_427 = arith.addi %add3A_425, %add3A_426 : i32
          %jit3A_428 = arith.constant 2 : i32
          %eq3A_429 = arith.constant 0 : i32
          %eq3A_430 = arith.cmpi eq, %jit3A_428, %eq3A_429 : i32
          %jit3A_431 = arith.constant 1 : i32
          %select_n3A_432 = arith.select %eq3A_430, %jit3A_431, %jit3A_428 : i32
          %rem3A_433 = arith.remsi %add3A_427, %select_n3A_432 : i32
          %ne3A_434 = arith.constant 0 : i32
          %ne3A_435 = arith.cmpi ne, %rem3A_433, %ne3A_434 : i32
          %lt3A_436 = arith.constant 0 : i32
          %lt3A_437 = arith.cmpi slt, %rem3A_433, %lt3A_436 : i32
          %lt3A_438 = arith.constant 0 : i32
          %lt3A_439 = arith.cmpi slt, %select_n3A_432, %lt3A_438 : i32
          %ne3A_440 = arith.xori %lt3A_437, %lt3A_439 : i1
          %and3A_441 = arith.andi %ne3A_440, %ne3A_435 : i1
          %add3A_442 = arith.addi %rem3A_433, %select_n3A_432 : i32
          %select_n3A_443 = arith.select %and3A_441, %add3A_442, %rem3A_433 : i32
          %mul3A_444 = arith.constant 64 : i32
          %mul3A_445 = arith.muli %add3A_424, %mul3A_444 : i32
          %add3A_446 = arith.addi %mul3A_422, %mul3A_445 : i32
          %dma_start3A_447 = arith.constant 0 : i32
          %dma_start3A_448 = arith.constant 0 : i32
          %dma_start3A_449 = tpu.memref_slice %arg9[%select_n3A_443, %dma_start3A_447, %dma_start3A_448] : memref<2x64x128xf32, #tpu.memory_space<vmem>> -> memref<1x64x128xf32, #tpu.memory_space<vmem>>
          %dma_start3A_450 = tpu.memref_squeeze %dma_start3A_449 : memref<1x64x128xf32, #tpu.memory_space<vmem>> -> memref<64x128xf32, #tpu.memory_space<vmem>>
          %dma_start3A_451 = tpu.memref_slice %arg7[%add3A_446] : memref<1152xi32, #tpu.memory_space<vmem>> -> memref<64xi32, #tpu.memory_space<vmem>>
          %dma_start3A_452 = arith.constant 0 : i32
          %dma_start3A_453 = arith.constant 0 : i32
          %dma_start3A_454 = tpu.memref_slice %arg3[%dma_start3A_452, %dma_start3A_453] : memref<100016x128xf32, #tpu.memory_space<hbm>> -> memref<100016x128xf32, #tpu.memory_space<hbm>>
          tpu.enqueue_indirect_dma source(%dma_start3A_454 : memref<100016x128xf32, #tpu.memory_space<hbm>>) target(%dma_start3A_450 : memref<64x128xf32, #tpu.memory_space<vmem>>) offsets(%dma_start3A_451 : memref<64xi32, #tpu.memory_space<vmem>>) semaphore(%arg12 : memref<!tpu.dma_semaphore, #tpu.memory_space<semaphore_mem>>)
        } else {
        }
        %add3A_378 = vector.broadcast %select_n3A_359 : i32 to vector<16xi32>
        %add3A_379 = arith.addi %broadcast_in_dim3A_72, %add3A_378 : vector<16xi32>
        %mul3A_380 = arith.constant 64 : i32
        %mul3A_381 = arith.muli %while3A_342, %mul3A_380 : i32
        %sub3A_382 = arith.subi %scan3A_139, %mul3A_381 : i32
        %min3A_383 = arith.constant 64 : i32
        %min3A_384 = arith.minsi %sub3A_382, %min3A_383 : i32
        %add3A_385 = arith.constant 15 : i32
        %add3A_386 = arith.addi %min3A_384, %add3A_385 : i32
        %jit3A_387 = arith.constant 16 : i32
        %div3A_388 = arith.divsi %add3A_386, %jit3A_387 : i32
        %sign3A_389 = arith.constant 0 : i32
        %sign3A_390 = arith.cmpi sgt, %add3A_386, %sign3A_389 : i32
        %sign3A_391 = arith.extui %sign3A_390 : i1 to i32
        %sign3A_392 = arith.constant 0 : i32
        %sign3A_393 = arith.cmpi slt, %add3A_386, %sign3A_392 : i32
        %sign3A_394 = arith.extui %sign3A_393 : i1 to i32
        %sign3A_395 = arith.subi %sign3A_391, %sign3A_394 : i32
        %sign3A_396 = arith.constant 0 : i32
        %sign3A_397 = arith.cmpi sgt, %jit3A_387, %sign3A_396 : i32
        %sign3A_398 = arith.extui %sign3A_397 : i1 to i32
        %sign3A_399 = arith.constant 0 : i32
        %sign3A_400 = arith.cmpi slt, %jit3A_387, %sign3A_399 : i32
        %sign3A_401 = arith.extui %sign3A_400 : i1 to i32
        %sign3A_402 = arith.subi %sign3A_398, %sign3A_401 : i32
        %ne3A_403 = arith.cmpi ne, %sign3A_395, %sign3A_402 : i32
        %rem3A_404 = arith.remsi %add3A_386, %jit3A_387 : i32
        %ne3A_405 = arith.constant 0 : i32
        %ne3A_406 = arith.cmpi ne, %rem3A_404, %ne3A_405 : i32
        %and3A_407 = arith.andi %ne3A_403, %ne3A_406 : i1
        %sub3A_408 = arith.constant 1 : i32
        %sub3A_409 = arith.subi %div3A_388, %sub3A_408 : i32
        %select_n3A_410 = arith.select %and3A_407, %sub3A_409, %div3A_388 : i32
        %while3A_411 = arith.constant 0 : i32
        %while3A_412 = arith.constant 0 : i32
        %while3A_413 = arith.subi %select_n3A_410, %while3A_412 : i32
        %while3A_414 = arith.addi %while3A_412, %while3A_413 : i32
        %while3A_415 = arith.constant 1 : i32
        %while3A_416 = arith.divsi %while3A_413, %while3A_415 : i32
        %while3A_417 = arith.muli %while3A_416, %while3A_415 : i32
        %while3A_418 = arith.addi %while3A_412, %while3A_417 : i32
        %while3A_419 = arith.constant 1 : i32
        scf.for %while3A_421 = %while3A_412 to %while3A_418 step %while3A_419  : i32 {
          %mul3A_422 = arith.constant 16 : i32
          %mul3A_423 = arith.muli %while3A_421, %mul3A_422 : i32
          %add3A_424 = vector.broadcast %mul3A_423 : i32 to vector<16xi32>
          %add3A_425 = arith.addi %add3A_424, %iota3A : vector<16xi32>
          %lt3A_426 = vector.broadcast %sub3A_382 : i32 to vector<16xi32>
          %lt3A_427 = arith.cmpi slt, %add3A_425, %lt3A_426 : vector<16xi32>
          %mul3A_428 = arith.constant 512 : i32
          %mul3A_429 = arith.muli %select_n3A_172, %mul3A_428 : i32
          %mul3A_430 = arith.constant 64 : i32
          %mul3A_431 = arith.muli %while3A_342, %mul3A_430 : i32
          %add3A_432 = arith.addi %mul3A_429, %mul3A_431 : i32
          %mul3A_433 = arith.constant 16 : i32
          %mul3A_434 = arith.muli %while3A_421, %mul3A_433 : i32
          %add3A_435 = arith.addi %add3A_432, %mul3A_434 : i32
          %get3A = arith.index_cast %add3A_435 : i32 to index
          %get3A_436 = tpu.vector_load %arg8[%get3A] {strides = array<i32>} : memref<1536xi32, #tpu.memory_space<vmem>>, vector<16xi32>,
          %jit3A_437 = arith.constant 0 : i32
          %broadcast_in_dim3A_438 = vector.broadcast %jit3A_437 : i32 to vector<16xi32>
          %select_n3A_439 = arith.select %lt3A_427, %get3A_436, %broadcast_in_dim3A_438 : vector<16xi1>, vector<16xi32>
          %mul3A_440 = arith.constant 16 : i32
          %mul3A_441 = arith.muli %while3A_421, %mul3A_440 : i32
          %add3A_442 = vector.broadcast %mul3A_441 : i32 to vector<16xi32>
          %add3A_443 = arith.addi %add3A_442, %iota3A : vector<16xi32>
          %broadcast_in_dim3A_444 = arith.constant 0 : i32
          %broadcast_in_dim3A_445 = vector.broadcast %broadcast_in_dim3A_444 : i32 to vector<16xi32>
          %gather3A = tpu.vector_load_idx %arg9[%add3A_379, %add3A_443, %broadcast_in_dim3A_445] : memref<2x64x128xf32, #tpu.memory_space<vmem>>[vector<16xi32>, vector<16xi32>, vector<16xi32>], vector<16xf32>,
          tpu.vector_store_idx %arg10[%add3A_174, %broadcast_in_dim3A_445, %select_n3A_439], %gather3A masked %lt3A_427 : memref<2x64x512xf32, #tpu.memory_space<vmem>>[vector<16xi32>, vector<16xi32>, vector<16xi32>], vector<16xf32>, vector<16xi1>
          %broadcast_in_dim3A_446 = arith.constant 1 : i32
          %broadcast_in_dim3A_447 = vector.broadcast %broadcast_in_dim3A_446 : i32 to vector<16xi32>
          %gather3A_448 = tpu.vector_load_idx %arg9[%add3A_379, %add3A_443, %broadcast_in_dim3A_447] : memref<2x64x128xf32, #tpu.memory_space<vmem>>[vector<16xi32>, vector<16xi32>, vector<16xi32>], vector<16xf32>,
          tpu.vector_store_idx %arg10[%add3A_174, %broadcast_in_dim3A_447, %select_n3A_439], %gather3A_448 masked %lt3A_427 : memref<2x64x512xf32, #tpu.memory_space<vmem>>[vector<16xi32>, vector<16xi32>, vector<16xi32>], vector<16xf32>, vector<16xi1>
          %broadcast_in_dim3A_449 = arith.constant 2 : i32
          %broadcast_in_dim3A_450 = vector.broadcast %broadcast_in_dim3A_449 : i32 to vector<16xi32>
          %gather3A_451 = tpu.vector_load_idx %arg9[%add3A_379, %add3A_443, %broadcast_in_dim3A_450] : memref<2x64x128xf32, #tpu.memory_space<vmem>>[vector<16xi32>, vector<16xi32>, vector<16xi32>], vector<16xf32>,
          tpu.vector_store_idx %arg10[%add3A_174, %broadcast_in_dim3A_450, %select_n3A_439], %gather3A_451 masked %lt3A_427 : memref<2x64x512xf32, #tpu.memory_space<vmem>>[vector<16xi32>, vector<16xi32>, vector<16xi32>], vector<16xf32>, vector<16xi1>
          %broadcast_in_dim3A_452 = arith.constant 3 : i32
          %broadcast_in_dim3A_453 = vector.broadcast %broadcast_in_dim3A_452 : i32 to vector<16xi32>
          %gather3A_454 = tpu.vector_load_idx %arg9[%add3A_379, %add3A_443, %broadcast_in_dim3A_453] : memref<2x64x128xf32, #tpu.memory_space<vmem>>[vector<16xi32>, vector<16xi32>, vector<16xi32>], vector<16xf32>,
          tpu.vector_store_idx %arg10[%add3A_174, %broadcast_in_dim3A_453, %select_n3A_439], %gather3A_454 masked %lt3A_427 : memref<2x64x512xf32, #tpu.memory_space<vmem>>[vector<16xi32>, vector<16xi32>, vector<16xi32>], vector<16xf32>, vector<16xi1>
          %broadcast_in_dim3A_455 = arith.constant 4 : i32
          %broadcast_in_dim3A_456 = vector.broadcast %broadcast_in_dim3A_455 : i32 to vector<16xi32>
          %gather3A_457 = tpu.vector_load_idx %arg9[%add3A_379, %add3A_443, %broadcast_in_dim3A_456] : memref<2x64x128xf32, #tpu.memory_space<vmem>>[vector<16xi32>, vector<16xi32>, vector<16xi32>], vector<16xf32>,
          tpu.vector_store_idx %arg10[%add3A_174, %broadcast_in_dim3A_456, %select_n3A_439], %gather3A_457 masked %lt3A_427 : memref<2x64x512xf32, #tpu.memory_space<vmem>>[vector<16xi32>, vector<16xi32>, vector<16xi32>], vector<16xf32>, vector<16xi1>
          %broadcast_in_dim3A_458 = arith.constant 5 : i32
          %broadcast_in_dim3A_459 = vector.broadcast %broadcast_in_dim3A_458 : i32 to vector<16xi32>
          %gather3A_460 = tpu.vector_load_idx %arg9[%add3A_379, %add3A_443, %broadcast_in_dim3A_459] : memref<2x64x128xf32, #tpu.memory_space<vmem>>[vector<16xi32>, vector<16xi32>, vector<16xi32>], vector<16xf32>,
          tpu.vector_store_idx %arg10[%add3A_174, %broadcast_in_dim3A_459, %select_n3A_439], %gather3A_460 masked %lt3A_427 : memref<2x64x512xf32, #tpu.memory_space<vmem>>[vector<16xi32>, vector<16xi32>, vector<16xi32>], vector<16xf32>, vector<16xi1>
          %broadcast_in_dim3A_461 = arith.constant 6 : i32
          %broadcast_in_dim3A_462 = vector.broadcast %broadcast_in_dim3A_461 : i32 to vector<16xi32>
          %gather3A_463 = tpu.vector_load_idx %arg9[%add3A_379, %add3A_443, %broadcast_in_dim3A_462] : memref<2x64x128xf32, #tpu.memory_space<vmem>>[vector<16xi32>, vector<16xi32>, vector<16xi32>], vector<16xf32>,
          tpu.vector_store_idx %arg10[%add3A_174, %broadcast_in_dim3A_462, %select_n3A_439], %gather3A_463 masked %lt3A_427 : memref<2x64x512xf32, #tpu.memory_space<vmem>>[vector<16xi32>, vector<16xi32>, vector<16xi32>], vector<16xf32>, vector<16xi1>
          %broadcast_in_dim3A_464 = arith.constant 7 : i32
          %broadcast_in_dim3A_465 = vector.broadcast %broadcast_in_dim3A_464 : i32 to vector<16xi32>
          %gather3A_466 = tpu.vector_load_idx %arg9[%add3A_379, %add3A_443, %broadcast_in_dim3A_465] : memref<2x64x128xf32, #tpu.memory_space<vmem>>[vector<16xi32>, vector<16xi32>, vector<16xi32>], vector<16xf32>,
          tpu.vector_store_idx %arg10[%add3A_174, %broadcast_in_dim3A_465, %select_n3A_439], %gather3A_466 masked %lt3A_427 : memref<2x64x512xf32, #tpu.memory_space<vmem>>[vector<16xi32>, vector<16xi32>, vector<16xi32>], vector<16xf32>, vector<16xi1>
          %broadcast_in_dim3A_467 = arith.constant 8 : i32
          %broadcast_in_dim3A_468 = vector.broadcast %broadcast_in_dim3A_467 : i32 to vector<16xi32>
          %gather3A_469 = tpu.vector_load_idx %arg9[%add3A_379, %add3A_443, %broadcast_in_dim3A_468] : memref<2x64x128xf32, #tpu.memory_space<vmem>>[vector<16xi32>, vector<16xi32>, vector<16xi32>], vector<16xf32>,
          tpu.vector_store_idx %arg10[%add3A_174, %broadcast_in_dim3A_468, %select_n3A_439], %gather3A_469 masked %lt3A_427 : memref<2x64x512xf32, #tpu.memory_space<vmem>>[vector<16xi32>, vector<16xi32>, vector<16xi32>], vector<16xf32>, vector<16xi1>
          %broadcast_in_dim3A_470 = arith.constant 9 : i32
          %broadcast_in_dim3A_471 = vector.broadcast %broadcast_in_dim3A_470 : i32 to vector<16xi32>
          %gather3A_472 = tpu.vector_load_idx %arg9[%add3A_379, %add3A_443, %broadcast_in_dim3A_471] : memref<2x64x128xf32, #tpu.memory_space<vmem>>[vector<16xi32>, vector<16xi32>, vector<16xi32>], vector<16xf32>,
          tpu.vector_store_idx %arg10[%add3A_174, %broadcast_in_dim3A_471, %select_n3A_439], %gather3A_472 masked %lt3A_427 : memref<2x64x512xf32, #tpu.memory_space<vmem>>[vector<16xi32>, vector<16xi32>, vector<16xi32>], vector<16xf32>, vector<16xi1>
          %broadcast_in_dim3A_473 = arith.constant 10 : i32
          %broadcast_in_dim3A_474 = vector.broadcast %broadcast_in_dim3A_473 : i32 to vector<16xi32>
          %gather3A_475 = tpu.vector_load_idx %arg9[%add3A_379, %add3A_443, %broadcast_in_dim3A_474] : memref<2x64x128xf32, #tpu.memory_space<vmem>>[vector<16xi32>, vector<16xi32>, vector<16xi32>], vector<16xf32>,
          tpu.vector_store_idx %arg10[%add3A_174, %broadcast_in_dim3A_474, %select_n3A_439], %gather3A_475 masked %lt3A_427 : memref<2x64x512xf32, #tpu.memory_space<vmem>>[vector<16xi32>, vector<16xi32>, vector<16xi32>], vector<16xf32>, vector<16xi1>
          %broadcast_in_dim3A_476 = arith.constant 11 : i32
          %broadcast_in_dim3A_477 = vector.broadcast %broadcast_in_dim3A_476 : i32 to vector<16xi32>
          %gather3A_478 = tpu.vector_load_idx %arg9[%add3A_379, %add3A_443, %broadcast_in_dim3A_477] : memref<2x64x128xf32, #tpu.memory_space<vmem>>[vector<16xi32>, vector<16xi32>, vector<16xi32>], vector<16xf32>,
          tpu.vector_store_idx %arg10[%add3A_174, %broadcast_in_dim3A_477, %select_n3A_439], %gather3A_478 masked %lt3A_427 : memref<2x64x512xf32, #tpu.memory_space<vmem>>[vector<16xi32>, vector<16xi32>, vector<16xi32>], vector<16xf32>, vector<16xi1>
          %broadcast_in_dim3A_479 = arith.constant 12 : i32
          %broadcast_in_dim3A_480 = vector.broadcast %broadcast_in_dim3A_479 : i32 to vector<16xi32>
          %gather3A_481 = tpu.vector_load_idx %arg9[%add3A_379, %add3A_443, %broadcast_in_dim3A_480] : memref<2x64x128xf32, #tpu.memory_space<vmem>>[vector<16xi32>, vector<16xi32>, vector<16xi32>], vector<16xf32>,
          tpu.vector_store_idx %arg10[%add3A_174, %broadcast_in_dim3A_480, %select_n3A_439], %gather3A_481 masked %lt3A_427 : memref<2x64x512xf32, #tpu.memory_space<vmem>>[vector<16xi32>, vector<16xi32>, vector<16xi32>], vector<16xf32>, vector<16xi1>
          %broadcast_in_dim3A_482 = arith.constant 13 : i32
          %broadcast_in_dim3A_483 = vector.broadcast %broadcast_in_dim3A_482 : i32 to vector<16xi32>
          %gather3A_484 = tpu.vector_load_idx %arg9[%add3A_379, %add3A_443, %broadcast_in_dim3A_483] : memref<2x64x128xf32, #tpu.memory_space<vmem>>[vector<16xi32>, vector<16xi32>, vector<16xi32>], vector<16xf32>,
          tpu.vector_store_idx %arg10[%add3A_174, %broadcast_in_dim3A_483, %select_n3A_439], %gather3A_484 masked %lt3A_427 : memref<2x64x512xf32, #tpu.memory_space<vmem>>[vector<16xi32>, vector<16xi32>, vector<16xi32>], vector<16xf32>, vector<16xi1>
          %broadcast_in_dim3A_485 = arith.constant 14 : i32
          %broadcast_in_dim3A_486 = vector.broadcast %broadcast_in_dim3A_485 : i32 to vector<16xi32>
          %gather3A_487 = tpu.vector_load_idx %arg9[%add3A_379, %add3A_443, %broadcast_in_dim3A_486] : memref<2x64x128xf32, #tpu.memory_space<vmem>>[vector<16xi32>, vector<16xi32>, vector<16xi32>], vector<16xf32>,
          tpu.vector_store_idx %arg10[%add3A_174, %broadcast_in_dim3A_486, %select_n3A_439], %gather3A_487 masked %lt3A_427 : memref<2x64x512xf32, #tpu.memory_space<vmem>>[vector<16xi32>, vector<16xi32>, vector<16xi32>], vector<16xf32>, vector<16xi1>
          %broadcast_in_dim3A_488 = arith.constant 15 : i32
          %broadcast_in_dim3A_489 = vector.broadcast %broadcast_in_dim3A_488 : i32 to vector<16xi32>
          %gather3A_490 = tpu.vector_load_idx %arg9[%add3A_379, %add3A_443, %broadcast_in_dim3A_489] : memref<2x64x128xf32, #tpu.memory_space<vmem>>[vector<16xi32>, vector<16xi32>, vector<16xi32>], vector<16xf32>,
          tpu.vector_store_idx %arg10[%add3A_174, %broadcast_in_dim3A_489, %select_n3A_439], %gather3A_490 masked %lt3A_427 : memref<2x64x512xf32, #tpu.memory_space<vmem>>[vector<16xi32>, vector<16xi32>, vector<16xi32>], vector<16xf32>, vector<16xi1>
          %broadcast_in_dim3A_491 = arith.constant 16 : i32
          %broadcast_in_dim3A_492 = vector.broadcast %broadcast_in_dim3A_491 : i32 to vector<16xi32>
          %gather3A_493 = tpu.vector_load_idx %arg9[%add3A_379, %add3A_443, %broadcast_in_dim3A_492] : memref<2x64x128xf32, #tpu.memory_space<vmem>>[vector<16xi32>, vector<16xi32>, vector<16xi32>], vector<16xf32>,
          tpu.vector_store_idx %arg10[%add3A_174, %broadcast_in_dim3A_492, %select_n3A_439], %gather3A_493 masked %lt3A_427 : memref<2x64x512xf32, #tpu.memory_space<vmem>>[vector<16xi32>, vector<16xi32>, vector<16xi32>], vector<16xf32>, vector<16xi1>
          %broadcast_in_dim3A_494 = arith.constant 17 : i32
          %broadcast_in_dim3A_495 = vector.broadcast %broadcast_in_dim3A_494 : i32 to vector<16xi32>
          %gather3A_496 = tpu.vector_load_idx %arg9[%add3A_379, %add3A_443, %broadcast_in_dim3A_495] : memref<2x64x128xf32, #tpu.memory_space<vmem>>[vector<16xi32>, vector<16xi32>, vector<16xi32>], vector<16xf32>,
          tpu.vector_store_idx %arg10[%add3A_174, %broadcast_in_dim3A_495, %select_n3A_439], %gather3A_496 masked %lt3A_427 : memref<2x64x512xf32, #tpu.memory_space<vmem>>[vector<16xi32>, vector<16xi32>, vector<16xi32>], vector<16xf32>, vector<16xi1>
          %broadcast_in_dim3A_497 = arith.constant 18 : i32
          %broadcast_in_dim3A_498 = vector.broadcast %broadcast_in_dim3A_497 : i32 to vector<16xi32>
          %gather3A_499 = tpu.vector_load_idx %arg9[%add3A_379, %add3A_443, %broadcast_in_dim3A_498] : memref<2x64x128xf32, #tpu.memory_space<vmem>>[vector<16xi32>, vector<16xi32>, vector<16xi32>], vector<16xf32>,
          tpu.vector_store_idx %arg10[%add3A_174, %broadcast_in_dim3A_498, %select_n3A_439], %gather3A_499 masked %lt3A_427 : memref<2x64x512xf32, #tpu.memory_space<vmem>>[vector<16xi32>, vector<16xi32>, vector<16xi32>], vector<16xf32>, vector<16xi1>
          %broadcast_in_dim3A_500 = arith.constant 19 : i32
          %broadcast_in_dim3A_501 = vector.broadcast %broadcast_in_dim3A_500 : i32 to vector<16xi32>
          %gather3A_502 = tpu.vector_load_idx %arg9[%add3A_379, %add3A_443, %broadcast_in_dim3A_501] : memref<2x64x128xf32, #tpu.memory_space<vmem>>[vector<16xi32>, vector<16xi32>, vector<16xi32>], vector<16xf32>,
          tpu.vector_store_idx %arg10[%add3A_174, %broadcast_in_dim3A_501, %select_n3A_439], %gather3A_502 masked %lt3A_427 : memref<2x64x512xf32, #tpu.memory_space<vmem>>[vector<16xi32>, vector<16xi32>, vector<16xi32>], vector<16xf32>, vector<16xi1>
          %broadcast_in_dim3A_503 = arith.constant 20 : i32
          %broadcast_in_dim3A_504 = vector.broadcast %broadcast_in_dim3A_503 : i32 to vector<16xi32>
          %gather3A_505 = tpu.vector_load_idx %arg9[%add3A_379, %add3A_443, %broadcast_in_dim3A_504] : memref<2x64x128xf32, #tpu.memory_space<vmem>>[vector<16xi32>, vector<16xi32>, vector<16xi32>], vector<16xf32>,
          tpu.vector_store_idx %arg10[%add3A_174, %broadcast_in_dim3A_504, %select_n3A_439], %gather3A_505 masked %lt3A_427 : memref<2x64x512xf32, #tpu.memory_space<vmem>>[vector<16xi32>, vector<16xi32>, vector<16xi32>], vector<16xf32>, vector<16xi1>
          %broadcast_in_dim3A_506 = arith.constant 21 : i32
          %broadcast_in_dim3A_507 = vector.broadcast %broadcast_in_dim3A_506 : i32 to vector<16xi32>
          %gather3A_508 = tpu.vector_load_idx %arg9[%add3A_379, %add3A_443, %broadcast_in_dim3A_507] : memref<2x64x128xf32, #tpu.memory_space<vmem>>[vector<16xi32>, vector<16xi32>, vector<16xi32>], vector<16xf32>,
          tpu.vector_store_idx %arg10[%add3A_174, %broadcast_in_dim3A_507, %select_n3A_439], %gather3A_508 masked %lt3A_427 : memref<2x64x512xf32, #tpu.memory_space<vmem>>[vector<16xi32>, vector<16xi32>, vector<16xi32>], vector<16xf32>, vector<16xi1>
          %broadcast_in_dim3A_509 = arith.constant 22 : i32
          %broadcast_in_dim3A_510 = vector.broadcast %broadcast_in_dim3A_509 : i32 to vector<16xi32>
          %gather3A_511 = tpu.vector_load_idx %arg9[%add3A_379, %add3A_443, %broadcast_in_dim3A_510] : memref<2x64x128xf32, #tpu.memory_space<vmem>>[vector<16xi32>, vector<16xi32>, vector<16xi32>], vector<16xf32>,
          tpu.vector_store_idx %arg10[%add3A_174, %broadcast_in_dim3A_510, %select_n3A_439], %gather3A_511 masked %lt3A_427 : memref<2x64x512xf32, #tpu.memory_space<vmem>>[vector<16xi32>, vector<16xi32>, vector<16xi32>], vector<16xf32>, vector<16xi1>
          %broadcast_in_dim3A_512 = arith.constant 23 : i32
          %broadcast_in_dim3A_513 = vector.broadcast %broadcast_in_dim3A_512 : i32 to vector<16xi32>
          %gather3A_514 = tpu.vector_load_idx %arg9[%add3A_379, %add3A_443, %broadcast_in_dim3A_513] : memref<2x64x128xf32, #tpu.memory_space<vmem>>[vector<16xi32>, vector<16xi32>, vector<16xi32>], vector<16xf32>,
          tpu.vector_store_idx %arg10[%add3A_174, %broadcast_in_dim3A_513, %select_n3A_439], %gather3A_514 masked %lt3A_427 : memref<2x64x512xf32, #tpu.memory_space<vmem>>[vector<16xi32>, vector<16xi32>, vector<16xi32>], vector<16xf32>, vector<16xi1>
          %broadcast_in_dim3A_515 = arith.constant 24 : i32
          %broadcast_in_dim3A_516 = vector.broadcast %broadcast_in_dim3A_515 : i32 to vector<16xi32>
          %gather3A_517 = tpu.vector_load_idx %arg9[%add3A_379, %add3A_443, %broadcast_in_dim3A_516] : memref<2x64x128xf32, #tpu.memory_space<vmem>>[vector<16xi32>, vector<16xi32>, vector<16xi32>], vector<16xf32>,
          tpu.vector_store_idx %arg10[%add3A_174, %broadcast_in_dim3A_516, %select_n3A_439], %gather3A_517 masked %lt3A_427 : memref<2x64x512xf32, #tpu.memory_space<vmem>>[vector<16xi32>, vector<16xi32>, vector<16xi32>], vector<16xf32>, vector<16xi1>
          %broadcast_in_dim3A_518 = arith.constant 25 : i32
          %broadcast_in_dim3A_519 = vector.broadcast %broadcast_in_dim3A_518 : i32 to vector<16xi32>
          %gather3A_520 = tpu.vector_load_idx %arg9[%add3A_379, %add3A_443, %broadcast_in_dim3A_519] : memref<2x64x128xf32, #tpu.memory_space<vmem>>[vector<16xi32>, vector<16xi32>, vector<16xi32>], vector<16xf32>,
          tpu.vector_store_idx %arg10[%add3A_174, %broadcast_in_dim3A_519, %select_n3A_439], %gather3A_520 masked %lt3A_427 : memref<2x64x512xf32, #tpu.memory_space<vmem>>[vector<16xi32>, vector<16xi32>, vector<16xi32>], vector<16xf32>, vector<16xi1>
          %broadcast_in_dim3A_521 = arith.constant 26 : i32
          %broadcast_in_dim3A_522 = vector.broadcast %broadcast_in_dim3A_521 : i32 to vector<16xi32>
          %gather3A_523 = tpu.vector_load_idx %arg9[%add3A_379, %add3A_443, %broadcast_in_dim3A_522] : memref<2x64x128xf32, #tpu.memory_space<vmem>>[vector<16xi32>, vector<16xi32>, vector<16xi32>], vector<16xf32>,
          tpu.vector_store_idx %arg10[%add3A_174, %broadcast_in_dim3A_522, %select_n3A_439], %gather3A_523 masked %lt3A_427 : memref<2x64x512xf32, #tpu.memory_space<vmem>>[vector<16xi32>, vector<16xi32>, vector<16xi32>], vector<16xf32>, vector<16xi1>
          %broadcast_in_dim3A_524 = arith.constant 27 : i32
          %broadcast_in_dim3A_525 = vector.broadcast %broadcast_in_dim3A_524 : i32 to vector<16xi32>
          %gather3A_526 = tpu.vector_load_idx %arg9[%add3A_379, %add3A_443, %broadcast_in_dim3A_525] : memref<2x64x128xf32, #tpu.memory_space<vmem>>[vector<16xi32>, vector<16xi32>, vector<16xi32>], vector<16xf32>,
          tpu.vector_store_idx %arg10[%add3A_174, %broadcast_in_dim3A_525, %select_n3A_439], %gather3A_526 masked %lt3A_427 : memref<2x64x512xf32, #tpu.memory_space<vmem>>[vector<16xi32>, vector<16xi32>, vector<16xi32>], vector<16xf32>, vector<16xi1>
          %broadcast_in_dim3A_527 = arith.constant 28 : i32
          %broadcast_in_dim3A_528 = vector.broadcast %broadcast_in_dim3A_527 : i32 to vector<16xi32>
          %gather3A_529 = tpu.vector_load_idx %arg9[%add3A_379, %add3A_443, %broadcast_in_dim3A_528] : memref<2x64x128xf32, #tpu.memory_space<vmem>>[vector<16xi32>, vector<16xi32>, vector<16xi32>], vector<16xf32>,
          tpu.vector_store_idx %arg10[%add3A_174, %broadcast_in_dim3A_528, %select_n3A_439], %gather3A_529 masked %lt3A_427 : memref<2x64x512xf32, #tpu.memory_space<vmem>>[vector<16xi32>, vector<16xi32>, vector<16xi32>], vector<16xf32>, vector<16xi1>
          %broadcast_in_dim3A_530 = arith.constant 29 : i32
          %broadcast_in_dim3A_531 = vector.broadcast %broadcast_in_dim3A_530 : i32 to vector<16xi32>
          %gather3A_532 = tpu.vector_load_idx %arg9[%add3A_379, %add3A_443, %broadcast_in_dim3A_531] : memref<2x64x128xf32, #tpu.memory_space<vmem>>[vector<16xi32>, vector<16xi32>, vector<16xi32>], vector<16xf32>,
          tpu.vector_store_idx %arg10[%add3A_174, %broadcast_in_dim3A_531, %select_n3A_439], %gather3A_532 masked %lt3A_427 : memref<2x64x512xf32, #tpu.memory_space<vmem>>[vector<16xi32>, vector<16xi32>, vector<16xi32>], vector<16xf32>, vector<16xi1>
          %broadcast_in_dim3A_533 = arith.constant 30 : i32
          %broadcast_in_dim3A_534 = vector.broadcast %broadcast_in_dim3A_533 : i32 to vector<16xi32>
          %gather3A_535 = tpu.vector_load_idx %arg9[%add3A_379, %add3A_443, %broadcast_in_dim3A_534] : memref<2x64x128xf32, #tpu.memory_space<vmem>>[vector<16xi32>, vector<16xi32>, vector<16xi32>], vector<16xf32>,
          tpu.vector_store_idx %arg10[%add3A_174, %broadcast_in_dim3A_534, %select_n3A_439], %gather3A_535 masked %lt3A_427 : memref<2x64x512xf32, #tpu.memory_space<vmem>>[vector<16xi32>, vector<16xi32>, vector<16xi32>], vector<16xf32>, vector<16xi1>
          %broadcast_in_dim3A_536 = arith.constant 31 : i32
          %broadcast_in_dim3A_537 = vector.broadcast %broadcast_in_dim3A_536 : i32 to vector<16xi32>
          %gather3A_538 = tpu.vector_load_idx %arg9[%add3A_379, %add3A_443, %broadcast_in_dim3A_537] : memref<2x64x128xf32, #tpu.memory_space<vmem>>[vector<16xi32>, vector<16xi32>, vector<16xi32>], vector<16xf32>,
          tpu.vector_store_idx %arg10[%add3A_174, %broadcast_in_dim3A_537, %select_n3A_439], %gather3A_538 masked %lt3A_427 : memref<2x64x512xf32, #tpu.memory_space<vmem>>[vector<16xi32>, vector<16xi32>, vector<16xi32>], vector<16xf32>, vector<16xi1>
          %broadcast_in_dim3A_539 = arith.constant 32 : i32
          %broadcast_in_dim3A_540 = vector.broadcast %broadcast_in_dim3A_539 : i32 to vector<16xi32>
          %gather3A_541 = tpu.vector_load_idx %arg9[%add3A_379, %add3A_443, %broadcast_in_dim3A_540] : memref<2x64x128xf32, #tpu.memory_space<vmem>>[vector<16xi32>, vector<16xi32>, vector<16xi32>], vector<16xf32>,
          tpu.vector_store_idx %arg10[%add3A_174, %broadcast_in_dim3A_540, %select_n3A_439], %gather3A_541 masked %lt3A_427 : memref<2x64x512xf32, #tpu.memory_space<vmem>>[vector<16xi32>, vector<16xi32>, vector<16xi32>], vector<16xf32>, vector<16xi1>
          %broadcast_in_dim3A_542 = arith.constant 33 : i32
          %broadcast_in_dim3A_543 = vector.broadcast %broadcast_in_dim3A_542 : i32 to vector<16xi32>
          %gather3A_544 = tpu.vector_load_idx %arg9[%add3A_379, %add3A_443, %broadcast_in_dim3A_543] : memref<2x64x128xf32, #tpu.memory_space<vmem>>[vector<16xi32>, vector<16xi32>, vector<16xi32>], vector<16xf32>,
          tpu.vector_store_idx %arg10[%add3A_174, %broadcast_in_dim3A_543, %select_n3A_439], %gather3A_544 masked %lt3A_427 : memref<2x64x512xf32, #tpu.memory_space<vmem>>[vector<16xi32>, vector<16xi32>, vector<16xi32>], vector<16xf32>, vector<16xi1>
          %broadcast_in_dim3A_545 = arith.constant 34 : i32
          %broadcast_in_dim3A_546 = vector.broadcast %broadcast_in_dim3A_545 : i32 to vector<16xi32>
          %gather3A_547 = tpu.vector_load_idx %arg9[%add3A_379, %add3A_443, %broadcast_in_dim3A_546] : memref<2x64x128xf32, #tpu.memory_space<vmem>>[vector<16xi32>, vector<16xi32>, vector<16xi32>], vector<16xf32>,
          tpu.vector_store_idx %arg10[%add3A_174, %broadcast_in_dim3A_546, %select_n3A_439], %gather3A_547 masked %lt3A_427 : memref<2x64x512xf32, #tpu.memory_space<vmem>>[vector<16xi32>, vector<16xi32>, vector<16xi32>], vector<16xf32>, vector<16xi1>
          %broadcast_in_dim3A_548 = arith.constant 35 : i32
          %broadcast_in_dim3A_549 = vector.broadcast %broadcast_in_dim3A_548 : i32 to vector<16xi32>
          %gather3A_550 = tpu.vector_load_idx %arg9[%add3A_379, %add3A_443, %broadcast_in_dim3A_549] : memref<2x64x128xf32, #tpu.memory_space<vmem>>[vector<16xi32>, vector<16xi32>, vector<16xi32>], vector<16xf32>,
          tpu.vector_store_idx %arg10[%add3A_174, %broadcast_in_dim3A_549, %select_n3A_439], %gather3A_550 masked %lt3A_427 : memref<2x64x512xf32, #tpu.memory_space<vmem>>[vector<16xi32>, vector<16xi32>, vector<16xi32>], vector<16xf32>, vector<16xi1>
          %broadcast_in_dim3A_551 = arith.constant 36 : i32
          %broadcast_in_dim3A_552 = vector.broadcast %broadcast_in_dim3A_551 : i32 to vector<16xi32>
          %gather3A_553 = tpu.vector_load_idx %arg9[%add3A_379, %add3A_443, %broadcast_in_dim3A_552] : memref<2x64x128xf32, #tpu.memory_space<vmem>>[vector<16xi32>, vector<16xi32>, vector<16xi32>], vector<16xf32>,
          tpu.vector_store_idx %arg10[%add3A_174, %broadcast_in_dim3A_552, %select_n3A_439], %gather3A_553 masked %lt3A_427 : memref<2x64x512xf32, #tpu.memory_space<vmem>>[vector<16xi32>, vector<16xi32>, vector<16xi32>], vector<16xf32>, vector<16xi1>
          %broadcast_in_dim3A_554 = arith.constant 37 : i32
          %broadcast_in_dim3A_555 = vector.broadcast %broadcast_in_dim3A_554 : i32 to vector<16xi32>
          %gather3A_556 = tpu.vector_load_idx %arg9[%add3A_379, %add3A_443, %broadcast_in_dim3A_555] : memref<2x64x128xf32, #tpu.memory_space<vmem>>[vector<16xi32>, vector<16xi32>, vector<16xi32>], vector<16xf32>,
          tpu.vector_store_idx %arg10[%add3A_174, %broadcast_in_dim3A_555, %select_n3A_439], %gather3A_556 masked %lt3A_427 : memref<2x64x512xf32, #tpu.memory_space<vmem>>[vector<16xi32>, vector<16xi32>, vector<16xi32>], vector<16xf32>, vector<16xi1>
          %broadcast_in_dim3A_557 = arith.constant 38 : i32
          %broadcast_in_dim3A_558 = vector.broadcast %broadcast_in_dim3A_557 : i32 to vector<16xi32>
          %gather3A_559 = tpu.vector_load_idx %arg9[%add3A_379, %add3A_443, %broadcast_in_dim3A_558] : memref<2x64x128xf32, #tpu.memory_space<vmem>>[vector<16xi32>, vector<16xi32>, vector<16xi32>], vector<16xf32>,
          tpu.vector_store_idx %arg10[%add3A_174, %broadcast_in_dim3A_558, %select_n3A_439], %gather3A_559 masked %lt3A_427 : memref<2x64x512xf32, #tpu.memory_space<vmem>>[vector<16xi32>, vector<16xi32>, vector<16xi32>], vector<16xf32>, vector<16xi1>
          %broadcast_in_dim3A_560 = arith.constant 39 : i32
          %broadcast_in_dim3A_561 = vector.broadcast %broadcast_in_dim3A_560 : i32 to vector<16xi32>
          %gather3A_562 = tpu.vector_load_idx %arg9[%add3A_379, %add3A_443, %broadcast_in_dim3A_561] : memref<2x64x128xf32, #tpu.memory_space<vmem>>[vector<16xi32>, vector<16xi32>, vector<16xi32>], vector<16xf32>,
          tpu.vector_store_idx %arg10[%add3A_174, %broadcast_in_dim3A_561, %select_n3A_439], %gather3A_562 masked %lt3A_427 : memref<2x64x512xf32, #tpu.memory_space<vmem>>[vector<16xi32>, vector<16xi32>, vector<16xi32>], vector<16xf32>, vector<16xi1>
          %broadcast_in_dim3A_563 = arith.constant 40 : i32
          %broadcast_in_dim3A_564 = vector.broadcast %broadcast_in_dim3A_563 : i32 to vector<16xi32>
          %gather3A_565 = tpu.vector_load_idx %arg9[%add3A_379, %add3A_443, %broadcast_in_dim3A_564] : memref<2x64x128xf32, #tpu.memory_space<vmem>>[vector<16xi32>, vector<16xi32>, vector<16xi32>], vector<16xf32>,
          tpu.vector_store_idx %arg10[%add3A_174, %broadcast_in_dim3A_564, %select_n3A_439], %gather3A_565 masked %lt3A_427 : memref<2x64x512xf32, #tpu.memory_space<vmem>>[vector<16xi32>, vector<16xi32>, vector<16xi32>], vector<16xf32>, vector<16xi1>
          %broadcast_in_dim3A_566 = arith.constant 41 : i32
          %broadcast_in_dim3A_567 = vector.broadcast %broadcast_in_dim3A_566 : i32 to vector<16xi32>
          %gather3A_568 = tpu.vector_load_idx %arg9[%add3A_379, %add3A_443, %broadcast_in_dim3A_567] : memref<2x64x128xf32, #tpu.memory_space<vmem>>[vector<16xi32>, vector<16xi32>, vector<16xi32>], vector<16xf32>,
          tpu.vector_store_idx %arg10[%add3A_174, %broadcast_in_dim3A_567, %select_n3A_439], %gather3A_568 masked %lt3A_427 : memref<2x64x512xf32, #tpu.memory_space<vmem>>[vector<16xi32>, vector<16xi32>, vector<16xi32>], vector<16xf32>, vector<16xi1>
          %broadcast_in_dim3A_569 = arith.constant 42 : i32
          %broadcast_in_dim3A_570 = vector.broadcast %broadcast_in_dim3A_569 : i32 to vector<16xi32>
          %gather3A_571 = tpu.vector_load_idx %arg9[%add3A_379, %add3A_443, %broadcast_in_dim3A_570] : memref<2x64x128xf32, #tpu.memory_space<vmem>>[vector<16xi32>, vector<16xi32>, vector<16xi32>], vector<16xf32>,
          tpu.vector_store_idx %arg10[%add3A_174, %broadcast_in_dim3A_570, %select_n3A_439], %gather3A_571 masked %lt3A_427 : memref<2x64x512xf32, #tpu.memory_space<vmem>>[vector<16xi32>, vector<16xi32>, vector<16xi32>], vector<16xf32>, vector<16xi1>
          %broadcast_in_dim3A_572 = arith.constant 43 : i32
          %broadcast_in_dim3A_573 = vector.broadcast %broadcast_in_dim3A_572 : i32 to vector<16xi32>
          %gather3A_574 = tpu.vector_load_idx %arg9[%add3A_379, %add3A_443, %broadcast_in_dim3A_573] : memref<2x64x128xf32, #tpu.memory_space<vmem>>[vector<16xi32>, vector<16xi32>, vector<16xi32>], vector<16xf32>,
          tpu.vector_store_idx %arg10[%add3A_174, %broadcast_in_dim3A_573, %select_n3A_439], %gather3A_574 masked %lt3A_427 : memref<2x64x512xf32, #tpu.memory_space<vmem>>[vector<16xi32>, vector<16xi32>, vector<16xi32>], vector<16xf32>, vector<16xi1>
          %broadcast_in_dim3A_575 = arith.constant 44 : i32
          %broadcast_in_dim3A_576 = vector.broadcast %broadcast_in_dim3A_575 : i32 to vector<16xi32>
          %gather3A_577 = tpu.vector_load_idx %arg9[%add3A_379, %add3A_443, %broadcast_in_dim3A_576] : memref<2x64x128xf32, #tpu.memory_space<vmem>>[vector<16xi32>, vector<16xi32>, vector<16xi32>], vector<16xf32>,
          tpu.vector_store_idx %arg10[%add3A_174, %broadcast_in_dim3A_576, %select_n3A_439], %gather3A_577 masked %lt3A_427 : memref<2x64x512xf32, #tpu.memory_space<vmem>>[vector<16xi32>, vector<16xi32>, vector<16xi32>], vector<16xf32>, vector<16xi1>
          %broadcast_in_dim3A_578 = arith.constant 45 : i32
          %broadcast_in_dim3A_579 = vector.broadcast %broadcast_in_dim3A_578 : i32 to vector<16xi32>
          %gather3A_580 = tpu.vector_load_idx %arg9[%add3A_379, %add3A_443, %broadcast_in_dim3A_579] : memref<2x64x128xf32, #tpu.memory_space<vmem>>[vector<16xi32>, vector<16xi32>, vector<16xi32>], vector<16xf32>,
          tpu.vector_store_idx %arg10[%add3A_174, %broadcast_in_dim3A_579, %select_n3A_439], %gather3A_580 masked %lt3A_427 : memref<2x64x512xf32, #tpu.memory_space<vmem>>[vector<16xi32>, vector<16xi32>, vector<16xi32>], vector<16xf32>, vector<16xi1>
          %broadcast_in_dim3A_581 = arith.constant 46 : i32
          %broadcast_in_dim3A_582 = vector.broadcast %broadcast_in_dim3A_581 : i32 to vector<16xi32>
          %gather3A_583 = tpu.vector_load_idx %arg9[%add3A_379, %add3A_443, %broadcast_in_dim3A_582] : memref<2x64x128xf32, #tpu.memory_space<vmem>>[vector<16xi32>, vector<16xi32>, vector<16xi32>], vector<16xf32>,
          tpu.vector_store_idx %arg10[%add3A_174, %broadcast_in_dim3A_582, %select_n3A_439], %gather3A_583 masked %lt3A_427 : memref<2x64x512xf32, #tpu.memory_space<vmem>>[vector<16xi32>, vector<16xi32>, vector<16xi32>], vector<16xf32>, vector<16xi1>
          %broadcast_in_dim3A_584 = arith.constant 47 : i32
          %broadcast_in_dim3A_585 = vector.broadcast %broadcast_in_dim3A_584 : i32 to vector<16xi32>
          %gather3A_586 = tpu.vector_load_idx %arg9[%add3A_379, %add3A_443, %broadcast_in_dim3A_585] : memref<2x64x128xf32, #tpu.memory_space<vmem>>[vector<16xi32>, vector<16xi32>, vector<16xi32>], vector<16xf32>,
          tpu.vector_store_idx %arg10[%add3A_174, %broadcast_in_dim3A_585, %select_n3A_439], %gather3A_586 masked %lt3A_427 : memref<2x64x512xf32, #tpu.memory_space<vmem>>[vector<16xi32>, vector<16xi32>, vector<16xi32>], vector<16xf32>, vector<16xi1>
          %broadcast_in_dim3A_587 = arith.constant 48 : i32
          %broadcast_in_dim3A_588 = vector.broadcast %broadcast_in_dim3A_587 : i32 to vector<16xi32>
          %gather3A_589 = tpu.vector_load_idx %arg9[%add3A_379, %add3A_443, %broadcast_in_dim3A_588] : memref<2x64x128xf32, #tpu.memory_space<vmem>>[vector<16xi32>, vector<16xi32>, vector<16xi32>], vector<16xf32>,
          tpu.vector_store_idx %arg10[%add3A_174, %broadcast_in_dim3A_588, %select_n3A_439], %gather3A_589 masked %lt3A_427 : memref<2x64x512xf32, #tpu.memory_space<vmem>>[vector<16xi32>, vector<16xi32>, vector<16xi32>], vector<16xf32>, vector<16xi1>
          %broadcast_in_dim3A_590 = arith.constant 49 : i32
          %broadcast_in_dim3A_591 = vector.broadcast %broadcast_in_dim3A_590 : i32 to vector<16xi32>
          %gather3A_592 = tpu.vector_load_idx %arg9[%add3A_379, %add3A_443, %broadcast_in_dim3A_591] : memref<2x64x128xf32, #tpu.memory_space<vmem>>[vector<16xi32>, vector<16xi32>, vector<16xi32>], vector<16xf32>,
          tpu.vector_store_idx %arg10[%add3A_174, %broadcast_in_dim3A_591, %select_n3A_439], %gather3A_592 masked %lt3A_427 : memref<2x64x512xf32, #tpu.memory_space<vmem>>[vector<16xi32>, vector<16xi32>, vector<16xi32>], vector<16xf32>, vector<16xi1>
          %broadcast_in_dim3A_593 = arith.constant 50 : i32
          %broadcast_in_dim3A_594 = vector.broadcast %broadcast_in_dim3A_593 : i32 to vector<16xi32>
          %gather3A_595 = tpu.vector_load_idx %arg9[%add3A_379, %add3A_443, %broadcast_in_dim3A_594] : memref<2x64x128xf32, #tpu.memory_space<vmem>>[vector<16xi32>, vector<16xi32>, vector<16xi32>], vector<16xf32>,
          tpu.vector_store_idx %arg10[%add3A_174, %broadcast_in_dim3A_594, %select_n3A_439], %gather3A_595 masked %lt3A_427 : memref<2x64x512xf32, #tpu.memory_space<vmem>>[vector<16xi32>, vector<16xi32>, vector<16xi32>], vector<16xf32>, vector<16xi1>
          %broadcast_in_dim3A_596 = arith.constant 51 : i32
          %broadcast_in_dim3A_597 = vector.broadcast %broadcast_in_dim3A_596 : i32 to vector<16xi32>
          %gather3A_598 = tpu.vector_load_idx %arg9[%add3A_379, %add3A_443, %broadcast_in_dim3A_597] : memref<2x64x128xf32, #tpu.memory_space<vmem>>[vector<16xi32>, vector<16xi32>, vector<16xi32>], vector<16xf32>,
          tpu.vector_store_idx %arg10[%add3A_174, %broadcast_in_dim3A_597, %select_n3A_439], %gather3A_598 masked %lt3A_427 : memref<2x64x512xf32, #tpu.memory_space<vmem>>[vector<16xi32>, vector<16xi32>, vector<16xi32>], vector<16xf32>, vector<16xi1>
          %broadcast_in_dim3A_599 = arith.constant 52 : i32
          %broadcast_in_dim3A_600 = vector.broadcast %broadcast_in_dim3A_599 : i32 to vector<16xi32>
          %gather3A_601 = tpu.vector_load_idx %arg9[%add3A_379, %add3A_443, %broadcast_in_dim3A_600] : memref<2x64x128xf32, #tpu.memory_space<vmem>>[vector<16xi32>, vector<16xi32>, vector<16xi32>], vector<16xf32>,
          tpu.vector_store_idx %arg10[%add3A_174, %broadcast_in_dim3A_600, %select_n3A_439], %gather3A_601 masked %lt3A_427 : memref<2x64x512xf32, #tpu.memory_space<vmem>>[vector<16xi32>, vector<16xi32>, vector<16xi32>], vector<16xf32>, vector<16xi1>
          %broadcast_in_dim3A_602 = arith.constant 53 : i32
          %broadcast_in_dim3A_603 = vector.broadcast %broadcast_in_dim3A_602 : i32 to vector<16xi32>
          %gather3A_604 = tpu.vector_load_idx %arg9[%add3A_379, %add3A_443, %broadcast_in_dim3A_603] : memref<2x64x128xf32, #tpu.memory_space<vmem>>[vector<16xi32>, vector<16xi32>, vector<16xi32>], vector<16xf32>,
          tpu.vector_store_idx %arg10[%add3A_174, %broadcast_in_dim3A_603, %select_n3A_439], %gather3A_604 masked %lt3A_427 : memref<2x64x512xf32, #tpu.memory_space<vmem>>[vector<16xi32>, vector<16xi32>, vector<16xi32>], vector<16xf32>, vector<16xi1>
          %broadcast_in_dim3A_605 = arith.constant 54 : i32
          %broadcast_in_dim3A_606 = vector.broadcast %broadcast_in_dim3A_605 : i32 to vector<16xi32>
          %gather3A_607 = tpu.vector_load_idx %arg9[%add3A_379, %add3A_443, %broadcast_in_dim3A_606] : memref<2x64x128xf32, #tpu.memory_space<vmem>>[vector<16xi32>, vector<16xi32>, vector<16xi32>], vector<16xf32>,
          tpu.vector_store_idx %arg10[%add3A_174, %broadcast_in_dim3A_606, %select_n3A_439], %gather3A_607 masked %lt3A_427 : memref<2x64x512xf32, #tpu.memory_space<vmem>>[vector<16xi32>, vector<16xi32>, vector<16xi32>], vector<16xf32>, vector<16xi1>
          %broadcast_in_dim3A_608 = arith.constant 55 : i32
          %broadcast_in_dim3A_609 = vector.broadcast %broadcast_in_dim3A_608 : i32 to vector<16xi32>
          %gather3A_610 = tpu.vector_load_idx %arg9[%add3A_379, %add3A_443, %broadcast_in_dim3A_609] : memref<2x64x128xf32, #tpu.memory_space<vmem>>[vector<16xi32>, vector<16xi32>, vector<16xi32>], vector<16xf32>,
          tpu.vector_store_idx %arg10[%add3A_174, %broadcast_in_dim3A_609, %select_n3A_439], %gather3A_610 masked %lt3A_427 : memref<2x64x512xf32, #tpu.memory_space<vmem>>[vector<16xi32>, vector<16xi32>, vector<16xi32>], vector<16xf32>, vector<16xi1>
          %broadcast_in_dim3A_611 = arith.constant 56 : i32
          %broadcast_in_dim3A_612 = vector.broadcast %broadcast_in_dim3A_611 : i32 to vector<16xi32>
          %gather3A_613 = tpu.vector_load_idx %arg9[%add3A_379, %add3A_443, %broadcast_in_dim3A_612] : memref<2x64x128xf32, #tpu.memory_space<vmem>>[vector<16xi32>, vector<16xi32>, vector<16xi32>], vector<16xf32>,
          tpu.vector_store_idx %arg10[%add3A_174, %broadcast_in_dim3A_612, %select_n3A_439], %gather3A_613 masked %lt3A_427 : memref<2x64x512xf32, #tpu.memory_space<vmem>>[vector<16xi32>, vector<16xi32>, vector<16xi32>], vector<16xf32>, vector<16xi1>
          %broadcast_in_dim3A_614 = arith.constant 57 : i32
          %broadcast_in_dim3A_615 = vector.broadcast %broadcast_in_dim3A_614 : i32 to vector<16xi32>
          %gather3A_616 = tpu.vector_load_idx %arg9[%add3A_379, %add3A_443, %broadcast_in_dim3A_615] : memref<2x64x128xf32, #tpu.memory_space<vmem>>[vector<16xi32>, vector<16xi32>, vector<16xi32>], vector<16xf32>,
          tpu.vector_store_idx %arg10[%add3A_174, %broadcast_in_dim3A_615, %select_n3A_439], %gather3A_616 masked %lt3A_427 : memref<2x64x512xf32, #tpu.memory_space<vmem>>[vector<16xi32>, vector<16xi32>, vector<16xi32>], vector<16xf32>, vector<16xi1>
          %broadcast_in_dim3A_617 = arith.constant 58 : i32
          %broadcast_in_dim3A_618 = vector.broadcast %broadcast_in_dim3A_617 : i32 to vector<16xi32>
          %gather3A_619 = tpu.vector_load_idx %arg9[%add3A_379, %add3A_443, %broadcast_in_dim3A_618] : memref<2x64x128xf32, #tpu.memory_space<vmem>>[vector<16xi32>, vector<16xi32>, vector<16xi32>], vector<16xf32>,
          tpu.vector_store_idx %arg10[%add3A_174, %broadcast_in_dim3A_618, %select_n3A_439], %gather3A_619 masked %lt3A_427 : memref<2x64x512xf32, #tpu.memory_space<vmem>>[vector<16xi32>, vector<16xi32>, vector<16xi32>], vector<16xf32>, vector<16xi1>
          %broadcast_in_dim3A_620 = arith.constant 59 : i32
          %broadcast_in_dim3A_621 = vector.broadcast %broadcast_in_dim3A_620 : i32 to vector<16xi32>
          %gather3A_622 = tpu.vector_load_idx %arg9[%add3A_379, %add3A_443, %broadcast_in_dim3A_621] : memref<2x64x128xf32, #tpu.memory_space<vmem>>[vector<16xi32>, vector<16xi32>, vector<16xi32>], vector<16xf32>,
          tpu.vector_store_idx %arg10[%add3A_174, %broadcast_in_dim3A_621, %select_n3A_439], %gather3A_622 masked %lt3A_427 : memref<2x64x512xf32, #tpu.memory_space<vmem>>[vector<16xi32>, vector<16xi32>, vector<16xi32>], vector<16xf32>, vector<16xi1>
          %broadcast_in_dim3A_623 = arith.constant 60 : i32
          %broadcast_in_dim3A_624 = vector.broadcast %broadcast_in_dim3A_623 : i32 to vector<16xi32>
          %gather3A_625 = tpu.vector_load_idx %arg9[%add3A_379, %add3A_443, %broadcast_in_dim3A_624] : memref<2x64x128xf32, #tpu.memory_space<vmem>>[vector<16xi32>, vector<16xi32>, vector<16xi32>], vector<16xf32>,
          tpu.vector_store_idx %arg10[%add3A_174, %broadcast_in_dim3A_624, %select_n3A_439], %gather3A_625 masked %lt3A_427 : memref<2x64x512xf32, #tpu.memory_space<vmem>>[vector<16xi32>, vector<16xi32>, vector<16xi32>], vector<16xf32>, vector<16xi1>
          %broadcast_in_dim3A_626 = arith.constant 61 : i32
          %broadcast_in_dim3A_627 = vector.broadcast %broadcast_in_dim3A_626 : i32 to vector<16xi32>
          %gather3A_628 = tpu.vector_load_idx %arg9[%add3A_379, %add3A_443, %broadcast_in_dim3A_627] : memref<2x64x128xf32, #tpu.memory_space<vmem>>[vector<16xi32>, vector<16xi32>, vector<16xi32>], vector<16xf32>,
          tpu.vector_store_idx %arg10[%add3A_174, %broadcast_in_dim3A_627, %select_n3A_439], %gather3A_628 masked %lt3A_427 : memref<2x64x512xf32, #tpu.memory_space<vmem>>[vector<16xi32>, vector<16xi32>, vector<16xi32>], vector<16xf32>, vector<16xi1>
          %broadcast_in_dim3A_629 = arith.constant 62 : i32
          %broadcast_in_dim3A_630 = vector.broadcast %broadcast_in_dim3A_629 : i32 to vector<16xi32>
          %gather3A_631 = tpu.vector_load_idx %arg9[%add3A_379, %add3A_443, %broadcast_in_dim3A_630] : memref<2x64x128xf32, #tpu.memory_space<vmem>>[vector<16xi32>, vector<16xi32>, vector<16xi32>], vector<16xf32>,
          tpu.vector_store_idx %arg10[%add3A_174, %broadcast_in_dim3A_630, %select_n3A_439], %gather3A_631 masked %lt3A_427 : memref<2x64x512xf32, #tpu.memory_space<vmem>>[vector<16xi32>, vector<16xi32>, vector<16xi32>], vector<16xf32>, vector<16xi1>
          %broadcast_in_dim3A_632 = arith.constant 63 : i32
          %broadcast_in_dim3A_633 = vector.broadcast %broadcast_in_dim3A_632 : i32 to vector<16xi32>
          %gather3A_634 = tpu.vector_load_idx %arg9[%add3A_379, %add3A_443, %broadcast_in_dim3A_633] : memref<2x64x128xf32, #tpu.memory_space<vmem>>[vector<16xi32>, vector<16xi32>, vector<16xi32>], vector<16xf32>,
          tpu.vector_store_idx %arg10[%add3A_174, %broadcast_in_dim3A_633, %select_n3A_439], %gather3A_634 masked %lt3A_427 : memref<2x64x512xf32, #tpu.memory_space<vmem>>[vector<16xi32>, vector<16xi32>, vector<16xi32>], vector<16xf32>, vector<16xi1>
        }
        %while3A_420 = arith.constant 1 : i32
        scf.for %while3A_421 = %while3A_418 to %while3A_414 step %while3A_420  : i32 {
          %mul3A_422 = arith.constant 16 : i32
          %mul3A_423 = arith.muli %while3A_421, %mul3A_422 : i32
          %add3A_424 = vector.broadcast %mul3A_423 : i32 to vector<16xi32>
          %add3A_425 = arith.addi %add3A_424, %iota3A : vector<16xi32>
          %lt3A_426 = vector.broadcast %sub3A_382 : i32 to vector<16xi32>
          %lt3A_427 = arith.cmpi slt, %add3A_425, %lt3A_426 : vector<16xi32>
          %mul3A_428 = arith.constant 512 : i32
          %mul3A_429 = arith.muli %select_n3A_172, %mul3A_428 : i32
          %mul3A_430 = arith.constant 64 : i32
          %mul3A_431 = arith.muli %while3A_342, %mul3A_430 : i32
          %add3A_432 = arith.addi %mul3A_429, %mul3A_431 : i32
          %mul3A_433 = arith.constant 16 : i32
          %mul3A_434 = arith.muli %while3A_421, %mul3A_433 : i32
          %add3A_435 = arith.addi %add3A_432, %mul3A_434 : i32
          %get3A = arith.index_cast %add3A_435 : i32 to index
          %get3A_436 = tpu.vector_load %arg8[%get3A] {strides = array<i32>} : memref<1536xi32, #tpu.memory_space<vmem>>, vector<16xi32>,
          %jit3A_437 = arith.constant 0 : i32
          %broadcast_in_dim3A_438 = vector.broadcast %jit3A_437 : i32 to vector<16xi32>
          %select_n3A_439 = arith.select %lt3A_427, %get3A_436, %broadcast_in_dim3A_438 : vector<16xi1>, vector<16xi32>
          %mul3A_440 = arith.constant 16 : i32
          %mul3A_441 = arith.muli %while3A_421, %mul3A_440 : i32
          %add3A_442 = vector.broadcast %mul3A_441 : i32 to vector<16xi32>
          %add3A_443 = arith.addi %add3A_442, %iota3A : vector<16xi32>
          %broadcast_in_dim3A_444 = arith.constant 0 : i32
          %broadcast_in_dim3A_445 = vector.broadcast %broadcast_in_dim3A_444 : i32 to vector<16xi32>
          %gather3A = tpu.vector_load_idx %arg9[%add3A_379, %add3A_443, %broadcast_in_dim3A_445] : memref<2x64x128xf32, #tpu.memory_space<vmem>>[vector<16xi32>, vector<16xi32>, vector<16xi32>], vector<16xf32>,
          tpu.vector_store_idx %arg10[%add3A_174, %broadcast_in_dim3A_445, %select_n3A_439], %gather3A masked %lt3A_427 : memref<2x64x512xf32, #tpu.memory_space<vmem>>[vector<16xi32>, vector<16xi32>, vector<16xi32>], vector<16xf32>, vector<16xi1>
          %broadcast_in_dim3A_446 = arith.constant 1 : i32
          %broadcast_in_dim3A_447 = vector.broadcast %broadcast_in_dim3A_446 : i32 to vector<16xi32>
          %gather3A_448 = tpu.vector_load_idx %arg9[%add3A_379, %add3A_443, %broadcast_in_dim3A_447] : memref<2x64x128xf32, #tpu.memory_space<vmem>>[vector<16xi32>, vector<16xi32>, vector<16xi32>], vector<16xf32>,
          tpu.vector_store_idx %arg10[%add3A_174, %broadcast_in_dim3A_447, %select_n3A_439], %gather3A_448 masked %lt3A_427 : memref<2x64x512xf32, #tpu.memory_space<vmem>>[vector<16xi32>, vector<16xi32>, vector<16xi32>], vector<16xf32>, vector<16xi1>
          %broadcast_in_dim3A_449 = arith.constant 2 : i32
          %broadcast_in_dim3A_450 = vector.broadcast %broadcast_in_dim3A_449 : i32 to vector<16xi32>
          %gather3A_451 = tpu.vector_load_idx %arg9[%add3A_379, %add3A_443, %broadcast_in_dim3A_450] : memref<2x64x128xf32, #tpu.memory_space<vmem>>[vector<16xi32>, vector<16xi32>, vector<16xi32>], vector<16xf32>,
          tpu.vector_store_idx %arg10[%add3A_174, %broadcast_in_dim3A_450, %select_n3A_439], %gather3A_451 masked %lt3A_427 : memref<2x64x512xf32, #tpu.memory_space<vmem>>[vector<16xi32>, vector<16xi32>, vector<16xi32>], vector<16xf32>, vector<16xi1>
          %broadcast_in_dim3A_452 = arith.constant 3 : i32
          %broadcast_in_dim3A_453 = vector.broadcast %broadcast_in_dim3A_452 : i32 to vector<16xi32>
          %gather3A_454 = tpu.vector_load_idx %arg9[%add3A_379, %add3A_443, %broadcast_in_dim3A_453] : memref<2x64x128xf32, #tpu.memory_space<vmem>>[vector<16xi32>, vector<16xi32>, vector<16xi32>], vector<16xf32>,
          tpu.vector_store_idx %arg10[%add3A_174, %broadcast_in_dim3A_453, %select_n3A_439], %gather3A_454 masked %lt3A_427 : memref<2x64x512xf32, #tpu.memory_space<vmem>>[vector<16xi32>, vector<16xi32>, vector<16xi32>], vector<16xf32>, vector<16xi1>
          %broadcast_in_dim3A_455 = arith.constant 4 : i32
          %broadcast_in_dim3A_456 = vector.broadcast %broadcast_in_dim3A_455 : i32 to vector<16xi32>
          %gather3A_457 = tpu.vector_load_idx %arg9[%add3A_379, %add3A_443, %broadcast_in_dim3A_456] : memref<2x64x128xf32, #tpu.memory_space<vmem>>[vector<16xi32>, vector<16xi32>, vector<16xi32>], vector<16xf32>,
          tpu.vector_store_idx %arg10[%add3A_174, %broadcast_in_dim3A_456, %select_n3A_439], %gather3A_457 masked %lt3A_427 : memref<2x64x512xf32, #tpu.memory_space<vmem>>[vector<16xi32>, vector<16xi32>, vector<16xi32>], vector<16xf32>, vector<16xi1>
          %broadcast_in_dim3A_458 = arith.constant 5 : i32
          %broadcast_in_dim3A_459 = vector.broadcast %broadcast_in_dim3A_458 : i32 to vector<16xi32>
          %gather3A_460 = tpu.vector_load_idx %arg9[%add3A_379, %add3A_443, %broadcast_in_dim3A_459] : memref<2x64x128xf32, #tpu.memory_space<vmem>>[vector<16xi32>, vector<16xi32>, vector<16xi32>], vector<16xf32>,
          tpu.vector_store_idx %arg10[%add3A_174, %broadcast_in_dim3A_459, %select_n3A_439], %gather3A_460 masked %lt3A_427 : memref<2x64x512xf32, #tpu.memory_space<vmem>>[vector<16xi32>, vector<16xi32>, vector<16xi32>], vector<16xf32>, vector<16xi1>
          %broadcast_in_dim3A_461 = arith.constant 6 : i32
          %broadcast_in_dim3A_462 = vector.broadcast %broadcast_in_dim3A_461 : i32 to vector<16xi32>
          %gather3A_463 = tpu.vector_load_idx %arg9[%add3A_379, %add3A_443, %broadcast_in_dim3A_462] : memref<2x64x128xf32, #tpu.memory_space<vmem>>[vector<16xi32>, vector<16xi32>, vector<16xi32>], vector<16xf32>,
          tpu.vector_store_idx %arg10[%add3A_174, %broadcast_in_dim3A_462, %select_n3A_439], %gather3A_463 masked %lt3A_427 : memref<2x64x512xf32, #tpu.memory_space<vmem>>[vector<16xi32>, vector<16xi32>, vector<16xi32>], vector<16xf32>, vector<16xi1>
          %broadcast_in_dim3A_464 = arith.constant 7 : i32
          %broadcast_in_dim3A_465 = vector.broadcast %broadcast_in_dim3A_464 : i32 to vector<16xi32>
          %gather3A_466 = tpu.vector_load_idx %arg9[%add3A_379, %add3A_443, %broadcast_in_dim3A_465] : memref<2x64x128xf32, #tpu.memory_space<vmem>>[vector<16xi32>, vector<16xi32>, vector<16xi32>], vector<16xf32>,
          tpu.vector_store_idx %arg10[%add3A_174, %broadcast_in_dim3A_465, %select_n3A_439], %gather3A_466 masked %lt3A_427 : memref<2x64x512xf32, #tpu.memory_space<vmem>>[vector<16xi32>, vector<16xi32>, vector<16xi32>], vector<16xf32>, vector<16xi1>
          %broadcast_in_dim3A_467 = arith.constant 8 : i32
          %broadcast_in_dim3A_468 = vector.broadcast %broadcast_in_dim3A_467 : i32 to vector<16xi32>
          %gather3A_469 = tpu.vector_load_idx %arg9[%add3A_379, %add3A_443, %broadcast_in_dim3A_468] : memref<2x64x128xf32, #tpu.memory_space<vmem>>[vector<16xi32>, vector<16xi32>, vector<16xi32>], vector<16xf32>,
          tpu.vector_store_idx %arg10[%add3A_174, %broadcast_in_dim3A_468, %select_n3A_439], %gather3A_469 masked %lt3A_427 : memref<2x64x512xf32, #tpu.memory_space<vmem>>[vector<16xi32>, vector<16xi32>, vector<16xi32>], vector<16xf32>, vector<16xi1>
          %broadcast_in_dim3A_470 = arith.constant 9 : i32
          %broadcast_in_dim3A_471 = vector.broadcast %broadcast_in_dim3A_470 : i32 to vector<16xi32>
          %gather3A_472 = tpu.vector_load_idx %arg9[%add3A_379, %add3A_443, %broadcast_in_dim3A_471] : memref<2x64x128xf32, #tpu.memory_space<vmem>>[vector<16xi32>, vector<16xi32>, vector<16xi32>], vector<16xf32>,
          tpu.vector_store_idx %arg10[%add3A_174, %broadcast_in_dim3A_471, %select_n3A_439], %gather3A_472 masked %lt3A_427 : memref<2x64x512xf32, #tpu.memory_space<vmem>>[vector<16xi32>, vector<16xi32>, vector<16xi32>], vector<16xf32>, vector<16xi1>
          %broadcast_in_dim3A_473 = arith.constant 10 : i32
          %broadcast_in_dim3A_474 = vector.broadcast %broadcast_in_dim3A_473 : i32 to vector<16xi32>
          %gather3A_475 = tpu.vector_load_idx %arg9[%add3A_379, %add3A_443, %broadcast_in_dim3A_474] : memref<2x64x128xf32, #tpu.memory_space<vmem>>[vector<16xi32>, vector<16xi32>, vector<16xi32>], vector<16xf32>,
          tpu.vector_store_idx %arg10[%add3A_174, %broadcast_in_dim3A_474, %select_n3A_439], %gather3A_475 masked %lt3A_427 : memref<2x64x512xf32, #tpu.memory_space<vmem>>[vector<16xi32>, vector<16xi32>, vector<16xi32>], vector<16xf32>, vector<16xi1>
          %broadcast_in_dim3A_476 = arith.constant 11 : i32
          %broadcast_in_dim3A_477 = vector.broadcast %broadcast_in_dim3A_476 : i32 to vector<16xi32>
          %gather3A_478 = tpu.vector_load_idx %arg9[%add3A_379, %add3A_443, %broadcast_in_dim3A_477] : memref<2x64x128xf32, #tpu.memory_space<vmem>>[vector<16xi32>, vector<16xi32>, vector<16xi32>], vector<16xf32>,
          tpu.vector_store_idx %arg10[%add3A_174, %broadcast_in_dim3A_477, %select_n3A_439], %gather3A_478 masked %lt3A_427 : memref<2x64x512xf32, #tpu.memory_space<vmem>>[vector<16xi32>, vector<16xi32>, vector<16xi32>], vector<16xf32>, vector<16xi1>
          %broadcast_in_dim3A_479 = arith.constant 12 : i32
          %broadcast_in_dim3A_480 = vector.broadcast %broadcast_in_dim3A_479 : i32 to vector<16xi32>
          %gather3A_481 = tpu.vector_load_idx %arg9[%add3A_379, %add3A_443, %broadcast_in_dim3A_480] : memref<2x64x128xf32, #tpu.memory_space<vmem>>[vector<16xi32>, vector<16xi32>, vector<16xi32>], vector<16xf32>,
          tpu.vector_store_idx %arg10[%add3A_174, %broadcast_in_dim3A_480, %select_n3A_439], %gather3A_481 masked %lt3A_427 : memref<2x64x512xf32, #tpu.memory_space<vmem>>[vector<16xi32>, vector<16xi32>, vector<16xi32>], vector<16xf32>, vector<16xi1>
          %broadcast_in_dim3A_482 = arith.constant 13 : i32
          %broadcast_in_dim3A_483 = vector.broadcast %broadcast_in_dim3A_482 : i32 to vector<16xi32>
          %gather3A_484 = tpu.vector_load_idx %arg9[%add3A_379, %add3A_443, %broadcast_in_dim3A_483] : memref<2x64x128xf32, #tpu.memory_space<vmem>>[vector<16xi32>, vector<16xi32>, vector<16xi32>], vector<16xf32>,
          tpu.vector_store_idx %arg10[%add3A_174, %broadcast_in_dim3A_483, %select_n3A_439], %gather3A_484 masked %lt3A_427 : memref<2x64x512xf32, #tpu.memory_space<vmem>>[vector<16xi32>, vector<16xi32>, vector<16xi32>], vector<16xf32>, vector<16xi1>
          %broadcast_in_dim3A_485 = arith.constant 14 : i32
          %broadcast_in_dim3A_486 = vector.broadcast %broadcast_in_dim3A_485 : i32 to vector<16xi32>
          %gather3A_487 = tpu.vector_load_idx %arg9[%add3A_379, %add3A_443, %broadcast_in_dim3A_486] : memref<2x64x128xf32, #tpu.memory_space<vmem>>[vector<16xi32>, vector<16xi32>, vector<16xi32>], vector<16xf32>,
          tpu.vector_store_idx %arg10[%add3A_174, %broadcast_in_dim3A_486, %select_n3A_439], %gather3A_487 masked %lt3A_427 : memref<2x64x512xf32, #tpu.memory_space<vmem>>[vector<16xi32>, vector<16xi32>, vector<16xi32>], vector<16xf32>, vector<16xi1>
          %broadcast_in_dim3A_488 = arith.constant 15 : i32
          %broadcast_in_dim3A_489 = vector.broadcast %broadcast_in_dim3A_488 : i32 to vector<16xi32>
          %gather3A_490 = tpu.vector_load_idx %arg9[%add3A_379, %add3A_443, %broadcast_in_dim3A_489] : memref<2x64x128xf32, #tpu.memory_space<vmem>>[vector<16xi32>, vector<16xi32>, vector<16xi32>], vector<16xf32>,
          tpu.vector_store_idx %arg10[%add3A_174, %broadcast_in_dim3A_489, %select_n3A_439], %gather3A_490 masked %lt3A_427 : memref<2x64x512xf32, #tpu.memory_space<vmem>>[vector<16xi32>, vector<16xi32>, vector<16xi32>], vector<16xf32>, vector<16xi1>
          %broadcast_in_dim3A_491 = arith.constant 16 : i32
          %broadcast_in_dim3A_492 = vector.broadcast %broadcast_in_dim3A_491 : i32 to vector<16xi32>
          %gather3A_493 = tpu.vector_load_idx %arg9[%add3A_379, %add3A_443, %broadcast_in_dim3A_492] : memref<2x64x128xf32, #tpu.memory_space<vmem>>[vector<16xi32>, vector<16xi32>, vector<16xi32>], vector<16xf32>,
          tpu.vector_store_idx %arg10[%add3A_174, %broadcast_in_dim3A_492, %select_n3A_439], %gather3A_493 masked %lt3A_427 : memref<2x64x512xf32, #tpu.memory_space<vmem>>[vector<16xi32>, vector<16xi32>, vector<16xi32>], vector<16xf32>, vector<16xi1>
          %broadcast_in_dim3A_494 = arith.constant 17 : i32
          %broadcast_in_dim3A_495 = vector.broadcast %broadcast_in_dim3A_494 : i32 to vector<16xi32>
          %gather3A_496 = tpu.vector_load_idx %arg9[%add3A_379, %add3A_443, %broadcast_in_dim3A_495] : memref<2x64x128xf32, #tpu.memory_space<vmem>>[vector<16xi32>, vector<16xi32>, vector<16xi32>], vector<16xf32>,
          tpu.vector_store_idx %arg10[%add3A_174, %broadcast_in_dim3A_495, %select_n3A_439], %gather3A_496 masked %lt3A_427 : memref<2x64x512xf32, #tpu.memory_space<vmem>>[vector<16xi32>, vector<16xi32>, vector<16xi32>], vector<16xf32>, vector<16xi1>
          %broadcast_in_dim3A_497 = arith.constant 18 : i32
          %broadcast_in_dim3A_498 = vector.broadcast %broadcast_in_dim3A_497 : i32 to vector<16xi32>
          %gather3A_499 = tpu.vector_load_idx %arg9[%add3A_379, %add3A_443, %broadcast_in_dim3A_498] : memref<2x64x128xf32, #tpu.memory_space<vmem>>[vector<16xi32>, vector<16xi32>, vector<16xi32>], vector<16xf32>,
          tpu.vector_store_idx %arg10[%add3A_174, %broadcast_in_dim3A_498, %select_n3A_439], %gather3A_499 masked %lt3A_427 : memref<2x64x512xf32, #tpu.memory_space<vmem>>[vector<16xi32>, vector<16xi32>, vector<16xi32>], vector<16xf32>, vector<16xi1>
          %broadcast_in_dim3A_500 = arith.constant 19 : i32
          %broadcast_in_dim3A_501 = vector.broadcast %broadcast_in_dim3A_500 : i32 to vector<16xi32>
          %gather3A_502 = tpu.vector_load_idx %arg9[%add3A_379, %add3A_443, %broadcast_in_dim3A_501] : memref<2x64x128xf32, #tpu.memory_space<vmem>>[vector<16xi32>, vector<16xi32>, vector<16xi32>], vector<16xf32>,
          tpu.vector_store_idx %arg10[%add3A_174, %broadcast_in_dim3A_501, %select_n3A_439], %gather3A_502 masked %lt3A_427 : memref<2x64x512xf32, #tpu.memory_space<vmem>>[vector<16xi32>, vector<16xi32>, vector<16xi32>], vector<16xf32>, vector<16xi1>
          %broadcast_in_dim3A_503 = arith.constant 20 : i32
          %broadcast_in_dim3A_504 = vector.broadcast %broadcast_in_dim3A_503 : i32 to vector<16xi32>
          %gather3A_505 = tpu.vector_load_idx %arg9[%add3A_379, %add3A_443, %broadcast_in_dim3A_504] : memref<2x64x128xf32, #tpu.memory_space<vmem>>[vector<16xi32>, vector<16xi32>, vector<16xi32>], vector<16xf32>,
          tpu.vector_store_idx %arg10[%add3A_174, %broadcast_in_dim3A_504, %select_n3A_439], %gather3A_505 masked %lt3A_427 : memref<2x64x512xf32, #tpu.memory_space<vmem>>[vector<16xi32>, vector<16xi32>, vector<16xi32>], vector<16xf32>, vector<16xi1>
          %broadcast_in_dim3A_506 = arith.constant 21 : i32
          %broadcast_in_dim3A_507 = vector.broadcast %broadcast_in_dim3A_506 : i32 to vector<16xi32>
          %gather3A_508 = tpu.vector_load_idx %arg9[%add3A_379, %add3A_443, %broadcast_in_dim3A_507] : memref<2x64x128xf32, #tpu.memory_space<vmem>>[vector<16xi32>, vector<16xi32>, vector<16xi32>], vector<16xf32>,
          tpu.vector_store_idx %arg10[%add3A_174, %broadcast_in_dim3A_507, %select_n3A_439], %gather3A_508 masked %lt3A_427 : memref<2x64x512xf32, #tpu.memory_space<vmem>>[vector<16xi32>, vector<16xi32>, vector<16xi32>], vector<16xf32>, vector<16xi1>
          %broadcast_in_dim3A_509 = arith.constant 22 : i32
          %broadcast_in_dim3A_510 = vector.broadcast %broadcast_in_dim3A_509 : i32 to vector<16xi32>
          %gather3A_511 = tpu.vector_load_idx %arg9[%add3A_379, %add3A_443, %broadcast_in_dim3A_510] : memref<2x64x128xf32, #tpu.memory_space<vmem>>[vector<16xi32>, vector<16xi32>, vector<16xi32>], vector<16xf32>,
          tpu.vector_store_idx %arg10[%add3A_174, %broadcast_in_dim3A_510, %select_n3A_439], %gather3A_511 masked %lt3A_427 : memref<2x64x512xf32, #tpu.memory_space<vmem>>[vector<16xi32>, vector<16xi32>, vector<16xi32>], vector<16xf32>, vector<16xi1>
          %broadcast_in_dim3A_512 = arith.constant 23 : i32
          %broadcast_in_dim3A_513 = vector.broadcast %broadcast_in_dim3A_512 : i32 to vector<16xi32>
          %gather3A_514 = tpu.vector_load_idx %arg9[%add3A_379, %add3A_443, %broadcast_in_dim3A_513] : memref<2x64x128xf32, #tpu.memory_space<vmem>>[vector<16xi32>, vector<16xi32>, vector<16xi32>], vector<16xf32>,
          tpu.vector_store_idx %arg10[%add3A_174, %broadcast_in_dim3A_513, %select_n3A_439], %gather3A_514 masked %lt3A_427 : memref<2x64x512xf32, #tpu.memory_space<vmem>>[vector<16xi32>, vector<16xi32>, vector<16xi32>], vector<16xf32>, vector<16xi1>
          %broadcast_in_dim3A_515 = arith.constant 24 : i32
          %broadcast_in_dim3A_516 = vector.broadcast %broadcast_in_dim3A_515 : i32 to vector<16xi32>
          %gather3A_517 = tpu.vector_load_idx %arg9[%add3A_379, %add3A_443, %broadcast_in_dim3A_516] : memref<2x64x128xf32, #tpu.memory_space<vmem>>[vector<16xi32>, vector<16xi32>, vector<16xi32>], vector<16xf32>,
          tpu.vector_store_idx %arg10[%add3A_174, %broadcast_in_dim3A_516, %select_n3A_439], %gather3A_517 masked %lt3A_427 : memref<2x64x512xf32, #tpu.memory_space<vmem>>[vector<16xi32>, vector<16xi32>, vector<16xi32>], vector<16xf32>, vector<16xi1>
          %broadcast_in_dim3A_518 = arith.constant 25 : i32
          %broadcast_in_dim3A_519 = vector.broadcast %broadcast_in_dim3A_518 : i32 to vector<16xi32>
          %gather3A_520 = tpu.vector_load_idx %arg9[%add3A_379, %add3A_443, %broadcast_in_dim3A_519] : memref<2x64x128xf32, #tpu.memory_space<vmem>>[vector<16xi32>, vector<16xi32>, vector<16xi32>], vector<16xf32>,
          tpu.vector_store_idx %arg10[%add3A_174, %broadcast_in_dim3A_519, %select_n3A_439], %gather3A_520 masked %lt3A_427 : memref<2x64x512xf32, #tpu.memory_space<vmem>>[vector<16xi32>, vector<16xi32>, vector<16xi32>], vector<16xf32>, vector<16xi1>
          %broadcast_in_dim3A_521 = arith.constant 26 : i32
          %broadcast_in_dim3A_522 = vector.broadcast %broadcast_in_dim3A_521 : i32 to vector<16xi32>
          %gather3A_523 = tpu.vector_load_idx %arg9[%add3A_379, %add3A_443, %broadcast_in_dim3A_522] : memref<2x64x128xf32, #tpu.memory_space<vmem>>[vector<16xi32>, vector<16xi32>, vector<16xi32>], vector<16xf32>,
          tpu.vector_store_idx %arg10[%add3A_174, %broadcast_in_dim3A_522, %select_n3A_439], %gather3A_523 masked %lt3A_427 : memref<2x64x512xf32, #tpu.memory_space<vmem>>[vector<16xi32>, vector<16xi32>, vector<16xi32>], vector<16xf32>, vector<16xi1>
          %broadcast_in_dim3A_524 = arith.constant 27 : i32
          %broadcast_in_dim3A_525 = vector.broadcast %broadcast_in_dim3A_524 : i32 to vector<16xi32>
          %gather3A_526 = tpu.vector_load_idx %arg9[%add3A_379, %add3A_443, %broadcast_in_dim3A_525] : memref<2x64x128xf32, #tpu.memory_space<vmem>>[vector<16xi32>, vector<16xi32>, vector<16xi32>], vector<16xf32>,
          tpu.vector_store_idx %arg10[%add3A_174, %broadcast_in_dim3A_525, %select_n3A_439], %gather3A_526 masked %lt3A_427 : memref<2x64x512xf32, #tpu.memory_space<vmem>>[vector<16xi32>, vector<16xi32>, vector<16xi32>], vector<16xf32>, vector<16xi1>
          %broadcast_in_dim3A_527 = arith.constant 28 : i32
          %broadcast_in_dim3A_528 = vector.broadcast %broadcast_in_dim3A_527 : i32 to vector<16xi32>
          %gather3A_529 = tpu.vector_load_idx %arg9[%add3A_379, %add3A_443, %broadcast_in_dim3A_528] : memref<2x64x128xf32, #tpu.memory_space<vmem>>[vector<16xi32>, vector<16xi32>, vector<16xi32>], vector<16xf32>,
          tpu.vector_store_idx %arg10[%add3A_174, %broadcast_in_dim3A_528, %select_n3A_439], %gather3A_529 masked %lt3A_427 : memref<2x64x512xf32, #tpu.memory_space<vmem>>[vector<16xi32>, vector<16xi32>, vector<16xi32>], vector<16xf32>, vector<16xi1>
          %broadcast_in_dim3A_530 = arith.constant 29 : i32
          %broadcast_in_dim3A_531 = vector.broadcast %broadcast_in_dim3A_530 : i32 to vector<16xi32>
          %gather3A_532 = tpu.vector_load_idx %arg9[%add3A_379, %add3A_443, %broadcast_in_dim3A_531] : memref<2x64x128xf32, #tpu.memory_space<vmem>>[vector<16xi32>, vector<16xi32>, vector<16xi32>], vector<16xf32>,
          tpu.vector_store_idx %arg10[%add3A_174, %broadcast_in_dim3A_531, %select_n3A_439], %gather3A_532 masked %lt3A_427 : memref<2x64x512xf32, #tpu.memory_space<vmem>>[vector<16xi32>, vector<16xi32>, vector<16xi32>], vector<16xf32>, vector<16xi1>
          %broadcast_in_dim3A_533 = arith.constant 30 : i32
          %broadcast_in_dim3A_534 = vector.broadcast %broadcast_in_dim3A_533 : i32 to vector<16xi32>
          %gather3A_535 = tpu.vector_load_idx %arg9[%add3A_379, %add3A_443, %broadcast_in_dim3A_534] : memref<2x64x128xf32, #tpu.memory_space<vmem>>[vector<16xi32>, vector<16xi32>, vector<16xi32>], vector<16xf32>,
          tpu.vector_store_idx %arg10[%add3A_174, %broadcast_in_dim3A_534, %select_n3A_439], %gather3A_535 masked %lt3A_427 : memref<2x64x512xf32, #tpu.memory_space<vmem>>[vector<16xi32>, vector<16xi32>, vector<16xi32>], vector<16xf32>, vector<16xi1>
          %broadcast_in_dim3A_536 = arith.constant 31 : i32
          %broadcast_in_dim3A_537 = vector.broadcast %broadcast_in_dim3A_536 : i32 to vector<16xi32>
          %gather3A_538 = tpu.vector_load_idx %arg9[%add3A_379, %add3A_443, %broadcast_in_dim3A_537] : memref<2x64x128xf32, #tpu.memory_space<vmem>>[vector<16xi32>, vector<16xi32>, vector<16xi32>], vector<16xf32>,
          tpu.vector_store_idx %arg10[%add3A_174, %broadcast_in_dim3A_537, %select_n3A_439], %gather3A_538 masked %lt3A_427 : memref<2x64x512xf32, #tpu.memory_space<vmem>>[vector<16xi32>, vector<16xi32>, vector<16xi32>], vector<16xf32>, vector<16xi1>
          %broadcast_in_dim3A_539 = arith.constant 32 : i32
          %broadcast_in_dim3A_540 = vector.broadcast %broadcast_in_dim3A_539 : i32 to vector<16xi32>
          %gather3A_541 = tpu.vector_load_idx %arg9[%add3A_379, %add3A_443, %broadcast_in_dim3A_540] : memref<2x64x128xf32, #tpu.memory_space<vmem>>[vector<16xi32>, vector<16xi32>, vector<16xi32>], vector<16xf32>,
          tpu.vector_store_idx %arg10[%add3A_174, %broadcast_in_dim3A_540, %select_n3A_439], %gather3A_541 masked %lt3A_427 : memref<2x64x512xf32, #tpu.memory_space<vmem>>[vector<16xi32>, vector<16xi32>, vector<16xi32>], vector<16xf32>, vector<16xi1>
          %broadcast_in_dim3A_542 = arith.constant 33 : i32
          %broadcast_in_dim3A_543 = vector.broadcast %broadcast_in_dim3A_542 : i32 to vector<16xi32>
          %gather3A_544 = tpu.vector_load_idx %arg9[%add3A_379, %add3A_443, %broadcast_in_dim3A_543] : memref<2x64x128xf32, #tpu.memory_space<vmem>>[vector<16xi32>, vector<16xi32>, vector<16xi32>], vector<16xf32>,
          tpu.vector_store_idx %arg10[%add3A_174, %broadcast_in_dim3A_543, %select_n3A_439], %gather3A_544 masked %lt3A_427 : memref<2x64x512xf32, #tpu.memory_space<vmem>>[vector<16xi32>, vector<16xi32>, vector<16xi32>], vector<16xf32>, vector<16xi1>
          %broadcast_in_dim3A_545 = arith.constant 34 : i32
          %broadcast_in_dim3A_546 = vector.broadcast %broadcast_in_dim3A_545 : i32 to vector<16xi32>
          %gather3A_547 = tpu.vector_load_idx %arg9[%add3A_379, %add3A_443, %broadcast_in_dim3A_546] : memref<2x64x128xf32, #tpu.memory_space<vmem>>[vector<16xi32>, vector<16xi32>, vector<16xi32>], vector<16xf32>,
          tpu.vector_store_idx %arg10[%add3A_174, %broadcast_in_dim3A_546, %select_n3A_439], %gather3A_547 masked %lt3A_427 : memref<2x64x512xf32, #tpu.memory_space<vmem>>[vector<16xi32>, vector<16xi32>, vector<16xi32>], vector<16xf32>, vector<16xi1>
          %broadcast_in_dim3A_548 = arith.constant 35 : i32
          %broadcast_in_dim3A_549 = vector.broadcast %broadcast_in_dim3A_548 : i32 to vector<16xi32>
          %gather3A_550 = tpu.vector_load_idx %arg9[%add3A_379, %add3A_443, %broadcast_in_dim3A_549] : memref<2x64x128xf32, #tpu.memory_space<vmem>>[vector<16xi32>, vector<16xi32>, vector<16xi32>], vector<16xf32>,
          tpu.vector_store_idx %arg10[%add3A_174, %broadcast_in_dim3A_549, %select_n3A_439], %gather3A_550 masked %lt3A_427 : memref<2x64x512xf32, #tpu.memory_space<vmem>>[vector<16xi32>, vector<16xi32>, vector<16xi32>], vector<16xf32>, vector<16xi1>
          %broadcast_in_dim3A_551 = arith.constant 36 : i32
          %broadcast_in_dim3A_552 = vector.broadcast %broadcast_in_dim3A_551 : i32 to vector<16xi32>
          %gather3A_553 = tpu.vector_load_idx %arg9[%add3A_379, %add3A_443, %broadcast_in_dim3A_552] : memref<2x64x128xf32, #tpu.memory_space<vmem>>[vector<16xi32>, vector<16xi32>, vector<16xi32>], vector<16xf32>,
          tpu.vector_store_idx %arg10[%add3A_174, %broadcast_in_dim3A_552, %select_n3A_439], %gather3A_553 masked %lt3A_427 : memref<2x64x512xf32, #tpu.memory_space<vmem>>[vector<16xi32>, vector<16xi32>, vector<16xi32>], vector<16xf32>, vector<16xi1>
          %broadcast_in_dim3A_554 = arith.constant 37 : i32
          %broadcast_in_dim3A_555 = vector.broadcast %broadcast_in_dim3A_554 : i32 to vector<16xi32>
          %gather3A_556 = tpu.vector_load_idx %arg9[%add3A_379, %add3A_443, %broadcast_in_dim3A_555] : memref<2x64x128xf32, #tpu.memory_space<vmem>>[vector<16xi32>, vector<16xi32>, vector<16xi32>], vector<16xf32>,
          tpu.vector_store_idx %arg10[%add3A_174, %broadcast_in_dim3A_555, %select_n3A_439], %gather3A_556 masked %lt3A_427 : memref<2x64x512xf32, #tpu.memory_space<vmem>>[vector<16xi32>, vector<16xi32>, vector<16xi32>], vector<16xf32>, vector<16xi1>
          %broadcast_in_dim3A_557 = arith.constant 38 : i32
          %broadcast_in_dim3A_558 = vector.broadcast %broadcast_in_dim3A_557 : i32 to vector<16xi32>
          %gather3A_559 = tpu.vector_load_idx %arg9[%add3A_379, %add3A_443, %broadcast_in_dim3A_558] : memref<2x64x128xf32, #tpu.memory_space<vmem>>[vector<16xi32>, vector<16xi32>, vector<16xi32>], vector<16xf32>,
          tpu.vector_store_idx %arg10[%add3A_174, %broadcast_in_dim3A_558, %select_n3A_439], %gather3A_559 masked %lt3A_427 : memref<2x64x512xf32, #tpu.memory_space<vmem>>[vector<16xi32>, vector<16xi32>, vector<16xi32>], vector<16xf32>, vector<16xi1>
          %broadcast_in_dim3A_560 = arith.constant 39 : i32
          %broadcast_in_dim3A_561 = vector.broadcast %broadcast_in_dim3A_560 : i32 to vector<16xi32>
          %gather3A_562 = tpu.vector_load_idx %arg9[%add3A_379, %add3A_443, %broadcast_in_dim3A_561] : memref<2x64x128xf32, #tpu.memory_space<vmem>>[vector<16xi32>, vector<16xi32>, vector<16xi32>], vector<16xf32>,
          tpu.vector_store_idx %arg10[%add3A_174, %broadcast_in_dim3A_561, %select_n3A_439], %gather3A_562 masked %lt3A_427 : memref<2x64x512xf32, #tpu.memory_space<vmem>>[vector<16xi32>, vector<16xi32>, vector<16xi32>], vector<16xf32>, vector<16xi1>
          %broadcast_in_dim3A_563 = arith.constant 40 : i32
          %broadcast_in_dim3A_564 = vector.broadcast %broadcast_in_dim3A_563 : i32 to vector<16xi32>
          %gather3A_565 = tpu.vector_load_idx %arg9[%add3A_379, %add3A_443, %broadcast_in_dim3A_564] : memref<2x64x128xf32, #tpu.memory_space<vmem>>[vector<16xi32>, vector<16xi32>, vector<16xi32>], vector<16xf32>,
          tpu.vector_store_idx %arg10[%add3A_174, %broadcast_in_dim3A_564, %select_n3A_439], %gather3A_565 masked %lt3A_427 : memref<2x64x512xf32, #tpu.memory_space<vmem>>[vector<16xi32>, vector<16xi32>, vector<16xi32>], vector<16xf32>, vector<16xi1>
          %broadcast_in_dim3A_566 = arith.constant 41 : i32
          %broadcast_in_dim3A_567 = vector.broadcast %broadcast_in_dim3A_566 : i32 to vector<16xi32>
          %gather3A_568 = tpu.vector_load_idx %arg9[%add3A_379, %add3A_443, %broadcast_in_dim3A_567] : memref<2x64x128xf32, #tpu.memory_space<vmem>>[vector<16xi32>, vector<16xi32>, vector<16xi32>], vector<16xf32>,
          tpu.vector_store_idx %arg10[%add3A_174, %broadcast_in_dim3A_567, %select_n3A_439], %gather3A_568 masked %lt3A_427 : memref<2x64x512xf32, #tpu.memory_space<vmem>>[vector<16xi32>, vector<16xi32>, vector<16xi32>], vector<16xf32>, vector<16xi1>
          %broadcast_in_dim3A_569 = arith.constant 42 : i32
          %broadcast_in_dim3A_570 = vector.broadcast %broadcast_in_dim3A_569 : i32 to vector<16xi32>
          %gather3A_571 = tpu.vector_load_idx %arg9[%add3A_379, %add3A_443, %broadcast_in_dim3A_570] : memref<2x64x128xf32, #tpu.memory_space<vmem>>[vector<16xi32>, vector<16xi32>, vector<16xi32>], vector<16xf32>,
          tpu.vector_store_idx %arg10[%add3A_174, %broadcast_in_dim3A_570, %select_n3A_439], %gather3A_571 masked %lt3A_427 : memref<2x64x512xf32, #tpu.memory_space<vmem>>[vector<16xi32>, vector<16xi32>, vector<16xi32>], vector<16xf32>, vector<16xi1>
          %broadcast_in_dim3A_572 = arith.constant 43 : i32
          %broadcast_in_dim3A_573 = vector.broadcast %broadcast_in_dim3A_572 : i32 to vector<16xi32>
          %gather3A_574 = tpu.vector_load_idx %arg9[%add3A_379, %add3A_443, %broadcast_in_dim3A_573] : memref<2x64x128xf32, #tpu.memory_space<vmem>>[vector<16xi32>, vector<16xi32>, vector<16xi32>], vector<16xf32>,
          tpu.vector_store_idx %arg10[%add3A_174, %broadcast_in_dim3A_573, %select_n3A_439], %gather3A_574 masked %lt3A_427 : memref<2x64x512xf32, #tpu.memory_space<vmem>>[vector<16xi32>, vector<16xi32>, vector<16xi32>], vector<16xf32>, vector<16xi1>
          %broadcast_in_dim3A_575 = arith.constant 44 : i32
          %broadcast_in_dim3A_576 = vector.broadcast %broadcast_in_dim3A_575 : i32 to vector<16xi32>
          %gather3A_577 = tpu.vector_load_idx %arg9[%add3A_379, %add3A_443, %broadcast_in_dim3A_576] : memref<2x64x128xf32, #tpu.memory_space<vmem>>[vector<16xi32>, vector<16xi32>, vector<16xi32>], vector<16xf32>,
          tpu.vector_store_idx %arg10[%add3A_174, %broadcast_in_dim3A_576, %select_n3A_439], %gather3A_577 masked %lt3A_427 : memref<2x64x512xf32, #tpu.memory_space<vmem>>[vector<16xi32>, vector<16xi32>, vector<16xi32>], vector<16xf32>, vector<16xi1>
          %broadcast_in_dim3A_578 = arith.constant 45 : i32
          %broadcast_in_dim3A_579 = vector.broadcast %broadcast_in_dim3A_578 : i32 to vector<16xi32>
          %gather3A_580 = tpu.vector_load_idx %arg9[%add3A_379, %add3A_443, %broadcast_in_dim3A_579] : memref<2x64x128xf32, #tpu.memory_space<vmem>>[vector<16xi32>, vector<16xi32>, vector<16xi32>], vector<16xf32>,
          tpu.vector_store_idx %arg10[%add3A_174, %broadcast_in_dim3A_579, %select_n3A_439], %gather3A_580 masked %lt3A_427 : memref<2x64x512xf32, #tpu.memory_space<vmem>>[vector<16xi32>, vector<16xi32>, vector<16xi32>], vector<16xf32>, vector<16xi1>
          %broadcast_in_dim3A_581 = arith.constant 46 : i32
          %broadcast_in_dim3A_582 = vector.broadcast %broadcast_in_dim3A_581 : i32 to vector<16xi32>
          %gather3A_583 = tpu.vector_load_idx %arg9[%add3A_379, %add3A_443, %broadcast_in_dim3A_582] : memref<2x64x128xf32, #tpu.memory_space<vmem>>[vector<16xi32>, vector<16xi32>, vector<16xi32>], vector<16xf32>,
          tpu.vector_store_idx %arg10[%add3A_174, %broadcast_in_dim3A_582, %select_n3A_439], %gather3A_583 masked %lt3A_427 : memref<2x64x512xf32, #tpu.memory_space<vmem>>[vector<16xi32>, vector<16xi32>, vector<16xi32>], vector<16xf32>, vector<16xi1>
          %broadcast_in_dim3A_584 = arith.constant 47 : i32
          %broadcast_in_dim3A_585 = vector.broadcast %broadcast_in_dim3A_584 : i32 to vector<16xi32>
          %gather3A_586 = tpu.vector_load_idx %arg9[%add3A_379, %add3A_443, %broadcast_in_dim3A_585] : memref<2x64x128xf32, #tpu.memory_space<vmem>>[vector<16xi32>, vector<16xi32>, vector<16xi32>], vector<16xf32>,
          tpu.vector_store_idx %arg10[%add3A_174, %broadcast_in_dim3A_585, %select_n3A_439], %gather3A_586 masked %lt3A_427 : memref<2x64x512xf32, #tpu.memory_space<vmem>>[vector<16xi32>, vector<16xi32>, vector<16xi32>], vector<16xf32>, vector<16xi1>
          %broadcast_in_dim3A_587 = arith.constant 48 : i32
          %broadcast_in_dim3A_588 = vector.broadcast %broadcast_in_dim3A_587 : i32 to vector<16xi32>
          %gather3A_589 = tpu.vector_load_idx %arg9[%add3A_379, %add3A_443, %broadcast_in_dim3A_588] : memref<2x64x128xf32, #tpu.memory_space<vmem>>[vector<16xi32>, vector<16xi32>, vector<16xi32>], vector<16xf32>,
          tpu.vector_store_idx %arg10[%add3A_174, %broadcast_in_dim3A_588, %select_n3A_439], %gather3A_589 masked %lt3A_427 : memref<2x64x512xf32, #tpu.memory_space<vmem>>[vector<16xi32>, vector<16xi32>, vector<16xi32>], vector<16xf32>, vector<16xi1>
          %broadcast_in_dim3A_590 = arith.constant 49 : i32
          %broadcast_in_dim3A_591 = vector.broadcast %broadcast_in_dim3A_590 : i32 to vector<16xi32>
          %gather3A_592 = tpu.vector_load_idx %arg9[%add3A_379, %add3A_443, %broadcast_in_dim3A_591] : memref<2x64x128xf32, #tpu.memory_space<vmem>>[vector<16xi32>, vector<16xi32>, vector<16xi32>], vector<16xf32>,
          tpu.vector_store_idx %arg10[%add3A_174, %broadcast_in_dim3A_591, %select_n3A_439], %gather3A_592 masked %lt3A_427 : memref<2x64x512xf32, #tpu.memory_space<vmem>>[vector<16xi32>, vector<16xi32>, vector<16xi32>], vector<16xf32>, vector<16xi1>
          %broadcast_in_dim3A_593 = arith.constant 50 : i32
          %broadcast_in_dim3A_594 = vector.broadcast %broadcast_in_dim3A_593 : i32 to vector<16xi32>
          %gather3A_595 = tpu.vector_load_idx %arg9[%add3A_379, %add3A_443, %broadcast_in_dim3A_594] : memref<2x64x128xf32, #tpu.memory_space<vmem>>[vector<16xi32>, vector<16xi32>, vector<16xi32>], vector<16xf32>,
          tpu.vector_store_idx %arg10[%add3A_174, %broadcast_in_dim3A_594, %select_n3A_439], %gather3A_595 masked %lt3A_427 : memref<2x64x512xf32, #tpu.memory_space<vmem>>[vector<16xi32>, vector<16xi32>, vector<16xi32>], vector<16xf32>, vector<16xi1>
          %broadcast_in_dim3A_596 = arith.constant 51 : i32
          %broadcast_in_dim3A_597 = vector.broadcast %broadcast_in_dim3A_596 : i32 to vector<16xi32>
          %gather3A_598 = tpu.vector_load_idx %arg9[%add3A_379, %add3A_443, %broadcast_in_dim3A_597] : memref<2x64x128xf32, #tpu.memory_space<vmem>>[vector<16xi32>, vector<16xi32>, vector<16xi32>], vector<16xf32>,
          tpu.vector_store_idx %arg10[%add3A_174, %broadcast_in_dim3A_597, %select_n3A_439], %gather3A_598 masked %lt3A_427 : memref<2x64x512xf32, #tpu.memory_space<vmem>>[vector<16xi32>, vector<16xi32>, vector<16xi32>], vector<16xf32>, vector<16xi1>
          %broadcast_in_dim3A_599 = arith.constant 52 : i32
          %broadcast_in_dim3A_600 = vector.broadcast %broadcast_in_dim3A_599 : i32 to vector<16xi32>
          %gather3A_601 = tpu.vector_load_idx %arg9[%add3A_379, %add3A_443, %broadcast_in_dim3A_600] : memref<2x64x128xf32, #tpu.memory_space<vmem>>[vector<16xi32>, vector<16xi32>, vector<16xi32>], vector<16xf32>,
          tpu.vector_store_idx %arg10[%add3A_174, %broadcast_in_dim3A_600, %select_n3A_439], %gather3A_601 masked %lt3A_427 : memref<2x64x512xf32, #tpu.memory_space<vmem>>[vector<16xi32>, vector<16xi32>, vector<16xi32>], vector<16xf32>, vector<16xi1>
          %broadcast_in_dim3A_602 = arith.constant 53 : i32
          %broadcast_in_dim3A_603 = vector.broadcast %broadcast_in_dim3A_602 : i32 to vector<16xi32>
          %gather3A_604 = tpu.vector_load_idx %arg9[%add3A_379, %add3A_443, %broadcast_in_dim3A_603] : memref<2x64x128xf32, #tpu.memory_space<vmem>>[vector<16xi32>, vector<16xi32>, vector<16xi32>], vector<16xf32>,
          tpu.vector_store_idx %arg10[%add3A_174, %broadcast_in_dim3A_603, %select_n3A_439], %gather3A_604 masked %lt3A_427 : memref<2x64x512xf32, #tpu.memory_space<vmem>>[vector<16xi32>, vector<16xi32>, vector<16xi32>], vector<16xf32>, vector<16xi1>
          %broadcast_in_dim3A_605 = arith.constant 54 : i32
          %broadcast_in_dim3A_606 = vector.broadcast %broadcast_in_dim3A_605 : i32 to vector<16xi32>
          %gather3A_607 = tpu.vector_load_idx %arg9[%add3A_379, %add3A_443, %broadcast_in_dim3A_606] : memref<2x64x128xf32, #tpu.memory_space<vmem>>[vector<16xi32>, vector<16xi32>, vector<16xi32>], vector<16xf32>,
          tpu.vector_store_idx %arg10[%add3A_174, %broadcast_in_dim3A_606, %select_n3A_439], %gather3A_607 masked %lt3A_427 : memref<2x64x512xf32, #tpu.memory_space<vmem>>[vector<16xi32>, vector<16xi32>, vector<16xi32>], vector<16xf32>, vector<16xi1>
          %broadcast_in_dim3A_608 = arith.constant 55 : i32
          %broadcast_in_dim3A_609 = vector.broadcast %broadcast_in_dim3A_608 : i32 to vector<16xi32>
          %gather3A_610 = tpu.vector_load_idx %arg9[%add3A_379, %add3A_443, %broadcast_in_dim3A_609] : memref<2x64x128xf32, #tpu.memory_space<vmem>>[vector<16xi32>, vector<16xi32>, vector<16xi32>], vector<16xf32>,
          tpu.vector_store_idx %arg10[%add3A_174, %broadcast_in_dim3A_609, %select_n3A_439], %gather3A_610 masked %lt3A_427 : memref<2x64x512xf32, #tpu.memory_space<vmem>>[vector<16xi32>, vector<16xi32>, vector<16xi32>], vector<16xf32>, vector<16xi1>
          %broadcast_in_dim3A_611 = arith.constant 56 : i32
          %broadcast_in_dim3A_612 = vector.broadcast %broadcast_in_dim3A_611 : i32 to vector<16xi32>
          %gather3A_613 = tpu.vector_load_idx %arg9[%add3A_379, %add3A_443, %broadcast_in_dim3A_612] : memref<2x64x128xf32, #tpu.memory_space<vmem>>[vector<16xi32>, vector<16xi32>, vector<16xi32>], vector<16xf32>,
          tpu.vector_store_idx %arg10[%add3A_174, %broadcast_in_dim3A_612, %select_n3A_439], %gather3A_613 masked %lt3A_427 : memref<2x64x512xf32, #tpu.memory_space<vmem>>[vector<16xi32>, vector<16xi32>, vector<16xi32>], vector<16xf32>, vector<16xi1>
          %broadcast_in_dim3A_614 = arith.constant 57 : i32
          %broadcast_in_dim3A_615 = vector.broadcast %broadcast_in_dim3A_614 : i32 to vector<16xi32>
          %gather3A_616 = tpu.vector_load_idx %arg9[%add3A_379, %add3A_443, %broadcast_in_dim3A_615] : memref<2x64x128xf32, #tpu.memory_space<vmem>>[vector<16xi32>, vector<16xi32>, vector<16xi32>], vector<16xf32>,
          tpu.vector_store_idx %arg10[%add3A_174, %broadcast_in_dim3A_615, %select_n3A_439], %gather3A_616 masked %lt3A_427 : memref<2x64x512xf32, #tpu.memory_space<vmem>>[vector<16xi32>, vector<16xi32>, vector<16xi32>], vector<16xf32>, vector<16xi1>
          %broadcast_in_dim3A_617 = arith.constant 58 : i32
          %broadcast_in_dim3A_618 = vector.broadcast %broadcast_in_dim3A_617 : i32 to vector<16xi32>
          %gather3A_619 = tpu.vector_load_idx %arg9[%add3A_379, %add3A_443, %broadcast_in_dim3A_618] : memref<2x64x128xf32, #tpu.memory_space<vmem>>[vector<16xi32>, vector<16xi32>, vector<16xi32>], vector<16xf32>,
          tpu.vector_store_idx %arg10[%add3A_174, %broadcast_in_dim3A_618, %select_n3A_439], %gather3A_619 masked %lt3A_427 : memref<2x64x512xf32, #tpu.memory_space<vmem>>[vector<16xi32>, vector<16xi32>, vector<16xi32>], vector<16xf32>, vector<16xi1>
          %broadcast_in_dim3A_620 = arith.constant 59 : i32
          %broadcast_in_dim3A_621 = vector.broadcast %broadcast_in_dim3A_620 : i32 to vector<16xi32>
          %gather3A_622 = tpu.vector_load_idx %arg9[%add3A_379, %add3A_443, %broadcast_in_dim3A_621] : memref<2x64x128xf32, #tpu.memory_space<vmem>>[vector<16xi32>, vector<16xi32>, vector<16xi32>], vector<16xf32>,
          tpu.vector_store_idx %arg10[%add3A_174, %broadcast_in_dim3A_621, %select_n3A_439], %gather3A_622 masked %lt3A_427 : memref<2x64x512xf32, #tpu.memory_space<vmem>>[vector<16xi32>, vector<16xi32>, vector<16xi32>], vector<16xf32>, vector<16xi1>
          %broadcast_in_dim3A_623 = arith.constant 60 : i32
          %broadcast_in_dim3A_624 = vector.broadcast %broadcast_in_dim3A_623 : i32 to vector<16xi32>
          %gather3A_625 = tpu.vector_load_idx %arg9[%add3A_379, %add3A_443, %broadcast_in_dim3A_624] : memref<2x64x128xf32, #tpu.memory_space<vmem>>[vector<16xi32>, vector<16xi32>, vector<16xi32>], vector<16xf32>,
          tpu.vector_store_idx %arg10[%add3A_174, %broadcast_in_dim3A_624, %select_n3A_439], %gather3A_625 masked %lt3A_427 : memref<2x64x512xf32, #tpu.memory_space<vmem>>[vector<16xi32>, vector<16xi32>, vector<16xi32>], vector<16xf32>, vector<16xi1>
          %broadcast_in_dim3A_626 = arith.constant 61 : i32
          %broadcast_in_dim3A_627 = vector.broadcast %broadcast_in_dim3A_626 : i32 to vector<16xi32>
          %gather3A_628 = tpu.vector_load_idx %arg9[%add3A_379, %add3A_443, %broadcast_in_dim3A_627] : memref<2x64x128xf32, #tpu.memory_space<vmem>>[vector<16xi32>, vector<16xi32>, vector<16xi32>], vector<16xf32>,
          tpu.vector_store_idx %arg10[%add3A_174, %broadcast_in_dim3A_627, %select_n3A_439], %gather3A_628 masked %lt3A_427 : memref<2x64x512xf32, #tpu.memory_space<vmem>>[vector<16xi32>, vector<16xi32>, vector<16xi32>], vector<16xf32>, vector<16xi1>
          %broadcast_in_dim3A_629 = arith.constant 62 : i32
          %broadcast_in_dim3A_630 = vector.broadcast %broadcast_in_dim3A_629 : i32 to vector<16xi32>
          %gather3A_631 = tpu.vector_load_idx %arg9[%add3A_379, %add3A_443, %broadcast_in_dim3A_630] : memref<2x64x128xf32, #tpu.memory_space<vmem>>[vector<16xi32>, vector<16xi32>, vector<16xi32>], vector<16xf32>,
          tpu.vector_store_idx %arg10[%add3A_174, %broadcast_in_dim3A_630, %select_n3A_439], %gather3A_631 masked %lt3A_427 : memref<2x64x512xf32, #tpu.memory_space<vmem>>[vector<16xi32>, vector<16xi32>, vector<16xi32>], vector<16xf32>, vector<16xi1>
          %broadcast_in_dim3A_632 = arith.constant 63 : i32
          %broadcast_in_dim3A_633 = vector.broadcast %broadcast_in_dim3A_632 : i32 to vector<16xi32>
          %gather3A_634 = tpu.vector_load_idx %arg9[%add3A_379, %add3A_443, %broadcast_in_dim3A_633] : memref<2x64x128xf32, #tpu.memory_space<vmem>>[vector<16xi32>, vector<16xi32>, vector<16xi32>], vector<16xf32>,
          tpu.vector_store_idx %arg10[%add3A_174, %broadcast_in_dim3A_633, %select_n3A_439], %gather3A_634 masked %lt3A_427 : memref<2x64x512xf32, #tpu.memory_space<vmem>>[vector<16xi32>, vector<16xi32>, vector<16xi32>], vector<16xf32>, vector<16xi1>
        }
      }
      %add3A_298 = arith.constant 1 : i32
      %add3A_299 = arith.addi %scan3A_136, %add3A_298 : i32
      %lt3A_300 = arith.constant 64 : i32
      %lt3A_301 = arith.cmpi slt, %add3A_299, %lt3A_300 : i32
      %gt3A_302 = arith.constant 0 : i32
      %gt3A_303 = arith.cmpi sgt, %scan3A_227, %gt3A_302 : i32
      %and3A_304 = arith.andi %lt3A_301, %gt3A_303 : i1
      %convert_element_type3A_305 = arith.extui %and3A_304 : i1 to i32
      %cond3A_306 = arith.constant 0 : i32
      %cond3A_307 = arith.cmpi ne, %convert_element_type3A_305, %cond3A_306 : i32
      scf.if %cond3A_307 {
        %add3A_342 = arith.constant 1 : i32
        %add3A_343 = arith.addi %scan3A_136, %add3A_342 : i32
        %jit3A_344 = arith.constant 2 : i32
        %eq3A_345 = arith.constant 0 : i32
        %eq3A_346 = arith.cmpi eq, %jit3A_344, %eq3A_345 : i32
        %jit3A_347 = arith.constant 1 : i32
        %select_n3A_348 = arith.select %eq3A_346, %jit3A_347, %jit3A_344 : i32
        %rem3A_349 = arith.remsi %add3A_343, %select_n3A_348 : i32
        %ne3A_350 = arith.constant 0 : i32
        %ne3A_351 = arith.cmpi ne, %rem3A_349, %ne3A_350 : i32
        %lt3A_352 = arith.constant 0 : i32
        %lt3A_353 = arith.cmpi slt, %rem3A_349, %lt3A_352 : i32
        %lt3A_354 = arith.constant 0 : i32
        %lt3A_355 = arith.cmpi slt, %select_n3A_348, %lt3A_354 : i32
        %ne3A_356 = arith.xori %lt3A_353, %lt3A_355 : i1
        %and3A_357 = arith.andi %ne3A_356, %ne3A_351 : i1
        %add3A_358 = arith.addi %rem3A_349, %select_n3A_348 : i32
        %select_n3A_359 = arith.select %and3A_357, %add3A_358, %rem3A_349 : i32
        %mul3A_360 = arith.constant 576 : i32
        %mul3A_361 = arith.muli %select_n3A_359, %mul3A_360 : i32
        %add3A_362 = arith.addi %scan3A_140, %select_n3A_288 : i32
        %jit3A_363 = arith.constant 2 : i32
        %eq3A_364 = arith.constant 0 : i32
        %eq3A_365 = arith.cmpi eq, %jit3A_363, %eq3A_364 : i32
        %jit3A_366 = arith.constant 1 : i32
        %select_n3A_367 = arith.select %eq3A_365, %jit3A_366, %jit3A_363 : i32
        %rem3A_368 = arith.remsi %add3A_362, %select_n3A_367 : i32
        %ne3A_369 = arith.constant 0 : i32
        %ne3A_370 = arith.cmpi ne, %rem3A_368, %ne3A_369 : i32
        %lt3A_371 = arith.constant 0 : i32
        %lt3A_372 = arith.cmpi slt, %rem3A_368, %lt3A_371 : i32
        %lt3A_373 = arith.constant 0 : i32
        %lt3A_374 = arith.cmpi slt, %select_n3A_367, %lt3A_373 : i32
        %ne3A_375 = arith.xori %lt3A_372, %lt3A_374 : i1
        %and3A_376 = arith.andi %ne3A_375, %ne3A_370 : i1
        %add3A_377 = arith.addi %rem3A_368, %select_n3A_367 : i32
        %select_n3A_378 = arith.select %and3A_376, %add3A_377, %rem3A_368 : i32
        %add3A_379 = arith.constant 0 : i32
        %add3A_380 = arith.addi %mul3A_361, %add3A_379 : i32
        %dma_start3A_381 = arith.constant 0 : i32
        %dma_start3A_382 = arith.constant 0 : i32
        %dma_start3A_383 = tpu.memref_slice %arg9[%select_n3A_378, %dma_start3A_381, %dma_start3A_382] : memref<2x64x128xf32, #tpu.memory_space<vmem>> -> memref<1x64x128xf32, #tpu.memory_space<vmem>>
        %dma_start3A_384 = tpu.memref_squeeze %dma_start3A_383 : memref<1x64x128xf32, #tpu.memory_space<vmem>> -> memref<64x128xf32, #tpu.memory_space<vmem>>
        %dma_start3A_385 = tpu.memref_slice %arg7[%add3A_380] : memref<1152xi32, #tpu.memory_space<vmem>> -> memref<64xi32, #tpu.memory_space<vmem>>
        %dma_start3A_386 = arith.constant 0 : i32
        %dma_start3A_387 = arith.constant 0 : i32
        %dma_start3A_388 = tpu.memref_slice %arg3[%dma_start3A_386, %dma_start3A_387] : memref<100016x128xf32, #tpu.memory_space<hbm>> -> memref<100016x128xf32, #tpu.memory_space<hbm>>
        tpu.enqueue_indirect_dma source(%dma_start3A_388 : memref<100016x128xf32, #tpu.memory_space<hbm>>) target(%dma_start3A_384 : memref<64x128xf32, #tpu.memory_space<vmem>>) offsets(%dma_start3A_385 : memref<64xi32, #tpu.memory_space<vmem>>) semaphore(%arg12 : memref<!tpu.dma_semaphore, #tpu.memory_space<semaphore_mem>>)
      } else {
      }
      %add3A_308 = arith.addi %mul3A_70, %scan3A_136 : i32
      %dma_start3A_309 = arith.constant 0 : i32
      %dma_start3A_310 = arith.constant 0 : i32
      %dma_start3A_311 = tpu.memref_slice %arg10[%select_n3A_156, %dma_start3A_309, %dma_start3A_310] : memref<2x64x512xf32, #tpu.memory_space<vmem>> -> memref<1x64x512xf32, #tpu.memory_space<vmem>>
      %dma_start3A_312 = tpu.memref_squeeze %dma_start3A_311 : memref<1x64x512xf32, #tpu.memory_space<vmem>> -> memref<64x512xf32, #tpu.memory_space<vmem>>
      %dma_start3A_313 = arith.constant 0 : i32
      %dma_start3A_314 = arith.constant 0 : i32
      %dma_start3A_315 = tpu.memref_slice %arg4[%select_n3A, %dma_start3A_313, %add3A_308, %dma_start3A_314] : memref<4x64x512x512xf32, #tpu.memory_space<hbm>> -> memref<1x64x1x512xf32, #tpu.memory_space<hbm>>
      %dma_start3A_316 = tpu.memref_squeeze %dma_start3A_315 : memref<1x64x1x512xf32, #tpu.memory_space<hbm>> -> memref<64x512xf32, #tpu.memory_space<hbm>>
      %dma_start3A_317 = arith.constant 0 : i32
      %dma_start3A_318 = arith.constant 0 : i32
      %dma_start3A_319 = tpu.memref_slice %arg4[%select_n3A, %dma_start3A_317, %add3A_308, %dma_start3A_318] : memref<4x64x512x512xf32, #tpu.memory_space<hbm>> -> memref<1x64x1x512xf32, #tpu.memory_space<hbm>>
      %dma_start3A_320 = tpu.memref_squeeze %dma_start3A_319 : memref<1x64x1x512xf32, #tpu.memory_space<hbm>> -> memref<64x512xf32, #tpu.memory_space<hbm>>
      %dma_start3A_321 = arith.constant 0 : i32
      %dma_start3A_322 = arith.constant 0 : i32
      %dma_start3A_323 = tpu.memref_slice %arg10[%select_n3A_156, %dma_start3A_321, %dma_start3A_322] : memref<2x64x512xf32, #tpu.memory_space<vmem>> -> memref<1x64x512xf32, #tpu.memory_space<vmem>>
      %dma_start3A_324 = tpu.memref_squeeze %dma_start3A_323 : memref<1x64x512xf32, #tpu.memory_space<vmem>> -> memref<64x512xf32, #tpu.memory_space<vmem>>
      tpu.enqueue_dma source(%dma_start3A_324 : memref<64x512xf32, #tpu.memory_space<vmem>>) target(%dma_start3A_320 : memref<64x512xf32, #tpu.memory_space<hbm>>) target_semaphore(%arg13 : memref<!tpu.dma_semaphore, #tpu.memory_space<semaphore_mem>>)
      %add3A_325 = arith.addi %scan3A_140, %select_n3A_288 : i32
      %jit3A_326 = arith.constant 2 : i32
      %eq3A_327 = arith.constant 0 : i32
      %eq3A_328 = arith.cmpi eq, %jit3A_326, %eq3A_327 : i32
      %jit3A_329 = arith.constant 1 : i32
      %select_n3A_330 = arith.select %eq3A_328, %jit3A_329, %jit3A_326 : i32
      %rem3A_331 = arith.remsi %add3A_325, %select_n3A_330 : i32
      %ne3A_332 = arith.constant 0 : i32
      %ne3A_333 = arith.cmpi ne, %rem3A_331, %ne3A_332 : i32
      %lt3A_334 = arith.constant 0 : i32
      %lt3A_335 = arith.cmpi slt, %rem3A_331, %lt3A_334 : i32
      %lt3A_336 = arith.constant 0 : i32
      %lt3A_337 = arith.cmpi slt, %select_n3A_330, %lt3A_336 : i32
      %ne3A_338 = arith.xori %lt3A_335, %lt3A_337 : i1
      %and3A_339 = arith.andi %ne3A_338, %ne3A_333 : i1
      %add3A_340 = arith.addi %rem3A_331, %select_n3A_330 : i32
      %select_n3A_341 = arith.select %and3A_339, %add3A_340, %rem3A_331 : i32
      scf.yield %scan3A_138, %scan3A_139, %scan3A_227, %select_n3A_341 : i32, i32, i32, i32
    }
    %scan3A_129 = arith.constant 64 : i32
    %scan3A_130 = arith.constant 0 : i32
    %scan3A_131 = arith.constant 0 : i32
    %scan3A_132 = arith.constant 2 : i32
    %scan3A_133 = arith.addi %scan3A_131, %scan3A_132 : i32
    %scan3A_134 = arith.constant 1 : i32
    scf.for %scan3A_136 = %scan3A_131 to %scan3A_133 step %scan3A_134  : i32 {
      %dma_wait3A = arith.constant 0 : i32
      %dma_wait3A_137 = arith.constant 0 : i32
      %dma_wait3A_138 = arith.constant 0 : i32
      %dma_wait3A_139 = arith.constant 0 : i32
      %dma_wait3A_140 = arith.constant 0 : i32
      %dma_wait3A_141 = tpu.memref_slice %arg10[%dma_wait3A, %dma_wait3A_139, %dma_wait3A_140] : memref<2x64x512xf32, #tpu.memory_space<vmem>> -> memref<1x64x512xf32, #tpu.memory_space<vmem>>
      %dma_wait3A_142 = tpu.memref_squeeze %dma_wait3A_141 : memref<1x64x512xf32, #tpu.memory_space<vmem>> -> memref<64x512xf32, #tpu.memory_space<vmem>>
      %dma_wait3A_143 = arith.constant 0 : i32
      %dma_wait3A_144 = arith.constant 0 : i32
      %dma_wait3A_145 = tpu.memref_slice %arg4[%dma_wait3A_137, %dma_wait3A_143, %dma_wait3A_138, %dma_wait3A_144] : memref<4x64x512x512xf32, #tpu.memory_space<hbm>> -> memref<1x64x1x512xf32, #tpu.memory_space<hbm>>
      %dma_wait3A_146 = tpu.memref_squeeze %dma_wait3A_145 : memref<1x64x1x512xf32, #tpu.memory_space<hbm>> -> memref<64x512xf32, #tpu.memory_space<hbm>>
      %dma_wait3A_147 = arith.constant 0 : i32
      %dma_wait3A_148 = arith.constant 0 : i32
      %dma_wait3A_149 = tpu.memref_slice %arg4[%dma_wait3A_137, %dma_wait3A_147, %dma_wait3A_138, %dma_wait3A_148] : memref<4x64x512x512xf32, #tpu.memory_space<hbm>> -> memref<1x64x1x512xf32, #tpu.memory_space<hbm>>
      %dma_wait3A_150 = tpu.memref_squeeze %dma_wait3A_149 : memref<1x64x1x512xf32, #tpu.memory_space<hbm>> -> memref<64x512xf32, #tpu.memory_space<hbm>>
      %dma_wait3A_151 = arith.constant 0 : i32
      %dma_wait3A_152 = arith.constant 0 : i32
      %dma_wait3A_153 = tpu.memref_slice %arg10[%dma_wait3A, %dma_wait3A_151, %dma_wait3A_152] : memref<2x64x512xf32, #tpu.memory_space<vmem>> -> memref<1x64x512xf32, #tpu.memory_space<vmem>>
      %dma_wait3A_154 = tpu.memref_squeeze %dma_wait3A_153 : memref<1x64x512xf32, #tpu.memory_space<vmem>> -> memref<64x512xf32, #tpu.memory_space<vmem>>
      tpu.wait_dma2 semaphore(%arg13 : memref<!tpu.dma_semaphore, #tpu.memory_space<semaphore_mem>>) src(%dma_wait3A_154 : memref<64x512xf32, #tpu.memory_space<vmem>>) dst(%dma_wait3A_150 : memref<64x512xf32, #tpu.memory_space<hbm>>)
    }
    %scan3A_135 = arith.constant 2 : i32
    return
  }
}

</mosaic_0001>

<sc_bundles>
// kernel: kernel.4.cloned.1.call-start
scs
__scs_entry_jumppad:
0x0: {  	(pc) =	sbr.rel $0x88, $3  }
0x1: {  	(tag) =	ssettag $0x0;
	lr =	simm.s32 $0x1  }
0x2: {  	[smem:$0x3F9F] =	sst lr;
	_ =	strace $0xD0000000  }
0x3: {  	_ = 	snop  }
0x4: {  	_ = 	snop  }
0x5: {  	_ = 	snop  }
0x6: {  	_ = 	snop  }
0x7: {  	_ = 	snop  }
__scs_overlays_trampoline_lowered:
0x8: {  	[smem:$0x3FAE] =	sst s0  }
0x9: {  	[smem:$0x3FAF] =	sst s1  }
0xa: {  	[smem:$0x3FB0] =	sst s2  }
0xb: {  	[smem:$0x3FB1] =	sst s3  }
0xc: {  	[smem:$0x3FB2] =	sst s4  }
0xd: {  	[smem:$0x3FB3] =	sst s5  }
0xe: {  	[smem:$0x3FB4] =	sst s6  }
0xf: {  	[smem:$0x3FB5] =	sst s7  }
0x10: {  	[smem:$0x3FB6] =	sst s8  }
0x11: {  	[smem:$0x3FB7] =	sst s9;
	s0 =	simm.s32 @!p0 $0x0  }
0x12: {  	s1 =	sld [smem:$0x3F9D];
	s0 =	simm.s32 @p0 $0x1  }
0x13: {  	[smem:$0x3FB8] =	sst s0;
	s0 =	simm.s32 @!p1 $0x0  }
0x14: {  	s2 =	sld [smem:$0x3F9C];
	s0 =	simm.s32 @p1 $0x1  }
0x15: {  	[smem:$0x3FB9] =	sst s0;
	s0 =	simm.s32 @!p2 $0x0  }
0x16: {  	s3 =	sld [smem:$0x3FDB];
	s0 =	simm.s32 @p2 $0x1  }
0x17: {  	s4 =	simm.s32 $0x1BF5;
	[smem:$0x3FBB] =	sst s0  }
0x18: {  	s0 =	sld [smem:$0x3F9E];
	_ =	swait.ge [sflag:s4], $0x0  }
0x19: {  	s7 =	sld [smem:$0x3F9F]  }
0x1a: {  	s8 =	sadd.s32 $0xFFFFE003, lr  }
0x1b: {  	s9 =	sadd.s32 $0xFFFFFEF7, lr;
	s5 =	simm.s32 $0xFFFFFFFF;
	p2 =	slt.u32 s8, $0xFFFFF086  }
0x1c: {  	p1 =	slt.u32 s9, $0xF7A;
	s5 =	simm.s32 @!p2 $0x0  }
0x1d: {  	s5 =	simm.s32 @p1 $0x1;
	p0 =	seq.s32 s7, s2  }
0x1e: {  	s7 =	smul.u32 @!p0 $0xF7A, s2;
	p2 =	seq.s32 @!p0 s5, $0x0  }
0x1f: {  	s9 =	smul.u32 $0xF7A, s1;
	s8 =	simm.s32 @!p0 $0x1BF5;
	p2 =	por !p2, p0  }
0x20: {  	[sflag:s8] =	ssyncset.s32 @!p0 $0xFFFFF086;
	s6 =	sadd.s32 @!p0 s3, s7;
	s7 =	simm.s32 @!p0 $0x108  }
0x21: {  	s3 =	sadd.s32 s3, s9;
	s6 =	sadd.s32 @!p0 $0x88, s6;
	s7 =	simm.s32 @p2 $0x1082  }
0x22: {  	[simem:s7], [sflag:s8] =	dma.local @!p0 [hbm:s6], $0xF7A  }
0x23: {  	s9 =	sor.u32 $0xD0000000, s2;
	s6 =	simm.s32 $0x108;
	_ =	swait.ge @!p0 [sflag:s8], $0x0  }
0x24: {  	s3 =	sadd.s32 $0x88, s3;
	s6 =	simm.s32 @!p1 $0x1082;
	[sflag:s4] =	ssyncset.s32 $0xFFFFF086  }
0x25: {  	[simem:s6], [sflag:s4] =	dma.local [hbm:s3], $0xF7A  }
0x26: {  	[smem:$0x3F9F] =	sst s1;
	(tag) =	ssettag s2;
	_ =	strace s9  }
0x27: {  	s1 =	sld [smem:$0x3FAF]  }
0x28: {  	s2 =	sld [smem:$0x3FB0]  }
0x29: {  	s4 =	sld [smem:$0x3FB2]  }
0x2a: {  	p0 =	seq.s32 s5, $0x0;
	s5 =	sld [smem:$0x3FB3]  }
0x2b: {  	s6 =	sld [smem:$0x3FB4]  }
0x2c: {  	s7 =	sld [smem:$0x3FB5]  }
0x2d: {  	s3 =	simm.s32 $0x108;
	s8 =	sld [smem:$0x3FB6]  }
0x2e: {  	s3 =	simm.s32 @!p0 $0x1082;
	s9 =	sld [smem:$0x3FB7]  }
0x2f: {  	lr =	sadd.s32 s0, s3;
	s0 =	sld [smem:$0x3FAE]  }
0x30: {  	s3 =	sld [smem:$0x3FB1]  }
0x31: {  	[smem:$0x3FBA] =	sst s10  }
0x32: {  	s10 =	sld [smem:$0x3FB8];
	_ =	sdelay $0x3  }
0x33: {  	p0 =	seq.s32 s10, $0x1;
	s10 =	sld [smem:$0x3FBA];
	_ =	sdelay $0x3  }
0x34: {  	[smem:$0x3FBA] =	sst s10  }
0x35: {  	s10 =	sld [smem:$0x3FB9];
	_ =	sdelay $0x3  }
0x36: {  	p1 =	seq.s32 s10, $0x1;
	s10 =	sld [smem:$0x3FBA];
	_ =	sdelay $0x3  }
0x37: {  	[smem:$0x3FBA] =	sst s10  }
0x38: {  	s10 =	sld [smem:$0x3FBB]  }
0x39: {  	_ = 	snop;
	(pc) =	sbr.ind lr, $3  }
0x3a: {  	_ = 	snop  }
0x3b: {  	_ = 	snop  }
0x3c: {  	p2 =	seq.s32 s10, $0x1;
	s10 =	sld [smem:$0x3FBA]  }
0x3d: {  	_ =	shalt  }
0x3e: {  	_ =	shalt  }
0x3f: {  	_ =	shalt  }
0x40: {  	_ =	shalt  }
0x41: {  	_ =	shalt  }
0x42: {  	_ =	shalt  }
0x43: {  	_ =	shalt  }
0x44: {  	_ =	shalt  }
0x45: {  	_ =	shalt  }
0x46: {  	_ =	shalt  }
0x47: {  	_ =	shalt  }
0x48: {  	_ =	shalt  }
0x49: {  	_ =	shalt  }
0x4a: {  	_ =	shalt  }
0x4b: {  	_ =	shalt  }
0x4c: {  	_ =	shalt  }
0x4d: {  	_ =	shalt  }
0x4e: {  	_ =	shalt  }
0x4f: {  	_ =	shalt  }
0x50: {  	_ =	shalt  }
0x51: {  	_ =	shalt  }
0x52: {  	_ =	shalt  }
0x53: {  	_ =	shalt  }
0x54: {  	_ =	shalt  }
0x55: {  	_ =	shalt  }
0x56: {  	_ =	shalt  }
0x57: {  	_ =	shalt  }
0x58: {  	_ =	shalt  }
0x59: {  	_ =	shalt  }
0x5a: {  	_ =	shalt  }
0x5b: {  	_ =	shalt  }
0x5c: {  	_ =	shalt  }
0x5d: {  	_ =	shalt  }
0x5e: {  	_ =	shalt  }
0x5f: {  	_ =	shalt  }
0x60: {  	_ =	shalt  }
0x61: {  	_ =	shalt  }
0x62: {  	_ =	shalt  }
0x63: {  	_ =	shalt  }
0x64: {  	_ =	shalt  }
0x65: {  	_ =	shalt  }
0x66: {  	_ =	shalt  }
0x67: {  	_ =	shalt  }
0x68: {  	_ =	shalt  }
0x69: {  	_ =	shalt  }
0x6a: {  	_ =	shalt  }
0x6b: {  	_ =	shalt  }
0x6c: {  	_ =	shalt  }
0x6d: {  	_ =	shalt  }
0x6e: {  	_ =	shalt  }
0x6f: {  	_ =	shalt  }
0x70: {  	_ =	shalt  }
0x71: {  	_ =	shalt  }
0x72: {  	_ =	shalt  }
0x73: {  	_ =	shalt  }
0x74: {  	_ =	shalt  }
0x75: {  	_ =	shalt  }
0x76: {  	_ =	shalt  }
0x77: {  	_ =	shalt  }
0x78: {  	_ =	shalt  }
0x79: {  	_ =	shalt  }
0x7a: {  	_ =	shalt  }
0x7b: {  	_ =	shalt  }
0x7c: {  	_ =	shalt  }
0x7d: {  	_ =	shalt  }
0x7e: {  	_ =	shalt  }
0x7f: {  	_ =	shalt  }
0x80: {  	_ =	shalt  }
0x81: {  	_ =	shalt  }
0x82: {  	_ =	shalt  }
0x83: {  	_ =	shalt  }
0x84: {  	_ =	shalt  }
0x85: {  	_ =	shalt  }
0x86: {  	_ =	shalt  }
0x87: {  	_ =	shalt  }
.Lfunc_end0:
.L_simem_size_0:
called_computation_lowered:
.L_overlay_start_0:
0x88: {  	s2 =	sld [smem:$0x3FD9]  }
0x89: {  	s3 =	sld [smem:$0x3FFE];
	_ =	sdelay $0x1  }
0x8a: {  	s1 =	srdreg.scid  }
0x8b: {  	s0 =	sand.u32 $0x1, s1  }
0x8c: {  	s16 =	sshll.u32 s0, $0xA;
	s2 =	sadd.s32 s3, s2  }
0x8d: {  	s2 =	sadd.s32 s2, s16  }
0x8e: {  	[smem:$0x3FC6] =	sst s2  }
0x8f: {  	_ = 	snop  }
0x90: {  	(tm) =	ssettm $0x1  }
0x91: {  	s17 =	sld [smem:$0x3FFB];
	_ =	sdelay $0x3  }
0x92: {  	_ =	strace s17  }
0x93: {  	s2 =	sld [smem:$0x3FFC];
	_ =	sdelay $0x3  }
0x94: {  	_ =	strace s2  }
0x95: {  	s2 =	sld [smem:$0x3FFD];
	_ =	sdelay $0x3  }
0x96: {  	_ =	strace s2  }
0x97: {  	_ =	strace $0x8FFFFFFF  }
0x98: {  	s18 =	sld [smem:$0x3FDB];
	_ =	sdelay $0x1  }
0x99: {  	s19 =	simm.s32 $_scs_section_size  }
0x9a: {  	s4 =	simm.s32 $_size__tile_overlayer_lowered;
	s5 =	simm.s32 $_tile_overlayer_lowered  }
0x9b: {  	s22 =	simm.s32 $0x1BFF;
	s21 =	sshll.u32 s5, $0x1;
	s2 =	sadd.s32 s19, s18  }
0x9c: {  	s6 =	simm.s32 $0x0;
	s20 =	sshll.u32 s4, $0x1;
	s4 =	sadd.s32 s21, s2  }
0x9d: {  	[timem:s6], [sflag:s22] =	dma.local [hbm:s4], s20  }
0x9e: {  	_ =	swait.ge [sflag:s22], s20  }
0x9f: {  	s3 =	ssub.s32 $0x0, s20;
	[sflag:s22] =	ssyncset.done $0x0  }
0xa0: {  	[sflag:s22] =	ssyncadd.s32 s3;
	_ =	sdelay $0x1  }
0xa1: {  	s23 =	simm.s32 $0x1B8B  }
0xa2: {  	_ =	swait.ge [sflag:s23], $0x1  }
0xa3: {  	[sflag:s23] =	ssyncset.done $0x0  }
0xa4: {  	s25 =	simm.s32 $0x1B8E;
	s24 =	sld [smem:$0x3FFE];
	[sflag:s23] =	ssyncadd.s32 $0xFFFFFFFF  }
0xa5: {  	s26 =	simm.s32 $execute0_lowered;
	[smem:$0x3FD2] =	sst s25  }
0xa6: {  	s4 =	sshll.u32 s26, $0x1;
	_ =	strace $0x80000046;
	[dreg:$0x1] =	wrdreg $0xFFFFFFFF  }
0xa7: {  	s28 =	simm.s32 $_size_execute0_lowered;
	s2 =	sadd.s32 s2, s4;
	[dreg:$0x0] =	wrdreg $0x0  }
0xa8: {  	s4 =	sshll.u32 s28, $0x1;
	[dreg:$0x2] =	wrdreg s2  }
0xa9: {  	[dreg:$0x3] =	wrdreg s4  }
0xaa: {  	[dreg:$0x4] =	wrdreg $0xC0  }
0xab: {  	_ =	task [dreg:s6], $0x5FFFF  }
0xac: {  	[dreg:$0x1] =	wrdreg $0xFFFFFFFF  }
0xad: {  	[dreg:$0x0] =	wrdreg $0x60  }
0xae: {  	[dreg:$0x2] =	wrdreg s24  }
0xaf: {  	[dreg:$0x3] =	wrdreg $0x9  }
0xb0: {  	_ =	task.clear_ibuf [dreg:s6], $0x4FFFF;
	_ =	strace $0x90000046  }
0xb1: {  	s29 =	simm.s32 $0x9;
	_ =	strace $0x80000048  }
0xb2: {  	_ =	swait.ge [sflag:s29], $0x1  }
0xb3: {  	[sflag:s29] =	ssyncadd.s32 $0xFFFFFFFF  }
0xb4: {  	_ =	strace $0x90000048  }
0xb5: {  	_ =	sfence  }
0xb6: {  	s30 =	sld [smem:$0x0];
	_ =	sdelay $0x2  }
0xb7: {  	s31 =	sshll.u32 s1, $0xD;
	s1 =	sshrl.u32 s1, $0x2  }
0xb8: {  	s3 =	sand.u32 $0x4000, s31;
	s1 =	sadd.s32 s1, s30  }
0xb9: {  	s0 =	sor.u32 s3, s0;
	s1 =	sshll.u32 s1, $0x11  }
0xba: {  	s0 =	sor.u32 s1, s0  }
0xbb: {  	s0 =	sadd.s32 $0x8F2B, s0  }
0xbc: {  	[sflag:s0] =	ssyncadd.remote.s32 $0x1  }
0xbd: {  	_ =	sfence.sel $0xFFFF  }
0xbe: {  	[dreg:$0x0] =	wrdreg $0xFFFFFFFF;
	(pc) =	sbr.abs _section_cstart, $3  }
0xbf: {  	[dreg:$0x1] =	wrdreg $0xFFFFFFFF  }
0xc0: {  	_ =	task.clear_ibuf [dreg:s6], $0x2FFFF;
	_ =	strace $0x9FFFFFFF  }
0xc1: {  	(tm) =	ssettm $0x7FFFFFFF  }
tec
execute0_lowered:
.L_overlay_start_1:
0x0: {  	(tag) =	ssettag $0x1  }
0x1: {  	s1 =	srdreg.scid  }
0x2: {  	s0 =	stileid.u32;
	s3 =	rddreg [dreg:$0x0];
	s2 =	simm.s32 $0x0  }
0x3: {  	s10 =	simm.s32 $0xC80;
	s11 =	simm.s32 $0x1900;
	s12 =	simm.s32 $0x2580  }
0x4: {  	s5 =	sand.u32 $0x1, s1;
	s31 =	sshll.u32 s0, $0x1;
	s8 =	smul.u32 $0x1880, s0  }
0x5: {  	s13 =	simm.s32 $0x0;
	s4 =	sor.u32 s5, s31;
	s9 =	smul.u32 $0xC40, s5  }
0x6: {  	[smem:$0x7FF] =	sst s2;
	s6 =	ssub.s32 $0x2, s5;
	s4 =	smul.u32 $0xC40, s4  }
0x7: {  	s1 =	rddreg [dreg:$0x1];
	_ =	strace $0x80000047;
	s7 =	sshrl.u32 s6, $0x1  }
0x8: {  	s7 =	ssub.s32 s6, s7;
	s8 =	sadd.s32 s9, s8;
	s4 =	sshrl.u32 s4, $0x3  }
0x9: {  	s9 =	simm.s32 $0x1;
	s7 =	smax.u32 s7, $0x1;
	s3 =	sadd.s32 s3, s4  }
0xa: {  	s4 =	sadd.s32 $0x6400, s3;
	s5 =	sadd.s32 $0x3200, s3;
	s6 =	sadd.s32 $0x9600, s3  }
.LBB2_1:
0xb: {  	[tilespmem:s2], [sflag:$0x1] =	stream.linear.gather [hbm4b:s4+s2], $0xC40, $0x38;
	[tilespmem:$0x3200] =	vst v63  }
0xc: {  	_ =	swait.ge [sflag:s9], $0xC40  }
0xd: {  	[sflag:s9] =	ssyncset.done $0x0  }
0xe: {  	[sflag:s9] =	ssyncadd.s32 $0xFFFFF3C0  }
0xf: {  	[tilespmem:s10], [sflag:$0x1] =	stream.linear.gather [hbm4b:s5+s2], $0xC40, $0x38;
	[tilespmem:$0x3200] =	vst v63  }
0x10: {  	_ =	swait.ge [sflag:s9], $0xC40  }
0x11: {  	[sflag:s9] =	ssyncset.done $0x0  }
0x12: {  	[sflag:s9] =	ssyncadd.s32 $0xFFFFF3C0  }
0x13: {  	[tilespmem:s11], [sflag:$0x1] =	stream.linear.gather [hbm4b:s3+s2], $0xC40, $0x38;
	[tilespmem:$0x3200] =	vst v63  }
0x14: {  	_ =	swait.ge [sflag:s9], $0xC40  }
0x15: {  	[sflag:s9] =	ssyncset.done $0x0  }
0x16: {  	s15 =	simm.s32 $0x0;
	[sflag:s9] =	ssyncadd.s32 $0xFFFFF3C0  }
0x17: {  	v1 =	vld [tilespmem:s15+$0xC80]  }
0x18: {  	v0 =	vld [tilespmem:s15+$0x0]  }
0x19: {  	v2 =	vld [tilespmem:s15+$0x1900];
	_ =	sdelay $0x2  }
0x1a: {  	s14 =	simm.s32 $0x10  }
0x1b: {  	v3 =	vshll.u32 v0, $0x12;
	v0 =	vld [tilespmem:s14+$0xC80]  }
0x1c: {  	v4 =	vshll.u32 v1, $0x9;
	v1 =	vld [tilespmem:s14+$0x0];
	v2 =	vadd.s32 v3, v2  }
0x1d: {  	p0 =	slt.u32 s8, $0x186A0;
	v3 =	vadd.s32 v4, v2;
	v2 =	vld [tilespmem:s14+$0x1900]  }
0x1e: {  	v3 =	vpsel !p0, $0xFFFFFFFF, v3  }
0x1f: {  	s16 =	simm.s32 $0x80;
	[tilespmem:s15+$0x2580] =	vst v3;
	s15 =	smov.u32 s8  }
.LBB2_2:
0x20: {  	s17 =	sshra.s32 s16, $0x2;
	v3 =	vmov v0;
	p0 =	sne.s32 s16, $0x30C0  }
.Ltmp0:
0x21: {  	s16 =	sadd.s32 $0x40, s16;
	v0 =	vld [tilespmem:s17+$0xC80];
	v4 =	vshll.u32 v1, $0x12;
	(pc) =	sbr.rel @p0 .LBB2_2-.Ltmp0, $4  }
0x22: {  	s15 =	sadd.s32 $0x10, s15;
	v3 =	vshll.u32 v3, $0x9;
	v1 =	vld [tilespmem:s17+$0x0];
	v4 =	vadd.s32 v4, v2  }
0x23: {  	p1 =	slt.u32 s15, $0x186A0;
	v2 =	vld [tilespmem:s17+$0x1900];
	v3 =	vadd.s32 v3, v4  }
0x24: {  	v3 =	vpsel !p1, $0xFFFFFFFF, v3  }
0x25: {  	[tilespmem:s14+$0x2580] =	vst v3;
	s14 =	smov.u32 s17  }
0x26: {  	_ = 	snop  }
0x27: {  	v1 =	vshll.u32 v1, $0x12  }
0x28: {  	v0 =	vshll.u32 v0, $0x9;
	s15 =	sadd.s32 $0x10, s15;
	v1 =	vadd.s32 v1, v2  }
0x29: {  	s13 =	sadd.s32 $0x1, s13;
	p0 =	slt.u32 s15, $0x186A0;
	v0 =	vadd.s32 v0, v1  }
0x2a: {  	v0 =	vpsel !p0, $0xFFFFFFFF, v0;
	p0 =	sne.s32 s13, s7  }
.Ltmp1:
0x2b: {  	[tilespmem:s14+$0x2580] =	vst v0;
	(pc) =	sbr.rel @p0 .LBB2_1-.Ltmp1, $4  }
0x2c: {  	[hbm4b:s6+s2] =	stream.linear.scatter [tilespmem:s12], [sflag:$0x1], $0xC40, $0x38;
	[tilespmem:$0x3200] =	vst v63  }
0x2d: {  	_ =	swait.ge [sflag:s9], $0xC40  }
0x2e: {  	[sflag:s9] =	ssyncset.done $0x0  }
0x2f: {  	[sflag:s9] =	ssyncadd.s32 $0xFFFFF3C0  }
0x30: {  	_ =	sfence.sel $0x180000  }
0x31: {  	[bflag:$0x0] =	sbarrier.arrive $0xFFFF  }
0x32: {  	p0 =	sne.s32 s0, $0x0;
	_ =	strace $0x90000047  }
0x33: {  	s0 =	sadd.s32 @!p0 $0x100000, s1;
	[bflag:$0x2] =	sbarrier.arrive $0xFFFF  }
0x34: {  	[sflag:s0] =	ssyncadd.tile.s32 @!p0 $0x1;
	_ =	shalt  }
.Lfunc_end2:
_tile_overlayer_lowered:
.L_overlay_start_2:
0x35: {  	(tag) =	ssettag $0x2  }
0x36: {  	s0 =	rddreg [dreg:$0x0];
	s2 =	stileid.u32  }
0x37: {  	s1 =	rddreg [dreg:$0x1];
	p0 =	sne.s32 s2, $0x0  }
0x38: {  	s3 =	rddreg [dreg:$0x2];
	[bflag:$0x3] =	sbarrier.arrive $0xFFFF;
	s2 =	simm.s32 @!p0 $0x1C01  }
0x39: {  	[timem:s3], [sflag:s2] =	dma.local @!p0 [hbm:s0], s1  }
0x3a: {  	s0 =	simm.s32 @!p0 $0x1  }
0x3b: {  	_ =	swait.ge @!p0 [sflag:s0], s1  }
0x3c: {  	s1 =	ssub.s32 @!p0 $0x0, s1;
	[sflag:s0] =	ssyncset.done @!p0 $0x0  }
0x3d: {  	[sflag:s0] =	ssyncadd.s32 @!p0 s1  }
0x3e: {  	[bflag:$0x3] =	sbarrier.arrive $0xFFFF  }
0x3f: {  	_ =	shalt  }

// kernel: kernel.7.cloned.1.call-start
scs
__scs_entry_jumppad:
0x0: {  	(pc) =	sbr.rel $0x88, $3  }
0x1: {  	(tag) =	ssettag $0x0;
	lr =	simm.s32 $0x1  }
0x2: {  	[smem:$0x3F9F] =	sst lr;
	_ =	strace $0xD0000000  }
0x3: {  	_ = 	snop  }
0x4: {  	_ = 	snop  }
0x5: {  	_ = 	snop  }
0x6: {  	_ = 	snop  }
0x7: {  	_ = 	snop  }
__scs_overlays_trampoline_lowered:
0x8: {  	[smem:$0x3FAE] =	sst s0  }
0x9: {  	[smem:$0x3FAF] =	sst s1  }
0xa: {  	[smem:$0x3FB0] =	sst s2  }
0xb: {  	[smem:$0x3FB1] =	sst s3  }
0xc: {  	[smem:$0x3FB2] =	sst s4  }
0xd: {  	[smem:$0x3FB3] =	sst s5  }
0xe: {  	[smem:$0x3FB4] =	sst s6  }
0xf: {  	[smem:$0x3FB5] =	sst s7  }
0x10: {  	[smem:$0x3FB6] =	sst s8  }
0x11: {  	[smem:$0x3FB7] =	sst s9;
	s0 =	simm.s32 @!p0 $0x0  }
0x12: {  	s1 =	sld [smem:$0x3F9D];
	s0 =	simm.s32 @p0 $0x1  }
0x13: {  	[smem:$0x3FB8] =	sst s0;
	s0 =	simm.s32 @!p1 $0x0  }
0x14: {  	s2 =	sld [smem:$0x3F9C];
	s0 =	simm.s32 @p1 $0x1  }
0x15: {  	[smem:$0x3FB9] =	sst s0;
	s0 =	simm.s32 @!p2 $0x0  }
0x16: {  	s3 =	sld [smem:$0x3FDB];
	s0 =	simm.s32 @p2 $0x1  }
0x17: {  	s4 =	simm.s32 $0x1BF5;
	[smem:$0x3FBB] =	sst s0  }
0x18: {  	s0 =	sld [smem:$0x3F9E];
	_ =	swait.ge [sflag:s4], $0x0  }
0x19: {  	s7 =	sld [smem:$0x3F9F]  }
0x1a: {  	s8 =	sadd.s32 $0xFFFFE003, lr  }
0x1b: {  	s9 =	sadd.s32 $0xFFFFFEF7, lr;
	s5 =	simm.s32 $0xFFFFFFFF;
	p2 =	slt.u32 s8, $0xFFFFF086  }
0x1c: {  	p1 =	slt.u32 s9, $0xF7A;
	s5 =	simm.s32 @!p2 $0x0  }
0x1d: {  	s5 =	simm.s32 @p1 $0x1;
	p0 =	seq.s32 s7, s2  }
0x1e: {  	s7 =	smul.u32 @!p0 $0xF7A, s2;
	p2 =	seq.s32 @!p0 s5, $0x0  }
0x1f: {  	s9 =	smul.u32 $0xF7A, s1;
	s8 =	simm.s32 @!p0 $0x1BF5;
	p2 =	por !p2, p0  }
0x20: {  	[sflag:s8] =	ssyncset.s32 @!p0 $0xFFFFF086;
	s6 =	sadd.s32 @!p0 s3, s7;
	s7 =	simm.s32 @!p0 $0x108  }
0x21: {  	s3 =	sadd.s32 s3, s9;
	s6 =	sadd.s32 @!p0 $0x88, s6;
	s7 =	simm.s32 @p2 $0x1082  }
0x22: {  	[simem:s7], [sflag:s8] =	dma.local @!p0 [hbm:s6], $0xF7A  }
0x23: {  	s9 =	sor.u32 $0xD0000000, s2;
	s6 =	simm.s32 $0x108;
	_ =	swait.ge @!p0 [sflag:s8], $0x0  }
0x24: {  	s3 =	sadd.s32 $0x88, s3;
	s6 =	simm.s32 @!p1 $0x1082;
	[sflag:s4] =	ssyncset.s32 $0xFFFFF086  }
0x25: {  	[simem:s6], [sflag:s4] =	dma.local [hbm:s3], $0xF7A  }
0x26: {  	[smem:$0x3F9F] =	sst s1;
	(tag) =	ssettag s2;
	_ =	strace s9  }
0x27: {  	s1 =	sld [smem:$0x3FAF]  }
0x28: {  	s2 =	sld [smem:$0x3FB0]  }
0x29: {  	s4 =	sld [smem:$0x3FB2]  }
0x2a: {  	p0 =	seq.s32 s5, $0x0;
	s5 =	sld [smem:$0x3FB3]  }
0x2b: {  	s6 =	sld [smem:$0x3FB4]  }
0x2c: {  	s7 =	sld [smem:$0x3FB5]  }
0x2d: {  	s3 =	simm.s32 $0x108;
	s8 =	sld [smem:$0x3FB6]  }
0x2e: {  	s3 =	simm.s32 @!p0 $0x1082;
	s9 =	sld [smem:$0x3FB7]  }
0x2f: {  	lr =	sadd.s32 s0, s3;
	s0 =	sld [smem:$0x3FAE]  }
0x30: {  	s3 =	sld [smem:$0x3FB1]  }
0x31: {  	[smem:$0x3FBA] =	sst s10  }
0x32: {  	s10 =	sld [smem:$0x3FB8];
	_ =	sdelay $0x3  }
0x33: {  	p0 =	seq.s32 s10, $0x1;
	s10 =	sld [smem:$0x3FBA];
	_ =	sdelay $0x3  }
0x34: {  	[smem:$0x3FBA] =	sst s10  }
0x35: {  	s10 =	sld [smem:$0x3FB9];
	_ =	sdelay $0x3  }
0x36: {  	p1 =	seq.s32 s10, $0x1;
	s10 =	sld [smem:$0x3FBA];
	_ =	sdelay $0x3  }
0x37: {  	[smem:$0x3FBA] =	sst s10  }
0x38: {  	s10 =	sld [smem:$0x3FBB]  }
0x39: {  	_ = 	snop;
	(pc) =	sbr.ind lr, $3  }
0x3a: {  	_ = 	snop  }
0x3b: {  	_ = 	snop  }
0x3c: {  	p2 =	seq.s32 s10, $0x1;
	s10 =	sld [smem:$0x3FBA]  }
0x3d: {  	_ =	shalt  }
0x3e: {  	_ =	shalt  }
0x3f: {  	_ =	shalt  }
0x40: {  	_ =	shalt  }
0x41: {  	_ =	shalt  }
0x42: {  	_ =	shalt  }
0x43: {  	_ =	shalt  }
0x44: {  	_ =	shalt  }
0x45: {  	_ =	shalt  }
0x46: {  	_ =	shalt  }
0x47: {  	_ =	shalt  }
0x48: {  	_ =	shalt  }
0x49: {  	_ =	shalt  }
0x4a: {  	_ =	shalt  }
0x4b: {  	_ =	shalt  }
0x4c: {  	_ =	shalt  }
0x4d: {  	_ =	shalt  }
0x4e: {  	_ =	shalt  }
0x4f: {  	_ =	shalt  }
0x50: {  	_ =	shalt  }
0x51: {  	_ =	shalt  }
0x52: {  	_ =	shalt  }
0x53: {  	_ =	shalt  }
0x54: {  	_ =	shalt  }
0x55: {  	_ =	shalt  }
0x56: {  	_ =	shalt  }
0x57: {  	_ =	shalt  }
0x58: {  	_ =	shalt  }
0x59: {  	_ =	shalt  }
0x5a: {  	_ =	shalt  }
0x5b: {  	_ =	shalt  }
0x5c: {  	_ =	shalt  }
0x5d: {  	_ =	shalt  }
0x5e: {  	_ =	shalt  }
0x5f: {  	_ =	shalt  }
0x60: {  	_ =	shalt  }
0x61: {  	_ =	shalt  }
0x62: {  	_ =	shalt  }
0x63: {  	_ =	shalt  }
0x64: {  	_ =	shalt  }
0x65: {  	_ =	shalt  }
0x66: {  	_ =	shalt  }
0x67: {  	_ =	shalt  }
0x68: {  	_ =	shalt  }
0x69: {  	_ =	shalt  }
0x6a: {  	_ =	shalt  }
0x6b: {  	_ =	shalt  }
0x6c: {  	_ =	shalt  }
0x6d: {  	_ =	shalt  }
0x6e: {  	_ =	shalt  }
0x6f: {  	_ =	shalt  }
0x70: {  	_ =	shalt  }
0x71: {  	_ =	shalt  }
0x72: {  	_ =	shalt  }
0x73: {  	_ =	shalt  }
0x74: {  	_ =	shalt  }
0x75: {  	_ =	shalt  }
0x76: {  	_ =	shalt  }
0x77: {  	_ =	shalt  }
0x78: {  	_ =	shalt  }
0x79: {  	_ =	shalt  }
0x7a: {  	_ =	shalt  }
0x7b: {  	_ =	shalt  }
0x7c: {  	_ =	shalt  }
0x7d: {  	_ =	shalt  }
0x7e: {  	_ =	shalt  }
0x7f: {  	_ =	shalt  }
0x80: {  	_ =	shalt  }
0x81: {  	_ =	shalt  }
0x82: {  	_ =	shalt  }
0x83: {  	_ =	shalt  }
0x84: {  	_ =	shalt  }
0x85: {  	_ =	shalt  }
0x86: {  	_ =	shalt  }
0x87: {  	_ =	shalt  }
.Lfunc_end0:
.L_simem_size_0:
called_computation.1_lowered:
.L_overlay_start_0:
0x88: {  	s2 =	sld [smem:$0x3FD9]  }
0x89: {  	s3 =	sld [smem:$0x3FFE];
	_ =	sdelay $0x1  }
0x8a: {  	s1 =	srdreg.scid  }
0x8b: {  	s0 =	sand.u32 $0x1, s1  }
0x8c: {  	s17 =	sshll.u32 s0, $0xA;
	s2 =	sadd.s32 s3, s2  }
0x8d: {  	s2 =	sadd.s32 s2, s17  }
0x8e: {  	[smem:$0x3FC6] =	sst s2  }
0x8f: {  	_ = 	snop  }
0x90: {  	s2 =	sld [smem:$0x3FD0];
	(tm) =	ssettm $0x1  }
0x91: {  	s18 =	sld [smem:$0x3FFB];
	_ =	sdelay $0x3  }
0x92: {  	_ =	strace s18  }
0x93: {  	s3 =	sld [smem:$0x3FFC];
	_ =	sdelay $0x3  }
0x94: {  	_ =	strace s3  }
0x95: {  	s3 =	sld [smem:$0x3FFD];
	_ =	sdelay $0x3  }
0x96: {  	_ =	strace s3  }
0x97: {  	_ =	strace $0x8FFFFFFF  }
0x98: {  	s19 =	sld [smem:$0x3FDB];
	_ =	sdelay $0x1  }
0x99: {  	s4 =	simm.s32 $_scs_section_size  }
0x9a: {  	s5 =	simm.s32 $_size__tile_overlayer_lowered;
	s6 =	simm.s32 $_tile_overlayer_lowered  }
0x9b: {  	s22 =	simm.s32 $0x1BFF;
	s21 =	sshll.u32 s6, $0x1;
	s3 =	sadd.s32 s4, s19  }
0x9c: {  	s7 =	simm.s32 $0x0;
	s20 =	sshll.u32 s5, $0x1;
	s5 =	sadd.s32 s21, s3  }
0x9d: {  	[timem:s7], [sflag:s22] =	dma.local [hbm:s5], s20  }
0x9e: {  	_ =	swait.ge [sflag:s22], s20  }
0x9f: {  	s4 =	ssub.s32 $0x0, s20;
	[sflag:s22] =	ssyncset.done $0x0  }
0xa0: {  	[sflag:s22] =	ssyncadd.s32 s4;
	_ =	sdelay $0x1  }
0xa1: {  	s23 =	simm.s32 $0x1B8B  }
0xa2: {  	_ =	swait.ge [sflag:s23], $0x1  }
0xa3: {  	[sflag:s23] =	ssyncset.done $0x0  }
0xa4: {  	s25 =	simm.s32 $0x1B8E;
	s24 =	sld [smem:$0x3FFE];
	[sflag:s23] =	ssyncadd.s32 $0xFFFFFFFF  }
0xa5: {  	s26 =	simm.s32 $execute0_lowered;
	[smem:$0x3FD2] =	sst s25  }
0xa6: {  	s5 =	sshll.u32 s26, $0x1;
	_ =	strace $0x80000049;
	[dreg:$0x1] =	wrdreg $0xFFFFFFFF  }
0xa7: {  	s28 =	simm.s32 $_size_execute0_lowered;
	s3 =	sadd.s32 s3, s5;
	[dreg:$0x0] =	wrdreg $0x0  }
0xa8: {  	s5 =	sshll.u32 s28, $0x1;
	[dreg:$0x2] =	wrdreg s3  }
0xa9: {  	[dreg:$0x3] =	wrdreg s5  }
0xaa: {  	[dreg:$0x4] =	wrdreg $0xC0  }
0xab: {  	_ =	task [dreg:s7], $0x5FFFF  }
0xac: {  	[dreg:$0x1] =	wrdreg $0xFFFFFFFF  }
0xad: {  	[dreg:$0x0] =	wrdreg $0x60  }
0xae: {  	[dreg:$0x2] =	wrdreg s24  }
0xaf: {  	[dreg:$0x3] =	wrdreg s2  }
0xb0: {  	[dreg:$0x4] =	wrdreg $0x9  }
0xb1: {  	_ =	task.clear_ibuf [dreg:s7], $0x5FFFF;
	_ =	strace $0x90000049  }
0xb2: {  	s29 =	simm.s32 $0x9;
	_ =	strace $0x8000004B  }
0xb3: {  	_ =	swait.ge [sflag:s29], $0x1  }
0xb4: {  	[sflag:s29] =	ssyncadd.s32 $0xFFFFFFFF  }
0xb5: {  	_ =	strace $0x9000004B  }
0xb6: {  	_ =	sfence  }
0xb7: {  	s30 =	sld [smem:$0x0];
	_ =	sdelay $0x2  }
0xb8: {  	s31 =	sshll.u32 s1, $0xD;
	s1 =	sshrl.u32 s1, $0x2  }
0xb9: {  	s3 =	sand.u32 $0x4000, s31;
	s1 =	sadd.s32 s1, s30  }
0xba: {  	s0 =	sor.u32 s3, s0;
	s1 =	sshll.u32 s1, $0x11  }
0xbb: {  	s0 =	sor.u32 s1, s0  }
0xbc: {  	s0 =	sadd.s32 $0x8F2B, s0  }
0xbd: {  	[sflag:s0] =	ssyncadd.remote.s32 $0x1  }
0xbe: {  	_ =	sfence.sel $0xFFFF  }
0xbf: {  	[dreg:$0x0] =	wrdreg $0xFFFFFFFF;
	(pc) =	sbr.abs _section_cstart, $3  }
0xc0: {  	[dreg:$0x1] =	wrdreg $0xFFFFFFFF  }
0xc1: {  	_ =	task.clear_ibuf [dreg:s7], $0x2FFFF;
	_ =	strace $0x9FFFFFFF  }
0xc2: {  	(tm) =	ssettm $0x7FFFFFFF  }
0xc3: {  	_ =	shalt  }
tec
execute0_lowered:
.L_overlay_start_1:
0x0: {  	(tag) =	ssettag $0x1  }
0x1: {  	s0 =	rddreg [dreg:$0x0];
	s3 =	simm.s32 $0x0  }
0x2: {  	[smem:$0x7FF] =	sst s3;
	s15 =	sadd.s32 $0x9610, s0  }
0x3: {  	s16 =	sadd.s32 $0x9620, s0;
	_ =	strace $0x8000004A;
	[dreg:$0x5] =	wrdreg s15  }
0x4: {  	s17 =	sadd.s32 $0x9630, s0;
	[dreg:$0x6] =	wrdreg s16  }
0x5: {  	s18 =	sadd.s32 $0x9640, s0;
	[dreg:$0x7] =	wrdreg s17  }
0x6: {  	s19 =	sadd.s32 $0x9650, s0;
	[dreg:$0x8] =	wrdreg s18  }
0x7: {  	s2 =	srdreg.scid;
	s20 =	sadd.s32 $0x9660, s0;
	[dreg:$0x9] =	wrdreg s19  }
0x8: {  	s1 =	stileid.u32;
	s21 =	sadd.s32 $0x9670, s0;
	[dreg:$0xa] =	wrdreg s20  }
0x9: {  	s28 =	simm.s32 $0x80;
	s22 =	sadd.s32 $0x9680, s0;
	[dreg:$0xb] =	wrdreg s21  }
0xa: {  	s29 =	simm.s32 $0x40000;
	s23 =	sadd.s32 $0x9690, s0;
	[dreg:$0xc] =	wrdreg s22  }
0xb: {  	s2 =	sand.u32 $0x1, s2;
	s24 =	sadd.s32 $0x96A0, s0;
	[dreg:$0xd] =	wrdreg s23  }
0xc: {  	s5 =	sshll.u32 s1, $0x1;
	s25 =	sadd.s32 $0x96B0, s0;
	[dreg:$0xe] =	wrdreg s24  }
0xd: {  	s4 =	sadd.s32 $0x9600, s0;
	s26 =	sadd.s32 $0x96C0, s0;
	[dreg:$0xf] =	wrdreg s25  }
0xe: {  	s13 =	sshll.u32 s1, $0x13;
	s30 =	sadd.s32 $0x96D0, s0;
	[dreg:$0x10] =	wrdreg s26  }
0xf: {  	s31 =	sadd.s32 $0x96E0, s0;
	s6 =	ssub.s32 $0x2, s2;
	[dreg:$0x11] =	wrdreg s30  }
0x10: {  	s2 =	sor.u32 s2, s5;
	s5 =	sadd.s32 $0xC800, s0;
	[dreg:$0x12] =	wrdreg s31  }
0x11: {  	s0 =	sadd.s32 $0x96F0, s0;
	s24 =	simm.s32 $0xDA80;
	s25 =	simm.s32 $0x2  }
.Ltmp0:
0x12: {  	s26 =	simm.s32 $0x9A80;
	s7 =	sshrl.u32 s6, $0x1;
	(pc) =	sbr.rel .LBB2_1-.Ltmp0, $4  }
0x13: {  	s12 =	sshll.u32 s2, $0x6;
	s2 =	sshll.u32 s2, $0xF;
	[dreg:$0x13] =	wrdreg s0  }
0x14: {  	v1 =	vimm.s32 $0xFFFFFFFF;
	v3 =	vlaneseq.u32;
	s0 =	simm.s32 $0x1;
	s8 =	ssub.s32 s6, s7;
	s6 =	sand.u32 $0x1C0, s12  }
0x15: {  	v2 =	vimm.f32 $0.0e+00;
	vm0 =	vmxor vm0, vm0;
	v4 =	vor.u32 $0x10, v3;
	s7 =	sand.u32 $0x600000, s13;
	[dreg:$0x3] =	wrdreg s6;
	s14 =	smax.u32 s8, $0x1  }
0x16: {  	v5 =	vor.u32 $0x20, v3;
	v6 =	vor.u32 $0x30, v3;
	v0 =	vmov s2;
	s2 =	simm.s32 $0x9000;
	s8 =	simm.s32 $0x0;
	[dreg:$0x4] =	wrdreg s14  }
.LBB2_34:
0x17: {  	s6 =	simm.s32 $0x3  }
0x18: {  	_ =	swait.ge [sflag:s6], $0x8000  }
0x19: {  	[sflag:s6] =	ssyncset.done $0x0  }
0x1a: {  	[sflag:s6] =	ssyncadd.s32 $0xFFFF8000  }
0x1b: {  	_ =	swait.ge [sflag:s6], $0x8000  }
0x1c: {  	s8 =	rddreg [dreg:$0x14]  }
0x1d: {  	s1 =	rddreg [dreg:$0x4];
	s8 =	sadd.s32 $0x1, s8  }
0x1e: {  	p0 =	sne.s32 s8, s1  }
.Ltmp1:
0x1f: {  	_ = 	snop;
	(pc) =	sbr.rel @!p0 .LBB2_35-.Ltmp1, $3  }
0x20: {  	_ =	sdelay $0x1  }
0x21: {  	[sflag:s6] =	ssyncset.done $0x0  }
0x22: {  	[sflag:s6] =	ssyncadd.s32 $0xFFFF8000  }
.LBB2_1:
0x23: {  	[dreg:$0x14] =	wrdreg s8;
	s8 =	simm.s32 $0x40;
	s9 =	simm.s32 $0x0  }
.LBB2_2:
0x24: {  	p0 =	sne.s32 s8, $0x1FFC0;
	[tilespmem:s9+$0x0] =	vst v1;
	s9 =	smov.u32 s8;
	s8 =	sadd.s32 $0x40, s8  }
.Ltmp2:
0x25: {  	(pc) =	sbr.rel @p0 .LBB2_2-.Ltmp2, $2  }
0x26: {  	_ =	sdelay $0x2  }
0x27: {  	s9 =	sshra.s32 s9, $0x2  }
0x28: {  	s8 =	simm.s32 $0x0;
	s10 =	simm.s32 $0x0  }
0x29: {  	s12 =	simm.s32 $0x0;
	s10 =	sand.u32 $0x7000, s10;
	s11 =	sand.u32 $0xC00, s8  }
0x2a: {  	s12 =	sand.u32 $0x380, s12;
	s10 =	sor.u32 s11, s10  }
0x2b: {  	s31 =	sand.u32 $0x70, s8;
	s10 =	sor.u32 s12, s10  }
0x2c: {  	[tilespmem:s9+$0x0] =	vst v1;
	s9 =	sor.u32 s31, s10  }
0x2d: {  	s11 =	simm.s32 $0x80;
	s12 =	simm.s32 $0x0;
	s10 =	simm.s32 $0x1;
	[tilespmem:s9+$0xDA80] =	vst v2  }
.LBB2_4:
0x2e: {  	s13 =	sshll.u32 s10, $0x4;
	p0 =	sne.s32 s10, $0x7FF  }
0x2f: {  	s14 =	smov.u32 s10;
	s10 =	sadd.s32 $0x1, s10;
	s15 =	sand.u32 $0xC00, s11  }
.Ltmp3:
0x30: {  	s13 =	sand.u32 $0x7000, s13;
	s14 =	sshll.u32 s14, $0x2;
	(pc) =	sbr.rel @p0 .LBB2_4-.Ltmp3, $4  }
0x31: {  	s12 =	sadd.s32 $0x10, s12;
	s14 =	sand.u32 $0x380, s14;
	s13 =	sor.u32 s15, s13  }
0x32: {  	s15 =	sand.u32 $0x70, s12;
	s13 =	sor.u32 s14, s13  }
0x33: {  	s13 =	sor.u32 s15, s13  }
0x34: {  	s11 =	sadd.s32 $0x80, s11;
	[tilespmem:s13+$0xDA80] =	vst v2  }
0x35: {  	s10 =	simm.s32 $0x1;
	[tilespmem:s9+$0x15A80] =	vst v2;
	s9 =	simm.s32 $0x80  }
.LBB2_6:
0x36: {  	s11 =	sshll.u32 s10, $0x4;
	p0 =	sne.s32 s10, $0x7FF  }
0x37: {  	s12 =	smov.u32 s10;
	s10 =	sadd.s32 $0x1, s10;
	s13 =	sand.u32 $0xC00, s9  }
.Ltmp4:
0x38: {  	s11 =	sand.u32 $0x7000, s11;
	s12 =	sshll.u32 s12, $0x2;
	(pc) =	sbr.rel @p0 .LBB2_6-.Ltmp4, $4  }
0x39: {  	s8 =	sadd.s32 $0x10, s8;
	s12 =	sand.u32 $0x380, s12;
	s11 =	sor.u32 s13, s11  }
0x3a: {  	s13 =	sand.u32 $0x70, s8;
	s11 =	sor.u32 s12, s11  }
0x3b: {  	s11 =	sor.u32 s13, s11  }
0x3c: {  	s9 =	sadd.s32 $0x80, s9;
	[tilespmem:s11+$0x15A80] =	vst v2  }
0x3d: {  	s8 =	simm.s32 $0x0;
	s1 =	simm.s32 $0x8000  }
0x3e: {  	[tilespmem:s1], [sflag:$0x1] =	stream.linear.gather [hbm4b:s4+s8], $0x80, $0x38;
	[tilespmem:$0x1DA80] =	vst v63  }
0x3f: {  	s15 =	rddreg [dreg:$0x5];
	s6 =	simm.s32 $0x8100  }
0x40: {  	[tilespmem:s6], [sflag:$0x1] =	stream.linear.gather [hbm4b:s15+s8], $0x80, $0x38;
	[tilespmem:$0x1DA80] =	vst v63  }
0x41: {  	s16 =	rddreg [dreg:$0x6];
	s17 =	simm.s32 $0x8200  }
0x42: {  	[tilespmem:s17], [sflag:$0x1] =	stream.linear.gather [hbm4b:s16+s8], $0x80, $0x38;
	[tilespmem:$0x1DA80] =	vst v63  }
0x43: {  	s18 =	rddreg [dreg:$0x7];
	s19 =	simm.s32 $0x8300  }
0x44: {  	[tilespmem:s19], [sflag:$0x1] =	stream.linear.gather [hbm4b:s18+s8], $0x80, $0x38;
	[tilespmem:$0x1DA80] =	vst v63  }
0x45: {  	s20 =	rddreg [dreg:$0x8];
	s21 =	simm.s32 $0x8400  }
0x46: {  	[tilespmem:s21], [sflag:$0x1] =	stream.linear.gather [hbm4b:s20+s8], $0x80, $0x38;
	[tilespmem:$0x1DA80] =	vst v63  }
0x47: {  	s22 =	rddreg [dreg:$0x9];
	s23 =	simm.s32 $0x8500  }
0x48: {  	[tilespmem:s23], [sflag:$0x1] =	stream.linear.gather [hbm4b:s22+s8], $0x80, $0x38;
	[tilespmem:$0x1DA80] =	vst v63  }
0x49: {  	s30 =	rddreg [dreg:$0xa];
	s31 =	simm.s32 $0x8600  }
0x4a: {  	[tilespmem:s31], [sflag:$0x1] =	stream.linear.gather [hbm4b:s30+s8], $0x80, $0x38;
	[tilespmem:$0x1DA80] =	vst v63  }
0x4b: {  	s9 =	simm.s32 $0x8700;
	s6 =	rddreg [dreg:$0xb]  }
0x4c: {  	[tilespmem:s9], [sflag:$0x1] =	stream.linear.gather [hbm4b:s6+s8], $0x80, $0x38;
	[tilespmem:$0x1DA80] =	vst v63  }
0x4d: {  	s10 =	rddreg [dreg:$0xc];
	s11 =	simm.s32 $0x8800  }
0x4e: {  	[tilespmem:s11], [sflag:$0x1] =	stream.linear.gather [hbm4b:s10+s8], $0x80, $0x38;
	[tilespmem:$0x1DA80] =	vst v63  }
0x4f: {  	s12 =	rddreg [dreg:$0xd];
	s13 =	simm.s32 $0x8900  }
0x50: {  	[tilespmem:s13], [sflag:$0x1] =	stream.linear.gather [hbm4b:s12+s8], $0x80, $0x38;
	[tilespmem:$0x1DA80] =	vst v63  }
0x51: {  	s14 =	rddreg [dreg:$0xe];
	s15 =	simm.s32 $0x8A00  }
0x52: {  	[tilespmem:s15], [sflag:$0x1] =	stream.linear.gather [hbm4b:s14+s8], $0x80, $0x38;
	[tilespmem:$0x1DA80] =	vst v63  }
0x53: {  	s16 =	rddreg [dreg:$0xf];
	s17 =	simm.s32 $0x8B00  }
0x54: {  	[tilespmem:s17], [sflag:$0x1] =	stream.linear.gather [hbm4b:s16+s8], $0x80, $0x38;
	[tilespmem:$0x1DA80] =	vst v63  }
0x55: {  	s18 =	rddreg [dreg:$0x10];
	s19 =	simm.s32 $0x8C00  }
0x56: {  	[tilespmem:s19], [sflag:$0x1] =	stream.linear.gather [hbm4b:s18+s8], $0x80, $0x38;
	[tilespmem:$0x1DA80] =	vst v63  }
0x57: {  	s20 =	rddreg [dreg:$0x11];
	s21 =	simm.s32 $0x8D00  }
0x58: {  	[tilespmem:s21], [sflag:$0x1] =	stream.linear.gather [hbm4b:s20+s8], $0x80, $0x38;
	[tilespmem:$0x1DA80] =	vst v63  }
.Ltmp5:
0x59: {  	s22 =	rddreg [dreg:$0x12];
	(pc) =	sbr.rel .LBB2_8-.Ltmp5, $4  }
0x5a: {  	s23 =	simm.s32 $0x8E00;
	s30 =	rddreg [dreg:$0x13]  }
0x5b: {  	[tilespmem:s23], [sflag:$0x1] =	stream.linear.gather [hbm4b:s22+s8], $0x80, $0x38;
	[tilespmem:$0x1DA80] =	vst v63  }
0x5c: {  	s31 =	simm.s32 $0x8F00;
	s9 =	simm.s32 $0x0;
	s10 =	simm.s32 $0x0  }
0x5d: {  	[tilespmem:s31], [sflag:$0x1] =	stream.linear.gather [hbm4b:s30+s8], $0x80, $0x38;
	[tilespmem:$0x1DA80] =	vst v63  }
.LBB2_15:
0x5e: {  	p0 =	sne.s32 s10, $0x31  }
.Ltmp6:
0x5f: {  	_ = 	snop;
	(pc) =	sbr.rel @!p0 .LBB2_16-.Ltmp6, $2  }
0x60: {  	_ =	sdelay $0x2  }
0x61: {  	s9 =	sadd.s32 $0x800, s9  }
.LBB2_8:
0x62: {  	s12 =	smov.u32 s10  }
0x63: {  	_ =	swait.ge [sflag:s0], $0x800;
	s10 =	sadd.s32 $0x1, s10;
	p0 =	seq.s32 s12, $0x30  }
0x64: {  	[sflag:s0] =	ssyncset.done $0x0;
	s11 =	sshll.u32 @!p0 s10, $0x7  }
0x65: {  	[sflag:s0] =	ssyncadd.s32 $0xFFFFF800;
	s13 =	sand.u32 @!p0 $0x80, s11;
	s11 =	sshll.u32 @!p0 s10, $0x8  }
0x66: {  	s16 =	simm.s32 @!p0 $0x0;
	s14 =	sor.u32 @!p0 $0x8000, s13;
	s15 =	sadd.s32 @!p0 s4, s11  }
0x67: {  	[tilespmem:s14], [sflag:$0x1] =	stream.linear.gather @!p0 [hbm4b:s15+s16], $0x80, $0x38;
	[tilespmem:$0x1DA80] =	vst v63  }
0x68: {  	s11 =	sadd.s32 @!p0 $0x10, s15;
	s14 =	sor.u32 @!p0 $0x8100, s13  }
0x69: {  	[tilespmem:s14], [sflag:$0x1] =	stream.linear.gather @!p0 [hbm4b:s11+s16], $0x80, $0x38;
	[tilespmem:$0x1DA80] =	vst v63  }
0x6a: {  	s11 =	sadd.s32 @!p0 $0x20, s15;
	s14 =	sor.u32 @!p0 $0x8200, s13  }
0x6b: {  	[tilespmem:s14], [sflag:$0x1] =	stream.linear.gather @!p0 [hbm4b:s11+s16], $0x80, $0x38;
	[tilespmem:$0x1DA80] =	vst v63  }
0x6c: {  	s11 =	sadd.s32 @!p0 $0x30, s15;
	s14 =	sor.u32 @!p0 $0x8300, s13  }
0x6d: {  	[tilespmem:s14], [sflag:$0x1] =	stream.linear.gather @!p0 [hbm4b:s11+s16], $0x80, $0x38;
	[tilespmem:$0x1DA80] =	vst v63  }
0x6e: {  	s11 =	sadd.s32 @!p0 $0x40, s15;
	s14 =	sor.u32 @!p0 $0x8400, s13  }
0x6f: {  	[tilespmem:s14], [sflag:$0x1] =	stream.linear.gather @!p0 [hbm4b:s11+s16], $0x80, $0x38;
	[tilespmem:$0x1DA80] =	vst v63  }
0x70: {  	s11 =	sadd.s32 @!p0 $0x50, s15;
	s14 =	sor.u32 @!p0 $0x8500, s13  }
0x71: {  	[tilespmem:s14], [sflag:$0x1] =	stream.linear.gather @!p0 [hbm4b:s11+s16], $0x80, $0x38;
	[tilespmem:$0x1DA80] =	vst v63  }
0x72: {  	s11 =	sadd.s32 @!p0 $0x60, s15;
	s14 =	sor.u32 @!p0 $0x8600, s13  }
0x73: {  	[tilespmem:s14], [sflag:$0x1] =	stream.linear.gather @!p0 [hbm4b:s11+s16], $0x80, $0x38;
	[tilespmem:$0x1DA80] =	vst v63  }
0x74: {  	s11 =	sadd.s32 @!p0 $0x70, s15;
	s14 =	sor.u32 @!p0 $0x8700, s13  }
0x75: {  	[tilespmem:s14], [sflag:$0x1] =	stream.linear.gather @!p0 [hbm4b:s11+s16], $0x80, $0x38;
	[tilespmem:$0x1DA80] =	vst v63  }
0x76: {  	s11 =	sadd.s32 @!p0 $0x80, s15;
	s14 =	sor.u32 @!p0 $0x8800, s13  }
0x77: {  	[tilespmem:s14], [sflag:$0x1] =	stream.linear.gather @!p0 [hbm4b:s11+s16], $0x80, $0x38;
	[tilespmem:$0x1DA80] =	vst v63  }
0x78: {  	s11 =	sadd.s32 @!p0 $0x90, s15;
	s14 =	sor.u32 @!p0 $0x8900, s13  }
0x79: {  	[tilespmem:s14], [sflag:$0x1] =	stream.linear.gather @!p0 [hbm4b:s11+s16], $0x80, $0x38;
	[tilespmem:$0x1DA80] =	vst v63  }
0x7a: {  	s11 =	sadd.s32 @!p0 $0xA0, s15;
	s14 =	sor.u32 @!p0 $0x8A00, s13  }
0x7b: {  	[tilespmem:s14], [sflag:$0x1] =	stream.linear.gather @!p0 [hbm4b:s11+s16], $0x80, $0x38;
	[tilespmem:$0x1DA80] =	vst v63  }
0x7c: {  	s11 =	sadd.s32 @!p0 $0xB0, s15;
	s14 =	sor.u32 @!p0 $0x8B00, s13  }
0x7d: {  	[tilespmem:s14], [sflag:$0x1] =	stream.linear.gather @!p0 [hbm4b:s11+s16], $0x80, $0x38;
	[tilespmem:$0x1DA80] =	vst v63  }
0x7e: {  	s11 =	sadd.s32 @!p0 $0xC0, s15;
	s14 =	sor.u32 @!p0 $0x8C00, s13  }
0x7f: {  	[tilespmem:s14], [sflag:$0x1] =	stream.linear.gather @!p0 [hbm4b:s11+s16], $0x80, $0x38;
	[tilespmem:$0x1DA80] =	vst v63  }
0x80: {  	s23 =	sand.u32 $0x1, s12;
	s11 =	sadd.s32 @!p0 $0xD0, s15;
	s14 =	sor.u32 @!p0 $0x8D00, s13  }
0x81: {  	[tilespmem:s14], [sflag:$0x1] =	stream.linear.gather @!p0 [hbm4b:s11+s16], $0x80, $0x38;
	[tilespmem:$0x1DA80] =	vst v63  }
0x82: {  	s17 =	sor.u32 @!p0 $0x8E00, s13;
	s14 =	sadd.s32 @!p0 $0xE0, s15;
	s11 =	sshll.u32 s23, $0x7  }
0x83: {  	v7 =	vmov s11;
	[tilespmem:s17], [sflag:$0x1] =	stream.linear.gather @!p0 [hbm4b:s14+s16], $0x80, $0x38;
	[tilespmem:$0x1DA80] =	vst v63  }
0x84: {  	s30 =	sand.u32 $0xF00, s8;
	s13 =	sor.u32 @!p0 $0x8F00, s13;
	s14 =	sadd.s32 @!p0 $0xF0, s15  }
0x85: {  	[tilespmem:s13], [sflag:$0x1] =	stream.linear.gather @!p0 [hbm4b:s14+s16], $0x80, $0x38;
	[tilespmem:$0x1DA80] =	vst v63  }
0x86: {  	s31 =	sand.u32 $0x40, s8;
	s13 =	sor.u32 $0x8000, s30  }
0x87: {  	s14 =	sor.u32 s31, s13  }
0x88: {  	v8 =	vld.idx.msk [tilespmem:v7+s14+$0x0 ss:$0x1], $0xffff;
	_ =	sdelay $0x4  }
0x89: {  	v8 =	vsub.s32 v8, v0  }
0x8a: {  	vm1 =	vlt.u32 v8, $0x8000  }
0x8b: {  	v8 =	vnsel vm1, $0x0, v8;
	_ =	sdelay $0x2  }
0x8c: {  	s1 =	sadd.s32 $0x0, s9;
	s6 =	simm.s32 $0x10  }
0x8d: {  	v9 =	vor.u32 s1, v3;
	s14 =	sand.u32 $0x50, s6  }
0x8e: {  	s14 =	sor.u32 s14, s13;
	[tilespmem:v8+s3+$0x0] =	vst.idx.msk vm1, v9  }
0x8f: {  	v10 =	vld.idx.msk [tilespmem:v7+s14+$0x0 ss:$0x1], $0xffff;
	_ =	sdelay $0x4  }
0x90: {  	v10 =	vsub.s32 v10, v0  }
0x91: {  	vm2 =	vlt.u32 v10, $0x8000  }
0x92: {  	v10 =	vnsel vm2, $0x0, v10;
	_ =	sdelay $0x2  }
0x93: {  	s17 =	simm.s32 $0x20;
	s16 =	sadd.s32 $0x10, s1  }
0x94: {  	s18 =	sand.u32 $0x60, s17;
	v11 =	vor.u32 s16, v3  }
0x95: {  	v8 =	vld.idx.msk [tilespmem:v8+s3+$0x0], vm1;
	s14 =	sor.u32 s18, s13;
	[tilespmem:v10+s3+$0x0] =	vst.idx.msk vm2, v11  }
0x96: {  	v12 =	vld.idx.msk [tilespmem:v7+s14+$0x0 ss:$0x1], $0xffff;
	_ =	sdelay $0x4  }
0x97: {  	v12 =	vsub.s32 v12, v0  }
0x98: {  	vm3 =	vlt.u32 v12, $0x8000  }
0x99: {  	v12 =	vnsel vm3, $0x0, v12;
	_ =	sdelay $0x2  }
0x9a: {  	s20 =	simm.s32 $0x30;
	s19 =	sadd.s32 $0x20, s1  }
0x9b: {  	s21 =	sand.u32 $0x70, s20;
	v13 =	vor.u32 s19, v3  }
0x9c: {  	s13 =	sor.u32 s21, s13;
	v10 =	vld.idx.msk [tilespmem:v10+s3+$0x0], vm2;
	[tilespmem:v12+s3+$0x0] =	vst.idx.msk vm3, v13  }
0x9d: {  	v14 =	vld.idx.msk [tilespmem:v7+s13+$0x0 ss:$0x1], $0xffff;
	_ =	sdelay $0x4  }
0x9e: {  	v14 =	vsub.s32 v14, v0  }
0x9f: {  	vm4 =	vlt.u32 v14, $0x8000  }
0xa0: {  	v14 =	vnsel vm4, $0x0, v14;
	_ =	sdelay $0x1  }
0xa1: {  	s14 =	simm.s32 $0x80  }
0xa2: {  	s22 =	sadd.s32 $0x30, s1;
	s23 =	sand.u32 $0xF00, s14;
	s13 =	simm.s32 $0x40  }
0xa3: {  	v15 =	vor.u32 s22, v3;
	s15 =	sor.u32 $0x8000, s23;
	s30 =	sand.u32 $0x40, s13  }
0xa4: {  	v12 =	vld.idx.msk [tilespmem:v12+s3+$0x0], vm3;
	s31 =	sor.u32 s30, s15;
	[tilespmem:v14+s3+$0x0] =	vst.idx.msk vm4, v15  }
0xa5: {  	v16 =	vld.idx.msk [tilespmem:v7+s31+$0x0 ss:$0x1], $0xffff  }
0xa6: {  	v14 =	vld.idx.msk [tilespmem:v14+s3+$0x0], vm4;
	_ =	sdelay $0x1  }
0xa7: {  	vm5 =	vgt.s32 v9, v8;
	vm6 =	vgt.s32 v11, v10  }
0xa8: {  	vm1 =	vmand vm1, vm5;
	vm2 =	vmand vm2, vm6;
	vm5 =	vgt.s32 v13, v12  }
0xa9: {  	vm1 =	vmor vm1, vm2;
	vm3 =	vmand vm3, vm5;
	v8 =	vsub.s32 v16, v0  }
0xaa: {  	vm3 =	vmor vm1, vm3;
	vm5 =	vgt.s32 v15, v14;
	vm2 =	vlt.u32 v8, $0x8000  }
0xab: {  	s12 =	sshll.u32 s12, $0xB;
	s16 =	simm.s32 $0x80;
	vm1 =	vmmov vm0;
	vm4 =	vmand vm4, vm5;
	v8 =	vnsel vm2, $0x0, v8  }
.LBB2_9:
0xac: {  	p0 =	sne.s32 s16, $0x7C0;
	vm3 =	vmor vm3, vm4;
	s18 =	smov.u32 s16;
	s16 =	sadd.s32 $0x40, s16  }
0xad: {  	vm1 =	vmor vm1, vm3  }
0xae: {  	s19 =	sadd.s32 s13, s9;
	s17 =	sadd.s32 $0x10, s13  }
0xaf: {  	v9 =	vor.u32 s19, v3;
	s20 =	sand.u32 $0x50, s17;
	s21 =	sadd.s32 $0x10, s19;
	s17 =	sadd.s32 $0x30, s19  }
0xb0: {  	s20 =	sor.u32 s20, s15;
	[tilespmem:v8+s3+$0x0] =	vst.idx.msk vm2, v9  }
0xb1: {  	v10 =	vld.idx.msk [tilespmem:v7+s20+$0x0 ss:$0x1], $0xffff;
	_ =	sdelay $0x5  }
0xb2: {  	v10 =	vsub.s32 v10, v0  }
0xb3: {  	vm3 =	vlt.u32 v10, $0x8000  }
0xb4: {  	v10 =	vnsel vm3, $0x0, v10;
	_ =	sdelay $0x2  }
0xb5: {  	s20 =	sadd.s32 $0x20, s13  }
0xb6: {  	v11 =	vor.u32 s21, v3;
	s20 =	sand.u32 $0x60, s20;
	v8 =	vld.idx.msk [tilespmem:v8+s3+$0x0], vm2  }
0xb7: {  	s20 =	sor.u32 s20, s15;
	[tilespmem:v10+s3+$0x0] =	vst.idx.msk vm3, v11  }
0xb8: {  	v12 =	vld.idx.msk [tilespmem:v7+s20+$0x0 ss:$0x1], $0xffff  }
0xb9: {  	v10 =	vld.idx.msk [tilespmem:v10+s3+$0x0], vm3;
	_ =	sdelay $0x2  }
0xba: {  	vm4 =	vgt.s32 v9, v8  }
0xbb: {  	vm2 =	vmand vm2, vm4  }
0xbc: {  	v8 =	vsub.s32 v12, v0  }
0xbd: {  	vm4 =	vgt.s32 v11, v10;
	vm5 =	vlt.u32 v8, $0x8000  }
0xbe: {  	vm3 =	vmand vm3, vm4;
	v8 =	vnsel vm5, $0x0, v8;
	_ =	sdelay $0x2  }
0xbf: {  	s19 =	sadd.s32 $0x20, s19;
	s20 =	sadd.s32 $0x30, s13;
	s13 =	smov.u32 s18  }
0xc0: {  	s18 =	sand.u32 $0x70, s20;
	v9 =	vor.u32 s19, v3  }
0xc1: {  	s15 =	sor.u32 s18, s15;
	[tilespmem:v8+s3+$0x0] =	vst.idx.msk vm5, v9  }
0xc2: {  	v10 =	vld.idx.msk [tilespmem:v7+s15+$0x0 ss:$0x1], $0xffff  }
0xc3: {  	v8 =	vld.idx.msk [tilespmem:v8+s3+$0x0], vm5;
	_ =	sdelay $0x4  }
0xc4: {  	v10 =	vsub.s32 v10, v0  }
0xc5: {  	vm6 =	vgt.s32 v9, v8;
	vm4 =	vlt.u32 v10, $0x8000  }
0xc6: {  	vm5 =	vmand vm5, vm6;
	v8 =	vnsel vm4, $0x0, v10;
	_ =	sdelay $0x1  }
0xc7: {  	s14 =	sadd.s32 $0x80, s14  }
0xc8: {  	s15 =	sand.u32 $0xF00, s14  }
0xc9: {  	s18 =	sand.u32 $0x40, s13;
	s15 =	sor.u32 $0x8000, s15;
	v9 =	vor.u32 s17, v3  }
0xca: {  	s17 =	sor.u32 s18, s15;
	[tilespmem:v8+s3+$0x0] =	vst.idx.msk vm4, v9  }
0xcb: {  	v10 =	vld.idx.msk [tilespmem:v7+s17+$0x0 ss:$0x1], $0xffff  }
0xcc: {  	v8 =	vld.idx.msk [tilespmem:v8+s3+$0x0], vm4;
	_ =	sdelay $0x2  }
.Ltmp7:
0xcd: {  	(pc) =	sbr.rel @p0 .LBB2_9-.Ltmp7, $4  }
0xce: {  	_ = 	snop  }
0xcf: {  	vm3 =	vmor vm2, vm3;
	v10 =	vsub.s32 v10, v0  }
0xd0: {  	vm3 =	vmor vm3, vm5;
	vm2 =	vlt.u32 v10, $0x8000;
	vm5 =	vgt.s32 v9, v8  }
0xd1: {  	v8 =	vnsel vm2, $0x0, v10;
	vm4 =	vmand vm4, vm5  }
0xd2: {  	_ =	sdelay $0x2  }
0xd3: {  	s14 =	sadd.s32 s13, s9;
	s16 =	sadd.s32 $0x10, s13  }
0xd4: {  	v9 =	vor.u32 s14, v3;
	s16 =	sand.u32 $0x50, s16  }
0xd5: {  	[tilespmem:v8+s3+$0x0] =	vst.idx.msk vm2, v9;
	s16 =	sor.u32 s16, s15  }
0xd6: {  	v10 =	vld.idx.msk [tilespmem:v7+s16+$0x0 ss:$0x1], $0xffff;
	_ =	sdelay $0x4  }
0xd7: {  	v10 =	vsub.s32 v10, v0  }
0xd8: {  	vm5 =	vlt.u32 v10, $0x8000  }
0xd9: {  	v10 =	vnsel vm5, $0x0, v10;
	_ =	sdelay $0x2  }
0xda: {  	s17 =	sadd.s32 $0x20, s13;
	s20 =	sadd.s32 $0x10, s14  }
0xdb: {  	s21 =	sand.u32 $0x60, s17;
	v11 =	vor.u32 s20, v3  }
0xdc: {  	v8 =	vld.idx.msk [tilespmem:v8+s3+$0x0], vm2;
	s16 =	sor.u32 s21, s15;
	[tilespmem:v10+s3+$0x0] =	vst.idx.msk vm5, v11  }
0xdd: {  	v12 =	vld.idx.msk [tilespmem:v7+s16+$0x0 ss:$0x1], $0xffff;
	_ =	sdelay $0x4  }
0xde: {  	v12 =	vsub.s32 v12, v0  }
0xdf: {  	vm6 =	vlt.u32 v12, $0x8000  }
0xe0: {  	v12 =	vnsel vm6, $0x0, v12;
	_ =	sdelay $0x2  }
0xe1: {  	s23 =	sadd.s32 $0x30, s13;
	s22 =	sadd.s32 $0x20, s14  }
0xe2: {  	s13 =	sand.u32 $0x70, s23;
	v13 =	vor.u32 s22, v3  }
0xe3: {  	s13 =	sor.u32 s13, s15;
	v10 =	vld.idx.msk [tilespmem:v10+s3+$0x0], vm5;
	[tilespmem:v12+s3+$0x0] =	vst.idx.msk vm6, v13  }
0xe4: {  	v7 =	vld.idx.msk [tilespmem:v7+s13+$0x0 ss:$0x1], $0xffff;
	_ =	sdelay $0x4  }
0xe5: {  	v7 =	vsub.s32 v7, v0  }
0xe6: {  	vm7 =	vlt.u32 v7, $0x8000  }
0xe7: {  	v7 =	vnsel vm7, $0x0, v7;
	_ =	sdelay $0x2  }
0xe8: {  	s30 =	sadd.s32 $0x30, s14  }
0xe9: {  	v14 =	vor.u32 s30, v3  }
0xea: {  	v12 =	vld.idx.msk [tilespmem:v12+s3+$0x0], vm6;
	[tilespmem:v7+s3+$0x0] =	vst.idx.msk vm7, v14  }
0xeb: {  	v7 =	vld.idx.msk [tilespmem:v7+s3+$0x0], vm7;
	_ =	sdelay $0x2  }
0xec: {  	vm8 =	vgt.s32 v9, v8;
	vm9 =	vgt.s32 v11, v10  }
0xed: {  	vm2 =	vmand vm2, vm8;
	vm5 =	vmand vm5, vm9;
	vm13 =	vgt.s32 v13, v12  }
0xee: {  	vm2 =	vmor vm2, vm5;
	vm6 =	vmand vm6, vm13;
	vm14 =	vgt.s32 v14, v7  }
0xef: {  	vm3 =	vmor vm3, vm4;
	vm2 =	vmor vm2, vm6;
	vm15 =	vmand vm7, vm14  }
0xf0: {  	vm1 =	vmor vm1, vm3;
	vm2 =	vmor vm2, vm15  }
0xf1: {  	vm1 =	vmor vm1, vm2  }
0xf2: {  	v7 =	vsel vm1, $0x3F800000, v2  }
0xf3: {  	(xrf0) =	vmax.scan.msk.f32 $0xffff, v7;
	_ =	sdelay $0x5  }
0xf4: {  	v7, _, _ =	vpop (xrf0)  }
0xf5: {  	(v2sf) =	vpush v7, $0xF;
	_ =	sdelay $0xe  }
0xf6: {  	s31 =	spop (v2sf)  }
0xf7: {  	p0 =	sgt.f32 s31, $0.0e+00  }
.Ltmp8:
0xf8: {  	_ = 	snop;
	(pc) =	sbr.rel @!p0 .LBB2_15-.Ltmp8, $1  }
0xf9: {  	_ =	sdelay $0x3  }
.Ltmp9:
0xfa: {  	(pc) =	sbr.rel .LBB2_12-.Ltmp9, $2  }
0xfb: {  	_ =	sdelay $0x2  }
0xfc: {  	s11 =	sor.u32 $0x8000, s11;
	s13 =	simm.s32 $0x0  }
.LBB2_14:
0xfd: {  	s13 =	sadd.s32 $0x1, s13  }
0xfe: {  	p0 =	sne.s32 s13, $0x80  }
.Ltmp10:
0xff: {  	_ = 	snop;
	(pc) =	sbr.rel @!p0 .LBB2_15-.Ltmp10, $1  }
0x100: {  	_ =	sdelay $0x3  }
.LBB2_12:
0x101: {  	s14 =	sshll.u32 s13, $0x5  }
0x102: {  	s15 =	sshll.u32 s13, $0x4;
	s14 =	sand.u32 $0xF00, s14  }
0x103: {  	s16 =	sand.u32 $0x70, s15;
	s14 =	sadd.s32 s14, s11  }
0x104: {  	s14 =	sadd.s32 s16, s14  }
0x105: {  	v7 =	vld [tilespmem:s14+$0x0];
	_ =	sdelay $0x4  }
0x106: {  	v7 =	vsub.s32 v7, v0  }
0x107: {  	vm1 =	vlt.u32 v7, $0x8000  }
0x108: {  	v7 =	vnsel vm1, $0x0, v7;
	_ =	sdelay $0x4  }
0x109: {  	v9 =	vld.idx.msk [tilespmem:v7+s3+$0x0], vm1;
	_ =	sdelay $0x2  }
0x10a: {  	s30 =	sor.u32 s12, s15  }
0x10b: {  	v8 =	vor.u32 s30, v3  }
0x10c: {  	vm2 =	vgt.s32 v8, v9  }
0x10d: {  	vm2 =	vmand vm1, vm2  }
0x10e: {  	v9 =	vsel vm2, $0x3F800000, v2  }
0x10f: {  	(xrf0) =	vmax.scan.msk.f32 $0xffff, v9;
	_ =	sdelay $0x5  }
0x110: {  	v9, _, _ =	vpop (xrf0)  }
0x111: {  	(v2sf) =	vpush v9, $0xF;
	_ =	sdelay $0xe  }
0x112: {  	s31 =	spop (v2sf)  }
0x113: {  	p0 =	sgt.f32 s31, $0.0e+00  }
.Ltmp11:
0x114: {  	_ = 	snop;
	(pc) =	sbr.rel @!p0 .LBB2_14-.Ltmp11, $1  }
0x115: {  	_ =	sdelay $0x3  }
.LBB2_13:
0x116: {  	[tilespmem:v7+s3+$0x0] =	vst.idx.msk vm2, v8  }
0x117: {  	v9 =	vld.idx.msk [tilespmem:v7+s3+$0x0], vm1;
	_ =	sdelay $0x4  }
0x118: {  	vm2 =	vgt.s32 v8, v9  }
0x119: {  	vm2 =	vmand vm1, vm2  }
0x11a: {  	v9 =	vsel vm2, $0x3F800000, v2  }
0x11b: {  	(xrf0) =	vmax.scan.msk.f32 $0xffff, v9;
	_ =	sdelay $0x5  }
0x11c: {  	v9, _, _ =	vpop (xrf0)  }
0x11d: {  	(v2sf) =	vpush v9, $0xF;
	_ =	sdelay $0xe  }
0x11e: {  	s14 =	spop (v2sf)  }
0x11f: {  	p0 =	sgt.f32 s14, $0.0e+00  }
.Ltmp12:
0x120: {  	_ = 	snop;
	(pc) =	sbr.rel @p0 .LBB2_13-.Ltmp12, $1  }
0x121: {  	_ =	sdelay $0x3  }
.Ltmp13:
0x122: {  	_ = 	snop;
	(pc) =	sbr.rel .LBB2_14-.Ltmp13, $1  }
0x123: {  	_ =	sdelay $0x3  }
.LBB2_16:
0x124: {  	s9 =	simm.s32 $0x0  }
0x125: {  	v7 =	vld [tilespmem:s9+$0x0];
	_ =	sdelay $0x4  }
0x126: {  	vm1 =	vgt.s32 v7, $0xFFFFFFFF  }
0x127: {  	v8 =	vmpcnt.ones.xlane vm1;
	_ =	sdelay $0x1  }
0x128: {  	(v2sf) =	vpush v8, $0x0;
	_ =	sdelay $0x5  }
0x129: {  	[tilespmem:s9+$0x9000] =	vst.msk vm1, v7;
	v7 =	vor.u32 s9, v3  }
0x12a: {  	s8 =	simm.s32 $0x10;
	[tilespmem:s9+$0x9480] =	vst.msk vm1, v7  }
0x12b: {  	s10 =	simm.s32 $0x20;
	s11 =	simm.s32 $0x10;
	v7 =	vld [tilespmem:s8+$0x0]  }
.LBB2_17:
0x12c: {  	p0 =	sne.s32 s10, $0x1F0;
	_ =	sdelay $0x3  }
0x12d: {  	vm1 =	vgt.s32 v7, $0xFFFFFFFF  }
0x12e: {  	v8 =	vmpcnt.ones.xlane vm1  }
0x12f: {  	s12 =	spop (v2sf)  }
0x130: {  	(v2sf) =	vpush v8, $0x0;
	s9 =	sadd.s32 s9, s12  }
0x131: {  	[tilespmem:s9+$0x9000] =	vst.msk vm1, v7;
	v7 =	vor.u32 s8, v3;
	s8 =	smov.u32 s10  }
0x132: {  	[tilespmem:s9+$0x9480] =	vst.msk vm1, v7;
	_ =	sdelay $0x1  }
.Ltmp14:
0x133: {  	(pc) =	sbr.rel @p0 .LBB2_17-.Ltmp14, $3  }
0x134: {  	_ =	sdelay $0x1  }
0x135: {  	s11 =	sadd.s32 $0x10, s11  }
0x136: {  	s10 =	sadd.s32 $0x10, s10;
	v7 =	vld [tilespmem:s11+$0x0]  }
0x137: {  	_ =	sdelay $0x3  }
0x138: {  	vm1 =	vgt.s32 v7, $0xFFFFFFFF  }
0x139: {  	v8 =	vmpcnt.ones.xlane vm1;
	_ =	sdelay $0x1  }
0x13a: {  	(v2sf) =	vpush v8, $0x0;
	_ =	sdelay $0xd  }
0x13b: {  	s10 =	spop (v2sf)  }
0x13c: {  	s9 =	sadd.s32 s9, s10;
	s23 =	spop (v2sf)  }
0x13d: {  	s17 =	sadd.s32 s9, s23  }
0x13e: {  	v8 =	vadd.s32 s17, v3;
	s10 =	sadd.s32 $0x10, s17  }
0x13f: {  	s30 =	sadd.s32 $0x20, s17;
	v9 =	vadd.s32 s10, v3  }
0x140: {  	s31 =	sadd.s32 $0x30, s17;
	v10 =	vadd.s32 s30, v3  }
0x141: {  	[tilespmem:s9+$0x9000] =	vst.msk vm1, v7;
	v7 =	vor.u32 s8, v3;
	v11 =	vadd.s32 s31, v3  }
0x142: {  	[tilespmem:s9+$0x9480] =	vst.msk vm1, v7  }
0x143: {  	[tilespmem:v8+s2+$0x0] =	vst.idx.msk $0xffff, v3  }
.Ltmp15:
0x144: {  	s12 =	simm.s32 $0x0;
	s11 =	simm.s32 $0x0;
	[tilespmem:v9+s2+$0x0] =	vst.idx.msk $0xffff, v4;
	(pc) =	sbr.rel .LBB2_19-.Ltmp15, $4  }
0x145: {  	s18 =	simm.s32 $0x0;
	s16 =	simm.s32 $0x0;
	p0 =	slt.s32 s17, $0x1;
	[tilespmem:v10+s2+$0x0] =	vst.idx.msk $0xffff, v5  }
0x146: {  	s8 =	simm.s32 @!p0 $0x40;
	s9 =	simm.s32 @!p0 $0x9000;
	s10 =	simm.s32 @!p0 $0x9A80;
	[tilespmem:v11+s2+$0x0] =	vst.idx.msk $0xffff, v6  }
0x147: {  	[tilespmem:s10], [sflag:$0x2] =	stream.indirect.gather @!p0 [hbm4b:s5+s8], $0x80, s9, s8, $0xb8;
	[tilespmem:$0x1DA80] =	vst v63  }
0x148: {  	s8 =	simm.s32 $0x200;
	s9 =	simm.s32 $0x1;
	s10 =	simm.s32 $0x9480  }
.LBB2_33:
0x149: {  	p0 =	seq.s32 s16, $0x3F  }
0x14a: {  	p1 =	slt.s32 @!p0 s17, $0x1  }
0x14b: {  	p0 =	por p1, p0  }
0x14c: {  	s1 =	sadd.s32 @!p0 s11, s18  }
0x14d: {  	s1 =	sshll.u32 @!p0 s1, $0xD  }
0x14e: {  	s1 =	sand.u32 @!p0 $0x2000, s1  }
0x14f: {  	s6 =	simm.s32 @!p0 $0x40;
	s1 =	sor.u32 @!p0 $0x9A80, s1  }
0x150: {  	[tilespmem:s1], [sflag:$0x2] =	stream.indirect.gather @!p0 [hbm4b:s5+s6], $0x80, s19, s6, $0xb8;
	[tilespmem:$0x1DA80] =	vst v63  }
0x151: {  	s19 =	rddreg [dreg:$0x3]  }
0x152: {  	s1 =	sadd.s32 s19, s16  }
0x153: {  	s20 =	sshll.u32 s16, $0x4;
	s1 =	sshll.u32 s1, $0x6  }
0x154: {  	s21 =	rddreg [dreg:$0x1];
	s6 =	sand.u32 $0x70, s20;
	s1 =	sand.u32 $0x7E00, s1  }
0x155: {  	s15 =	sshll.u32 s15, $0xF;
	s6 =	sadd.s32 s21, s6;
	s1 =	sor.u32 s1, s7  }
0x156: {  	s22 =	sadd.s32 $0xDA80, s15;
	s16 =	sadd.s32 s1, s6  }
0x157: {  	[hbm4b:s16+s28] =	stream.strided.scatter [tilespmem:s22], [sflag:$0x3], $0x400, s29, s28, $0x38;
	[tilespmem:$0x1DA80] =	vst v63  }
0x158: {  	s23 =	sadd.s32 $0xDE80, s15;
	s6 =	sadd.s32 $0x80, s16  }
0x159: {  	[hbm4b:s6+s28] =	stream.strided.scatter [tilespmem:s23], [sflag:$0x3], $0x400, s29, s28, $0x38;
	[tilespmem:$0x1DA80] =	vst v63  }
0x15a: {  	s30 =	sadd.s32 $0xE280, s15;
	s31 =	sadd.s32 $0x100, s16  }
0x15b: {  	[hbm4b:s31+s28] =	stream.strided.scatter [tilespmem:s30], [sflag:$0x3], $0x400, s29, s28, $0x38;
	[tilespmem:$0x1DA80] =	vst v63  }
0x15c: {  	s19 =	sadd.s32 $0x180, s16;
	s6 =	sadd.s32 $0xE680, s15  }
0x15d: {  	[hbm4b:s19+s28] =	stream.strided.scatter [tilespmem:s6], [sflag:$0x3], $0x400, s29, s28, $0x38;
	[tilespmem:$0x1DA80] =	vst v63  }
0x15e: {  	s20 =	sadd.s32 $0xEA80, s15;
	s21 =	sadd.s32 $0x40000, s16  }
0x15f: {  	[hbm4b:s21+s28] =	stream.strided.scatter [tilespmem:s20], [sflag:$0x3], $0x400, s29, s28, $0x38;
	[tilespmem:$0x1DA80] =	vst v63  }
0x160: {  	s22 =	sadd.s32 $0xEE80, s15;
	s23 =	sadd.s32 $0x80, s21  }
0x161: {  	[hbm4b:s23+s28] =	stream.strided.scatter [tilespmem:s22], [sflag:$0x3], $0x400, s29, s28, $0x38;
	[tilespmem:$0x1DA80] =	vst v63  }
0x162: {  	s30 =	sadd.s32 $0xF280, s15;
	s31 =	sadd.s32 $0x100, s21  }
0x163: {  	[hbm4b:s31+s28] =	stream.strided.scatter [tilespmem:s30], [sflag:$0x3], $0x400, s29, s28, $0x38;
	[tilespmem:$0x1DA80] =	vst v63  }
0x164: {  	s19 =	sadd.s32 $0xF680, s15;
	s6 =	sadd.s32 $0x180, s21  }
0x165: {  	[hbm4b:s6+s28] =	stream.strided.scatter [tilespmem:s19], [sflag:$0x3], $0x400, s29, s28, $0x38;
	[tilespmem:$0x1DA80] =	vst v63  }
0x166: {  	s20 =	sadd.s32 $0xFA80, s15;
	s21 =	sadd.s32 $0x80000, s16  }
0x167: {  	[hbm4b:s21+s28] =	stream.strided.scatter [tilespmem:s20], [sflag:$0x3], $0x400, s29, s28, $0x38;
	[tilespmem:$0x1DA80] =	vst v63  }
0x168: {  	s22 =	sadd.s32 $0xFE80, s15;
	s23 =	sadd.s32 $0x80, s21  }
0x169: {  	[hbm4b:s23+s28] =	stream.strided.scatter [tilespmem:s22], [sflag:$0x3], $0x400, s29, s28, $0x38;
	[tilespmem:$0x1DA80] =	vst v63  }
0x16a: {  	s30 =	sor.u32 $0x10280, s15;
	s31 =	sadd.s32 $0x100, s21  }
0x16b: {  	[hbm4b:s31+s28] =	stream.strided.scatter [tilespmem:s30], [sflag:$0x3], $0x400, s29, s28, $0x38;
	[tilespmem:$0x1DA80] =	vst v63  }
0x16c: {  	s19 =	sor.u32 $0x10680, s15;
	s6 =	sadd.s32 $0x180, s21  }
0x16d: {  	[hbm4b:s6+s28] =	stream.strided.scatter [tilespmem:s19], [sflag:$0x3], $0x400, s29, s28, $0x38;
	[tilespmem:$0x1DA80] =	vst v63  }
0x16e: {  	s20 =	sor.u32 $0x10A80, s15;
	s21 =	sadd.s32 $0xC0000, s16  }
0x16f: {  	[hbm4b:s21+s28] =	stream.strided.scatter [tilespmem:s20], [sflag:$0x3], $0x400, s29, s28, $0x38;
	[tilespmem:$0x1DA80] =	vst v63  }
0x170: {  	s22 =	sor.u32 $0x10E80, s15;
	s23 =	sadd.s32 $0x80, s21  }
0x171: {  	[hbm4b:s23+s28] =	stream.strided.scatter [tilespmem:s22], [sflag:$0x3], $0x400, s29, s28, $0x38;
	[tilespmem:$0x1DA80] =	vst v63  }
0x172: {  	s30 =	sor.u32 $0x11280, s15;
	s31 =	sadd.s32 $0x100, s21  }
0x173: {  	[hbm4b:s31+s28] =	stream.strided.scatter [tilespmem:s30], [sflag:$0x3], $0x400, s29, s28, $0x38;
	[tilespmem:$0x1DA80] =	vst v63  }
0x174: {  	s19 =	sor.u32 $0x11680, s15;
	s6 =	sadd.s32 $0x180, s21  }
0x175: {  	[hbm4b:s6+s28] =	stream.strided.scatter [tilespmem:s19], [sflag:$0x3], $0x400, s29, s28, $0x38;
	[tilespmem:$0x1DA80] =	vst v63  }
0x176: {  	s20 =	sor.u32 $0x11A80, s15;
	s21 =	sadd.s32 $0x100000, s16  }
0x177: {  	[hbm4b:s21+s28] =	stream.strided.scatter [tilespmem:s20], [sflag:$0x3], $0x400, s29, s28, $0x38;
	[tilespmem:$0x1DA80] =	vst v63  }
0x178: {  	s22 =	sor.u32 $0x11E80, s15;
	s23 =	sadd.s32 $0x80, s21  }
0x179: {  	[hbm4b:s23+s28] =	stream.strided.scatter [tilespmem:s22], [sflag:$0x3], $0x400, s29, s28, $0x38;
	[tilespmem:$0x1DA80] =	vst v63  }
0x17a: {  	s30 =	sor.u32 $0x12280, s15;
	s31 =	sadd.s32 $0x100, s21  }
0x17b: {  	[hbm4b:s31+s28] =	stream.strided.scatter [tilespmem:s30], [sflag:$0x3], $0x400, s29, s28, $0x38;
	[tilespmem:$0x1DA80] =	vst v63  }
0x17c: {  	s19 =	sor.u32 $0x12680, s15;
	s6 =	sadd.s32 $0x180, s21  }
0x17d: {  	[hbm4b:s6+s28] =	stream.strided.scatter [tilespmem:s19], [sflag:$0x3], $0x400, s29, s28, $0x38;
	[tilespmem:$0x1DA80] =	vst v63  }
0x17e: {  	s20 =	sor.u32 $0x12A80, s15;
	s21 =	sadd.s32 $0x140000, s16  }
0x17f: {  	[hbm4b:s21+s28] =	stream.strided.scatter [tilespmem:s20], [sflag:$0x3], $0x400, s29, s28, $0x38;
	[tilespmem:$0x1DA80] =	vst v63  }
0x180: {  	s22 =	sor.u32 $0x12E80, s15;
	s23 =	sadd.s32 $0x80, s21  }
0x181: {  	[hbm4b:s23+s28] =	stream.strided.scatter [tilespmem:s22], [sflag:$0x3], $0x400, s29, s28, $0x38;
	[tilespmem:$0x1DA80] =	vst v63  }
0x182: {  	s30 =	sor.u32 $0x13280, s15;
	s31 =	sadd.s32 $0x100, s21  }
0x183: {  	[hbm4b:s31+s28] =	stream.strided.scatter [tilespmem:s30], [sflag:$0x3], $0x400, s29, s28, $0x38;
	[tilespmem:$0x1DA80] =	vst v63  }
0x184: {  	s19 =	sor.u32 $0x13680, s15;
	s6 =	sadd.s32 $0x180, s21  }
0x185: {  	[hbm4b:s6+s28] =	stream.strided.scatter [tilespmem:s19], [sflag:$0x3], $0x400, s29, s28, $0x38;
	[tilespmem:$0x1DA80] =	vst v63  }
0x186: {  	s20 =	sor.u32 $0x13A80, s15;
	s21 =	sadd.s32 $0x180000, s16  }
0x187: {  	[hbm4b:s21+s28] =	stream.strided.scatter [tilespmem:s20], [sflag:$0x3], $0x400, s29, s28, $0x38;
	[tilespmem:$0x1DA80] =	vst v63  }
0x188: {  	s22 =	sor.u32 $0x13E80, s15;
	s23 =	sadd.s32 $0x80, s21  }
0x189: {  	[hbm4b:s23+s28] =	stream.strided.scatter [tilespmem:s22], [sflag:$0x3], $0x400, s29, s28, $0x38;
	[tilespmem:$0x1DA80] =	vst v63  }
0x18a: {  	s30 =	sor.u32 $0x14280, s15;
	s31 =	sadd.s32 $0x100, s21  }
0x18b: {  	[hbm4b:s31+s28] =	stream.strided.scatter [tilespmem:s30], [sflag:$0x3], $0x400, s29, s28, $0x38;
	[tilespmem:$0x1DA80] =	vst v63  }
0x18c: {  	s8 =	sadd.s32 $0x200, s8;
	s19 =	sor.u32 $0x14680, s15;
	s6 =	sadd.s32 $0x180, s21  }
0x18d: {  	[hbm4b:s6+s28] =	stream.strided.scatter [tilespmem:s19], [sflag:$0x3], $0x400, s29, s28, $0x38;
	[tilespmem:$0x1DA80] =	vst v63  }
0x18e: {  	s9 =	sadd.s32 $0x1, s9;
	s20 =	sor.u32 $0x14A80, s15;
	s21 =	sadd.s32 $0x1C0000, s16  }
0x18f: {  	[hbm4b:s21+s28] =	stream.strided.scatter [tilespmem:s20], [sflag:$0x3], $0x400, s29, s28, $0x38;
	[tilespmem:$0x1DA80] =	vst v63  }
0x190: {  	p0 =	sne.s32 s14, $0x40;
	s16 =	sadd.s32 $0x80, s21;
	s22 =	sor.u32 $0x14E80, s15  }
0x191: {  	[hbm4b:s16+s28] =	stream.strided.scatter [tilespmem:s22], [sflag:$0x3], $0x400, s29, s28, $0x38;
	[tilespmem:$0x1DA80] =	vst v63  }
.Ltmp16:
0x192: {  	s10 =	sadd.s32 $0x200, s10;
	s11 =	sadd.s32 s11, s18;
	(pc) =	sbr.rel @!p0 .LBB2_34-.Ltmp16, $4  }
0x193: {  	s18 =	smov.u32 s13;
	s23 =	sor.u32 $0x15280, s15;
	s30 =	sadd.s32 $0x100, s21  }
0x194: {  	[hbm4b:s30+s28] =	stream.strided.scatter [tilespmem:s23], [sflag:$0x3], $0x400, s29, s28, $0x38;
	[tilespmem:$0x1DA80] =	vst v63  }
0x195: {  	s31 =	sor.u32 $0x15680, s15;
	s6 =	sadd.s32 $0x180, s21;
	s16 =	smov.u32 s14  }
0x196: {  	[hbm4b:s6+s28] =	stream.strided.scatter [tilespmem:s31], [sflag:$0x3], $0x400, s29, s28, $0x38;
	[tilespmem:$0x1DA80] =	vst v63  }
.LBB2_19:
0x197: {  	p0 =	slt.u32 s16, $0x2  }
0x198: {  	s13 =	sadd.s32 @!p0 $0xF, s18  }
0x199: {  	s14 =	sand.u32 @!p0 $0xF, s13  }
0x19a: {  	p1 =	slt.s32 @!p0 s13, $0x1;
	p2 =	sne.s32 @!p0 s14, $0x0  }
0x19b: {  	s14 =	sshra.s32 @!p0 s13, $0x1F;
	p1 =	por @!p0 !p1, !p2  }
0x19c: {  	s14 =	sshrl.u32 @!p0 s14, $0x1C;
	p1 =	por @!p0 !p1, !p1  }
0x19d: {  	s13 =	sadd.s32 @!p0 s14, s13;
	s14 =	simm.s32 @!p0 $0x1;
	p1 =	por !p1, p0  }
0x19e: {  	s13 =	sshra.s32 @!p0 s13, $0x4;
	s14 =	simm.s32 @p1 $0x0  }
0x19f: {  	s19 =	ssub.s32 @!p0 s13, s14  }
0x1a0: {  	p1 =	slt.s32 @!p0 s19, $0x1  }
0x1a1: {  	p1 =	por p0, p1  }
.Ltmp17:
0x1a2: {  	_ = 	snop;
	(pc) =	sbr.rel @p1 .LBB2_25-.Ltmp17, $4  }
0x1a3: {  	s20 =	simm.s32 @!p0 $0x3  }
0x1a4: {  	s15 =	sand.u32 $0x1, s16;
	_ =	swait.ge @!p0 [sflag:s20], $0x8000  }
0x1a5: {  	v7 =	vmov s15;
	[sflag:s20] =	ssyncset.done @!p0 $0x0  }
0x1a6: {  	v7 =	vshll.u32 v7, $0xF;
	[sflag:s20] =	ssyncadd.s32 @!p0 $0xFFFF8000;
	s13 =	smov.u32 s12;
	s12 =	smov.u32 s17  }
0x1a7: {  	s14 =	smulhi.u32 $0xAAAAAAAB, s9;
	_ =	sdelay $0x1  }
0x1a8: {  	s14 =	sshrl.u32 s14, $0x1  }
0x1a9: {  	p1 =	sne.s32 s19, $0x1;
	s14 =	smul.u32 $0x600, s14  }
.Ltmp18:
0x1aa: {  	_ = 	snop;
	(pc) =	sbr.rel @!p1 .LBB2_21-.Ltmp18, $4  }
0x1ab: {  	_ = 	snop  }
0x1ac: {  	v15 =	vmov s18;
	v14 =	vor.u32 $0x1000, v7;
	s14 =	ssub.s32 s8, s14  }
0x1ad: {  	s17 =	simm.s32 $0x0;
	v13 =	vor.u32 $0x2000, v7;
	v12 =	vor.u32 $0x3000, v7;
	v11 =	vor.u32 $0x4000, v7;
	s18 =	sadd.s32 $0xFFFFFFFF, s19;
	s31 =	sadd.s32 $0x0, s14  }
0x1ae: {  	v10 =	vor.u32 $0x5000, v7;
	v9 =	vor.u32 $0x6000, v7;
	v8 =	vor.u32 $0x7000, v7;
	p0 =	por $0x0, $0x0;
	s20 =	sand.u32 $0x70, s17;
	s19 =	sand.u32 $0xFFFFFF80, s31  }
0x1af: {  	s19 =	sor.u32 s20, s19  }
0x1b0: {  	v16 =	vld [tilespmem:s19+$0x9480];
	_ =	sdelay $0x2  }
0x1b1: {  	v17 =	vor.u32 s17, v3  }
0x1b2: {  	vm1 =	vlt.s32 v17, v15  }
0x1b3: {  	v16 =	vnsel vm1, $0x0, v16  }
0x1b4: {  	v17 =	vshll.u32 v16, $0x3  }
0x1b5: {  	v17 =	vand.u32 $0xFFFFFC00, v17  }
0x1b6: {  	v18 =	vand.u32 $0x7F, v16;
	v19 =	vadd.s32 v7, v17  }
0x1b7: {  	v20 =	vor.u32 $0x80, v18;
	v16 =	vor.u32 v18, v19  }
0x1b8: {  	v22 =	vor.u32 $0x100, v18;
	v21 =	vor.u32 v19, v20  }
0x1b9: {  	v24 =	vor.u32 $0x180, v18;
	v23 =	vor.u32 v19, v22  }
0x1ba: {  	v26 =	vor.u32 $0x200, v18;
	v25 =	vor.u32 v19, v24  }
0x1bb: {  	v27 =	vor.u32 $0x280, v18;
	v28 =	vor.u32 v19, v26  }
0x1bc: {  	v30 =	vor.u32 $0x300, v18;
	v29 =	vor.u32 v19, v27;
	[tilespmem:v16+s24+$0x0] =	vst.idx.msk vm1, v2  }
0x1bd: {  	v31 =	vor.u32 v19, v30;
	v16 =	vor.u32 $0x380, v18;
	[tilespmem:v21+s24+$0x0] =	vst.idx.msk vm1, v2  }
0x1be: {  	v51 =	vadd.s32 v14, v17;
	v19 =	vor.u32 v19, v16;
	[tilespmem:v23+s24+$0x0] =	vst.idx.msk vm1, v2  }
0x1bf: {  	v52 =	vor.u32 v18, v51;
	[tilespmem:v25+s24+$0x0] =	vst.idx.msk vm1, v2  }
0x1c0: {  	v53 =	vor.u32 v51, v20;
	[tilespmem:v28+s24+$0x0] =	vst.idx.msk vm1, v2  }
0x1c1: {  	v54 =	vor.u32 v51, v22;
	[tilespmem:v29+s24+$0x0] =	vst.idx.msk vm1, v2  }
0x1c2: {  	v55 =	vor.u32 v51, v24;
	[tilespmem:v31+s24+$0x0] =	vst.idx.msk vm1, v2  }
0x1c3: {  	v56 =	vor.u32 v51, v26;
	[tilespmem:v19+s24+$0x0] =	vst.idx.msk vm1, v2  }
0x1c4: {  	v19 =	vor.u32 v51, v27;
	[tilespmem:v52+s24+$0x0] =	vst.idx.msk vm1, v2  }
0x1c5: {  	v57 =	vor.u32 v51, v30;
	[tilespmem:v53+s24+$0x0] =	vst.idx.msk vm1, v2  }
0x1c6: {  	v58 =	vadd.s32 v13, v17;
	v21 =	vor.u32 v51, v16;
	[tilespmem:v54+s24+$0x0] =	vst.idx.msk vm1, v2  }
0x1c7: {  	v59 =	vor.u32 v18, v58;
	[tilespmem:v55+s24+$0x0] =	vst.idx.msk vm1, v2  }
0x1c8: {  	v60 =	vor.u32 v58, v20;
	[tilespmem:v56+s24+$0x0] =	vst.idx.msk vm1, v2  }
0x1c9: {  	v61 =	vor.u32 v58, v22;
	[tilespmem:v19+s24+$0x0] =	vst.idx.msk vm1, v2  }
0x1ca: {  	v19 =	vor.u32 v58, v24;
	[tilespmem:v57+s24+$0x0] =	vst.idx.msk vm1, v2  }
0x1cb: {  	v62 =	vor.u32 v58, v26;
	[tilespmem:v21+s24+$0x0] =	vst.idx.msk vm1, v2  }
0x1cc: {  	v63 =	vor.u32 v58, v27;
	[tilespmem:v59+s24+$0x0] =	vst.idx.msk vm1, v2  }
0x1cd: {  	v33 =	vor.u32 v58, v30;
	[tilespmem:v60+s24+$0x0] =	vst.idx.msk vm1, v2  }
0x1ce: {  	v34 =	vadd.s32 v12, v17;
	v25 =	vor.u32 v58, v16;
	[tilespmem:v61+s24+$0x0] =	vst.idx.msk vm1, v2  }
0x1cf: {  	v35 =	vor.u32 v18, v34;
	[tilespmem:v19+s24+$0x0] =	vst.idx.msk vm1, v2  }
0x1d0: {  	v19 =	vor.u32 v34, v20;
	[tilespmem:v62+s24+$0x0] =	vst.idx.msk vm1, v2  }
0x1d1: {  	v36 =	vor.u32 v34, v22;
	[tilespmem:v63+s24+$0x0] =	vst.idx.msk vm1, v2  }
0x1d2: {  	v37 =	vor.u32 v34, v24;
	[tilespmem:v33+s24+$0x0] =	vst.idx.msk vm1, v2  }
0x1d3: {  	v38 =	vor.u32 v34, v26;
	[tilespmem:v25+s24+$0x0] =	vst.idx.msk vm1, v2  }
0x1d4: {  	v39 =	vor.u32 v34, v27;
	[tilespmem:v35+s24+$0x0] =	vst.idx.msk vm1, v2  }
0x1d5: {  	v40 =	vor.u32 v34, v30;
	[tilespmem:v19+s24+$0x0] =	vst.idx.msk vm1, v2  }
0x1d6: {  	v41 =	vadd.s32 v11, v17;
	v19 =	vor.u32 v34, v16;
	[tilespmem:v36+s24+$0x0] =	vst.idx.msk vm1, v2  }
0x1d7: {  	v42 =	vor.u32 v18, v41;
	[tilespmem:v37+s24+$0x0] =	vst.idx.msk vm1, v2  }
0x1d8: {  	v43 =	vor.u32 v41, v20;
	[tilespmem:v38+s24+$0x0] =	vst.idx.msk vm1, v2  }
0x1d9: {  	v44 =	vor.u32 v41, v22;
	[tilespmem:v39+s24+$0x0] =	vst.idx.msk vm1, v2  }
0x1da: {  	v45 =	vor.u32 v41, v24;
	[tilespmem:v40+s24+$0x0] =	vst.idx.msk vm1, v2  }
0x1db: {  	v46 =	vor.u32 v41, v26;
	[tilespmem:v19+s24+$0x0] =	vst.idx.msk vm1, v2  }
0x1dc: {  	v19 =	vor.u32 v41, v27;
	[tilespmem:v42+s24+$0x0] =	vst.idx.msk vm1, v2  }
0x1dd: {  	v47 =	vor.u32 v41, v30;
	[tilespmem:v43+s24+$0x0] =	vst.idx.msk vm1, v2  }
0x1de: {  	v48 =	vadd.s32 v10, v17;
	v29 =	vor.u32 v41, v16;
	[tilespmem:v44+s24+$0x0] =	vst.idx.msk vm1, v2  }
0x1df: {  	v49 =	vor.u32 v18, v48;
	[tilespmem:v45+s24+$0x0] =	vst.idx.msk vm1, v2  }
0x1e0: {  	v50 =	vor.u32 v48, v20;
	[tilespmem:v46+s24+$0x0] =	vst.idx.msk vm1, v2  }
0x1e1: {  	v51 =	vor.u32 v48, v22;
	[tilespmem:v19+s24+$0x0] =	vst.idx.msk vm1, v2  }
0x1e2: {  	v19 =	vor.u32 v48, v24;
	[tilespmem:v47+s24+$0x0] =	vst.idx.msk vm1, v2  }
0x1e3: {  	v52 =	vor.u32 v48, v26;
	[tilespmem:v29+s24+$0x0] =	vst.idx.msk vm1, v2  }
0x1e4: {  	v53 =	vor.u32 v48, v27;
	[tilespmem:v49+s24+$0x0] =	vst.idx.msk vm1, v2  }
0x1e5: {  	v54 =	vor.u32 v48, v30;
	[tilespmem:v50+s24+$0x0] =	vst.idx.msk vm1, v2  }
0x1e6: {  	v55 =	vadd.s32 v9, v17;
	v21 =	vor.u32 v48, v16;
	[tilespmem:v51+s24+$0x0] =	vst.idx.msk vm1, v2  }
0x1e7: {  	v56 =	vor.u32 v18, v55;
	[tilespmem:v19+s24+$0x0] =	vst.idx.msk vm1, v2  }
0x1e8: {  	v19 =	vor.u32 v55, v20;
	[tilespmem:v52+s24+$0x0] =	vst.idx.msk vm1, v2  }
0x1e9: {  	v57 =	vor.u32 v55, v22;
	[tilespmem:v53+s24+$0x0] =	vst.idx.msk vm1, v2  }
0x1ea: {  	v58 =	vor.u32 v55, v24;
	[tilespmem:v54+s24+$0x0] =	vst.idx.msk vm1, v2  }
0x1eb: {  	v59 =	vor.u32 v55, v26;
	[tilespmem:v21+s24+$0x0] =	vst.idx.msk vm1, v2  }
0x1ec: {  	v60 =	vor.u32 v55, v27;
	[tilespmem:v56+s24+$0x0] =	vst.idx.msk vm1, v2  }
0x1ed: {  	v61 =	vor.u32 v55, v30;
	[tilespmem:v19+s24+$0x0] =	vst.idx.msk vm1, v2  }
0x1ee: {  	v17 =	vadd.s32 v8, v17;
	v19 =	vor.u32 v55, v16;
	[tilespmem:v57+s24+$0x0] =	vst.idx.msk vm1, v2  }
0x1ef: {  	v18 =	vor.u32 v18, v17;
	[tilespmem:v58+s24+$0x0] =	vst.idx.msk vm1, v2  }
0x1f0: {  	v20 =	vor.u32 v17, v20;
	[tilespmem:v59+s24+$0x0] =	vst.idx.msk vm1, v2  }
0x1f1: {  	v22 =	vor.u32 v17, v22;
	[tilespmem:v60+s24+$0x0] =	vst.idx.msk vm1, v2  }
0x1f2: {  	v62 =	vor.u32 v17, v24;
	[tilespmem:v61+s24+$0x0] =	vst.idx.msk vm1, v2  }
0x1f3: {  	v63 =	vor.u32 v17, v26;
	[tilespmem:v19+s24+$0x0] =	vst.idx.msk vm1, v2  }
0x1f4: {  	v19 =	vor.u32 v17, v27;
	[tilespmem:v18+s24+$0x0] =	vst.idx.msk vm1, v2  }
0x1f5: {  	p1 =	sne.s32 s18, $0x1;
	v18 =	vor.u32 v17, v30;
	[tilespmem:v20+s24+$0x0] =	vst.idx.msk vm1, v2  }
.Ltmp19:
0x1f6: {  	v16 =	vor.u32 v17, v16;
	[tilespmem:v22+s24+$0x0] =	vst.idx.msk vm1, v2;
	(pc) =	sbr.rel @!p1 .LBB2_24-.Ltmp19, $4  }
0x1f7: {  	[tilespmem:v62+s24+$0x0] =	vst.idx.msk vm1, v2  }
0x1f8: {  	[tilespmem:v63+s24+$0x0] =	vst.idx.msk vm1, v2  }
0x1f9: {  	s18 =	sadd.s32 $0xFFFFFFFF, s18;
	s17 =	simm.s32 $0x10;
	s31 =	sadd.s32 $0x10, s14;
	[tilespmem:v19+s24+$0x0] =	vst.idx.msk vm1, v2  }
0x1fa: {  	p0 =	por $0x1, $0x1;
	s19 =	sand.u32 $0xFFFFFF80, s31;
	s20 =	sand.u32 $0x70, s17;
	[tilespmem:v18+s24+$0x0] =	vst.idx.msk vm1, v2  }
.LBB2_23:
0x1fb: {  	p1 =	sne.s32 s18, $0x1;
	s18 =	sadd.s32 $0xFFFFFFFF, s18;
	s19 =	sor.u32 s20, s19;
	[tilespmem:v16+s24+$0x0] =	vst.idx.msk vm1, v2  }
0x1fc: {  	v16 =	vld [tilespmem:s19+$0x9480];
	_ =	sdelay $0x2  }
0x1fd: {  	v17 =	vor.u32 s17, v3  }
0x1fe: {  	vm1 =	vlt.s32 v17, v15  }
0x1ff: {  	v16 =	vnsel vm1, $0x0, v16  }
0x200: {  	v17 =	vshll.u32 v16, $0x3  }
0x201: {  	v20 =	vand.u32 $0xFFFFFC00, v17  }
0x202: {  	v17 =	vand.u32 $0x7F, v16;
	v21 =	vadd.s32 v7, v20;
	v22 =	vadd.s32 v14, v20  }
0x203: {  	v19 =	vor.u32 $0x80, v17;
	v16 =	vor.u32 $0x280, v17;
	v23 =	vor.u32 v17, v21  }
0x204: {  	v25 =	vor.u32 $0x100, v17;
	v24 =	vor.u32 v21, v19;
	v26 =	vor.u32 v21, v16  }
0x205: {  	v28 =	vor.u32 $0x180, v17;
	v18 =	vor.u32 $0x300, v17;
	v27 =	vor.u32 v21, v25  }
0x206: {  	v30 =	vor.u32 $0x200, v17;
	v29 =	vor.u32 v21, v28;
	v31 =	vor.u32 v21, v18  }
0x207: {  	v33 =	vor.u32 $0x380, v17;
	v32 =	vor.u32 v21, v30;
	v34 =	vor.u32 v17, v22  }
0x208: {  	v21 =	vor.u32 v21, v33;
	[tilespmem:v23+s24+$0x0] =	vst.idx.msk vm1, v2;
	v23 =	vor.u32 v22, v19  }
0x209: {  	v35 =	vor.u32 v22, v28;
	[tilespmem:v24+s24+$0x0] =	vst.idx.msk vm1, v2;
	v24 =	vor.u32 v22, v25  }
0x20a: {  	v36 =	vor.u32 v22, v18;
	[tilespmem:v27+s24+$0x0] =	vst.idx.msk vm1, v2;
	v27 =	vor.u32 v22, v30  }
0x20b: {  	[tilespmem:v29+s24+$0x0] =	vst.idx.msk vm1, v2;
	v29 =	vor.u32 v22, v16;
	v22 =	vor.u32 v22, v33  }
0x20c: {  	v37 =	vadd.s32 v12, v20;
	[tilespmem:v32+s24+$0x0] =	vst.idx.msk vm1, v2;
	v32 =	vadd.s32 v13, v20  }
0x20d: {  	[tilespmem:v26+s24+$0x0] =	vst.idx.msk vm1, v2;
	v26 =	vor.u32 v17, v32;
	v38 =	vor.u32 v32, v19  }
0x20e: {  	v39 =	vor.u32 v32, v28;
	[tilespmem:v31+s24+$0x0] =	vst.idx.msk vm1, v2;
	v31 =	vor.u32 v32, v25  }
0x20f: {  	v40 =	vor.u32 v32, v16;
	[tilespmem:v21+s24+$0x0] =	vst.idx.msk vm1, v2;
	v21 =	vor.u32 v32, v30  }
0x210: {  	[tilespmem:v34+s24+$0x0] =	vst.idx.msk vm1, v2;
	v34 =	vor.u32 v32, v18;
	v32 =	vor.u32 v32, v33  }
0x211: {  	v41 =	vor.u32 v37, v19;
	[tilespmem:v23+s24+$0x0] =	vst.idx.msk vm1, v2;
	v23 =	vor.u32 v17, v37  }
0x212: {  	v42 =	vor.u32 v37, v28;
	[tilespmem:v24+s24+$0x0] =	vst.idx.msk vm1, v2;
	v24 =	vor.u32 v37, v25  }
0x213: {  	v43 =	vor.u32 v37, v33;
	[tilespmem:v35+s24+$0x0] =	vst.idx.msk vm1, v2;
	v35 =	vor.u32 v37, v30  }
0x214: {  	[tilespmem:v27+s24+$0x0] =	vst.idx.msk vm1, v2;
	v27 =	vor.u32 v37, v16;
	v37 =	vor.u32 v37, v18  }
0x215: {  	v44 =	vadd.s32 v10, v20;
	[tilespmem:v29+s24+$0x0] =	vst.idx.msk vm1, v2;
	v29 =	vadd.s32 v11, v20  }
0x216: {  	[tilespmem:v36+s24+$0x0] =	vst.idx.msk vm1, v2;
	v36 =	vor.u32 v17, v29;
	v45 =	vor.u32 v29, v19  }
0x217: {  	v46 =	vor.u32 v29, v28;
	[tilespmem:v22+s24+$0x0] =	vst.idx.msk vm1, v2;
	v22 =	vor.u32 v29, v25  }
0x218: {  	v47 =	vor.u32 v29, v16;
	[tilespmem:v26+s24+$0x0] =	vst.idx.msk vm1, v2;
	v26 =	vor.u32 v29, v30  }
0x219: {  	[tilespmem:v38+s24+$0x0] =	vst.idx.msk vm1, v2;
	v38 =	vor.u32 v29, v18;
	v29 =	vor.u32 v29, v33  }
0x21a: {  	v48 =	vor.u32 v44, v19;
	[tilespmem:v31+s24+$0x0] =	vst.idx.msk vm1, v2;
	v31 =	vor.u32 v17, v44  }
0x21b: {  	v49 =	vor.u32 v44, v28;
	[tilespmem:v39+s24+$0x0] =	vst.idx.msk vm1, v2;
	v39 =	vor.u32 v44, v25  }
0x21c: {  	v50 =	vor.u32 v44, v18;
	[tilespmem:v21+s24+$0x0] =	vst.idx.msk vm1, v2;
	v21 =	vor.u32 v44, v30  }
0x21d: {  	[tilespmem:v40+s24+$0x0] =	vst.idx.msk vm1, v2;
	v40 =	vor.u32 v44, v16;
	v44 =	vor.u32 v44, v33  }
0x21e: {  	[tilespmem:v34+s24+$0x0] =	vst.idx.msk vm1, v2;
	v34 =	vadd.s32 v9, v20;
	v20 =	vadd.s32 v8, v20  }
0x21f: {  	[tilespmem:v32+s24+$0x0] =	vst.idx.msk vm1, v2;
	v32 =	vor.u32 v17, v34;
	v51 =	vor.u32 v34, v19  }
0x220: {  	v52 =	vor.u32 v34, v28;
	[tilespmem:v23+s24+$0x0] =	vst.idx.msk vm1, v2;
	v23 =	vor.u32 v34, v25  }
0x221: {  	v53 =	vor.u32 v34, v16;
	[tilespmem:v41+s24+$0x0] =	vst.idx.msk vm1, v2;
	v41 =	vor.u32 v34, v30  }
0x222: {  	[tilespmem:v24+s24+$0x0] =	vst.idx.msk vm1, v2;
	v24 =	vor.u32 v34, v18;
	v34 =	vor.u32 v34, v33  }
0x223: {  	v17 =	vor.u32 v17, v20;
	v19 =	vor.u32 v20, v19;
	[tilespmem:v42+s24+$0x0] =	vst.idx.msk vm1, v2  }
0x224: {  	v28 =	vor.u32 v20, v28;
	v25 =	vor.u32 v20, v25;
	[tilespmem:v35+s24+$0x0] =	vst.idx.msk vm1, v2  }
0x225: {  	[tilespmem:v27+s24+$0x0] =	vst.idx.msk vm1, v2;
	v27 =	vor.u32 v20, v30;
	v30 =	vor.u32 v20, v16  }
0x226: {  	v18 =	vor.u32 v20, v18;
	v16 =	vor.u32 v20, v33;
	[tilespmem:v37+s24+$0x0] =	vst.idx.msk vm1, v2  }
0x227: {  	[tilespmem:v43+s24+$0x0] =	vst.idx.msk vm1, v2  }
0x228: {  	[tilespmem:v36+s24+$0x0] =	vst.idx.msk vm1, v2  }
0x229: {  	[tilespmem:v45+s24+$0x0] =	vst.idx.msk vm1, v2  }
0x22a: {  	[tilespmem:v22+s24+$0x0] =	vst.idx.msk vm1, v2  }
0x22b: {  	[tilespmem:v46+s24+$0x0] =	vst.idx.msk vm1, v2  }
0x22c: {  	[tilespmem:v26+s24+$0x0] =	vst.idx.msk vm1, v2  }
0x22d: {  	[tilespmem:v47+s24+$0x0] =	vst.idx.msk vm1, v2  }
0x22e: {  	[tilespmem:v38+s24+$0x0] =	vst.idx.msk vm1, v2  }
0x22f: {  	[tilespmem:v29+s24+$0x0] =	vst.idx.msk vm1, v2  }
0x230: {  	[tilespmem:v31+s24+$0x0] =	vst.idx.msk vm1, v2  }
0x231: {  	[tilespmem:v48+s24+$0x0] =	vst.idx.msk vm1, v2  }
0x232: {  	[tilespmem:v39+s24+$0x0] =	vst.idx.msk vm1, v2  }
0x233: {  	[tilespmem:v49+s24+$0x0] =	vst.idx.msk vm1, v2  }
0x234: {  	[tilespmem:v21+s24+$0x0] =	vst.idx.msk vm1, v2  }
0x235: {  	[tilespmem:v40+s24+$0x0] =	vst.idx.msk vm1, v2  }
0x236: {  	[tilespmem:v50+s24+$0x0] =	vst.idx.msk vm1, v2  }
0x237: {  	[tilespmem:v44+s24+$0x0] =	vst.idx.msk vm1, v2  }
0x238: {  	[tilespmem:v32+s24+$0x0] =	vst.idx.msk vm1, v2  }
0x239: {  	[tilespmem:v51+s24+$0x0] =	vst.idx.msk vm1, v2  }
0x23a: {  	[tilespmem:v23+s24+$0x0] =	vst.idx.msk vm1, v2  }
0x23b: {  	[tilespmem:v52+s24+$0x0] =	vst.idx.msk vm1, v2  }
0x23c: {  	[tilespmem:v41+s24+$0x0] =	vst.idx.msk vm1, v2  }
0x23d: {  	[tilespmem:v53+s24+$0x0] =	vst.idx.msk vm1, v2  }
0x23e: {  	[tilespmem:v24+s24+$0x0] =	vst.idx.msk vm1, v2  }
0x23f: {  	[tilespmem:v34+s24+$0x0] =	vst.idx.msk vm1, v2  }
0x240: {  	[tilespmem:v17+s24+$0x0] =	vst.idx.msk vm1, v2  }
0x241: {  	[tilespmem:v19+s24+$0x0] =	vst.idx.msk vm1, v2  }
.Ltmp20:
0x242: {  	[tilespmem:v25+s24+$0x0] =	vst.idx.msk vm1, v2;
	(pc) =	sbr.rel @p1 .LBB2_23-.Ltmp20, $4  }
0x243: {  	[tilespmem:v28+s24+$0x0] =	vst.idx.msk vm1, v2  }
0x244: {  	s17 =	sadd.s32 $0x10, s17;
	[tilespmem:v27+s24+$0x0] =	vst.idx.msk vm1, v2  }
0x245: {  	s19 =	sadd.s32 s17, s14;
	[tilespmem:v30+s24+$0x0] =	vst.idx.msk vm1, v2  }
0x246: {  	s20 =	sand.u32 $0x70, s17;
	s19 =	sand.u32 $0xFFFFFF80, s19;
	[tilespmem:v18+s24+$0x0] =	vst.idx.msk vm1, v2  }
.LBB2_24:
0x247: {  	_ =	sdelay $0x4  }
0x248: {  	s14 =	sor.u32 s20, s19;
	[tilespmem:v16+s24+$0x0] =	vst.idx.msk @p0 vm1, v2  }
0x249: {  	v16 =	vld [tilespmem:s14+$0x9480];
	_ =	sdelay $0x2  }
0x24a: {  	v17 =	vor.u32 s17, v3  }
0x24b: {  	vm1 =	vlt.s32 v17, v15  }
0x24c: {  	v15 =	vnsel vm1, $0x0, v16  }
0x24d: {  	v16 =	vshll.u32 v15, $0x3  }
0x24e: {  	v16 =	vand.u32 $0xFFFFFC00, v16  }
0x24f: {  	v15 =	vand.u32 $0x7F, v15;
	v48 =	vadd.s32 v7, v16  }
0x250: {  	v19 =	vor.u32 $0x80, v15;
	v18 =	vor.u32 v15, v48  }
0x251: {  	v21 =	vor.u32 $0x100, v15;
	v20 =	vor.u32 v48, v19  }
0x252: {  	v23 =	vor.u32 $0x180, v15;
	v22 =	vor.u32 v48, v21  }
0x253: {  	v25 =	vor.u32 $0x200, v15;
	v24 =	vor.u32 v48, v23  }
0x254: {  	v26 =	vor.u32 $0x280, v15;
	v27 =	vor.u32 v48, v25  }
0x255: {  	v29 =	vor.u32 $0x300, v15;
	v28 =	vor.u32 v48, v26;
	[tilespmem:v18+s24+$0x0] =	vst.idx.msk vm1, v2  }
0x256: {  	v30 =	vor.u32 $0x380, v15;
	v49 =	vor.u32 v48, v29;
	[tilespmem:v20+s24+$0x0] =	vst.idx.msk vm1, v2  }
0x257: {  	v14 =	vadd.s32 v14, v16;
	v17 =	vor.u32 v48, v30;
	[tilespmem:v22+s24+$0x0] =	vst.idx.msk vm1, v2  }
0x258: {  	v50 =	vor.u32 v15, v14;
	[tilespmem:v24+s24+$0x0] =	vst.idx.msk vm1, v2  }
0x259: {  	v51 =	vor.u32 v14, v19;
	[tilespmem:v27+s24+$0x0] =	vst.idx.msk vm1, v2  }
0x25a: {  	v52 =	vor.u32 v14, v21;
	[tilespmem:v28+s24+$0x0] =	vst.idx.msk vm1, v2  }
0x25b: {  	v53 =	vor.u32 v14, v23;
	[tilespmem:v49+s24+$0x0] =	vst.idx.msk vm1, v2  }
0x25c: {  	v54 =	vor.u32 v14, v25;
	[tilespmem:v17+s24+$0x0] =	vst.idx.msk vm1, v2  }
0x25d: {  	v55 =	vor.u32 v14, v26;
	[tilespmem:v50+s24+$0x0] =	vst.idx.msk vm1, v2  }
0x25e: {  	v56 =	vor.u32 v14, v29;
	[tilespmem:v51+s24+$0x0] =	vst.idx.msk vm1, v2  }
0x25f: {  	v13 =	vadd.s32 v13, v16;
	v14 =	vor.u32 v14, v30;
	[tilespmem:v52+s24+$0x0] =	vst.idx.msk vm1, v2  }
0x260: {  	v57 =	vor.u32 v15, v13;
	[tilespmem:v53+s24+$0x0] =	vst.idx.msk vm1, v2  }
0x261: {  	v58 =	vor.u32 v13, v19;
	[tilespmem:v54+s24+$0x0] =	vst.idx.msk vm1, v2  }
0x262: {  	v59 =	vor.u32 v13, v21;
	[tilespmem:v55+s24+$0x0] =	vst.idx.msk vm1, v2  }
0x263: {  	v60 =	vor.u32 v13, v23;
	[tilespmem:v56+s24+$0x0] =	vst.idx.msk vm1, v2  }
0x264: {  	v61 =	vor.u32 v13, v25;
	[tilespmem:v14+s24+$0x0] =	vst.idx.msk vm1, v2  }
0x265: {  	v62 =	vor.u32 v13, v26;
	[tilespmem:v57+s24+$0x0] =	vst.idx.msk vm1, v2  }
0x266: {  	v63 =	vor.u32 v13, v29;
	[tilespmem:v58+s24+$0x0] =	vst.idx.msk vm1, v2  }
0x267: {  	v12 =	vadd.s32 v12, v16;
	v13 =	vor.u32 v13, v30;
	[tilespmem:v59+s24+$0x0] =	vst.idx.msk vm1, v2  }
0x268: {  	v27 =	vor.u32 v15, v12;
	[tilespmem:v60+s24+$0x0] =	vst.idx.msk vm1, v2  }
0x269: {  	v28 =	vor.u32 v12, v19;
	[tilespmem:v61+s24+$0x0] =	vst.idx.msk vm1, v2  }
0x26a: {  	v31 =	vor.u32 v12, v21;
	[tilespmem:v62+s24+$0x0] =	vst.idx.msk vm1, v2  }
0x26b: {  	v32 =	vor.u32 v12, v23;
	[tilespmem:v63+s24+$0x0] =	vst.idx.msk vm1, v2  }
0x26c: {  	v33 =	vor.u32 v12, v25;
	[tilespmem:v13+s24+$0x0] =	vst.idx.msk vm1, v2  }
0x26d: {  	v34 =	vor.u32 v12, v26;
	[tilespmem:v27+s24+$0x0] =	vst.idx.msk vm1, v2  }
0x26e: {  	v35 =	vor.u32 v12, v29;
	[tilespmem:v28+s24+$0x0] =	vst.idx.msk vm1, v2  }
0x26f: {  	v11 =	vadd.s32 v11, v16;
	v12 =	vor.u32 v12, v30;
	[tilespmem:v31+s24+$0x0] =	vst.idx.msk vm1, v2  }
0x270: {  	v36 =	vor.u32 v15, v11;
	[tilespmem:v32+s24+$0x0] =	vst.idx.msk vm1, v2  }
0x271: {  	v37 =	vor.u32 v11, v19;
	[tilespmem:v33+s24+$0x0] =	vst.idx.msk vm1, v2  }
0x272: {  	v38 =	vor.u32 v11, v21;
	[tilespmem:v34+s24+$0x0] =	vst.idx.msk vm1, v2  }
0x273: {  	v39 =	vor.u32 v11, v23;
	[tilespmem:v35+s24+$0x0] =	vst.idx.msk vm1, v2  }
0x274: {  	v40 =	vor.u32 v11, v25;
	[tilespmem:v12+s24+$0x0] =	vst.idx.msk vm1, v2  }
0x275: {  	v41 =	vor.u32 v11, v26;
	[tilespmem:v36+s24+$0x0] =	vst.idx.msk vm1, v2  }
0x276: {  	v42 =	vor.u32 v11, v29;
	[tilespmem:v37+s24+$0x0] =	vst.idx.msk vm1, v2  }
0x277: {  	v10 =	vadd.s32 v10, v16;
	v11 =	vor.u32 v11, v30;
	[tilespmem:v38+s24+$0x0] =	vst.idx.msk vm1, v2  }
0x278: {  	v43 =	vor.u32 v15, v10;
	[tilespmem:v39+s24+$0x0] =	vst.idx.msk vm1, v2  }
0x279: {  	v44 =	vor.u32 v10, v19;
	[tilespmem:v40+s24+$0x0] =	vst.idx.msk vm1, v2  }
0x27a: {  	v45 =	vor.u32 v10, v21;
	[tilespmem:v41+s24+$0x0] =	vst.idx.msk vm1, v2  }
0x27b: {  	v46 =	vor.u32 v10, v23;
	[tilespmem:v42+s24+$0x0] =	vst.idx.msk vm1, v2  }
0x27c: {  	v47 =	vor.u32 v10, v25;
	[tilespmem:v11+s24+$0x0] =	vst.idx.msk vm1, v2  }
0x27d: {  	v48 =	vor.u32 v10, v26;
	[tilespmem:v43+s24+$0x0] =	vst.idx.msk vm1, v2  }
0x27e: {  	v49 =	vor.u32 v10, v29;
	[tilespmem:v44+s24+$0x0] =	vst.idx.msk vm1, v2  }
0x27f: {  	v9 =	vadd.s32 v9, v16;
	v10 =	vor.u32 v10, v30;
	[tilespmem:v45+s24+$0x0] =	vst.idx.msk vm1, v2  }
0x280: {  	v50 =	vor.u32 v15, v9;
	[tilespmem:v46+s24+$0x0] =	vst.idx.msk vm1, v2  }
0x281: {  	v51 =	vor.u32 v9, v19;
	[tilespmem:v47+s24+$0x0] =	vst.idx.msk vm1, v2  }
0x282: {  	v52 =	vor.u32 v9, v21;
	[tilespmem:v48+s24+$0x0] =	vst.idx.msk vm1, v2  }
0x283: {  	v53 =	vor.u32 v9, v23;
	[tilespmem:v49+s24+$0x0] =	vst.idx.msk vm1, v2  }
0x284: {  	v54 =	vor.u32 v9, v25;
	[tilespmem:v10+s24+$0x0] =	vst.idx.msk vm1, v2  }
0x285: {  	v55 =	vor.u32 v9, v26;
	[tilespmem:v50+s24+$0x0] =	vst.idx.msk vm1, v2  }
0x286: {  	v56 =	vor.u32 v9, v29;
	[tilespmem:v51+s24+$0x0] =	vst.idx.msk vm1, v2  }
0x287: {  	v8 =	vadd.s32 v8, v16;
	v9 =	vor.u32 v9, v30;
	[tilespmem:v52+s24+$0x0] =	vst.idx.msk vm1, v2  }
0x288: {  	v57 =	vor.u32 v15, v8;
	[tilespmem:v53+s24+$0x0] =	vst.idx.msk vm1, v2  }
0x289: {  	v58 =	vor.u32 v8, v19;
	[tilespmem:v54+s24+$0x0] =	vst.idx.msk vm1, v2  }
0x28a: {  	v59 =	vor.u32 v8, v21;
	[tilespmem:v55+s24+$0x0] =	vst.idx.msk vm1, v2  }
0x28b: {  	v60 =	vor.u32 v8, v23;
	[tilespmem:v56+s24+$0x0] =	vst.idx.msk vm1, v2  }
0x28c: {  	v61 =	vor.u32 v8, v25;
	[tilespmem:v9+s24+$0x0] =	vst.idx.msk vm1, v2  }
0x28d: {  	v62 =	vor.u32 v8, v26;
	[tilespmem:v57+s24+$0x0] =	vst.idx.msk vm1, v2  }
0x28e: {  	v63 =	vor.u32 v8, v29;
	[tilespmem:v58+s24+$0x0] =	vst.idx.msk vm1, v2  }
0x28f: {  	v8 =	vor.u32 v8, v30;
	[tilespmem:v59+s24+$0x0] =	vst.idx.msk vm1, v2  }
0x290: {  	[tilespmem:v60+s24+$0x0] =	vst.idx.msk vm1, v2  }
0x291: {  	[tilespmem:v61+s24+$0x0] =	vst.idx.msk vm1, v2  }
0x292: {  	[tilespmem:v62+s24+$0x0] =	vst.idx.msk vm1, v2  }
0x293: {  	[tilespmem:v63+s24+$0x0] =	vst.idx.msk vm1, v2  }
0x294: {  	[tilespmem:v8+s24+$0x0] =	vst.idx.msk vm1, v2  }
.LBB2_25:
0x295: {  	s14 =	sadd.s32 $0x1, s16  }
0x296: {  	p0 =	slt.s32 s14, $0x3F;
	s17 =	smov.u32 s14  }
0x297: {  	s17 =	simm.s32 @!p0 $0x3F  }
0x298: {  	s18 =	sshll.u32 s17, $0x9;
	s17 =	simm.s32 $0x0  }
0x299: {  	s18 =	sand.u32 $0x3FFFFE00, s18;
	s19 =	sand.u32 $0x180, s17  }
0x29a: {  	s20 =	sand.u32 $0x70, s17;
	s19 =	sadd.s32 s19, s18  }
0x29b: {  	s19 =	sadd.s32 s20, s19  }
0x29c: {  	s21 =	smulhi.u32 $0xAAAAAAAB, s14;
	v10 =	vld [tilespmem:s19+$0x0];
	_ =	sdelay $0x1  }
0x29d: {  	s20 =	sshrl.u32 s21, $0x1  }
0x29e: {  	s21 =	sand.u32 $0x1, s14;
	s19 =	smul.u32 $0x3, s20  }
0x29f: {  	p0 =	seq.s32 s21, $0x1;
	s20 =	simm.s32 $0x240  }
0x2a0: {  	s20 =	simm.s32 @!p0 $0x0;
	s22 =	ssub.s32 s14, s19;
	vm1 =	vgt.s32 v10, $0xFFFFFFFF  }
0x2a1: {  	s19 =	sor.u32 $0x9000, s20;
	s21 =	sshll.u32 s22, $0x9;
	v11 =	vmpcnt.ones.xlane vm1  }
0x2a2: {  	s22 =	smulhi.u32 $0xAAAAAAAB, s16;
	v9 =	vmov s19;
	s21 =	sadd.s32 $0x9480, s21  }
0x2a3: {  	v8 =	vmov s21;
	(v2sf) =	vpush v11, $0x0  }
0x2a4: {  	s23 =	sshrl.u32 s22, $0x1  }
0x2a5: {  	s21 =	smul.u32 $0xFFFFE800, s23;
	_ =	sdelay $0x1  }
0x2a6: {  	s30 =	sshra.s32 s21, $0x2;
	s21 =	simm.s32 $0x10;
	[tilespmem:v9+s17+$0x0 ss:$0x1] =	vst.idx.msk vm1, v10;
	v10 =	vor.u32 s17, v3  }
0x2a7: {  	s22 =	simm.s32 $0x20;
	s31 =	sadd.s32 s30, s10;
	s23 =	sand.u32 $0x180, s21;
	[tilespmem:v8+s17+$0x0 ss:$0x1] =	vst.idx.msk vm1, v10  }
.LBB2_26:
0x2a8: {  	p0 =	sne.s32 s22, $0x1F0;
	s30 =	sand.u32 $0x70, s21;
	s23 =	sadd.s32 s23, s18  }
0x2a9: {  	s23 =	sadd.s32 s30, s23  }
0x2aa: {  	v10 =	vld [tilespmem:s23+$0x0];
	_ =	sdelay $0x4  }
0x2ab: {  	vm1 =	vgt.s32 v10, $0xFFFFFFFF  }
0x2ac: {  	v11 =	vmpcnt.ones.xlane vm1  }
0x2ad: {  	s23 =	spop (v2sf)  }
0x2ae: {  	(v2sf) =	vpush v11, $0x0;
	s17 =	sadd.s32 s17, s23  }
.Ltmp21:
0x2af: {  	(pc) =	sbr.rel @p0 .LBB2_26-.Ltmp21, $4  }
0x2b0: {  	_ = 	snop  }
0x2b1: {  	[tilespmem:v9+s17+$0x0 ss:$0x1] =	vst.idx.msk vm1, v10;
	v10 =	vor.u32 s21, v3;
	s21 =	smov.u32 s22  }
0x2b2: {  	[tilespmem:v8+s17+$0x0 ss:$0x1] =	vst.idx.msk vm1, v10  }
0x2b3: {  	s22 =	sadd.s32 $0x10, s22;
	s23 =	sand.u32 $0x180, s21  }
0x2b4: {  	s22 =	sand.u32 $0x70, s21;
	s18 =	sadd.s32 s23, s18  }
0x2b5: {  	s18 =	sadd.s32 s22, s18  }
0x2b6: {  	v10 =	vld [tilespmem:s18+$0x0];
	_ =	sdelay $0x4  }
0x2b7: {  	vm1 =	vgt.s32 v10, $0xFFFFFFFF  }
0x2b8: {  	v11 =	vmpcnt.ones.xlane vm1;
	_ =	sdelay $0x1  }
0x2b9: {  	(v2sf) =	vpush v11, $0x0;
	_ =	sdelay $0xd  }
0x2ba: {  	s22 =	spop (v2sf)  }
0x2bb: {  	s18 =	sadd.s32 s17, s22;
	s23 =	spop (v2sf)  }
0x2bc: {  	s17 =	sadd.s32 s18, s23  }
0x2bd: {  	s20 =	sadd.s32 s20, s17  }
0x2be: {  	s23 =	sadd.s32 $0x3F, s12;
	s30 =	sadd.s32 $0x10, s20  }
0x2bf: {  	s6 =	sshra.s32 s23, $0x1F;
	v12 =	vadd.s32 s30, v3;
	s30 =	sand.u32 $0x3F, s23  }
0x2c0: {  	p1 =	slt.s32 s23, $0x1;
	s1 =	sadd.s32 $0x20, s20;
	p0 =	sne.s32 s30, $0x0  }
0x2c1: {  	v61 =	vadd.s32 s20, v3;
	s20 =	sadd.s32 $0x30, s20;
	s22 =	sshrl.u32 s6, $0x1A;
	p0 =	por !p1, !p0  }
0x2c2: {  	v62 =	vor.u32 s21, v3;
	[tilespmem:v9+s18+$0x0 ss:$0x1] =	vst.idx.msk vm1, v10;
	v63 =	vadd.s32 s20, v3;
	s20 =	simm.s32 $0x1;
	s30 =	sadd.s32 s22, s23;
	p0 =	por !p0, !p0  }
0x2c3: {  	[tilespmem:v8+s18+$0x0 ss:$0x1] =	vst.idx.msk vm1, v62;
	s18 =	sshra.s32 s30, $0x6;
	s20 =	simm.s32 @!p0 $0x0  }
0x2c4: {  	v13 =	vadd.s32 s1, v3;
	s18 =	ssub.s32 s18, s20  }
0x2c5: {  	p0 =	slt.s32 s18, $0x1  }
.Ltmp22:
0x2c6: {  	_ = 	snop;
	(pc) =	sbr.rel @p0 .LBB2_33-.Ltmp22, $4  }
0x2c7: {  	[tilespmem:v61+s2+$0x0] =	vst.idx.msk $0xffff, v3  }
0x2c8: {  	[tilespmem:v12+s2+$0x0] =	vst.idx.msk $0xffff, v4  }
0x2c9: {  	[tilespmem:v13+s2+$0x0] =	vst.idx.msk $0xffff, v5  }
0x2ca: {  	[tilespmem:v63+s2+$0x0] =	vst.idx.msk $0xffff, v6  }
.Ltmp23:
0x2cb: {  	(pc) =	sbr.rel .LBB2_30-.Ltmp23, $4  }
0x2cc: {  	s20 =	smul.u32 $0x900, s15  }
0x2cd: {  	v8 =	vor.u32 $0x1000, v7  }
0x2ce: {  	v9 =	vor.u32 $0x2000, v7;
	v10 =	vor.u32 $0x3000, v7;
	v11 =	vor.u32 $0x4000, v7;
	s20 =	sshrl.u32 s20, $0x2  }
0x2cf: {  	v12 =	vor.u32 $0x5000, v7;
	v13 =	vor.u32 $0x6000, v7;
	v14 =	vor.u32 $0x7000, v7;
	s22 =	simm.s32 $0x0;
	s21 =	sor.u32 $0x9000, s20  }
.LBB2_29:
0x2d0: {  	p0 =	seq.s32 s22, s18  }
.Ltmp24:
0x2d1: {  	_ = 	snop;
	(pc) =	sbr.rel @p0 .LBB2_33-.Ltmp24, $2  }
0x2d2: {  	_ =	sdelay $0x2  }
0x2d3: {  	s31 =	sadd.s32 $0x40, s31  }
.LBB2_30:
0x2d4: {  	s23 =	smov.u32 s22;
	s22 =	sadd.s32 $0x1, s22  }
0x2d5: {  	s20 =	sadd.s32 s11, s23;
	p0 =	sge.s32 s22, s18  }
0x2d6: {  	_ =	swait.ge [sflag:s25], $0x2000;
	s30 =	sxor.u32 @!p0 $0xFFFFFFFF, s20  }
0x2d7: {  	[sflag:s25] =	ssyncset.done $0x0;
	s1 =	sshll.u32 @!p0 s22, $0x8;
	s30 =	sshll.u32 @!p0 s30, $0xD  }
0x2d8: {  	[sflag:s25] =	ssyncadd.s32 $0xFFFFE000;
	s1 =	sshra.s32 @!p0 s1, $0x2;
	s30 =	sand.u32 @!p0 $0x2000, s30  }
0x2d9: {  	s6 =	simm.s32 @!p0 $0x40;
	s1 =	sadd.s32 @!p0 s1, s21;
	s30 =	sor.u32 @!p0 $0x9A80, s30  }
0x2da: {  	[tilespmem:s30], [sflag:$0x2] =	stream.indirect.gather @!p0 [hbm4b:s5+s6], $0x80, s1, s6, $0xb8;
	[tilespmem:$0x1DA80] =	vst v63  }
0x2db: {  	s6 =	sshll.u32 s23, $0x6  }
0x2dc: {  	s30 =	ssub.s32 s12, s6  }
0x2dd: {  	p0 =	slt.s32 s30, $0x40;
	s1 =	smov.u32 s30  }
0x2de: {  	s1 =	simm.s32 @!p0 $0x40  }
0x2df: {  	s1 =	sadd.s32 $0xF, s1  }
0x2e0: {  	s6 =	sand.u32 $0xF, s1  }
0x2e1: {  	p6 =	slt.s32 s30, $0xFFFFFFF2;
	s23 =	sshra.s32 s1, $0x1F;
	p1 =	sne.s32 s6, $0x0  }
0x2e2: {  	s23 =	sshrl.u32 s23, $0x1C;
	p0 =	por !p6, !p1  }
0x2e3: {  	s6 =	simm.s32 $0x1;
	s1 =	sadd.s32 s23, s1;
	p0 =	por !p0, !p0  }
0x2e4: {  	s1 =	sshra.s32 s1, $0x4;
	s6 =	simm.s32 @!p0 $0x0  }
0x2e5: {  	s23 =	ssub.s32 s1, s6  }
0x2e6: {  	p0 =	slt.s32 s23, $0x1  }
.Ltmp25:
0x2e7: {  	_ = 	snop;
	(pc) =	sbr.rel @p0 .LBB2_29-.Ltmp25, $1  }
0x2e8: {  	_ =	sdelay $0x3  }
0x2e9: {  	s1 =	sand.u32 $0x1, s20  }
0x2ea: {  	s1 =	sshll.u32 s1, $0xD  }
0x2eb: {  	v15 =	vmov s30;
	s30 =	simm.s32 $0x0;
	s20 =	smov.u32 s31;
	v16 =	vmov s1  }
.LBB2_32:
0x2ec: {  	v18 =	vld [tilespmem:s20+$0x0];
	_ =	sdelay $0x1  }
0x2ed: {  	v17 =	vor.u32 s30, v3  }
0x2ee: {  	v19 =	vshll.u32 v17, $0x7  }
0x2ef: {  	vm1 =	vlt.s32 v17, v15;
	v17 =	vadd.s32 v16, v19  }
0x2f0: {  	v18 =	vnsel vm1, $0x0, v18  }
0x2f1: {  	v19 =	vshll.u32 v18, $0x3  }
0x2f2: {  	v19 =	vand.u32 $0xFFFFFC00, v19  }
0x2f3: {  	v18 =	vand.u32 $0x7F, v18;
	v27 =	vadd.s32 v7, v19  }
0x2f4: {  	v20 =	vld.idx.msk [tilespmem:v17+s26+$0x0], $0xffff;
	v21 =	vor.u32 v18, v27  }
0x2f5: {  	v22 =	vor.u32 $0x1, v17;
	_ =	sdelay $0x3  }
0x2f6: {  	[tilespmem:v21+s24+$0x0] =	vst.idx.msk vm1, v20;
	v20 =	vor.u32 $0x80, v18  }
0x2f7: {  	v21 =	vld.idx.msk [tilespmem:v22+s26+$0x0], $0xffff;
	v44 =	vor.u32 v27, v20  }
0x2f8: {  	v23 =	vor.u32 $0x2, v17;
	_ =	sdelay $0x3  }
0x2f9: {  	[tilespmem:v44+s24+$0x0] =	vst.idx.msk vm1, v21;
	v21 =	vor.u32 $0x100, v18  }
0x2fa: {  	v22 =	vld.idx.msk [tilespmem:v23+s26+$0x0], $0xffff;
	v45 =	vor.u32 v27, v21  }
0x2fb: {  	v24 =	vor.u32 $0x3, v17;
	_ =	sdelay $0x3  }
0x2fc: {  	[tilespmem:v45+s24+$0x0] =	vst.idx.msk vm1, v22;
	v22 =	vor.u32 $0x180, v18  }
0x2fd: {  	v23 =	vld.idx.msk [tilespmem:v24+s26+$0x0], $0xffff;
	v46 =	vor.u32 v27, v22  }
0x2fe: {  	v25 =	vor.u32 $0x4, v17;
	_ =	sdelay $0x3  }
0x2ff: {  	[tilespmem:v46+s24+$0x0] =	vst.idx.msk vm1, v23;
	v23 =	vor.u32 $0x200, v18  }
0x300: {  	v24 =	vld.idx.msk [tilespmem:v25+s26+$0x0], $0xffff;
	v47 =	vor.u32 v27, v23  }
0x301: {  	v26 =	vor.u32 $0x5, v17;
	_ =	sdelay $0x3  }
0x302: {  	[tilespmem:v47+s24+$0x0] =	vst.idx.msk vm1, v24;
	v24 =	vor.u32 $0x280, v18  }
0x303: {  	v25 =	vld.idx.msk [tilespmem:v26+s26+$0x0], $0xffff;
	v48 =	vor.u32 v27, v24  }
0x304: {  	v28 =	vor.u32 $0x6, v17;
	_ =	sdelay $0x3  }
0x305: {  	[tilespmem:v48+s24+$0x0] =	vst.idx.msk vm1, v25;
	v25 =	vor.u32 $0x300, v18  }
0x306: {  	v26 =	vld.idx.msk [tilespmem:v28+s26+$0x0], $0xffff;
	v49 =	vor.u32 v27, v25  }
0x307: {  	v29 =	vor.u32 $0x7, v17;
	_ =	sdelay $0x3  }
0x308: {  	[tilespmem:v49+s24+$0x0] =	vst.idx.msk vm1, v26;
	v26 =	vor.u32 $0x380, v18  }
0x309: {  	v28 =	vld.idx.msk [tilespmem:v29+s26+$0x0], $0xffff;
	v27 =	vor.u32 v27, v26  }
0x30a: {  	v50 =	vor.u32 $0x8, v17;
	_ =	sdelay $0x3  }
0x30b: {  	v51 =	vadd.s32 v8, v19;
	[tilespmem:v27+s24+$0x0] =	vst.idx.msk vm1, v28  }
0x30c: {  	v52 =	vor.u32 v18, v51;
	v28 =	vld.idx.msk [tilespmem:v50+s26+$0x0], $0xffff  }
0x30d: {  	v30 =	vor.u32 $0x9, v17;
	_ =	sdelay $0x3  }
0x30e: {  	[tilespmem:v52+s24+$0x0] =	vst.idx.msk vm1, v28  }
0x30f: {  	v53 =	vor.u32 v51, v20;
	v28 =	vld.idx.msk [tilespmem:v30+s26+$0x0], $0xffff  }
0x310: {  	v54 =	vor.u32 $0xA, v17;
	_ =	sdelay $0x3  }
0x311: {  	[tilespmem:v53+s24+$0x0] =	vst.idx.msk vm1, v28  }
0x312: {  	v55 =	vor.u32 v51, v21;
	v28 =	vld.idx.msk [tilespmem:v54+s26+$0x0], $0xffff  }
0x313: {  	v56 =	vor.u32 $0xB, v17;
	_ =	sdelay $0x3  }
0x314: {  	[tilespmem:v55+s24+$0x0] =	vst.idx.msk vm1, v28  }
0x315: {  	v57 =	vor.u32 v51, v22;
	v28 =	vld.idx.msk [tilespmem:v56+s26+$0x0], $0xffff  }
0x316: {  	v58 =	vor.u32 $0xC, v17;
	_ =	sdelay $0x3  }
0x317: {  	[tilespmem:v57+s24+$0x0] =	vst.idx.msk vm1, v28  }
0x318: {  	v59 =	vor.u32 v51, v23;
	v28 =	vld.idx.msk [tilespmem:v58+s26+$0x0], $0xffff  }
0x319: {  	v60 =	vor.u32 $0xD, v17;
	_ =	sdelay $0x3  }
0x31a: {  	[tilespmem:v59+s24+$0x0] =	vst.idx.msk vm1, v28  }
0x31b: {  	v61 =	vor.u32 v51, v24;
	v28 =	vld.idx.msk [tilespmem:v60+s26+$0x0], $0xffff  }
0x31c: {  	v62 =	vor.u32 $0xE, v17;
	_ =	sdelay $0x3  }
0x31d: {  	[tilespmem:v61+s24+$0x0] =	vst.idx.msk vm1, v28  }
0x31e: {  	v63 =	vor.u32 v51, v25;
	v28 =	vld.idx.msk [tilespmem:v62+s26+$0x0], $0xffff  }
0x31f: {  	v33 =	vor.u32 $0xF, v17;
	_ =	sdelay $0x3  }
0x320: {  	[tilespmem:v63+s24+$0x0] =	vst.idx.msk vm1, v28  }
0x321: {  	v27 =	vor.u32 v51, v26;
	v28 =	vld.idx.msk [tilespmem:v33+s26+$0x0], $0xffff  }
0x322: {  	v34 =	vor.u32 $0x10, v17;
	_ =	sdelay $0x3  }
0x323: {  	v35 =	vadd.s32 v9, v19;
	[tilespmem:v27+s24+$0x0] =	vst.idx.msk vm1, v28  }
0x324: {  	v36 =	vor.u32 v18, v35;
	v28 =	vld.idx.msk [tilespmem:v34+s26+$0x0], $0xffff  }
0x325: {  	v37 =	vor.u32 $0x11, v17;
	_ =	sdelay $0x3  }
0x326: {  	[tilespmem:v36+s24+$0x0] =	vst.idx.msk vm1, v28  }
0x327: {  	v38 =	vor.u32 v35, v20;
	v28 =	vld.idx.msk [tilespmem:v37+s26+$0x0], $0xffff  }
0x328: {  	v39 =	vor.u32 $0x12, v17;
	_ =	sdelay $0x3  }
0x329: {  	[tilespmem:v38+s24+$0x0] =	vst.idx.msk vm1, v28  }
0x32a: {  	v40 =	vor.u32 v35, v21;
	v28 =	vld.idx.msk [tilespmem:v39+s26+$0x0], $0xffff  }
0x32b: {  	v41 =	vor.u32 $0x13, v17;
	_ =	sdelay $0x3  }
0x32c: {  	[tilespmem:v40+s24+$0x0] =	vst.idx.msk vm1, v28  }
0x32d: {  	v42 =	vor.u32 v35, v22;
	v28 =	vld.idx.msk [tilespmem:v41+s26+$0x0], $0xffff  }
0x32e: {  	v43 =	vor.u32 $0x14, v17;
	_ =	sdelay $0x3  }
0x32f: {  	[tilespmem:v42+s24+$0x0] =	vst.idx.msk vm1, v28  }
0x330: {  	v44 =	vor.u32 v35, v23;
	v28 =	vld.idx.msk [tilespmem:v43+s26+$0x0], $0xffff  }
0x331: {  	v45 =	vor.u32 $0x15, v17;
	_ =	sdelay $0x3  }
0x332: {  	[tilespmem:v44+s24+$0x0] =	vst.idx.msk vm1, v28  }
0x333: {  	v46 =	vor.u32 v35, v24;
	v28 =	vld.idx.msk [tilespmem:v45+s26+$0x0], $0xffff  }
0x334: {  	v47 =	vor.u32 $0x16, v17;
	_ =	sdelay $0x3  }
0x335: {  	[tilespmem:v46+s24+$0x0] =	vst.idx.msk vm1, v28  }
0x336: {  	v48 =	vor.u32 v35, v25;
	v28 =	vld.idx.msk [tilespmem:v47+s26+$0x0], $0xffff  }
0x337: {  	v49 =	vor.u32 $0x17, v17;
	_ =	sdelay $0x3  }
0x338: {  	[tilespmem:v48+s24+$0x0] =	vst.idx.msk vm1, v28  }
0x339: {  	v27 =	vor.u32 v35, v26;
	v28 =	vld.idx.msk [tilespmem:v49+s26+$0x0], $0xffff  }
0x33a: {  	v50 =	vor.u32 $0x18, v17;
	_ =	sdelay $0x3  }
0x33b: {  	v51 =	vadd.s32 v10, v19;
	[tilespmem:v27+s24+$0x0] =	vst.idx.msk vm1, v28  }
0x33c: {  	v52 =	vor.u32 v18, v51;
	v28 =	vld.idx.msk [tilespmem:v50+s26+$0x0], $0xffff  }
0x33d: {  	v53 =	vor.u32 $0x19, v17;
	_ =	sdelay $0x3  }
0x33e: {  	[tilespmem:v52+s24+$0x0] =	vst.idx.msk vm1, v28  }
0x33f: {  	v54 =	vor.u32 v51, v20;
	v28 =	vld.idx.msk [tilespmem:v53+s26+$0x0], $0xffff  }
0x340: {  	v55 =	vor.u32 $0x1A, v17;
	_ =	sdelay $0x3  }
0x341: {  	[tilespmem:v54+s24+$0x0] =	vst.idx.msk vm1, v28  }
0x342: {  	v56 =	vor.u32 v51, v21;
	v28 =	vld.idx.msk [tilespmem:v55+s26+$0x0], $0xffff  }
0x343: {  	v57 =	vor.u32 $0x1B, v17;
	_ =	sdelay $0x3  }
0x344: {  	[tilespmem:v56+s24+$0x0] =	vst.idx.msk vm1, v28  }
0x345: {  	v58 =	vor.u32 v51, v22;
	v28 =	vld.idx.msk [tilespmem:v57+s26+$0x0], $0xffff  }
0x346: {  	v59 =	vor.u32 $0x1C, v17;
	_ =	sdelay $0x3  }
0x347: {  	[tilespmem:v58+s24+$0x0] =	vst.idx.msk vm1, v28  }
0x348: {  	v60 =	vor.u32 v51, v23;
	v28 =	vld.idx.msk [tilespmem:v59+s26+$0x0], $0xffff  }
0x349: {  	v61 =	vor.u32 $0x1D, v17;
	_ =	sdelay $0x3  }
0x34a: {  	[tilespmem:v60+s24+$0x0] =	vst.idx.msk vm1, v28  }
0x34b: {  	v62 =	vor.u32 v51, v24;
	v28 =	vld.idx.msk [tilespmem:v61+s26+$0x0], $0xffff  }
0x34c: {  	v63 =	vor.u32 $0x1E, v17;
	_ =	sdelay $0x3  }
0x34d: {  	[tilespmem:v62+s24+$0x0] =	vst.idx.msk vm1, v28  }
0x34e: {  	v33 =	vor.u32 v51, v25;
	v28 =	vld.idx.msk [tilespmem:v63+s26+$0x0], $0xffff  }
0x34f: {  	v34 =	vor.u32 $0x1F, v17;
	_ =	sdelay $0x3  }
0x350: {  	[tilespmem:v33+s24+$0x0] =	vst.idx.msk vm1, v28  }
0x351: {  	v27 =	vor.u32 v51, v26;
	v28 =	vld.idx.msk [tilespmem:v34+s26+$0x0], $0xffff  }
0x352: {  	v35 =	vor.u32 $0x20, v17;
	_ =	sdelay $0x3  }
0x353: {  	v36 =	vadd.s32 v11, v19;
	[tilespmem:v27+s24+$0x0] =	vst.idx.msk vm1, v28  }
0x354: {  	v37 =	vor.u32 v18, v36;
	v28 =	vld.idx.msk [tilespmem:v35+s26+$0x0], $0xffff  }
0x355: {  	v38 =	vor.u32 $0x21, v17;
	_ =	sdelay $0x3  }
0x356: {  	[tilespmem:v37+s24+$0x0] =	vst.idx.msk vm1, v28  }
0x357: {  	v39 =	vor.u32 v36, v20;
	v28 =	vld.idx.msk [tilespmem:v38+s26+$0x0], $0xffff  }
0x358: {  	v40 =	vor.u32 $0x22, v17;
	_ =	sdelay $0x3  }
0x359: {  	[tilespmem:v39+s24+$0x0] =	vst.idx.msk vm1, v28  }
0x35a: {  	v41 =	vor.u32 v36, v21;
	v28 =	vld.idx.msk [tilespmem:v40+s26+$0x0], $0xffff  }
0x35b: {  	v42 =	vor.u32 $0x23, v17;
	_ =	sdelay $0x3  }
0x35c: {  	[tilespmem:v41+s24+$0x0] =	vst.idx.msk vm1, v28  }
0x35d: {  	v43 =	vor.u32 v36, v22;
	v28 =	vld.idx.msk [tilespmem:v42+s26+$0x0], $0xffff  }
0x35e: {  	v44 =	vor.u32 $0x24, v17;
	_ =	sdelay $0x3  }
0x35f: {  	[tilespmem:v43+s24+$0x0] =	vst.idx.msk vm1, v28  }
0x360: {  	v45 =	vor.u32 v36, v23;
	v28 =	vld.idx.msk [tilespmem:v44+s26+$0x0], $0xffff  }
0x361: {  	v46 =	vor.u32 $0x25, v17;
	_ =	sdelay $0x3  }
0x362: {  	[tilespmem:v45+s24+$0x0] =	vst.idx.msk vm1, v28  }
0x363: {  	v47 =	vor.u32 v36, v24;
	v28 =	vld.idx.msk [tilespmem:v46+s26+$0x0], $0xffff  }
0x364: {  	v48 =	vor.u32 $0x26, v17;
	_ =	sdelay $0x3  }
0x365: {  	[tilespmem:v47+s24+$0x0] =	vst.idx.msk vm1, v28  }
0x366: {  	v49 =	vor.u32 v36, v25;
	v28 =	vld.idx.msk [tilespmem:v48+s26+$0x0], $0xffff  }
0x367: {  	v50 =	vor.u32 $0x27, v17;
	_ =	sdelay $0x3  }
0x368: {  	[tilespmem:v49+s24+$0x0] =	vst.idx.msk vm1, v28  }
0x369: {  	v27 =	vor.u32 v36, v26;
	v28 =	vld.idx.msk [tilespmem:v50+s26+$0x0], $0xffff  }
0x36a: {  	v51 =	vor.u32 $0x28, v17;
	_ =	sdelay $0x3  }
0x36b: {  	v52 =	vadd.s32 v12, v19;
	[tilespmem:v27+s24+$0x0] =	vst.idx.msk vm1, v28  }
0x36c: {  	v53 =	vor.u32 v18, v52;
	v28 =	vld.idx.msk [tilespmem:v51+s26+$0x0], $0xffff  }
0x36d: {  	v54 =	vor.u32 $0x29, v17;
	_ =	sdelay $0x3  }
0x36e: {  	[tilespmem:v53+s24+$0x0] =	vst.idx.msk vm1, v28  }
0x36f: {  	v55 =	vor.u32 v52, v20;
	v28 =	vld.idx.msk [tilespmem:v54+s26+$0x0], $0xffff  }
0x370: {  	v56 =	vor.u32 $0x2A, v17;
	_ =	sdelay $0x3  }
0x371: {  	[tilespmem:v55+s24+$0x0] =	vst.idx.msk vm1, v28  }
0x372: {  	v57 =	vor.u32 v52, v21;
	v28 =	vld.idx.msk [tilespmem:v56+s26+$0x0], $0xffff  }
0x373: {  	v58 =	vor.u32 $0x2B, v17;
	_ =	sdelay $0x3  }
0x374: {  	[tilespmem:v57+s24+$0x0] =	vst.idx.msk vm1, v28  }
0x375: {  	v59 =	vor.u32 v52, v22;
	v28 =	vld.idx.msk [tilespmem:v58+s26+$0x0], $0xffff  }
0x376: {  	v60 =	vor.u32 $0x2C, v17;
	_ =	sdelay $0x3  }
0x377: {  	[tilespmem:v59+s24+$0x0] =	vst.idx.msk vm1, v28  }
0x378: {  	v61 =	vor.u32 v52, v23;
	v28 =	vld.idx.msk [tilespmem:v60+s26+$0x0], $0xffff  }
0x379: {  	v62 =	vor.u32 $0x2D, v17;
	_ =	sdelay $0x3  }
0x37a: {  	[tilespmem:v61+s24+$0x0] =	vst.idx.msk vm1, v28  }
0x37b: {  	v63 =	vor.u32 v52, v24;
	v28 =	vld.idx.msk [tilespmem:v62+s26+$0x0], $0xffff  }
0x37c: {  	v33 =	vor.u32 $0x2E, v17;
	_ =	sdelay $0x3  }
0x37d: {  	[tilespmem:v63+s24+$0x0] =	vst.idx.msk vm1, v28  }
0x37e: {  	v34 =	vor.u32 v52, v25;
	v28 =	vld.idx.msk [tilespmem:v33+s26+$0x0], $0xffff  }
0x37f: {  	v35 =	vor.u32 $0x2F, v17;
	_ =	sdelay $0x3  }
0x380: {  	[tilespmem:v34+s24+$0x0] =	vst.idx.msk vm1, v28  }
0x381: {  	v27 =	vor.u32 v52, v26;
	v28 =	vld.idx.msk [tilespmem:v35+s26+$0x0], $0xffff  }
0x382: {  	v36 =	vor.u32 $0x30, v17;
	_ =	sdelay $0x3  }
0x383: {  	v37 =	vadd.s32 v13, v19;
	[tilespmem:v27+s24+$0x0] =	vst.idx.msk vm1, v28  }
0x384: {  	v38 =	vor.u32 v18, v37;
	v28 =	vld.idx.msk [tilespmem:v36+s26+$0x0], $0xffff  }
0x385: {  	v39 =	vor.u32 $0x31, v17;
	_ =	sdelay $0x3  }
0x386: {  	[tilespmem:v38+s24+$0x0] =	vst.idx.msk vm1, v28  }
0x387: {  	v40 =	vor.u32 v37, v20;
	v28 =	vld.idx.msk [tilespmem:v39+s26+$0x0], $0xffff  }
0x388: {  	v41 =	vor.u32 $0x32, v17;
	_ =	sdelay $0x3  }
0x389: {  	[tilespmem:v40+s24+$0x0] =	vst.idx.msk vm1, v28  }
0x38a: {  	v42 =	vor.u32 v37, v21;
	v28 =	vld.idx.msk [tilespmem:v41+s26+$0x0], $0xffff  }
0x38b: {  	v43 =	vor.u32 $0x33, v17;
	_ =	sdelay $0x3  }
0x38c: {  	[tilespmem:v42+s24+$0x0] =	vst.idx.msk vm1, v28  }
0x38d: {  	v44 =	vor.u32 v37, v22;
	v28 =	vld.idx.msk [tilespmem:v43+s26+$0x0], $0xffff  }
0x38e: {  	v45 =	vor.u32 $0x34, v17;
	_ =	sdelay $0x3  }
0x38f: {  	[tilespmem:v44+s24+$0x0] =	vst.idx.msk vm1, v28  }
0x390: {  	v46 =	vor.u32 v37, v23;
	v28 =	vld.idx.msk [tilespmem:v45+s26+$0x0], $0xffff  }
0x391: {  	v47 =	vor.u32 $0x35, v17;
	_ =	sdelay $0x3  }
0x392: {  	[tilespmem:v46+s24+$0x0] =	vst.idx.msk vm1, v28  }
0x393: {  	v48 =	vor.u32 v37, v24;
	v28 =	vld.idx.msk [tilespmem:v47+s26+$0x0], $0xffff  }
0x394: {  	v49 =	vor.u32 $0x36, v17;
	_ =	sdelay $0x3  }
0x395: {  	[tilespmem:v48+s24+$0x0] =	vst.idx.msk vm1, v28  }
0x396: {  	v50 =	vor.u32 v37, v25;
	v28 =	vld.idx.msk [tilespmem:v49+s26+$0x0], $0xffff  }
0x397: {  	v51 =	vor.u32 $0x37, v17;
	_ =	sdelay $0x3  }
0x398: {  	[tilespmem:v50+s24+$0x0] =	vst.idx.msk vm1, v28  }
0x399: {  	v27 =	vor.u32 v37, v26;
	v28 =	vld.idx.msk [tilespmem:v51+s26+$0x0], $0xffff  }
0x39a: {  	v52 =	vor.u32 $0x38, v17;
	_ =	sdelay $0x3  }
0x39b: {  	v19 =	vadd.s32 v14, v19;
	[tilespmem:v27+s24+$0x0] =	vst.idx.msk vm1, v28  }
0x39c: {  	v18 =	vor.u32 v18, v19;
	v27 =	vld.idx.msk [tilespmem:v52+s26+$0x0], $0xffff  }
0x39d: {  	v53 =	vor.u32 $0x39, v17;
	_ =	sdelay $0x3  }
0x39e: {  	[tilespmem:v18+s24+$0x0] =	vst.idx.msk vm1, v27  }
0x39f: {  	v20 =	vor.u32 v19, v20;
	v18 =	vld.idx.msk [tilespmem:v53+s26+$0x0], $0xffff  }
0x3a0: {  	v54 =	vor.u32 $0x3A, v17;
	_ =	sdelay $0x3  }
0x3a1: {  	[tilespmem:v20+s24+$0x0] =	vst.idx.msk vm1, v18  }
0x3a2: {  	v55 =	vor.u32 v19, v21;
	v18 =	vld.idx.msk [tilespmem:v54+s26+$0x0], $0xffff  }
0x3a3: {  	v56 =	vor.u32 $0x3B, v17;
	_ =	sdelay $0x3  }
0x3a4: {  	[tilespmem:v55+s24+$0x0] =	vst.idx.msk vm1, v18  }
0x3a5: {  	v57 =	vor.u32 v19, v22;
	v18 =	vld.idx.msk [tilespmem:v56+s26+$0x0], $0xffff  }
0x3a6: {  	v58 =	vor.u32 $0x3C, v17;
	_ =	sdelay $0x3  }
0x3a7: {  	[tilespmem:v57+s24+$0x0] =	vst.idx.msk vm1, v18  }
0x3a8: {  	v59 =	vor.u32 v19, v23;
	v18 =	vld.idx.msk [tilespmem:v58+s26+$0x0], $0xffff  }
0x3a9: {  	v60 =	vor.u32 $0x3D, v17;
	_ =	sdelay $0x3  }
0x3aa: {  	[tilespmem:v59+s24+$0x0] =	vst.idx.msk vm1, v18  }
0x3ab: {  	v61 =	vor.u32 v19, v24;
	v18 =	vld.idx.msk [tilespmem:v60+s26+$0x0], $0xffff  }
0x3ac: {  	v62 =	vor.u32 $0x3E, v17;
	_ =	sdelay $0x3  }
0x3ad: {  	[tilespmem:v61+s24+$0x0] =	vst.idx.msk vm1, v18  }
0x3ae: {  	v63 =	vor.u32 v19, v25;
	v18 =	vld.idx.msk [tilespmem:v62+s26+$0x0], $0xffff  }
0x3af: {  	v17 =	vor.u32 $0x3F, v17;
	_ =	sdelay $0x3  }
0x3b0: {  	[tilespmem:v63+s24+$0x0] =	vst.idx.msk vm1, v18  }
0x3b1: {  	p0 =	seq.s32 s23, $0x1;
	v18 =	vor.u32 v19, v26;
	v17 =	vld.idx.msk [tilespmem:v17+s26+$0x0], $0xffff  }
.Ltmp26:
0x3b2: {  	_ = 	snop;
	(pc) =	sbr.rel @!p0 .LBB2_32-.Ltmp26, $2  }
0x3b3: {  	_ =	sdelay $0x2  }
0x3b4: {  	s20 =	sadd.s32 $0x10, s20;
	s30 =	sadd.s32 $0x10, s30;
	s23 =	sadd.s32 $0xFFFFFFFF, s23;
	[tilespmem:v18+s24+$0x0] =	vst.idx.msk vm1, v17  }
.Ltmp27:
0x3b5: {  	_ = 	snop;
	(pc) =	sbr.rel .LBB2_29-.Ltmp27, $1  }
0x3b6: {  	_ =	sdelay $0x3  }
.LBB2_21:
.Ltmp28:
0x3b7: {  	(pc) =	sbr.rel .LBB2_24-.Ltmp28, $2  }
0x3b8: {  	_ =	sdelay $0x2  }
0x3b9: {  	_ = 	snop  }
.LBB2_35:
0x3ba: {  	_ =	sfence.sel $0x180000  }
0x3bb: {  	[bflag:$0x0] =	sbarrier.arrive $0xFFFF  }
0x3bc: {  	_ =	strace $0x9000004A  }
0x3bd: {  	s0 =	stileid.u32;
	[bflag:$0x2] =	sbarrier.arrive $0xFFFF  }
0x3be: {  	p0 =	sne.s32 s0, $0x0;
	s0 =	rddreg [dreg:$0x2]  }
0x3bf: {  	s0 =	sadd.s32 @!p0 $0x100000, s0  }
0x3c0: {  	[sflag:s0] =	ssyncadd.tile.s32 @!p0 $0x1;
	_ =	shalt  }
.Lfunc_end2:
_tile_overlayer_lowered:
.L_overlay_start_2:
0x3c1: {  	(tag) =	ssettag $0x2  }
0x3c2: {  	s0 =	rddreg [dreg:$0x0];
	s2 =	stileid.u32  }
0x3c3: {  	s1 =	rddreg [dreg:$0x1];
	p0 =	sne.s32 s2, $0x0  }
0x3c4: {  	s3 =	rddreg [dreg:$0x2];
	[bflag:$0x3] =	sbarrier.arrive $0xFFFF;
	s2 =	simm.s32 @!p0 $0x1C04  }
0x3c5: {  	[timem:s3], [sflag:s2] =	dma.local @!p0 [hbm:s0], s1  }
0x3c6: {  	s0 =	simm.s32 @!p0 $0x4  }
0x3c7: {  	_ =	swait.ge @!p0 [sflag:s0], s1  }
0x3c8: {  	s1 =	ssub.s32 @!p0 $0x0, s1;
	[sflag:s0] =	ssyncset.done @!p0 $0x0  }
0x3c9: {  	[sflag:s0] =	ssyncadd.s32 @!p0 s1  }
0x3ca: {  	[bflag:$0x3] =	sbarrier.arrive $0xFFFF  }
0x3cb: {  	_ =	shalt  }

</sc_bundles>
